<compile_context>
chip_gen: v7x
topology: tpu7x:2x2x1
jax: 0.10.2.dev20260603
libtpu: 0.0.44.dev20260713+nightly
codegen_flags: <defaults>
</compile_context>

<pallas_src>
import jax
import jax.numpy as jnp
from jax import lax
from jax.experimental import pallas as pl
from jax.experimental.pallas import tpu as pltpu
from jax.experimental.pallas import tpu_sc as plsc

_B = 4
_D = 128
_T = 1024
_P = 256 * 256

_NC_CORES = 2
_NSUB = 16
_NW = _NC_CORES * _NSUB
_PPW = _P // _NW
_DB = 16
_NDB = _D // _DB
_C = 512
_NCH = _PPW // _C
_L = 16


def _body(t01_hbm, t23_hbm, k0_hbm, alpha_hbm, valid_hbm, apod_hbm, out_hbm,
          tp01, tp23, k0cA, acA, vcA, k0cB, acB, vcB,
          acc, apod_v, semA, semB):
    tabs = (tp01, tp23)
    tab_hbms = (t01_hbm, t23_hbm)
    bufsA = (k0cA, acA, vcA)
    bufsB = (k0cB, acB, vcB)
    cid = lax.axis_index("c")
    sid = lax.axis_index("s")
    wid = sid * _NC_CORES + cid
    pbase = wid * _PPW

    lane = lax.iota(jnp.int32, _L)
    dlane_off = lane * _T
    masks = [lane == j for j in range(_L)]
    zero16 = jnp.zeros((_L,), jnp.float32)

    pltpu.sync_copy(apod_hbm, apod_v)
    tv = zero16
    for j in range(_D // _L):
        tv = tv + apod_v[pl.ds(j * _L, _L)]
    tot = jnp.full((_L,), jnp.sum(tv), jnp.float32)
    inv = jnp.ones((_L,), jnp.float32) / jnp.maximum(
        tot, jnp.finfo(jnp.float32).tiny)

    def _zero(i, carry):
        acc[pl.ds(i * _L, _L)] = zero16
        return carry
    lax.fori_loop(0, (_B * _PPW) // _L, _zero, 0)

    def _slices(gi):
        d0 = (gi // _NCH) * _DB
        p0 = pbase + (gi % _NCH) * _C
        return d0, p0

    def _issue_lut(gi, bufs, sem):
        d0, p0 = _slices(gi)
        pltpu.async_copy(k0_hbm.at[pl.ds(p0, _C), pl.ds(d0, _DB)],
                         bufs[0], sem)
        pltpu.async_copy(alpha_hbm.at[pl.ds(p0, _C), pl.ds(d0, _DB)],
                         bufs[1], sem)
        pltpu.async_copy(valid_hbm.at[pl.ds(p0, _C), pl.ds(d0, _DB)],
                         bufs[2], sem)

    def _wait_lut(gi, bufs, sem):
        d0, p0 = _slices(gi)
        pltpu.make_async_copy(k0_hbm.at[pl.ds(p0, _C), pl.ds(d0, _DB)],
                              bufs[0], sem).wait()
        pltpu.make_async_copy(alpha_hbm.at[pl.ds(p0, _C), pl.ds(d0, _DB)],
                              bufs[1], sem).wait()
        pltpu.make_async_copy(valid_hbm.at[pl.ds(p0, _C), pl.ds(d0, _DB)],
                              bufs[2], sem).wait()

    def _load_tables(gi):
        d0, _ = _slices(gi)
        for q in range(2):
            pltpu.sync_copy(tab_hbms[q].at[pl.ds(d0 * _T, _DB * _T)], tabs[q])

    def _compute(gi, bufs):
        k0c, ac, vc = bufs
        d0, _ = _slices(gi)
        ci = gi % _NCH
        wv = apod_v[pl.ds(d0, _DB)] * inv

        @plsc.parallel_loop(0, _C // _L, unroll=4)
        def _group_body(g):
            vecs = [zero16, zero16, zero16, zero16]
            for i2 in range(_L):
                i = g * _L + i2
                kv = k0c[i]
                av = ac[i]
                vv = vc[i]
                idx0 = kv + dlane_off
                idx1 = idx0 + 1
                w = vv * wv
                c1 = w * av
                c0 = w - c1
                c0p = plsc.pack(c0, c0, format=plsc.PackFormat.INTERLEAVED)
                c1p = plsc.pack(c1, c1, format=plsc.PackFormat.INTERLEAVED)
                for q in range(2):
                    w0 = plsc.load_gather(tabs[q], [idx0])
                    w1 = plsc.load_gather(tabs[q], [idx1])
                    b0 = plsc.bitcast(w0, jnp.bfloat16)
                    b1 = plsc.bitcast(w1, jnp.bfloat16)
                    t = c0p * b0 + c1p * b1
                    te, to = plsc.unpack(t, format=plsc.PackFormat.INTERLEAVED)
                    s_lo = jnp.sum(te)
                    s_hi = jnp.sum(to)
                    vecs[2 * q] = jnp.where(masks[i2], s_lo, vecs[2 * q])
                    vecs[2 * q + 1] = jnp.where(masks[i2], s_hi,
                                                vecs[2 * q + 1])
            for b in range(_B):
                plsc.addupdate(
                    acc.at[pl.ds(b * _PPW + ci * _C + g * _L, _L)], vecs[b])

    _NPAIR = (_NDB * _NCH) // 2

    _issue_lut(0, bufsA, semA)

    def _pair_body(j, carry):
        gi0 = 2 * j
        gi1 = gi0 + 1
        _issue_lut(gi1, bufsB, semB)
        _wait_lut(gi0, bufsA, semA)

        @pl.when(gi0 % _NCH == 0)
        def _():
            _load_tables(gi0)

        _compute(gi0, bufsA)

        @pl.when(j < _NPAIR - 1)
        def _():
            _issue_lut(gi0 + 2, bufsA, semA)

        _wait_lut(gi1, bufsB, semB)
        _compute(gi1, bufsB)
        return carry

    lax.fori_loop(0, _NPAIR, _pair_body, 0)

    for b in range(_B):
        pltpu.sync_copy(acc.at[pl.ds(b * _PPW, _PPW)],
                        out_hbm.at[b, pl.ds(pbase, _PPW)])


@jax.jit
def _das(t01, t23, k0f, alphaf, validf, apod):
    mesh = plsc.VectorSubcoreMesh(core_axis_name="c", subcore_axis_name="s",
                                  num_cores=_NC_CORES, num_subcores=_NSUB)
    f = pl.kernel(
        _body,
        out_type=jax.ShapeDtypeStruct((_B, _P), jnp.float32),
        mesh=mesh,
        compiler_params=pltpu.CompilerParams(use_tc_tiling_on_sc=False,
                                             needs_layout_passes=False),
        scratch_types=[
            pltpu.VMEM((_DB * _T,), jnp.int32),
            pltpu.VMEM((_DB * _T,), jnp.int32),
            pltpu.VMEM((_C, _DB), jnp.int32),
            pltpu.VMEM((_C, _DB), jnp.float32),
            pltpu.VMEM((_C, _DB), jnp.float32),
            pltpu.VMEM((_C, _DB), jnp.int32),
            pltpu.VMEM((_C, _DB), jnp.float32),
            pltpu.VMEM((_C, _DB), jnp.float32),
            pltpu.VMEM((_B * _PPW,), jnp.float32),
            pltpu.VMEM((_D,), jnp.float32),
            pltpu.SemaphoreType.DMA,
            pltpu.SemaphoreType.DMA,
        ],
    )
    return f(t01, t23, k0f, alphaf, validf, apod)


def kernel(sino, k0, alpha, valid, apod):
    s16 = sino.reshape(_B, _D * _T).astype(jnp.bfloat16)
    u = lax.bitcast_convert_type(s16, jnp.uint16).astype(jnp.uint32)
    t01 = lax.bitcast_convert_type(u[0] | (u[1] << 16), jnp.int32)
    t23 = lax.bitcast_convert_type(u[2] | (u[3] << 16), jnp.int32)
    k0f = k0.reshape(_P, _D)
    alphaf = alpha.reshape(_P, _D)
    validf = valid.reshape(_P, _D).astype(jnp.float32)
    out = _das(t01, t23, k0f, alphaf, validf, apod)
    return out.reshape(_B, 1, 256, 256)

# --- scband reference (transcript-rebuilt; emitter-appended) ---
"""Pipeline reference for scband-delay-and-sum-linear-9775345566335 (READ-ONLY COPY).

The authoritative reference and input builder live on the scoring server;
editing this copy changes nothing except your own understanding.
"""

import jax, jax.numpy as jnp
import numpy as np

B = 4
N_DET = 128
N_T = 1024
NY = 256
NX = 256


def setup_inputs(seed: int = 0) -> dict:
    key = jax.random.key(seed)
    k1, k2 = jax.random.split(key, 2)
    sino = jax.random.normal(k1, (B, 1, N_DET, N_T), dtype=jnp.float32)
    # LUT: float sample positions (some slightly out of range to exercise the valid mask)
    kf = jax.random.uniform(k2, (NY, NX, N_DET), dtype=jnp.float32, minval=-2.0, maxval=float(N_T) + 2.0)
    k_floor = jnp.floor(kf)
    valid = (k_floor >= 0) & (k_floor < N_T - 1)
    max_idx = max(N_T - 2, 0)
    k0 = jnp.clip(k_floor, 0, max_idx).astype(jnp.int32)
    alpha = (kf - k_floor).astype(jnp.float32)  # lut[..., 1]
    win = 0.5 - 0.5 * np.cos(2 * np.pi * np.arange(N_DET) / max(N_DET - 1, 1))
    apod = jnp.asarray(win.astype(np.float32))
    return {"sino": sino, "k0": k0, "alpha": alpha, "valid": valid, "apod": apod}


def reference(sino, k0, alpha, valid, apod):
    Bb = sino.shape[0]
    S = sino[:, 0, :, :]  # [B, D, T]
    D = S.shape[1]
    P = NY * NX
    # transpose pixel-detector LUTs to [D, P] so detector is a batched gather axis
    k0t = jnp.transpose(k0, (2, 0, 1)).reshape(D, P)
    k1t = k0t + 1
    at = jnp.transpose(alpha, (2, 0, 1)).reshape(D, P).astype(S.dtype)
    vt = jnp.transpose(valid, (2, 0, 1)).reshape(D, P).astype(S.dtype)
    idx0 = jnp.broadcast_to(k0t[None], (Bb, D, P))
    idx1 = jnp.broadcast_to(k1t[None], (Bb, D, P))
    s0 = jnp.take_along_axis(S, idx0, axis=2)  # [B, D, P] gather along time axis
    s1 = jnp.take_along_axis(S, idx1, axis=2)
    sk = ((1.0 - at)[None, :, :] * s0 + at[None, :, :] * s1) * vt[None, :, :]
    out = jnp.einsum('d,bdp->bp', apod, sk)  # apodized sum over detectors
    norm = jnp.maximum(apod.sum(), jnp.finfo(apod.dtype).tiny)
    out = (out / norm).reshape(Bb, NY, NX)
    return out[:, None, :, :]

if __name__ == "__main__":
    import jax
    _d = setup_inputs()
    print(jax.jit(kernel)(*tuple(_d.values())))

</pallas_src>

<mosaic_0001>
#map = affine_map<(d0, d1) -> (0)>
#map1 = affine_map<(d0, d1) -> (0, 0)>
module attributes {stable_mosaic.version = 14 : i64} {
  func.func @_body(%arg0: i32, %arg1: i32, %arg2: memref<131072xi32, #tpu.memory_space<hbm>>, %arg3: memref<131072xi32, #tpu.memory_space<hbm>>, %arg4: memref<65536x128xi32, #tpu.memory_space<hbm>>, %arg5: memref<65536x128xf32, #tpu.memory_space<hbm>>, %arg6: memref<65536x128xf32, #tpu.memory_space<hbm>>, %arg7: memref<128xf32, #tpu.memory_space<hbm>>, %arg8: memref<4x65536xf32, #tpu.memory_space<hbm>>, %arg9: memref<16384xi32, #tpu.memory_space<vmem>>, %arg10: memref<16384xi32, #tpu.memory_space<vmem>>, %arg11: memref<512x16xi32, #tpu.memory_space<vmem>>, %arg12: memref<512x16xf32, #tpu.memory_space<vmem>>, %arg13: memref<512x16xf32, #tpu.memory_space<vmem>>, %arg14: memref<512x16xi32, #tpu.memory_space<vmem>>, %arg15: memref<512x16xf32, #tpu.memory_space<vmem>>, %arg16: memref<512x16xf32, #tpu.memory_space<vmem>>, %arg17: memref<8192xf32, #tpu.memory_space<vmem>>, %arg18: memref<128xf32, #tpu.memory_space<vmem>>, %arg19: memref<!tpu.dma_semaphore, #tpu.memory_space<semaphore_mem>>, %arg20: memref<!tpu.dma_semaphore, #tpu.memory_space<semaphore_mem>>) attributes {dimension_semantics = [#tpu.dimension_semantics<core_parallel>, #tpu.dimension_semantics<subcore_parallel>], iteration_bounds = array<i64: 2, 16>, scalar_prefetch = 0 : i64, scratch_operands = 12 : i64, tpu.core_type = #tpu.core_type<sc_vector_subcore>, window_params = [{transform_indices = #map}, {transform_indices = #map}, {transform_indices = #map1}, {transform_indices = #map1}, {transform_indices = #map1}, {transform_indices = #map}, {transform_indices = #map1}]} {
    %mul3A = arith.constant 2 : i32
    %mul3A_0 = arith.muli %arg1, %mul3A : i32
    %add3A = arith.addi %mul3A_0, %arg0 : i32
    %mul3A_1 = arith.constant 2048 : i32
    %mul3A_2 = arith.muli %add3A, %mul3A_1 : i32
    %iota3A = tpu.iota {dimensions = array<i32: 0>} : vector<16xi32>
    %mul3A_3 = arith.constant 1024 : i32
    %mul3A_4 = vector.broadcast %mul3A_3 : i32 to vector<16xi32>
    %mul3A_5 = arith.muli %iota3A, %mul3A_4 : vector<16xi32>
    %eq3A = arith.constant 0 : i32
    %eq3A_6 = vector.broadcast %eq3A : i32 to vector<16xi32>
    %eq3A_7 = arith.cmpi eq, %iota3A, %eq3A_6 : vector<16xi32>
    %eq3A_8 = arith.constant 1 : i32
    %eq3A_9 = vector.broadcast %eq3A_8 : i32 to vector<16xi32>
    %eq3A_10 = arith.cmpi eq, %iota3A, %eq3A_9 : vector<16xi32>
    %eq3A_11 = arith.constant 2 : i32
    %eq3A_12 = vector.broadcast %eq3A_11 : i32 to vector<16xi32>
    %eq3A_13 = arith.cmpi eq, %iota3A, %eq3A_12 : vector<16xi32>
    %eq3A_14 = arith.constant 3 : i32
    %eq3A_15 = vector.broadcast %eq3A_14 : i32 to vector<16xi32>
    %eq3A_16 = arith.cmpi eq, %iota3A, %eq3A_15 : vector<16xi32>
    %eq3A_17 = arith.constant 4 : i32
    %eq3A_18 = vector.broadcast %eq3A_17 : i32 to vector<16xi32>
    %eq3A_19 = arith.cmpi eq, %iota3A, %eq3A_18 : vector<16xi32>
    %eq3A_20 = arith.constant 5 : i32
    %eq3A_21 = vector.broadcast %eq3A_20 : i32 to vector<16xi32>
    %eq3A_22 = arith.cmpi eq, %iota3A, %eq3A_21 : vector<16xi32>
    %eq3A_23 = arith.constant 6 : i32
    %eq3A_24 = vector.broadcast %eq3A_23 : i32 to vector<16xi32>
    %eq3A_25 = arith.cmpi eq, %iota3A, %eq3A_24 : vector<16xi32>
    %eq3A_26 = arith.constant 7 : i32
    %eq3A_27 = vector.broadcast %eq3A_26 : i32 to vector<16xi32>
    %eq3A_28 = arith.cmpi eq, %iota3A, %eq3A_27 : vector<16xi32>
    %eq3A_29 = arith.constant 8 : i32
    %eq3A_30 = vector.broadcast %eq3A_29 : i32 to vector<16xi32>
    %eq3A_31 = arith.cmpi eq, %iota3A, %eq3A_30 : vector<16xi32>
    %eq3A_32 = arith.constant 9 : i32
    %eq3A_33 = vector.broadcast %eq3A_32 : i32 to vector<16xi32>
    %eq3A_34 = arith.cmpi eq, %iota3A, %eq3A_33 : vector<16xi32>
    %eq3A_35 = arith.constant 10 : i32
    %eq3A_36 = vector.broadcast %eq3A_35 : i32 to vector<16xi32>
    %eq3A_37 = arith.cmpi eq, %iota3A, %eq3A_36 : vector<16xi32>
    %eq3A_38 = arith.constant 11 : i32
    %eq3A_39 = vector.broadcast %eq3A_38 : i32 to vector<16xi32>
    %eq3A_40 = arith.cmpi eq, %iota3A, %eq3A_39 : vector<16xi32>
    %eq3A_41 = arith.constant 12 : i32
    %eq3A_42 = vector.broadcast %eq3A_41 : i32 to vector<16xi32>
    %eq3A_43 = arith.cmpi eq, %iota3A, %eq3A_42 : vector<16xi32>
    %eq3A_44 = arith.constant 13 : i32
    %eq3A_45 = vector.broadcast %eq3A_44 : i32 to vector<16xi32>
    %eq3A_46 = arith.cmpi eq, %iota3A, %eq3A_45 : vector<16xi32>
    %eq3A_47 = arith.constant 14 : i32
    %eq3A_48 = vector.broadcast %eq3A_47 : i32 to vector<16xi32>
    %eq3A_49 = arith.cmpi eq, %iota3A, %eq3A_48 : vector<16xi32>
    %eq3A_50 = arith.constant 15 : i32
    %eq3A_51 = vector.broadcast %eq3A_50 : i32 to vector<16xi32>
    %eq3A_52 = arith.cmpi eq, %iota3A, %eq3A_51 : vector<16xi32>
    %broadcast_in_dim3A = arith.constant 0.000000e+00 : f32
    %broadcast_in_dim3A_53 = vector.broadcast %broadcast_in_dim3A : f32 to vector<16xf32>
    "tpu.region"() ({
      %run_scoped3A_112 = tpu.sem_alloc : memref<!tpu.dma_semaphore, #tpu.memory_space<semaphore_mem>>
      tpu.enqueue_dma source(%arg7 : memref<128xf32, #tpu.memory_space<hbm>>) target(%arg18 : memref<128xf32, #tpu.memory_space<vmem>>) target_semaphore(%run_scoped3A_112 : memref<!tpu.dma_semaphore, #tpu.memory_space<semaphore_mem>>)
      tpu.wait_dma2 semaphore(%run_scoped3A_112 : memref<!tpu.dma_semaphore, #tpu.memory_space<semaphore_mem>>) src(%arg7 : memref<128xf32, #tpu.memory_space<hbm>>) dst(%arg18 : memref<128xf32, #tpu.memory_space<vmem>>)
      tpu.yield
    }) : () -> ()
    %get3A = arith.constant 0 : index
    %get3A_54 = tpu.vector_load %arg18[%get3A] {strides = array<i32>} : memref<128xf32, #tpu.memory_space<vmem>>, vector<16xf32>,
    %add3A_55 = arith.addf %broadcast_in_dim3A_53, %get3A_54 : vector<16xf32>
    %get3A_56 = arith.constant 16 : index
    %get3A_57 = tpu.vector_load %arg18[%get3A_56] {strides = array<i32>} : memref<128xf32, #tpu.memory_space<vmem>>, vector<16xf32>,
    %add3A_58 = arith.addf %add3A_55, %get3A_57 : vector<16xf32>
    %get3A_59 = arith.constant 32 : index
    %get3A_60 = tpu.vector_load %arg18[%get3A_59] {strides = array<i32>} : memref<128xf32, #tpu.memory_space<vmem>>, vector<16xf32>,
    %add3A_61 = arith.addf %add3A_58, %get3A_60 : vector<16xf32>
    %get3A_62 = arith.constant 48 : index
    %get3A_63 = tpu.vector_load %arg18[%get3A_62] {strides = array<i32>} : memref<128xf32, #tpu.memory_space<vmem>>, vector<16xf32>,
    %add3A_64 = arith.addf %add3A_61, %get3A_63 : vector<16xf32>
    %get3A_65 = arith.constant 64 : index
    %get3A_66 = tpu.vector_load %arg18[%get3A_65] {strides = array<i32>} : memref<128xf32, #tpu.memory_space<vmem>>, vector<16xf32>,
    %add3A_67 = arith.addf %add3A_64, %get3A_66 : vector<16xf32>
    %get3A_68 = arith.constant 80 : index
    %get3A_69 = tpu.vector_load %arg18[%get3A_68] {strides = array<i32>} : memref<128xf32, #tpu.memory_space<vmem>>, vector<16xf32>,
    %add3A_70 = arith.addf %add3A_67, %get3A_69 : vector<16xf32>
    %get3A_71 = arith.constant 96 : index
    %get3A_72 = tpu.vector_load %arg18[%get3A_71] {strides = array<i32>} : memref<128xf32, #tpu.memory_space<vmem>>, vector<16xf32>,
    %add3A_73 = arith.addf %add3A_70, %get3A_72 : vector<16xf32>
    %get3A_74 = arith.constant 112 : index
    %get3A_75 = tpu.vector_load %arg18[%get3A_74] {strides = array<i32>} : memref<128xf32, #tpu.memory_space<vmem>>, vector<16xf32>,
    %add3A_76 = arith.addf %add3A_73, %get3A_75 : vector<16xf32>
    %reduce_sum3A = arith.constant true
    %reduce_sum3A_77 = vector.broadcast %reduce_sum3A : i1 to vector<16xi1>
    %reduce_sum3A_78 = tpu.scan <sum>, %add3A_76 masked %reduce_sum3A_77 : vector<16xf32>, vector<16xi1> -> vector<16xf32>
    %reduce_sum3A_79 = vector.extract %reduce_sum3A_78[15] : f32 from vector<16xf32>
    %broadcast_in_dim3A_80 = vector.broadcast %reduce_sum3A_79 : f32 to vector<16xf32>
    %broadcast_in_dim3A_81 = arith.constant 1.000000e+00 : f32
    %broadcast_in_dim3A_82 = vector.broadcast %broadcast_in_dim3A_81 : f32 to vector<16xf32>
    %max3A = arith.constant 1.17549435E-38 : f32
    %max3A_83 = vector.broadcast %max3A : f32 to vector<16xf32>
    %max3A_84 = arith.maximumf %broadcast_in_dim3A_80, %max3A_83 : vector<16xf32>
    %div3A = arith.divf %broadcast_in_dim3A_82, %max3A_84 : vector<16xf32>
    %scan3A = arith.constant 0 : i32
    %scan3A_85 = arith.constant 0 : i32
    %scan3A_86 = arith.constant 512 : i32
    %scan3A_87 = arith.addi %scan3A_85, %scan3A_86 : i32
    %scan3A_88 = arith.constant 1 : i32
    scf.for %scan3A_112 = %scan3A_85 to %scan3A_87 step %scan3A_88  : i32 {
      %mul3A_113 = arith.constant 16 : i32
      %mul3A_114 = arith.muli %scan3A_112, %mul3A_113 : i32
      %swap3A = arith.index_cast %mul3A_114 : i32 to index
      %swap3A_115 = tpu.vector_load %arg17[%swap3A] {strides = array<i32>} : memref<8192xf32, #tpu.memory_space<vmem>>, vector<16xf32>,
      tpu.vector_store %arg17[%swap3A], %broadcast_in_dim3A_53 {strides = array<i32>} : memref<8192xf32, #tpu.memory_space<vmem>>, vector<16xf32>,
    }
    %scan3A_89 = arith.constant 512 : i32
    %add3A_90 = arith.constant 0 : i32
    %add3A_91 = arith.addi %mul3A_2, %add3A_90 : i32
    %dma_start3A = arith.constant 0 : i32
    %dma_start3A_92 = tpu.memref_slice %arg4[%add3A_91, %dma_start3A] : memref<65536x128xi32, #tpu.memory_space<hbm>> -> memref<512x16xi32, #tpu.memory_space<hbm>>
    %dma_start3A_93 = arith.constant 0 : i32
    %dma_start3A_94 = tpu.memref_slice %arg4[%add3A_91, %dma_start3A_93] : memref<65536x128xi32, #tpu.memory_space<hbm>> -> memref<512x16xi32, #tpu.memory_space<hbm>>
    tpu.enqueue_dma source(%dma_start3A_94 : memref<512x16xi32, #tpu.memory_space<hbm>>) target(%arg11 : memref<512x16xi32, #tpu.memory_space<vmem>>) target_semaphore(%arg19 : memref<!tpu.dma_semaphore, #tpu.memory_space<semaphore_mem>>)
    %dma_start3A_95 = arith.constant 0 : i32
    %dma_start3A_96 = tpu.memref_slice %arg5[%add3A_91, %dma_start3A_95] : memref<65536x128xf32, #tpu.memory_space<hbm>> -> memref<512x16xf32, #tpu.memory_space<hbm>>
    %dma_start3A_97 = arith.constant 0 : i32
    %dma_start3A_98 = tpu.memref_slice %arg5[%add3A_91, %dma_start3A_97] : memref<65536x128xf32, #tpu.memory_space<hbm>> -> memref<512x16xf32, #tpu.memory_space<hbm>>
    tpu.enqueue_dma source(%dma_start3A_98 : memref<512x16xf32, #tpu.memory_space<hbm>>) target(%arg12 : memref<512x16xf32, #tpu.memory_space<vmem>>) target_semaphore(%arg19 : memref<!tpu.dma_semaphore, #tpu.memory_space<semaphore_mem>>)
    %dma_start3A_99 = arith.constant 0 : i32
    %dma_start3A_100 = tpu.memref_slice %arg6[%add3A_91, %dma_start3A_99] : memref<65536x128xf32, #tpu.memory_space<hbm>> -> memref<512x16xf32, #tpu.memory_space<hbm>>
    %dma_start3A_101 = arith.constant 0 : i32
    %dma_start3A_102 = tpu.memref_slice %arg6[%add3A_91, %dma_start3A_101] : memref<65536x128xf32, #tpu.memory_space<hbm>> -> memref<512x16xf32, #tpu.memory_space<hbm>>
    tpu.enqueue_dma source(%dma_start3A_102 : memref<512x16xf32, #tpu.memory_space<hbm>>) target(%arg13 : memref<512x16xf32, #tpu.memory_space<vmem>>) target_semaphore(%arg19 : memref<!tpu.dma_semaphore, #tpu.memory_space<semaphore_mem>>)
    %scan3A_103 = arith.constant 0 : i32
    %scan3A_104 = arith.constant 0 : i32
    %scan3A_105 = arith.constant 16 : i32
    %scan3A_106 = arith.addi %scan3A_104, %scan3A_105 : i32
    %scan3A_107 = arith.constant 1 : i32
    scf.for %scan3A_112 = %scan3A_104 to %scan3A_106 step %scan3A_107  : i32 {
      %mul3A_113 = arith.constant 2 : i32
      %mul3A_114 = arith.muli %mul3A_113, %scan3A_112 : i32
      %add3A_115 = arith.constant 1 : i32
      %add3A_116 = arith.addi %mul3A_114, %add3A_115 : i32
      %jit3A = arith.constant 4 : i32
      %div3A_117 = arith.divsi %add3A_116, %jit3A : i32
      %sign3A = arith.constant 0 : i32
      %sign3A_118 = arith.cmpi sgt, %add3A_116, %sign3A : i32
      %sign3A_119 = arith.extui %sign3A_118 : i1 to i32
      %sign3A_120 = arith.constant 0 : i32
      %sign3A_121 = arith.cmpi slt, %add3A_116, %sign3A_120 : i32
      %sign3A_122 = arith.extui %sign3A_121 : i1 to i32
      %sign3A_123 = arith.subi %sign3A_119, %sign3A_122 : i32
      %sign3A_124 = arith.constant 0 : i32
      %sign3A_125 = arith.cmpi sgt, %jit3A, %sign3A_124 : i32
      %sign3A_126 = arith.extui %sign3A_125 : i1 to i32
      %sign3A_127 = arith.constant 0 : i32
      %sign3A_128 = arith.cmpi slt, %jit3A, %sign3A_127 : i32
      %sign3A_129 = arith.extui %sign3A_128 : i1 to i32
      %sign3A_130 = arith.subi %sign3A_126, %sign3A_129 : i32
      %ne3A = arith.cmpi ne, %sign3A_123, %sign3A_130 : i32
      %rem3A = arith.remsi %add3A_116, %jit3A : i32
      %ne3A_131 = arith.constant 0 : i32
      %ne3A_132 = arith.cmpi ne, %rem3A, %ne3A_131 : i32
      %and3A = arith.andi %ne3A, %ne3A_132 : i1
      %sub3A = arith.constant 1 : i32
      %sub3A_133 = arith.subi %div3A_117, %sub3A : i32
      %select_n3A = arith.select %and3A, %sub3A_133, %div3A_117 : i32
      %mul3A_134 = arith.constant 16 : i32
      %mul3A_135 = arith.muli %select_n3A, %mul3A_134 : i32
      %jit3A_136 = arith.constant 4 : i32
      %eq3A_137 = arith.constant 0 : i32
      %eq3A_138 = arith.cmpi eq, %jit3A_136, %eq3A_137 : i32
      %jit3A_139 = arith.constant 1 : i32
      %select_n3A_140 = arith.select %eq3A_138, %jit3A_139, %jit3A_136 : i32
      %rem3A_141 = arith.remsi %add3A_116, %select_n3A_140 : i32
      %ne3A_142 = arith.constant 0 : i32
      %ne3A_143 = arith.cmpi ne, %rem3A_141, %ne3A_142 : i32
      %lt3A = arith.constant 0 : i32
      %lt3A_144 = arith.cmpi slt, %rem3A_141, %lt3A : i32
      %lt3A_145 = arith.constant 0 : i32
      %lt3A_146 = arith.cmpi slt, %select_n3A_140, %lt3A_145 : i32
      %ne3A_147 = arith.xori %lt3A_144, %lt3A_146 : i1
      %and3A_148 = arith.andi %ne3A_147, %ne3A_143 : i1
      %add3A_149 = arith.addi %rem3A_141, %select_n3A_140 : i32
      %select_n3A_150 = arith.select %and3A_148, %add3A_149, %rem3A_141 : i32
      %mul3A_151 = arith.constant 512 : i32
      %mul3A_152 = arith.muli %select_n3A_150, %mul3A_151 : i32
      %add3A_153 = arith.addi %mul3A_2, %mul3A_152 : i32
      %dma_start3A_154 = tpu.memref_slice %arg4[%add3A_153, %mul3A_135] : memref<65536x128xi32, #tpu.memory_space<hbm>> -> memref<512x16xi32, #tpu.memory_space<hbm>>
      %dma_start3A_155 = tpu.memref_slice %arg4[%add3A_153, %mul3A_135] : memref<65536x128xi32, #tpu.memory_space<hbm>> -> memref<512x16xi32, #tpu.memory_space<hbm>>
      tpu.enqueue_dma source(%dma_start3A_155 : memref<512x16xi32, #tpu.memory_space<hbm>>) target(%arg14 : memref<512x16xi32, #tpu.memory_space<vmem>>) target_semaphore(%arg20 : memref<!tpu.dma_semaphore, #tpu.memory_space<semaphore_mem>>)
      %dma_start3A_156 = tpu.memref_slice %arg5[%add3A_153, %mul3A_135] : memref<65536x128xf32, #tpu.memory_space<hbm>> -> memref<512x16xf32, #tpu.memory_space<hbm>>
      %dma_start3A_157 = tpu.memref_slice %arg5[%add3A_153, %mul3A_135] : memref<65536x128xf32, #tpu.memory_space<hbm>> -> memref<512x16xf32, #tpu.memory_space<hbm>>
      tpu.enqueue_dma source(%dma_start3A_157 : memref<512x16xf32, #tpu.memory_space<hbm>>) target(%arg15 : memref<512x16xf32, #tpu.memory_space<vmem>>) target_semaphore(%arg20 : memref<!tpu.dma_semaphore, #tpu.memory_space<semaphore_mem>>)
      %dma_start3A_158 = tpu.memref_slice %arg6[%add3A_153, %mul3A_135] : memref<65536x128xf32, #tpu.memory_space<hbm>> -> memref<512x16xf32, #tpu.memory_space<hbm>>
      %dma_start3A_159 = tpu.memref_slice %arg6[%add3A_153, %mul3A_135] : memref<65536x128xf32, #tpu.memory_space<hbm>> -> memref<512x16xf32, #tpu.memory_space<hbm>>
      tpu.enqueue_dma source(%dma_start3A_159 : memref<512x16xf32, #tpu.memory_space<hbm>>) target(%arg16 : memref<512x16xf32, #tpu.memory_space<vmem>>) target_semaphore(%arg20 : memref<!tpu.dma_semaphore, #tpu.memory_space<semaphore_mem>>)
      %jit3A_160 = arith.constant 4 : i32
      %div3A_161 = arith.divsi %mul3A_114, %jit3A_160 : i32
      %sign3A_162 = arith.constant 0 : i32
      %sign3A_163 = arith.cmpi sgt, %mul3A_114, %sign3A_162 : i32
      %sign3A_164 = arith.extui %sign3A_163 : i1 to i32
      %sign3A_165 = arith.constant 0 : i32
      %sign3A_166 = arith.cmpi slt, %mul3A_114, %sign3A_165 : i32
      %sign3A_167 = arith.extui %sign3A_166 : i1 to i32
      %sign3A_168 = arith.subi %sign3A_164, %sign3A_167 : i32
      %sign3A_169 = arith.constant 0 : i32
      %sign3A_170 = arith.cmpi sgt, %jit3A_160, %sign3A_169 : i32
      %sign3A_171 = arith.extui %sign3A_170 : i1 to i32
      %sign3A_172 = arith.constant 0 : i32
      %sign3A_173 = arith.cmpi slt, %jit3A_160, %sign3A_172 : i32
      %sign3A_174 = arith.extui %sign3A_173 : i1 to i32
      %sign3A_175 = arith.subi %sign3A_171, %sign3A_174 : i32
      %ne3A_176 = arith.cmpi ne, %sign3A_168, %sign3A_175 : i32
      %rem3A_177 = arith.remsi %mul3A_114, %jit3A_160 : i32
      %ne3A_178 = arith.constant 0 : i32
      %ne3A_179 = arith.cmpi ne, %rem3A_177, %ne3A_178 : i32
      %and3A_180 = arith.andi %ne3A_176, %ne3A_179 : i1
      %sub3A_181 = arith.constant 1 : i32
      %sub3A_182 = arith.subi %div3A_161, %sub3A_181 : i32
      %select_n3A_183 = arith.select %and3A_180, %sub3A_182, %div3A_161 : i32
      %mul3A_184 = arith.constant 16 : i32
      %mul3A_185 = arith.muli %select_n3A_183, %mul3A_184 : i32
      %jit3A_186 = arith.constant 4 : i32
      %eq3A_187 = arith.constant 0 : i32
      %eq3A_188 = arith.cmpi eq, %jit3A_186, %eq3A_187 : i32
      %jit3A_189 = arith.constant 1 : i32
      %select_n3A_190 = arith.select %eq3A_188, %jit3A_189, %jit3A_186 : i32
      %rem3A_191 = arith.remsi %mul3A_114, %select_n3A_190 : i32
      %ne3A_192 = arith.constant 0 : i32
      %ne3A_193 = arith.cmpi ne, %rem3A_191, %ne3A_192 : i32
      %lt3A_194 = arith.constant 0 : i32
      %lt3A_195 = arith.cmpi slt, %rem3A_191, %lt3A_194 : i32
      %lt3A_196 = arith.constant 0 : i32
      %lt3A_197 = arith.cmpi slt, %select_n3A_190, %lt3A_196 : i32
      %ne3A_198 = arith.xori %lt3A_195, %lt3A_197 : i1
      %and3A_199 = arith.andi %ne3A_198, %ne3A_193 : i1
      %add3A_200 = arith.addi %rem3A_191, %select_n3A_190 : i32
      %select_n3A_201 = arith.select %and3A_199, %add3A_200, %rem3A_191 : i32
      %mul3A_202 = arith.constant 512 : i32
      %mul3A_203 = arith.muli %select_n3A_201, %mul3A_202 : i32
      %add3A_204 = arith.addi %mul3A_2, %mul3A_203 : i32
      %dma_wait3A = tpu.memref_slice %arg4[%add3A_204, %mul3A_185] : memref<65536x128xi32, #tpu.memory_space<hbm>> -> memref<512x16xi32, #tpu.memory_space<hbm>>
      %dma_wait3A_205 = tpu.memref_slice %arg4[%add3A_204, %mul3A_185] : memref<65536x128xi32, #tpu.memory_space<hbm>> -> memref<512x16xi32, #tpu.memory_space<hbm>>
      tpu.wait_dma2 semaphore(%arg19 : memref<!tpu.dma_semaphore, #tpu.memory_space<semaphore_mem>>) src(%dma_wait3A_205 : memref<512x16xi32, #tpu.memory_space<hbm>>) dst(%arg11 : memref<512x16xi32, #tpu.memory_space<vmem>>)
      %dma_wait3A_206 = tpu.memref_slice %arg5[%add3A_204, %mul3A_185] : memref<65536x128xf32, #tpu.memory_space<hbm>> -> memref<512x16xf32, #tpu.memory_space<hbm>>
      %dma_wait3A_207 = tpu.memref_slice %arg5[%add3A_204, %mul3A_185] : memref<65536x128xf32, #tpu.memory_space<hbm>> -> memref<512x16xf32, #tpu.memory_space<hbm>>
      tpu.wait_dma2 semaphore(%arg19 : memref<!tpu.dma_semaphore, #tpu.memory_space<semaphore_mem>>) src(%dma_wait3A_207 : memref<512x16xf32, #tpu.memory_space<hbm>>) dst(%arg12 : memref<512x16xf32, #tpu.memory_space<vmem>>)
      %dma_wait3A_208 = tpu.memref_slice %arg6[%add3A_204, %mul3A_185] : memref<65536x128xf32, #tpu.memory_space<hbm>> -> memref<512x16xf32, #tpu.memory_space<hbm>>
      %dma_wait3A_209 = tpu.memref_slice %arg6[%add3A_204, %mul3A_185] : memref<65536x128xf32, #tpu.memory_space<hbm>> -> memref<512x16xf32, #tpu.memory_space<hbm>>
      tpu.wait_dma2 semaphore(%arg19 : memref<!tpu.dma_semaphore, #tpu.memory_space<semaphore_mem>>) src(%dma_wait3A_209 : memref<512x16xf32, #tpu.memory_space<hbm>>) dst(%arg13 : memref<512x16xf32, #tpu.memory_space<vmem>>)
      %jit3A_210 = arith.constant 4 : i32
      %eq3A_211 = arith.constant 0 : i32
      %eq3A_212 = arith.cmpi eq, %jit3A_210, %eq3A_211 : i32
      %jit3A_213 = arith.constant 1 : i32
      %select_n3A_214 = arith.select %eq3A_212, %jit3A_213, %jit3A_210 : i32
      %rem3A_215 = arith.remsi %mul3A_114, %select_n3A_214 : i32
      %ne3A_216 = arith.constant 0 : i32
      %ne3A_217 = arith.cmpi ne, %rem3A_215, %ne3A_216 : i32
      %lt3A_218 = arith.constant 0 : i32
      %lt3A_219 = arith.cmpi slt, %rem3A_215, %lt3A_218 : i32
      %lt3A_220 = arith.constant 0 : i32
      %lt3A_221 = arith.cmpi slt, %select_n3A_214, %lt3A_220 : i32
      %ne3A_222 = arith.xori %lt3A_219, %lt3A_221 : i1
      %and3A_223 = arith.andi %ne3A_222, %ne3A_217 : i1
      %add3A_224 = arith.addi %rem3A_215, %select_n3A_214 : i32
      %select_n3A_225 = arith.select %and3A_223, %add3A_224, %rem3A_215 : i32
      %eq3A_226 = arith.constant 0 : i32
      %eq3A_227 = arith.cmpi eq, %select_n3A_225, %eq3A_226 : i32
      %convert_element_type3A = arith.extui %eq3A_227 : i1 to i32
      %cond3A = arith.constant 0 : i32
      %cond3A_228 = arith.cmpi ne, %convert_element_type3A, %cond3A : i32
      scf.if %cond3A_228 {
        %jit3A_418 = arith.constant 4 : i32
        %div3A_419 = arith.divsi %mul3A_114, %jit3A_418 : i32
        %sign3A_420 = arith.constant 0 : i32
        %sign3A_421 = arith.cmpi sgt, %mul3A_114, %sign3A_420 : i32
        %sign3A_422 = arith.extui %sign3A_421 : i1 to i32
        %sign3A_423 = arith.constant 0 : i32
        %sign3A_424 = arith.cmpi slt, %mul3A_114, %sign3A_423 : i32
        %sign3A_425 = arith.extui %sign3A_424 : i1 to i32
        %sign3A_426 = arith.subi %sign3A_422, %sign3A_425 : i32
        %sign3A_427 = arith.constant 0 : i32
        %sign3A_428 = arith.cmpi sgt, %jit3A_418, %sign3A_427 : i32
        %sign3A_429 = arith.extui %sign3A_428 : i1 to i32
        %sign3A_430 = arith.constant 0 : i32
        %sign3A_431 = arith.cmpi slt, %jit3A_418, %sign3A_430 : i32
        %sign3A_432 = arith.extui %sign3A_431 : i1 to i32
        %sign3A_433 = arith.subi %sign3A_429, %sign3A_432 : i32
        %ne3A_434 = arith.cmpi ne, %sign3A_426, %sign3A_433 : i32
        %rem3A_435 = arith.remsi %mul3A_114, %jit3A_418 : i32
        %ne3A_436 = arith.constant 0 : i32
        %ne3A_437 = arith.cmpi ne, %rem3A_435, %ne3A_436 : i32
        %and3A_438 = arith.andi %ne3A_434, %ne3A_437 : i1
        %sub3A_439 = arith.constant 1 : i32
        %sub3A_440 = arith.subi %div3A_419, %sub3A_439 : i32
        %select_n3A_441 = arith.select %and3A_438, %sub3A_440, %div3A_419 : i32
        %mul3A_442 = arith.constant 16 : i32
        %mul3A_443 = arith.muli %select_n3A_441, %mul3A_442 : i32
        %jit3A_444 = arith.constant 4 : i32
        %eq3A_445 = arith.constant 0 : i32
        %eq3A_446 = arith.cmpi eq, %jit3A_444, %eq3A_445 : i32
        %jit3A_447 = arith.constant 1 : i32
        %select_n3A_448 = arith.select %eq3A_446, %jit3A_447, %jit3A_444 : i32
        %rem3A_449 = arith.remsi %mul3A_114, %select_n3A_448 : i32
        %ne3A_450 = arith.constant 0 : i32
        %ne3A_451 = arith.cmpi ne, %rem3A_449, %ne3A_450 : i32
        %lt3A_452 = arith.constant 0 : i32
        %lt3A_453 = arith.cmpi slt, %rem3A_449, %lt3A_452 : i32
        %lt3A_454 = arith.constant 0 : i32
        %lt3A_455 = arith.cmpi slt, %select_n3A_448, %lt3A_454 : i32
        %ne3A_456 = arith.xori %lt3A_453, %lt3A_455 : i1
        %and3A_457 = arith.andi %ne3A_456, %ne3A_451 : i1
        %add3A_458 = arith.addi %rem3A_449, %select_n3A_448 : i32
        %select_n3A_459 = arith.select %and3A_457, %add3A_458, %rem3A_449 : i32
        %mul3A_460 = arith.constant 512 : i32
        %mul3A_461 = arith.muli %select_n3A_459, %mul3A_460 : i32
        %add3A_462 = arith.addi %mul3A_2, %mul3A_461 : i32
        %mul3A_463 = arith.constant 1024 : i32
        %mul3A_464 = arith.muli %mul3A_443, %mul3A_463 : i32
        "tpu.region"() ({
          %run_scoped3A_467 = tpu.sem_alloc : memref<!tpu.dma_semaphore, #tpu.memory_space<semaphore_mem>>
          %dma_start3A_468 = tpu.memref_slice %arg2[%mul3A_464] : memref<131072xi32, #tpu.memory_space<hbm>> -> memref<16384xi32, #tpu.memory_space<hbm>>
          %dma_start3A_469 = tpu.memref_slice %arg2[%mul3A_464] : memref<131072xi32, #tpu.memory_space<hbm>> -> memref<16384xi32, #tpu.memory_space<hbm>>
          tpu.enqueue_dma source(%dma_start3A_469 : memref<16384xi32, #tpu.memory_space<hbm>>) target(%arg9 : memref<16384xi32, #tpu.memory_space<vmem>>) target_semaphore(%run_scoped3A_467 : memref<!tpu.dma_semaphore, #tpu.memory_space<semaphore_mem>>)
          %dma_wait3A_470 = tpu.memref_slice %arg2[%mul3A_464] : memref<131072xi32, #tpu.memory_space<hbm>> -> memref<16384xi32, #tpu.memory_space<hbm>>
          %dma_wait3A_471 = tpu.memref_slice %arg2[%mul3A_464] : memref<131072xi32, #tpu.memory_space<hbm>> -> memref<16384xi32, #tpu.memory_space<hbm>>
          tpu.wait_dma2 semaphore(%run_scoped3A_467 : memref<!tpu.dma_semaphore, #tpu.memory_space<semaphore_mem>>) src(%dma_wait3A_471 : memref<16384xi32, #tpu.memory_space<hbm>>) dst(%arg9 : memref<16384xi32, #tpu.memory_space<vmem>>)
          tpu.yield
        }) : () -> ()
        %mul3A_465 = arith.constant 1024 : i32
        %mul3A_466 = arith.muli %mul3A_443, %mul3A_465 : i32
        "tpu.region"() ({
          %run_scoped3A_467 = tpu.sem_alloc : memref<!tpu.dma_semaphore, #tpu.memory_space<semaphore_mem>>
          %dma_start3A_468 = tpu.memref_slice %arg3[%mul3A_466] : memref<131072xi32, #tpu.memory_space<hbm>> -> memref<16384xi32, #tpu.memory_space<hbm>>
          %dma_start3A_469 = tpu.memref_slice %arg3[%mul3A_466] : memref<131072xi32, #tpu.memory_space<hbm>> -> memref<16384xi32, #tpu.memory_space<hbm>>
          tpu.enqueue_dma source(%dma_start3A_469 : memref<16384xi32, #tpu.memory_space<hbm>>) target(%arg10 : memref<16384xi32, #tpu.memory_space<vmem>>) target_semaphore(%run_scoped3A_467 : memref<!tpu.dma_semaphore, #tpu.memory_space<semaphore_mem>>)
          %dma_wait3A_470 = tpu.memref_slice %arg3[%mul3A_466] : memref<131072xi32, #tpu.memory_space<hbm>> -> memref<16384xi32, #tpu.memory_space<hbm>>
          %dma_wait3A_471 = tpu.memref_slice %arg3[%mul3A_466] : memref<131072xi32, #tpu.memory_space<hbm>> -> memref<16384xi32, #tpu.memory_space<hbm>>
          tpu.wait_dma2 semaphore(%run_scoped3A_467 : memref<!tpu.dma_semaphore, #tpu.memory_space<semaphore_mem>>) src(%dma_wait3A_471 : memref<16384xi32, #tpu.memory_space<hbm>>) dst(%arg10 : memref<16384xi32, #tpu.memory_space<vmem>>)
          tpu.yield
        }) : () -> ()
      } else {
      }
      %jit3A_229 = arith.constant 4 : i32
      %div3A_230 = arith.divsi %mul3A_114, %jit3A_229 : i32
      %sign3A_231 = arith.constant 0 : i32
      %sign3A_232 = arith.cmpi sgt, %mul3A_114, %sign3A_231 : i32
      %sign3A_233 = arith.extui %sign3A_232 : i1 to i32
      %sign3A_234 = arith.constant 0 : i32
      %sign3A_235 = arith.cmpi slt, %mul3A_114, %sign3A_234 : i32
      %sign3A_236 = arith.extui %sign3A_235 : i1 to i32
      %sign3A_237 = arith.subi %sign3A_233, %sign3A_236 : i32
      %sign3A_238 = arith.constant 0 : i32
      %sign3A_239 = arith.cmpi sgt, %jit3A_229, %sign3A_238 : i32
      %sign3A_240 = arith.extui %sign3A_239 : i1 to i32
      %sign3A_241 = arith.constant 0 : i32
      %sign3A_242 = arith.cmpi slt, %jit3A_229, %sign3A_241 : i32
      %sign3A_243 = arith.extui %sign3A_242 : i1 to i32
      %sign3A_244 = arith.subi %sign3A_240, %sign3A_243 : i32
      %ne3A_245 = arith.cmpi ne, %sign3A_237, %sign3A_244 : i32
      %rem3A_246 = arith.remsi %mul3A_114, %jit3A_229 : i32
      %ne3A_247 = arith.constant 0 : i32
      %ne3A_248 = arith.cmpi ne, %rem3A_246, %ne3A_247 : i32
      %and3A_249 = arith.andi %ne3A_245, %ne3A_248 : i1
      %sub3A_250 = arith.constant 1 : i32
      %sub3A_251 = arith.subi %div3A_230, %sub3A_250 : i32
      %select_n3A_252 = arith.select %and3A_249, %sub3A_251, %div3A_230 : i32
      %mul3A_253 = arith.constant 16 : i32
      %mul3A_254 = arith.muli %select_n3A_252, %mul3A_253 : i32
      %jit3A_255 = arith.constant 4 : i32
      %eq3A_256 = arith.constant 0 : i32
      %eq3A_257 = arith.cmpi eq, %jit3A_255, %eq3A_256 : i32
      %jit3A_258 = arith.constant 1 : i32
      %select_n3A_259 = arith.select %eq3A_257, %jit3A_258, %jit3A_255 : i32
      %rem3A_260 = arith.remsi %mul3A_114, %select_n3A_259 : i32
      %ne3A_261 = arith.constant 0 : i32
      %ne3A_262 = arith.cmpi ne, %rem3A_260, %ne3A_261 : i32
      %lt3A_263 = arith.constant 0 : i32
      %lt3A_264 = arith.cmpi slt, %rem3A_260, %lt3A_263 : i32
      %lt3A_265 = arith.constant 0 : i32
      %lt3A_266 = arith.cmpi slt, %select_n3A_259, %lt3A_265 : i32
      %ne3A_267 = arith.xori %lt3A_264, %lt3A_266 : i1
      %and3A_268 = arith.andi %ne3A_267, %ne3A_262 : i1
      %add3A_269 = arith.addi %rem3A_260, %select_n3A_259 : i32
      %select_n3A_270 = arith.select %and3A_268, %add3A_269, %rem3A_260 : i32
      %mul3A_271 = arith.constant 512 : i32
      %mul3A_272 = arith.muli %select_n3A_270, %mul3A_271 : i32
      %add3A_273 = arith.addi %mul3A_2, %mul3A_272 : i32
      %jit3A_274 = arith.constant 4 : i32
      %eq3A_275 = arith.constant 0 : i32
      %eq3A_276 = arith.cmpi eq, %jit3A_274, %eq3A_275 : i32
      %jit3A_277 = arith.constant 1 : i32
      %select_n3A_278 = arith.select %eq3A_276, %jit3A_277, %jit3A_274 : i32
      %rem3A_279 = arith.remsi %mul3A_114, %select_n3A_278 : i32
      %ne3A_280 = arith.constant 0 : i32
      %ne3A_281 = arith.cmpi ne, %rem3A_279, %ne3A_280 : i32
      %lt3A_282 = arith.constant 0 : i32
      %lt3A_283 = arith.cmpi slt, %rem3A_279, %lt3A_282 : i32
      %lt3A_284 = arith.constant 0 : i32
      %lt3A_285 = arith.cmpi slt, %select_n3A_278, %lt3A_284 : i32
      %ne3A_286 = arith.xori %lt3A_283, %lt3A_285 : i1
      %and3A_287 = arith.andi %ne3A_286, %ne3A_281 : i1
      %add3A_288 = arith.addi %rem3A_279, %select_n3A_278 : i32
      %select_n3A_289 = arith.select %and3A_287, %add3A_288, %rem3A_279 : i32
      %get3A_290 = arith.index_cast %mul3A_254 : i32 to index
      %get3A_291 = tpu.vector_load %arg18[%get3A_290] {strides = array<i32>} : memref<128xf32, #tpu.memory_space<vmem>>, vector<16xf32>,
      %mul3A_292 = arith.mulf %get3A_291, %div3A : vector<16xf32>
      %parallel_loop3A = arith.constant 0 : i32
      %parallel_loop3A_293 = arith.constant 32 : i32
      %parallel_loop3A_294 = arith.constant 1 : i32
      scf.for %parallel_loop3A_418 = %parallel_loop3A to %parallel_loop3A_293 step %parallel_loop3A_294  : i32 {
        %parallel_loop3A_419 = arith.constant 16 : i32
        %parallel_loop3A_420 = arith.muli %parallel_loop3A_418, %parallel_loop3A_419 : i32
        %parallel_loop3A_421 = arith.constant 0 : i32
        %parallel_loop3A_422 = arith.addi %parallel_loop3A_420, %parallel_loop3A_421 : i32
        %parallel_loop3A_423 = arith.index_cast %parallel_loop3A_422 : i32 to index
        %parallel_loop3A_424 = arith.constant 0 : index
        %parallel_loop3A_425 = tpu.vector_load %arg11[%parallel_loop3A_423, %parallel_loop3A_424] {strides = array<i32>} : memref<512x16xi32, #tpu.memory_space<vmem>>, vector<16xi32>,
        %parallel_loop3A_426 = arith.index_cast %parallel_loop3A_422 : i32 to index
        %parallel_loop3A_427 = arith.constant 0 : index
        %parallel_loop3A_428 = tpu.vector_load %arg12[%parallel_loop3A_426, %parallel_loop3A_427] {strides = array<i32>} : memref<512x16xf32, #tpu.memory_space<vmem>>, vector<16xf32>,
        %parallel_loop3A_429 = arith.index_cast %parallel_loop3A_422 : i32 to index
        %parallel_loop3A_430 = arith.constant 0 : index
        %parallel_loop3A_431 = tpu.vector_load %arg13[%parallel_loop3A_429, %parallel_loop3A_430] {strides = array<i32>} : memref<512x16xf32, #tpu.memory_space<vmem>>, vector<16xf32>,
        %parallel_loop3A_432 = arith.addi %parallel_loop3A_425, %mul3A_5 : vector<16xi32>
        %parallel_loop3A_433 = arith.constant 1 : i32
        %parallel_loop3A_434 = vector.broadcast %parallel_loop3A_433 : i32 to vector<16xi32>
        %parallel_loop3A_435 = arith.addi %parallel_loop3A_432, %parallel_loop3A_434 : vector<16xi32>
        %parallel_loop3A_436 = arith.mulf %parallel_loop3A_431, %mul3A_292 : vector<16xf32>
        %parallel_loop3A_437 = arith.mulf %parallel_loop3A_436, %parallel_loop3A_428 : vector<16xf32>
        %parallel_loop3A_438 = arith.subf %parallel_loop3A_436, %parallel_loop3A_437 : vector<16xf32>
        %parallel_loop3A_439 = tpu.pack_subelements %parallel_loop3A_438, %parallel_loop3A_438 {pack_format = #tpu.pack_format<interleaved>, positions = array<i32: 0, 1>} : vector<16xf32>, vector<16xf32> -> vector<32xbf16>
        %parallel_loop3A_440 = tpu.pack_subelements %parallel_loop3A_437, %parallel_loop3A_437 {pack_format = #tpu.pack_format<interleaved>, positions = array<i32: 0, 1>} : vector<16xf32>, vector<16xf32> -> vector<32xbf16>
        %parallel_loop3A_441 = tpu.vector_load_idx %arg9[%parallel_loop3A_432] : memref<16384xi32, #tpu.memory_space<vmem>>[vector<16xi32>], vector<16xi32>,
        %parallel_loop3A_442 = tpu.vector_load_idx %arg9[%parallel_loop3A_435] : memref<16384xi32, #tpu.memory_space<vmem>>[vector<16xi32>], vector<16xi32>,
        %parallel_loop3A_443 = vector.bitcast %parallel_loop3A_441 : vector<16xi32> to vector<32xbf16>
        %parallel_loop3A_444 = vector.bitcast %parallel_loop3A_442 : vector<16xi32> to vector<32xbf16>
        %parallel_loop3A_445 = arith.mulf %parallel_loop3A_439, %parallel_loop3A_443 : vector<32xbf16>
        %parallel_loop3A_446 = arith.mulf %parallel_loop3A_440, %parallel_loop3A_444 : vector<32xbf16>
        %parallel_loop3A_447 = arith.addf %parallel_loop3A_445, %parallel_loop3A_446 : vector<32xbf16>
        %parallel_loop3A_448 = tpu.unpack_subelements %parallel_loop3A_447, 0 {pack_format = #tpu.pack_format<interleaved>} : vector<32xbf16> -> vector<16xf32>
        %parallel_loop3A_449 = tpu.unpack_subelements %parallel_loop3A_447, 1 {pack_format = #tpu.pack_format<interleaved>} : vector<32xbf16> -> vector<16xf32>
        %parallel_loop3A_450 = arith.constant true
        %parallel_loop3A_451 = vector.broadcast %parallel_loop3A_450 : i1 to vector<16xi1>
        %parallel_loop3A_452 = tpu.scan <sum>, %parallel_loop3A_448 masked %parallel_loop3A_451 : vector<16xf32>, vector<16xi1> -> vector<16xf32>
        %parallel_loop3A_453 = vector.extract %parallel_loop3A_452[15] : f32 from vector<16xf32>
        %parallel_loop3A_454 = arith.constant true
        %parallel_loop3A_455 = vector.broadcast %parallel_loop3A_454 : i1 to vector<16xi1>
        %parallel_loop3A_456 = tpu.scan <sum>, %parallel_loop3A_449 masked %parallel_loop3A_455 : vector<16xf32>, vector<16xi1> -> vector<16xf32>
        %parallel_loop3A_457 = vector.extract %parallel_loop3A_456[15] : f32 from vector<16xf32>
        %parallel_loop3A_458 = vector.broadcast %parallel_loop3A_453 : f32 to vector<16xf32>
        %parallel_loop3A_459 = arith.select %eq3A_7, %parallel_loop3A_458, %broadcast_in_dim3A_53 : vector<16xi1>, vector<16xf32>
        %parallel_loop3A_460 = vector.broadcast %parallel_loop3A_457 : f32 to vector<16xf32>
        %parallel_loop3A_461 = arith.select %eq3A_7, %parallel_loop3A_460, %broadcast_in_dim3A_53 : vector<16xi1>, vector<16xf32>
        %parallel_loop3A_462 = tpu.vector_load_idx %arg10[%parallel_loop3A_432] : memref<16384xi32, #tpu.memory_space<vmem>>[vector<16xi32>], vector<16xi32>,
        %parallel_loop3A_463 = tpu.vector_load_idx %arg10[%parallel_loop3A_435] : memref<16384xi32, #tpu.memory_space<vmem>>[vector<16xi32>], vector<16xi32>,
        %parallel_loop3A_464 = vector.bitcast %parallel_loop3A_462 : vector<16xi32> to vector<32xbf16>
        %parallel_loop3A_465 = vector.bitcast %parallel_loop3A_463 : vector<16xi32> to vector<32xbf16>
        %parallel_loop3A_466 = arith.mulf %parallel_loop3A_439, %parallel_loop3A_464 : vector<32xbf16>
        %parallel_loop3A_467 = arith.mulf %parallel_loop3A_440, %parallel_loop3A_465 : vector<32xbf16>
        %parallel_loop3A_468 = arith.addf %parallel_loop3A_466, %parallel_loop3A_467 : vector<32xbf16>
        %parallel_loop3A_469 = tpu.unpack_subelements %parallel_loop3A_468, 0 {pack_format = #tpu.pack_format<interleaved>} : vector<32xbf16> -> vector<16xf32>
        %parallel_loop3A_470 = tpu.unpack_subelements %parallel_loop3A_468, 1 {pack_format = #tpu.pack_format<interleaved>} : vector<32xbf16> -> vector<16xf32>
        %parallel_loop3A_471 = arith.constant true
        %parallel_loop3A_472 = vector.broadcast %parallel_loop3A_471 : i1 to vector<16xi1>
        %parallel_loop3A_473 = tpu.scan <sum>, %parallel_loop3A_469 masked %parallel_loop3A_472 : vector<16xf32>, vector<16xi1> -> vector<16xf32>
        %parallel_loop3A_474 = vector.extract %parallel_loop3A_473[15] : f32 from vector<16xf32>
        %parallel_loop3A_475 = arith.constant true
        %parallel_loop3A_476 = vector.broadcast %parallel_loop3A_475 : i1 to vector<16xi1>
        %parallel_loop3A_477 = tpu.scan <sum>, %parallel_loop3A_470 masked %parallel_loop3A_476 : vector<16xf32>, vector<16xi1> -> vector<16xf32>
        %parallel_loop3A_478 = vector.extract %parallel_loop3A_477[15] : f32 from vector<16xf32>
        %parallel_loop3A_479 = vector.broadcast %parallel_loop3A_474 : f32 to vector<16xf32>
        %parallel_loop3A_480 = arith.select %eq3A_7, %parallel_loop3A_479, %broadcast_in_dim3A_53 : vector<16xi1>, vector<16xf32>
        %parallel_loop3A_481 = vector.broadcast %parallel_loop3A_478 : f32 to vector<16xf32>
        %parallel_loop3A_482 = arith.select %eq3A_7, %parallel_loop3A_481, %broadcast_in_dim3A_53 : vector<16xi1>, vector<16xf32>
        %parallel_loop3A_483 = arith.constant 16 : i32
        %parallel_loop3A_484 = arith.muli %parallel_loop3A_418, %parallel_loop3A_483 : i32
        %parallel_loop3A_485 = arith.constant 1 : i32
        %parallel_loop3A_486 = arith.addi %parallel_loop3A_484, %parallel_loop3A_485 : i32
        %parallel_loop3A_487 = arith.index_cast %parallel_loop3A_486 : i32 to index
        %parallel_loop3A_488 = arith.constant 0 : index
        %parallel_loop3A_489 = tpu.vector_load %arg11[%parallel_loop3A_487, %parallel_loop3A_488] {strides = array<i32>} : memref<512x16xi32, #tpu.memory_space<vmem>>, vector<16xi32>,
        %parallel_loop3A_490 = arith.index_cast %parallel_loop3A_486 : i32 to index
        %parallel_loop3A_491 = arith.constant 0 : index
        %parallel_loop3A_492 = tpu.vector_load %arg12[%parallel_loop3A_490, %parallel_loop3A_491] {strides = array<i32>} : memref<512x16xf32, #tpu.memory_space<vmem>>, vector<16xf32>,
        %parallel_loop3A_493 = arith.index_cast %parallel_loop3A_486 : i32 to index
        %parallel_loop3A_494 = arith.constant 0 : index
        %parallel_loop3A_495 = tpu.vector_load %arg13[%parallel_loop3A_493, %parallel_loop3A_494] {strides = array<i32>} : memref<512x16xf32, #tpu.memory_space<vmem>>, vector<16xf32>,
        %parallel_loop3A_496 = arith.addi %parallel_loop3A_489, %mul3A_5 : vector<16xi32>
        %parallel_loop3A_497 = arith.constant 1 : i32
        %parallel_loop3A_498 = vector.broadcast %parallel_loop3A_497 : i32 to vector<16xi32>
        %parallel_loop3A_499 = arith.addi %parallel_loop3A_496, %parallel_loop3A_498 : vector<16xi32>
        %parallel_loop3A_500 = arith.mulf %parallel_loop3A_495, %mul3A_292 : vector<16xf32>
        %parallel_loop3A_501 = arith.mulf %parallel_loop3A_500, %parallel_loop3A_492 : vector<16xf32>
        %parallel_loop3A_502 = arith.subf %parallel_loop3A_500, %parallel_loop3A_501 : vector<16xf32>
        %parallel_loop3A_503 = tpu.pack_subelements %parallel_loop3A_502, %parallel_loop3A_502 {pack_format = #tpu.pack_format<interleaved>, positions = array<i32: 0, 1>} : vector<16xf32>, vector<16xf32> -> vector<32xbf16>
        %parallel_loop3A_504 = tpu.pack_subelements %parallel_loop3A_501, %parallel_loop3A_501 {pack_format = #tpu.pack_format<interleaved>, positions = array<i32: 0, 1>} : vector<16xf32>, vector<16xf32> -> vector<32xbf16>
        %parallel_loop3A_505 = tpu.vector_load_idx %arg9[%parallel_loop3A_496] : memref<16384xi32, #tpu.memory_space<vmem>>[vector<16xi32>], vector<16xi32>,
        %parallel_loop3A_506 = tpu.vector_load_idx %arg9[%parallel_loop3A_499] : memref<16384xi32, #tpu.memory_space<vmem>>[vector<16xi32>], vector<16xi32>,
        %parallel_loop3A_507 = vector.bitcast %parallel_loop3A_505 : vector<16xi32> to vector<32xbf16>
        %parallel_loop3A_508 = vector.bitcast %parallel_loop3A_506 : vector<16xi32> to vector<32xbf16>
        %parallel_loop3A_509 = arith.mulf %parallel_loop3A_503, %parallel_loop3A_507 : vector<32xbf16>
        %parallel_loop3A_510 = arith.mulf %parallel_loop3A_504, %parallel_loop3A_508 : vector<32xbf16>
        %parallel_loop3A_511 = arith.addf %parallel_loop3A_509, %parallel_loop3A_510 : vector<32xbf16>
        %parallel_loop3A_512 = tpu.unpack_subelements %parallel_loop3A_511, 0 {pack_format = #tpu.pack_format<interleaved>} : vector<32xbf16> -> vector<16xf32>
        %parallel_loop3A_513 = tpu.unpack_subelements %parallel_loop3A_511, 1 {pack_format = #tpu.pack_format<interleaved>} : vector<32xbf16> -> vector<16xf32>
        %parallel_loop3A_514 = arith.constant true
        %parallel_loop3A_515 = vector.broadcast %parallel_loop3A_514 : i1 to vector<16xi1>
        %parallel_loop3A_516 = tpu.scan <sum>, %parallel_loop3A_512 masked %parallel_loop3A_515 : vector<16xf32>, vector<16xi1> -> vector<16xf32>
        %parallel_loop3A_517 = vector.extract %parallel_loop3A_516[15] : f32 from vector<16xf32>
        %parallel_loop3A_518 = arith.constant true
        %parallel_loop3A_519 = vector.broadcast %parallel_loop3A_518 : i1 to vector<16xi1>
        %parallel_loop3A_520 = tpu.scan <sum>, %parallel_loop3A_513 masked %parallel_loop3A_519 : vector<16xf32>, vector<16xi1> -> vector<16xf32>
        %parallel_loop3A_521 = vector.extract %parallel_loop3A_520[15] : f32 from vector<16xf32>
        %parallel_loop3A_522 = vector.broadcast %parallel_loop3A_517 : f32 to vector<16xf32>
        %parallel_loop3A_523 = arith.select %eq3A_10, %parallel_loop3A_522, %parallel_loop3A_459 : vector<16xi1>, vector<16xf32>
        %parallel_loop3A_524 = vector.broadcast %parallel_loop3A_521 : f32 to vector<16xf32>
        %parallel_loop3A_525 = arith.select %eq3A_10, %parallel_loop3A_524, %parallel_loop3A_461 : vector<16xi1>, vector<16xf32>
        %parallel_loop3A_526 = tpu.vector_load_idx %arg10[%parallel_loop3A_496] : memref<16384xi32, #tpu.memory_space<vmem>>[vector<16xi32>], vector<16xi32>,
        %parallel_loop3A_527 = tpu.vector_load_idx %arg10[%parallel_loop3A_499] : memref<16384xi32, #tpu.memory_space<vmem>>[vector<16xi32>], vector<16xi32>,
        %parallel_loop3A_528 = vector.bitcast %parallel_loop3A_526 : vector<16xi32> to vector<32xbf16>
        %parallel_loop3A_529 = vector.bitcast %parallel_loop3A_527 : vector<16xi32> to vector<32xbf16>
        %parallel_loop3A_530 = arith.mulf %parallel_loop3A_503, %parallel_loop3A_528 : vector<32xbf16>
        %parallel_loop3A_531 = arith.mulf %parallel_loop3A_504, %parallel_loop3A_529 : vector<32xbf16>
        %parallel_loop3A_532 = arith.addf %parallel_loop3A_530, %parallel_loop3A_531 : vector<32xbf16>
        %parallel_loop3A_533 = tpu.unpack_subelements %parallel_loop3A_532, 0 {pack_format = #tpu.pack_format<interleaved>} : vector<32xbf16> -> vector<16xf32>
        %parallel_loop3A_534 = tpu.unpack_subelements %parallel_loop3A_532, 1 {pack_format = #tpu.pack_format<interleaved>} : vector<32xbf16> -> vector<16xf32>
        %parallel_loop3A_535 = arith.constant true
        %parallel_loop3A_536 = vector.broadcast %parallel_loop3A_535 : i1 to vector<16xi1>
        %parallel_loop3A_537 = tpu.scan <sum>, %parallel_loop3A_533 masked %parallel_loop3A_536 : vector<16xf32>, vector<16xi1> -> vector<16xf32>
        %parallel_loop3A_538 = vector.extract %parallel_loop3A_537[15] : f32 from vector<16xf32>
        %parallel_loop3A_539 = arith.constant true
        %parallel_loop3A_540 = vector.broadcast %parallel_loop3A_539 : i1 to vector<16xi1>
        %parallel_loop3A_541 = tpu.scan <sum>, %parallel_loop3A_534 masked %parallel_loop3A_540 : vector<16xf32>, vector<16xi1> -> vector<16xf32>
        %parallel_loop3A_542 = vector.extract %parallel_loop3A_541[15] : f32 from vector<16xf32>
        %parallel_loop3A_543 = vector.broadcast %parallel_loop3A_538 : f32 to vector<16xf32>
        %parallel_loop3A_544 = arith.select %eq3A_10, %parallel_loop3A_543, %parallel_loop3A_480 : vector<16xi1>, vector<16xf32>
        %parallel_loop3A_545 = vector.broadcast %parallel_loop3A_542 : f32 to vector<16xf32>
        %parallel_loop3A_546 = arith.select %eq3A_10, %parallel_loop3A_545, %parallel_loop3A_482 : vector<16xi1>, vector<16xf32>
        %parallel_loop3A_547 = arith.constant 16 : i32
        %parallel_loop3A_548 = arith.muli %parallel_loop3A_418, %parallel_loop3A_547 : i32
        %parallel_loop3A_549 = arith.constant 2 : i32
        %parallel_loop3A_550 = arith.addi %parallel_loop3A_548, %parallel_loop3A_549 : i32
        %parallel_loop3A_551 = arith.index_cast %parallel_loop3A_550 : i32 to index
        %parallel_loop3A_552 = arith.constant 0 : index
        %parallel_loop3A_553 = tpu.vector_load %arg11[%parallel_loop3A_551, %parallel_loop3A_552] {strides = array<i32>} : memref<512x16xi32, #tpu.memory_space<vmem>>, vector<16xi32>,
        %parallel_loop3A_554 = arith.index_cast %parallel_loop3A_550 : i32 to index
        %parallel_loop3A_555 = arith.constant 0 : index
        %parallel_loop3A_556 = tpu.vector_load %arg12[%parallel_loop3A_554, %parallel_loop3A_555] {strides = array<i32>} : memref<512x16xf32, #tpu.memory_space<vmem>>, vector<16xf32>,
        %parallel_loop3A_557 = arith.index_cast %parallel_loop3A_550 : i32 to index
        %parallel_loop3A_558 = arith.constant 0 : index
        %parallel_loop3A_559 = tpu.vector_load %arg13[%parallel_loop3A_557, %parallel_loop3A_558] {strides = array<i32>} : memref<512x16xf32, #tpu.memory_space<vmem>>, vector<16xf32>,
        %parallel_loop3A_560 = arith.addi %parallel_loop3A_553, %mul3A_5 : vector<16xi32>
        %parallel_loop3A_561 = arith.constant 1 : i32
        %parallel_loop3A_562 = vector.broadcast %parallel_loop3A_561 : i32 to vector<16xi32>
        %parallel_loop3A_563 = arith.addi %parallel_loop3A_560, %parallel_loop3A_562 : vector<16xi32>
        %parallel_loop3A_564 = arith.mulf %parallel_loop3A_559, %mul3A_292 : vector<16xf32>
        %parallel_loop3A_565 = arith.mulf %parallel_loop3A_564, %parallel_loop3A_556 : vector<16xf32>
        %parallel_loop3A_566 = arith.subf %parallel_loop3A_564, %parallel_loop3A_565 : vector<16xf32>
        %parallel_loop3A_567 = tpu.pack_subelements %parallel_loop3A_566, %parallel_loop3A_566 {pack_format = #tpu.pack_format<interleaved>, positions = array<i32: 0, 1>} : vector<16xf32>, vector<16xf32> -> vector<32xbf16>
        %parallel_loop3A_568 = tpu.pack_subelements %parallel_loop3A_565, %parallel_loop3A_565 {pack_format = #tpu.pack_format<interleaved>, positions = array<i32: 0, 1>} : vector<16xf32>, vector<16xf32> -> vector<32xbf16>
        %parallel_loop3A_569 = tpu.vector_load_idx %arg9[%parallel_loop3A_560] : memref<16384xi32, #tpu.memory_space<vmem>>[vector<16xi32>], vector<16xi32>,
        %parallel_loop3A_570 = tpu.vector_load_idx %arg9[%parallel_loop3A_563] : memref<16384xi32, #tpu.memory_space<vmem>>[vector<16xi32>], vector<16xi32>,
        %parallel_loop3A_571 = vector.bitcast %parallel_loop3A_569 : vector<16xi32> to vector<32xbf16>
        %parallel_loop3A_572 = vector.bitcast %parallel_loop3A_570 : vector<16xi32> to vector<32xbf16>
        %parallel_loop3A_573 = arith.mulf %parallel_loop3A_567, %parallel_loop3A_571 : vector<32xbf16>
        %parallel_loop3A_574 = arith.mulf %parallel_loop3A_568, %parallel_loop3A_572 : vector<32xbf16>
        %parallel_loop3A_575 = arith.addf %parallel_loop3A_573, %parallel_loop3A_574 : vector<32xbf16>
        %parallel_loop3A_576 = tpu.unpack_subelements %parallel_loop3A_575, 0 {pack_format = #tpu.pack_format<interleaved>} : vector<32xbf16> -> vector<16xf32>
        %parallel_loop3A_577 = tpu.unpack_subelements %parallel_loop3A_575, 1 {pack_format = #tpu.pack_format<interleaved>} : vector<32xbf16> -> vector<16xf32>
        %parallel_loop3A_578 = arith.constant true
        %parallel_loop3A_579 = vector.broadcast %parallel_loop3A_578 : i1 to vector<16xi1>
        %parallel_loop3A_580 = tpu.scan <sum>, %parallel_loop3A_576 masked %parallel_loop3A_579 : vector<16xf32>, vector<16xi1> -> vector<16xf32>
        %parallel_loop3A_581 = vector.extract %parallel_loop3A_580[15] : f32 from vector<16xf32>
        %parallel_loop3A_582 = arith.constant true
        %parallel_loop3A_583 = vector.broadcast %parallel_loop3A_582 : i1 to vector<16xi1>
        %parallel_loop3A_584 = tpu.scan <sum>, %parallel_loop3A_577 masked %parallel_loop3A_583 : vector<16xf32>, vector<16xi1> -> vector<16xf32>
        %parallel_loop3A_585 = vector.extract %parallel_loop3A_584[15] : f32 from vector<16xf32>
        %parallel_loop3A_586 = vector.broadcast %parallel_loop3A_581 : f32 to vector<16xf32>
        %parallel_loop3A_587 = arith.select %eq3A_13, %parallel_loop3A_586, %parallel_loop3A_523 : vector<16xi1>, vector<16xf32>
        %parallel_loop3A_588 = vector.broadcast %parallel_loop3A_585 : f32 to vector<16xf32>
        %parallel_loop3A_589 = arith.select %eq3A_13, %parallel_loop3A_588, %parallel_loop3A_525 : vector<16xi1>, vector<16xf32>
        %parallel_loop3A_590 = tpu.vector_load_idx %arg10[%parallel_loop3A_560] : memref<16384xi32, #tpu.memory_space<vmem>>[vector<16xi32>], vector<16xi32>,
        %parallel_loop3A_591 = tpu.vector_load_idx %arg10[%parallel_loop3A_563] : memref<16384xi32, #tpu.memory_space<vmem>>[vector<16xi32>], vector<16xi32>,
        %parallel_loop3A_592 = vector.bitcast %parallel_loop3A_590 : vector<16xi32> to vector<32xbf16>
        %parallel_loop3A_593 = vector.bitcast %parallel_loop3A_591 : vector<16xi32> to vector<32xbf16>
        %parallel_loop3A_594 = arith.mulf %parallel_loop3A_567, %parallel_loop3A_592 : vector<32xbf16>
        %parallel_loop3A_595 = arith.mulf %parallel_loop3A_568, %parallel_loop3A_593 : vector<32xbf16>
        %parallel_loop3A_596 = arith.addf %parallel_loop3A_594, %parallel_loop3A_595 : vector<32xbf16>
        %parallel_loop3A_597 = tpu.unpack_subelements %parallel_loop3A_596, 0 {pack_format = #tpu.pack_format<interleaved>} : vector<32xbf16> -> vector<16xf32>
        %parallel_loop3A_598 = tpu.unpack_subelements %parallel_loop3A_596, 1 {pack_format = #tpu.pack_format<interleaved>} : vector<32xbf16> -> vector<16xf32>
        %parallel_loop3A_599 = arith.constant true
        %parallel_loop3A_600 = vector.broadcast %parallel_loop3A_599 : i1 to vector<16xi1>
        %parallel_loop3A_601 = tpu.scan <sum>, %parallel_loop3A_597 masked %parallel_loop3A_600 : vector<16xf32>, vector<16xi1> -> vector<16xf32>
        %parallel_loop3A_602 = vector.extract %parallel_loop3A_601[15] : f32 from vector<16xf32>
        %parallel_loop3A_603 = arith.constant true
        %parallel_loop3A_604 = vector.broadcast %parallel_loop3A_603 : i1 to vector<16xi1>
        %parallel_loop3A_605 = tpu.scan <sum>, %parallel_loop3A_598 masked %parallel_loop3A_604 : vector<16xf32>, vector<16xi1> -> vector<16xf32>
        %parallel_loop3A_606 = vector.extract %parallel_loop3A_605[15] : f32 from vector<16xf32>
        %parallel_loop3A_607 = vector.broadcast %parallel_loop3A_602 : f32 to vector<16xf32>
        %parallel_loop3A_608 = arith.select %eq3A_13, %parallel_loop3A_607, %parallel_loop3A_544 : vector<16xi1>, vector<16xf32>
        %parallel_loop3A_609 = vector.broadcast %parallel_loop3A_606 : f32 to vector<16xf32>
        %parallel_loop3A_610 = arith.select %eq3A_13, %parallel_loop3A_609, %parallel_loop3A_546 : vector<16xi1>, vector<16xf32>
        %parallel_loop3A_611 = arith.constant 16 : i32
        %parallel_loop3A_612 = arith.muli %parallel_loop3A_418, %parallel_loop3A_611 : i32
        %parallel_loop3A_613 = arith.constant 3 : i32
        %parallel_loop3A_614 = arith.addi %parallel_loop3A_612, %parallel_loop3A_613 : i32
        %parallel_loop3A_615 = arith.index_cast %parallel_loop3A_614 : i32 to index
        %parallel_loop3A_616 = arith.constant 0 : index
        %parallel_loop3A_617 = tpu.vector_load %arg11[%parallel_loop3A_615, %parallel_loop3A_616] {strides = array<i32>} : memref<512x16xi32, #tpu.memory_space<vmem>>, vector<16xi32>,
        %parallel_loop3A_618 = arith.index_cast %parallel_loop3A_614 : i32 to index
        %parallel_loop3A_619 = arith.constant 0 : index
        %parallel_loop3A_620 = tpu.vector_load %arg12[%parallel_loop3A_618, %parallel_loop3A_619] {strides = array<i32>} : memref<512x16xf32, #tpu.memory_space<vmem>>, vector<16xf32>,
        %parallel_loop3A_621 = arith.index_cast %parallel_loop3A_614 : i32 to index
        %parallel_loop3A_622 = arith.constant 0 : index
        %parallel_loop3A_623 = tpu.vector_load %arg13[%parallel_loop3A_621, %parallel_loop3A_622] {strides = array<i32>} : memref<512x16xf32, #tpu.memory_space<vmem>>, vector<16xf32>,
        %parallel_loop3A_624 = arith.addi %parallel_loop3A_617, %mul3A_5 : vector<16xi32>
        %parallel_loop3A_625 = arith.constant 1 : i32
        %parallel_loop3A_626 = vector.broadcast %parallel_loop3A_625 : i32 to vector<16xi32>
        %parallel_loop3A_627 = arith.addi %parallel_loop3A_624, %parallel_loop3A_626 : vector<16xi32>
        %parallel_loop3A_628 = arith.mulf %parallel_loop3A_623, %mul3A_292 : vector<16xf32>
        %parallel_loop3A_629 = arith.mulf %parallel_loop3A_628, %parallel_loop3A_620 : vector<16xf32>
        %parallel_loop3A_630 = arith.subf %parallel_loop3A_628, %parallel_loop3A_629 : vector<16xf32>
        %parallel_loop3A_631 = tpu.pack_subelements %parallel_loop3A_630, %parallel_loop3A_630 {pack_format = #tpu.pack_format<interleaved>, positions = array<i32: 0, 1>} : vector<16xf32>, vector<16xf32> -> vector<32xbf16>
        %parallel_loop3A_632 = tpu.pack_subelements %parallel_loop3A_629, %parallel_loop3A_629 {pack_format = #tpu.pack_format<interleaved>, positions = array<i32: 0, 1>} : vector<16xf32>, vector<16xf32> -> vector<32xbf16>
        %parallel_loop3A_633 = tpu.vector_load_idx %arg9[%parallel_loop3A_624] : memref<16384xi32, #tpu.memory_space<vmem>>[vector<16xi32>], vector<16xi32>,
        %parallel_loop3A_634 = tpu.vector_load_idx %arg9[%parallel_loop3A_627] : memref<16384xi32, #tpu.memory_space<vmem>>[vector<16xi32>], vector<16xi32>,
        %parallel_loop3A_635 = vector.bitcast %parallel_loop3A_633 : vector<16xi32> to vector<32xbf16>
        %parallel_loop3A_636 = vector.bitcast %parallel_loop3A_634 : vector<16xi32> to vector<32xbf16>
        %parallel_loop3A_637 = arith.mulf %parallel_loop3A_631, %parallel_loop3A_635 : vector<32xbf16>
        %parallel_loop3A_638 = arith.mulf %parallel_loop3A_632, %parallel_loop3A_636 : vector<32xbf16>
        %parallel_loop3A_639 = arith.addf %parallel_loop3A_637, %parallel_loop3A_638 : vector<32xbf16>
        %parallel_loop3A_640 = tpu.unpack_subelements %parallel_loop3A_639, 0 {pack_format = #tpu.pack_format<interleaved>} : vector<32xbf16> -> vector<16xf32>
        %parallel_loop3A_641 = tpu.unpack_subelements %parallel_loop3A_639, 1 {pack_format = #tpu.pack_format<interleaved>} : vector<32xbf16> -> vector<16xf32>
        %parallel_loop3A_642 = arith.constant true
        %parallel_loop3A_643 = vector.broadcast %parallel_loop3A_642 : i1 to vector<16xi1>
        %parallel_loop3A_644 = tpu.scan <sum>, %parallel_loop3A_640 masked %parallel_loop3A_643 : vector<16xf32>, vector<16xi1> -> vector<16xf32>
        %parallel_loop3A_645 = vector.extract %parallel_loop3A_644[15] : f32 from vector<16xf32>
        %parallel_loop3A_646 = arith.constant true
        %parallel_loop3A_647 = vector.broadcast %parallel_loop3A_646 : i1 to vector<16xi1>
        %parallel_loop3A_648 = tpu.scan <sum>, %parallel_loop3A_641 masked %parallel_loop3A_647 : vector<16xf32>, vector<16xi1> -> vector<16xf32>
        %parallel_loop3A_649 = vector.extract %parallel_loop3A_648[15] : f32 from vector<16xf32>
        %parallel_loop3A_650 = vector.broadcast %parallel_loop3A_645 : f32 to vector<16xf32>
        %parallel_loop3A_651 = arith.select %eq3A_16, %parallel_loop3A_650, %parallel_loop3A_587 : vector<16xi1>, vector<16xf32>
        %parallel_loop3A_652 = vector.broadcast %parallel_loop3A_649 : f32 to vector<16xf32>
        %parallel_loop3A_653 = arith.select %eq3A_16, %parallel_loop3A_652, %parallel_loop3A_589 : vector<16xi1>, vector<16xf32>
        %parallel_loop3A_654 = tpu.vector_load_idx %arg10[%parallel_loop3A_624] : memref<16384xi32, #tpu.memory_space<vmem>>[vector<16xi32>], vector<16xi32>,
        %parallel_loop3A_655 = tpu.vector_load_idx %arg10[%parallel_loop3A_627] : memref<16384xi32, #tpu.memory_space<vmem>>[vector<16xi32>], vector<16xi32>,
        %parallel_loop3A_656 = vector.bitcast %parallel_loop3A_654 : vector<16xi32> to vector<32xbf16>
        %parallel_loop3A_657 = vector.bitcast %parallel_loop3A_655 : vector<16xi32> to vector<32xbf16>
        %parallel_loop3A_658 = arith.mulf %parallel_loop3A_631, %parallel_loop3A_656 : vector<32xbf16>
        %parallel_loop3A_659 = arith.mulf %parallel_loop3A_632, %parallel_loop3A_657 : vector<32xbf16>
        %parallel_loop3A_660 = arith.addf %parallel_loop3A_658, %parallel_loop3A_659 : vector<32xbf16>
        %parallel_loop3A_661 = tpu.unpack_subelements %parallel_loop3A_660, 0 {pack_format = #tpu.pack_format<interleaved>} : vector<32xbf16> -> vector<16xf32>
        %parallel_loop3A_662 = tpu.unpack_subelements %parallel_loop3A_660, 1 {pack_format = #tpu.pack_format<interleaved>} : vector<32xbf16> -> vector<16xf32>
        %parallel_loop3A_663 = arith.constant true
        %parallel_loop3A_664 = vector.broadcast %parallel_loop3A_663 : i1 to vector<16xi1>
        %parallel_loop3A_665 = tpu.scan <sum>, %parallel_loop3A_661 masked %parallel_loop3A_664 : vector<16xf32>, vector<16xi1> -> vector<16xf32>
        %parallel_loop3A_666 = vector.extract %parallel_loop3A_665[15] : f32 from vector<16xf32>
        %parallel_loop3A_667 = arith.constant true
        %parallel_loop3A_668 = vector.broadcast %parallel_loop3A_667 : i1 to vector<16xi1>
        %parallel_loop3A_669 = tpu.scan <sum>, %parallel_loop3A_662 masked %parallel_loop3A_668 : vector<16xf32>, vector<16xi1> -> vector<16xf32>
        %parallel_loop3A_670 = vector.extract %parallel_loop3A_669[15] : f32 from vector<16xf32>
        %parallel_loop3A_671 = vector.broadcast %parallel_loop3A_666 : f32 to vector<16xf32>
        %parallel_loop3A_672 = arith.select %eq3A_16, %parallel_loop3A_671, %parallel_loop3A_608 : vector<16xi1>, vector<16xf32>
        %parallel_loop3A_673 = vector.broadcast %parallel_loop3A_670 : f32 to vector<16xf32>
        %parallel_loop3A_674 = arith.select %eq3A_16, %parallel_loop3A_673, %parallel_loop3A_610 : vector<16xi1>, vector<16xf32>
        %parallel_loop3A_675 = arith.constant 16 : i32
        %parallel_loop3A_676 = arith.muli %parallel_loop3A_418, %parallel_loop3A_675 : i32
        %parallel_loop3A_677 = arith.constant 4 : i32
        %parallel_loop3A_678 = arith.addi %parallel_loop3A_676, %parallel_loop3A_677 : i32
        %parallel_loop3A_679 = arith.index_cast %parallel_loop3A_678 : i32 to index
        %parallel_loop3A_680 = arith.constant 0 : index
        %parallel_loop3A_681 = tpu.vector_load %arg11[%parallel_loop3A_679, %parallel_loop3A_680] {strides = array<i32>} : memref<512x16xi32, #tpu.memory_space<vmem>>, vector<16xi32>,
        %parallel_loop3A_682 = arith.index_cast %parallel_loop3A_678 : i32 to index
        %parallel_loop3A_683 = arith.constant 0 : index
        %parallel_loop3A_684 = tpu.vector_load %arg12[%parallel_loop3A_682, %parallel_loop3A_683] {strides = array<i32>} : memref<512x16xf32, #tpu.memory_space<vmem>>, vector<16xf32>,
        %parallel_loop3A_685 = arith.index_cast %parallel_loop3A_678 : i32 to index
        %parallel_loop3A_686 = arith.constant 0 : index
        %parallel_loop3A_687 = tpu.vector_load %arg13[%parallel_loop3A_685, %parallel_loop3A_686] {strides = array<i32>} : memref<512x16xf32, #tpu.memory_space<vmem>>, vector<16xf32>,
        %parallel_loop3A_688 = arith.addi %parallel_loop3A_681, %mul3A_5 : vector<16xi32>
        %parallel_loop3A_689 = arith.constant 1 : i32
        %parallel_loop3A_690 = vector.broadcast %parallel_loop3A_689 : i32 to vector<16xi32>
        %parallel_loop3A_691 = arith.addi %parallel_loop3A_688, %parallel_loop3A_690 : vector<16xi32>
        %parallel_loop3A_692 = arith.mulf %parallel_loop3A_687, %mul3A_292 : vector<16xf32>
        %parallel_loop3A_693 = arith.mulf %parallel_loop3A_692, %parallel_loop3A_684 : vector<16xf32>
        %parallel_loop3A_694 = arith.subf %parallel_loop3A_692, %parallel_loop3A_693 : vector<16xf32>
        %parallel_loop3A_695 = tpu.pack_subelements %parallel_loop3A_694, %parallel_loop3A_694 {pack_format = #tpu.pack_format<interleaved>, positions = array<i32: 0, 1>} : vector<16xf32>, vector<16xf32> -> vector<32xbf16>
        %parallel_loop3A_696 = tpu.pack_subelements %parallel_loop3A_693, %parallel_loop3A_693 {pack_format = #tpu.pack_format<interleaved>, positions = array<i32: 0, 1>} : vector<16xf32>, vector<16xf32> -> vector<32xbf16>
        %parallel_loop3A_697 = tpu.vector_load_idx %arg9[%parallel_loop3A_688] : memref<16384xi32, #tpu.memory_space<vmem>>[vector<16xi32>], vector<16xi32>,
        %parallel_loop3A_698 = tpu.vector_load_idx %arg9[%parallel_loop3A_691] : memref<16384xi32, #tpu.memory_space<vmem>>[vector<16xi32>], vector<16xi32>,
        %parallel_loop3A_699 = vector.bitcast %parallel_loop3A_697 : vector<16xi32> to vector<32xbf16>
        %parallel_loop3A_700 = vector.bitcast %parallel_loop3A_698 : vector<16xi32> to vector<32xbf16>
        %parallel_loop3A_701 = arith.mulf %parallel_loop3A_695, %parallel_loop3A_699 : vector<32xbf16>
        %parallel_loop3A_702 = arith.mulf %parallel_loop3A_696, %parallel_loop3A_700 : vector<32xbf16>
        %parallel_loop3A_703 = arith.addf %parallel_loop3A_701, %parallel_loop3A_702 : vector<32xbf16>
        %parallel_loop3A_704 = tpu.unpack_subelements %parallel_loop3A_703, 0 {pack_format = #tpu.pack_format<interleaved>} : vector<32xbf16> -> vector<16xf32>
        %parallel_loop3A_705 = tpu.unpack_subelements %parallel_loop3A_703, 1 {pack_format = #tpu.pack_format<interleaved>} : vector<32xbf16> -> vector<16xf32>
        %parallel_loop3A_706 = arith.constant true
        %parallel_loop3A_707 = vector.broadcast %parallel_loop3A_706 : i1 to vector<16xi1>
        %parallel_loop3A_708 = tpu.scan <sum>, %parallel_loop3A_704 masked %parallel_loop3A_707 : vector<16xf32>, vector<16xi1> -> vector<16xf32>
        %parallel_loop3A_709 = vector.extract %parallel_loop3A_708[15] : f32 from vector<16xf32>
        %parallel_loop3A_710 = arith.constant true
        %parallel_loop3A_711 = vector.broadcast %parallel_loop3A_710 : i1 to vector<16xi1>
        %parallel_loop3A_712 = tpu.scan <sum>, %parallel_loop3A_705 masked %parallel_loop3A_711 : vector<16xf32>, vector<16xi1> -> vector<16xf32>
        %parallel_loop3A_713 = vector.extract %parallel_loop3A_712[15] : f32 from vector<16xf32>
        %parallel_loop3A_714 = vector.broadcast %parallel_loop3A_709 : f32 to vector<16xf32>
        %parallel_loop3A_715 = arith.select %eq3A_19, %parallel_loop3A_714, %parallel_loop3A_651 : vector<16xi1>, vector<16xf32>
        %parallel_loop3A_716 = vector.broadcast %parallel_loop3A_713 : f32 to vector<16xf32>
        %parallel_loop3A_717 = arith.select %eq3A_19, %parallel_loop3A_716, %parallel_loop3A_653 : vector<16xi1>, vector<16xf32>
        %parallel_loop3A_718 = tpu.vector_load_idx %arg10[%parallel_loop3A_688] : memref<16384xi32, #tpu.memory_space<vmem>>[vector<16xi32>], vector<16xi32>,
        %parallel_loop3A_719 = tpu.vector_load_idx %arg10[%parallel_loop3A_691] : memref<16384xi32, #tpu.memory_space<vmem>>[vector<16xi32>], vector<16xi32>,
        %parallel_loop3A_720 = vector.bitcast %parallel_loop3A_718 : vector<16xi32> to vector<32xbf16>
        %parallel_loop3A_721 = vector.bitcast %parallel_loop3A_719 : vector<16xi32> to vector<32xbf16>
        %parallel_loop3A_722 = arith.mulf %parallel_loop3A_695, %parallel_loop3A_720 : vector<32xbf16>
        %parallel_loop3A_723 = arith.mulf %parallel_loop3A_696, %parallel_loop3A_721 : vector<32xbf16>
        %parallel_loop3A_724 = arith.addf %parallel_loop3A_722, %parallel_loop3A_723 : vector<32xbf16>
        %parallel_loop3A_725 = tpu.unpack_subelements %parallel_loop3A_724, 0 {pack_format = #tpu.pack_format<interleaved>} : vector<32xbf16> -> vector<16xf32>
        %parallel_loop3A_726 = tpu.unpack_subelements %parallel_loop3A_724, 1 {pack_format = #tpu.pack_format<interleaved>} : vector<32xbf16> -> vector<16xf32>
        %parallel_loop3A_727 = arith.constant true
        %parallel_loop3A_728 = vector.broadcast %parallel_loop3A_727 : i1 to vector<16xi1>
        %parallel_loop3A_729 = tpu.scan <sum>, %parallel_loop3A_725 masked %parallel_loop3A_728 : vector<16xf32>, vector<16xi1> -> vector<16xf32>
        %parallel_loop3A_730 = vector.extract %parallel_loop3A_729[15] : f32 from vector<16xf32>
        %parallel_loop3A_731 = arith.constant true
        %parallel_loop3A_732 = vector.broadcast %parallel_loop3A_731 : i1 to vector<16xi1>
        %parallel_loop3A_733 = tpu.scan <sum>, %parallel_loop3A_726 masked %parallel_loop3A_732 : vector<16xf32>, vector<16xi1> -> vector<16xf32>
        %parallel_loop3A_734 = vector.extract %parallel_loop3A_733[15] : f32 from vector<16xf32>
        %parallel_loop3A_735 = vector.broadcast %parallel_loop3A_730 : f32 to vector<16xf32>
        %parallel_loop3A_736 = arith.select %eq3A_19, %parallel_loop3A_735, %parallel_loop3A_672 : vector<16xi1>, vector<16xf32>
        %parallel_loop3A_737 = vector.broadcast %parallel_loop3A_734 : f32 to vector<16xf32>
        %parallel_loop3A_738 = arith.select %eq3A_19, %parallel_loop3A_737, %parallel_loop3A_674 : vector<16xi1>, vector<16xf32>
        %parallel_loop3A_739 = arith.constant 16 : i32
        %parallel_loop3A_740 = arith.muli %parallel_loop3A_418, %parallel_loop3A_739 : i32
        %parallel_loop3A_741 = arith.constant 5 : i32
        %parallel_loop3A_742 = arith.addi %parallel_loop3A_740, %parallel_loop3A_741 : i32
        %parallel_loop3A_743 = arith.index_cast %parallel_loop3A_742 : i32 to index
        %parallel_loop3A_744 = arith.constant 0 : index
        %parallel_loop3A_745 = tpu.vector_load %arg11[%parallel_loop3A_743, %parallel_loop3A_744] {strides = array<i32>} : memref<512x16xi32, #tpu.memory_space<vmem>>, vector<16xi32>,
        %parallel_loop3A_746 = arith.index_cast %parallel_loop3A_742 : i32 to index
        %parallel_loop3A_747 = arith.constant 0 : index
        %parallel_loop3A_748 = tpu.vector_load %arg12[%parallel_loop3A_746, %parallel_loop3A_747] {strides = array<i32>} : memref<512x16xf32, #tpu.memory_space<vmem>>, vector<16xf32>,
        %parallel_loop3A_749 = arith.index_cast %parallel_loop3A_742 : i32 to index
        %parallel_loop3A_750 = arith.constant 0 : index
        %parallel_loop3A_751 = tpu.vector_load %arg13[%parallel_loop3A_749, %parallel_loop3A_750] {strides = array<i32>} : memref<512x16xf32, #tpu.memory_space<vmem>>, vector<16xf32>,
        %parallel_loop3A_752 = arith.addi %parallel_loop3A_745, %mul3A_5 : vector<16xi32>
        %parallel_loop3A_753 = arith.constant 1 : i32
        %parallel_loop3A_754 = vector.broadcast %parallel_loop3A_753 : i32 to vector<16xi32>
        %parallel_loop3A_755 = arith.addi %parallel_loop3A_752, %parallel_loop3A_754 : vector<16xi32>
        %parallel_loop3A_756 = arith.mulf %parallel_loop3A_751, %mul3A_292 : vector<16xf32>
        %parallel_loop3A_757 = arith.mulf %parallel_loop3A_756, %parallel_loop3A_748 : vector<16xf32>
        %parallel_loop3A_758 = arith.subf %parallel_loop3A_756, %parallel_loop3A_757 : vector<16xf32>
        %parallel_loop3A_759 = tpu.pack_subelements %parallel_loop3A_758, %parallel_loop3A_758 {pack_format = #tpu.pack_format<interleaved>, positions = array<i32: 0, 1>} : vector<16xf32>, vector<16xf32> -> vector<32xbf16>
        %parallel_loop3A_760 = tpu.pack_subelements %parallel_loop3A_757, %parallel_loop3A_757 {pack_format = #tpu.pack_format<interleaved>, positions = array<i32: 0, 1>} : vector<16xf32>, vector<16xf32> -> vector<32xbf16>
        %parallel_loop3A_761 = tpu.vector_load_idx %arg9[%parallel_loop3A_752] : memref<16384xi32, #tpu.memory_space<vmem>>[vector<16xi32>], vector<16xi32>,
        %parallel_loop3A_762 = tpu.vector_load_idx %arg9[%parallel_loop3A_755] : memref<16384xi32, #tpu.memory_space<vmem>>[vector<16xi32>], vector<16xi32>,
        %parallel_loop3A_763 = vector.bitcast %parallel_loop3A_761 : vector<16xi32> to vector<32xbf16>
        %parallel_loop3A_764 = vector.bitcast %parallel_loop3A_762 : vector<16xi32> to vector<32xbf16>
        %parallel_loop3A_765 = arith.mulf %parallel_loop3A_759, %parallel_loop3A_763 : vector<32xbf16>
        %parallel_loop3A_766 = arith.mulf %parallel_loop3A_760, %parallel_loop3A_764 : vector<32xbf16>
        %parallel_loop3A_767 = arith.addf %parallel_loop3A_765, %parallel_loop3A_766 : vector<32xbf16>
        %parallel_loop3A_768 = tpu.unpack_subelements %parallel_loop3A_767, 0 {pack_format = #tpu.pack_format<interleaved>} : vector<32xbf16> -> vector<16xf32>
        %parallel_loop3A_769 = tpu.unpack_subelements %parallel_loop3A_767, 1 {pack_format = #tpu.pack_format<interleaved>} : vector<32xbf16> -> vector<16xf32>
        %parallel_loop3A_770 = arith.constant true
        %parallel_loop3A_771 = vector.broadcast %parallel_loop3A_770 : i1 to vector<16xi1>
        %parallel_loop3A_772 = tpu.scan <sum>, %parallel_loop3A_768 masked %parallel_loop3A_771 : vector<16xf32>, vector<16xi1> -> vector<16xf32>
        %parallel_loop3A_773 = vector.extract %parallel_loop3A_772[15] : f32 from vector<16xf32>
        %parallel_loop3A_774 = arith.constant true
        %parallel_loop3A_775 = vector.broadcast %parallel_loop3A_774 : i1 to vector<16xi1>
        %parallel_loop3A_776 = tpu.scan <sum>, %parallel_loop3A_769 masked %parallel_loop3A_775 : vector<16xf32>, vector<16xi1> -> vector<16xf32>
        %parallel_loop3A_777 = vector.extract %parallel_loop3A_776[15] : f32 from vector<16xf32>
        %parallel_loop3A_778 = vector.broadcast %parallel_loop3A_773 : f32 to vector<16xf32>
        %parallel_loop3A_779 = arith.select %eq3A_22, %parallel_loop3A_778, %parallel_loop3A_715 : vector<16xi1>, vector<16xf32>
        %parallel_loop3A_780 = vector.broadcast %parallel_loop3A_777 : f32 to vector<16xf32>
        %parallel_loop3A_781 = arith.select %eq3A_22, %parallel_loop3A_780, %parallel_loop3A_717 : vector<16xi1>, vector<16xf32>
        %parallel_loop3A_782 = tpu.vector_load_idx %arg10[%parallel_loop3A_752] : memref<16384xi32, #tpu.memory_space<vmem>>[vector<16xi32>], vector<16xi32>,
        %parallel_loop3A_783 = tpu.vector_load_idx %arg10[%parallel_loop3A_755] : memref<16384xi32, #tpu.memory_space<vmem>>[vector<16xi32>], vector<16xi32>,
        %parallel_loop3A_784 = vector.bitcast %parallel_loop3A_782 : vector<16xi32> to vector<32xbf16>
        %parallel_loop3A_785 = vector.bitcast %parallel_loop3A_783 : vector<16xi32> to vector<32xbf16>
        %parallel_loop3A_786 = arith.mulf %parallel_loop3A_759, %parallel_loop3A_784 : vector<32xbf16>
        %parallel_loop3A_787 = arith.mulf %parallel_loop3A_760, %parallel_loop3A_785 : vector<32xbf16>
        %parallel_loop3A_788 = arith.addf %parallel_loop3A_786, %parallel_loop3A_787 : vector<32xbf16>
        %parallel_loop3A_789 = tpu.unpack_subelements %parallel_loop3A_788, 0 {pack_format = #tpu.pack_format<interleaved>} : vector<32xbf16> -> vector<16xf32>
        %parallel_loop3A_790 = tpu.unpack_subelements %parallel_loop3A_788, 1 {pack_format = #tpu.pack_format<interleaved>} : vector<32xbf16> -> vector<16xf32>
        %parallel_loop3A_791 = arith.constant true
        %parallel_loop3A_792 = vector.broadcast %parallel_loop3A_791 : i1 to vector<16xi1>
        %parallel_loop3A_793 = tpu.scan <sum>, %parallel_loop3A_789 masked %parallel_loop3A_792 : vector<16xf32>, vector<16xi1> -> vector<16xf32>
        %parallel_loop3A_794 = vector.extract %parallel_loop3A_793[15] : f32 from vector<16xf32>
        %parallel_loop3A_795 = arith.constant true
        %parallel_loop3A_796 = vector.broadcast %parallel_loop3A_795 : i1 to vector<16xi1>
        %parallel_loop3A_797 = tpu.scan <sum>, %parallel_loop3A_790 masked %parallel_loop3A_796 : vector<16xf32>, vector<16xi1> -> vector<16xf32>
        %parallel_loop3A_798 = vector.extract %parallel_loop3A_797[15] : f32 from vector<16xf32>
        %parallel_loop3A_799 = vector.broadcast %parallel_loop3A_794 : f32 to vector<16xf32>
        %parallel_loop3A_800 = arith.select %eq3A_22, %parallel_loop3A_799, %parallel_loop3A_736 : vector<16xi1>, vector<16xf32>
        %parallel_loop3A_801 = vector.broadcast %parallel_loop3A_798 : f32 to vector<16xf32>
        %parallel_loop3A_802 = arith.select %eq3A_22, %parallel_loop3A_801, %parallel_loop3A_738 : vector<16xi1>, vector<16xf32>
        %parallel_loop3A_803 = arith.constant 16 : i32
        %parallel_loop3A_804 = arith.muli %parallel_loop3A_418, %parallel_loop3A_803 : i32
        %parallel_loop3A_805 = arith.constant 6 : i32
        %parallel_loop3A_806 = arith.addi %parallel_loop3A_804, %parallel_loop3A_805 : i32
        %parallel_loop3A_807 = arith.index_cast %parallel_loop3A_806 : i32 to index
        %parallel_loop3A_808 = arith.constant 0 : index
        %parallel_loop3A_809 = tpu.vector_load %arg11[%parallel_loop3A_807, %parallel_loop3A_808] {strides = array<i32>} : memref<512x16xi32, #tpu.memory_space<vmem>>, vector<16xi32>,
        %parallel_loop3A_810 = arith.index_cast %parallel_loop3A_806 : i32 to index
        %parallel_loop3A_811 = arith.constant 0 : index
        %parallel_loop3A_812 = tpu.vector_load %arg12[%parallel_loop3A_810, %parallel_loop3A_811] {strides = array<i32>} : memref<512x16xf32, #tpu.memory_space<vmem>>, vector<16xf32>,
        %parallel_loop3A_813 = arith.index_cast %parallel_loop3A_806 : i32 to index
        %parallel_loop3A_814 = arith.constant 0 : index
        %parallel_loop3A_815 = tpu.vector_load %arg13[%parallel_loop3A_813, %parallel_loop3A_814] {strides = array<i32>} : memref<512x16xf32, #tpu.memory_space<vmem>>, vector<16xf32>,
        %parallel_loop3A_816 = arith.addi %parallel_loop3A_809, %mul3A_5 : vector<16xi32>
        %parallel_loop3A_817 = arith.constant 1 : i32
        %parallel_loop3A_818 = vector.broadcast %parallel_loop3A_817 : i32 to vector<16xi32>
        %parallel_loop3A_819 = arith.addi %parallel_loop3A_816, %parallel_loop3A_818 : vector<16xi32>
        %parallel_loop3A_820 = arith.mulf %parallel_loop3A_815, %mul3A_292 : vector<16xf32>
        %parallel_loop3A_821 = arith.mulf %parallel_loop3A_820, %parallel_loop3A_812 : vector<16xf32>
        %parallel_loop3A_822 = arith.subf %parallel_loop3A_820, %parallel_loop3A_821 : vector<16xf32>
        %parallel_loop3A_823 = tpu.pack_subelements %parallel_loop3A_822, %parallel_loop3A_822 {pack_format = #tpu.pack_format<interleaved>, positions = array<i32: 0, 1>} : vector<16xf32>, vector<16xf32> -> vector<32xbf16>
        %parallel_loop3A_824 = tpu.pack_subelements %parallel_loop3A_821, %parallel_loop3A_821 {pack_format = #tpu.pack_format<interleaved>, positions = array<i32: 0, 1>} : vector<16xf32>, vector<16xf32> -> vector<32xbf16>
        %parallel_loop3A_825 = tpu.vector_load_idx %arg9[%parallel_loop3A_816] : memref<16384xi32, #tpu.memory_space<vmem>>[vector<16xi32>], vector<16xi32>,
        %parallel_loop3A_826 = tpu.vector_load_idx %arg9[%parallel_loop3A_819] : memref<16384xi32, #tpu.memory_space<vmem>>[vector<16xi32>], vector<16xi32>,
        %parallel_loop3A_827 = vector.bitcast %parallel_loop3A_825 : vector<16xi32> to vector<32xbf16>
        %parallel_loop3A_828 = vector.bitcast %parallel_loop3A_826 : vector<16xi32> to vector<32xbf16>
        %parallel_loop3A_829 = arith.mulf %parallel_loop3A_823, %parallel_loop3A_827 : vector<32xbf16>
        %parallel_loop3A_830 = arith.mulf %parallel_loop3A_824, %parallel_loop3A_828 : vector<32xbf16>
        %parallel_loop3A_831 = arith.addf %parallel_loop3A_829, %parallel_loop3A_830 : vector<32xbf16>
        %parallel_loop3A_832 = tpu.unpack_subelements %parallel_loop3A_831, 0 {pack_format = #tpu.pack_format<interleaved>} : vector<32xbf16> -> vector<16xf32>
        %parallel_loop3A_833 = tpu.unpack_subelements %parallel_loop3A_831, 1 {pack_format = #tpu.pack_format<interleaved>} : vector<32xbf16> -> vector<16xf32>
        %parallel_loop3A_834 = arith.constant true
        %parallel_loop3A_835 = vector.broadcast %parallel_loop3A_834 : i1 to vector<16xi1>
        %parallel_loop3A_836 = tpu.scan <sum>, %parallel_loop3A_832 masked %parallel_loop3A_835 : vector<16xf32>, vector<16xi1> -> vector<16xf32>
        %parallel_loop3A_837 = vector.extract %parallel_loop3A_836[15] : f32 from vector<16xf32>
        %parallel_loop3A_838 = arith.constant true
        %parallel_loop3A_839 = vector.broadcast %parallel_loop3A_838 : i1 to vector<16xi1>
        %parallel_loop3A_840 = tpu.scan <sum>, %parallel_loop3A_833 masked %parallel_loop3A_839 : vector<16xf32>, vector<16xi1> -> vector<16xf32>
        %parallel_loop3A_841 = vector.extract %parallel_loop3A_840[15] : f32 from vector<16xf32>
        %parallel_loop3A_842 = vector.broadcast %parallel_loop3A_837 : f32 to vector<16xf32>
        %parallel_loop3A_843 = arith.select %eq3A_25, %parallel_loop3A_842, %parallel_loop3A_779 : vector<16xi1>, vector<16xf32>
        %parallel_loop3A_844 = vector.broadcast %parallel_loop3A_841 : f32 to vector<16xf32>
        %parallel_loop3A_845 = arith.select %eq3A_25, %parallel_loop3A_844, %parallel_loop3A_781 : vector<16xi1>, vector<16xf32>
        %parallel_loop3A_846 = tpu.vector_load_idx %arg10[%parallel_loop3A_816] : memref<16384xi32, #tpu.memory_space<vmem>>[vector<16xi32>], vector<16xi32>,
        %parallel_loop3A_847 = tpu.vector_load_idx %arg10[%parallel_loop3A_819] : memref<16384xi32, #tpu.memory_space<vmem>>[vector<16xi32>], vector<16xi32>,
        %parallel_loop3A_848 = vector.bitcast %parallel_loop3A_846 : vector<16xi32> to vector<32xbf16>
        %parallel_loop3A_849 = vector.bitcast %parallel_loop3A_847 : vector<16xi32> to vector<32xbf16>
        %parallel_loop3A_850 = arith.mulf %parallel_loop3A_823, %parallel_loop3A_848 : vector<32xbf16>
        %parallel_loop3A_851 = arith.mulf %parallel_loop3A_824, %parallel_loop3A_849 : vector<32xbf16>
        %parallel_loop3A_852 = arith.addf %parallel_loop3A_850, %parallel_loop3A_851 : vector<32xbf16>
        %parallel_loop3A_853 = tpu.unpack_subelements %parallel_loop3A_852, 0 {pack_format = #tpu.pack_format<interleaved>} : vector<32xbf16> -> vector<16xf32>
        %parallel_loop3A_854 = tpu.unpack_subelements %parallel_loop3A_852, 1 {pack_format = #tpu.pack_format<interleaved>} : vector<32xbf16> -> vector<16xf32>
        %parallel_loop3A_855 = arith.constant true
        %parallel_loop3A_856 = vector.broadcast %parallel_loop3A_855 : i1 to vector<16xi1>
        %parallel_loop3A_857 = tpu.scan <sum>, %parallel_loop3A_853 masked %parallel_loop3A_856 : vector<16xf32>, vector<16xi1> -> vector<16xf32>
        %parallel_loop3A_858 = vector.extract %parallel_loop3A_857[15] : f32 from vector<16xf32>
        %parallel_loop3A_859 = arith.constant true
        %parallel_loop3A_860 = vector.broadcast %parallel_loop3A_859 : i1 to vector<16xi1>
        %parallel_loop3A_861 = tpu.scan <sum>, %parallel_loop3A_854 masked %parallel_loop3A_860 : vector<16xf32>, vector<16xi1> -> vector<16xf32>
        %parallel_loop3A_862 = vector.extract %parallel_loop3A_861[15] : f32 from vector<16xf32>
        %parallel_loop3A_863 = vector.broadcast %parallel_loop3A_858 : f32 to vector<16xf32>
        %parallel_loop3A_864 = arith.select %eq3A_25, %parallel_loop3A_863, %parallel_loop3A_800 : vector<16xi1>, vector<16xf32>
        %parallel_loop3A_865 = vector.broadcast %parallel_loop3A_862 : f32 to vector<16xf32>
        %parallel_loop3A_866 = arith.select %eq3A_25, %parallel_loop3A_865, %parallel_loop3A_802 : vector<16xi1>, vector<16xf32>
        %parallel_loop3A_867 = arith.constant 16 : i32
        %parallel_loop3A_868 = arith.muli %parallel_loop3A_418, %parallel_loop3A_867 : i32
        %parallel_loop3A_869 = arith.constant 7 : i32
        %parallel_loop3A_870 = arith.addi %parallel_loop3A_868, %parallel_loop3A_869 : i32
        %parallel_loop3A_871 = arith.index_cast %parallel_loop3A_870 : i32 to index
        %parallel_loop3A_872 = arith.constant 0 : index
        %parallel_loop3A_873 = tpu.vector_load %arg11[%parallel_loop3A_871, %parallel_loop3A_872] {strides = array<i32>} : memref<512x16xi32, #tpu.memory_space<vmem>>, vector<16xi32>,
        %parallel_loop3A_874 = arith.index_cast %parallel_loop3A_870 : i32 to index
        %parallel_loop3A_875 = arith.constant 0 : index
        %parallel_loop3A_876 = tpu.vector_load %arg12[%parallel_loop3A_874, %parallel_loop3A_875] {strides = array<i32>} : memref<512x16xf32, #tpu.memory_space<vmem>>, vector<16xf32>,
        %parallel_loop3A_877 = arith.index_cast %parallel_loop3A_870 : i32 to index
        %parallel_loop3A_878 = arith.constant 0 : index
        %parallel_loop3A_879 = tpu.vector_load %arg13[%parallel_loop3A_877, %parallel_loop3A_878] {strides = array<i32>} : memref<512x16xf32, #tpu.memory_space<vmem>>, vector<16xf32>,
        %parallel_loop3A_880 = arith.addi %parallel_loop3A_873, %mul3A_5 : vector<16xi32>
        %parallel_loop3A_881 = arith.constant 1 : i32
        %parallel_loop3A_882 = vector.broadcast %parallel_loop3A_881 : i32 to vector<16xi32>
        %parallel_loop3A_883 = arith.addi %parallel_loop3A_880, %parallel_loop3A_882 : vector<16xi32>
        %parallel_loop3A_884 = arith.mulf %parallel_loop3A_879, %mul3A_292 : vector<16xf32>
        %parallel_loop3A_885 = arith.mulf %parallel_loop3A_884, %parallel_loop3A_876 : vector<16xf32>
        %parallel_loop3A_886 = arith.subf %parallel_loop3A_884, %parallel_loop3A_885 : vector<16xf32>
        %parallel_loop3A_887 = tpu.pack_subelements %parallel_loop3A_886, %parallel_loop3A_886 {pack_format = #tpu.pack_format<interleaved>, positions = array<i32: 0, 1>} : vector<16xf32>, vector<16xf32> -> vector<32xbf16>
        %parallel_loop3A_888 = tpu.pack_subelements %parallel_loop3A_885, %parallel_loop3A_885 {pack_format = #tpu.pack_format<interleaved>, positions = array<i32: 0, 1>} : vector<16xf32>, vector<16xf32> -> vector<32xbf16>
        %parallel_loop3A_889 = tpu.vector_load_idx %arg9[%parallel_loop3A_880] : memref<16384xi32, #tpu.memory_space<vmem>>[vector<16xi32>], vector<16xi32>,
        %parallel_loop3A_890 = tpu.vector_load_idx %arg9[%parallel_loop3A_883] : memref<16384xi32, #tpu.memory_space<vmem>>[vector<16xi32>], vector<16xi32>,
        %parallel_loop3A_891 = vector.bitcast %parallel_loop3A_889 : vector<16xi32> to vector<32xbf16>
        %parallel_loop3A_892 = vector.bitcast %parallel_loop3A_890 : vector<16xi32> to vector<32xbf16>
        %parallel_loop3A_893 = arith.mulf %parallel_loop3A_887, %parallel_loop3A_891 : vector<32xbf16>
        %parallel_loop3A_894 = arith.mulf %parallel_loop3A_888, %parallel_loop3A_892 : vector<32xbf16>
        %parallel_loop3A_895 = arith.addf %parallel_loop3A_893, %parallel_loop3A_894 : vector<32xbf16>
        %parallel_loop3A_896 = tpu.unpack_subelements %parallel_loop3A_895, 0 {pack_format = #tpu.pack_format<interleaved>} : vector<32xbf16> -> vector<16xf32>
        %parallel_loop3A_897 = tpu.unpack_subelements %parallel_loop3A_895, 1 {pack_format = #tpu.pack_format<interleaved>} : vector<32xbf16> -> vector<16xf32>
        %parallel_loop3A_898 = arith.constant true
        %parallel_loop3A_899 = vector.broadcast %parallel_loop3A_898 : i1 to vector<16xi1>
        %parallel_loop3A_900 = tpu.scan <sum>, %parallel_loop3A_896 masked %parallel_loop3A_899 : vector<16xf32>, vector<16xi1> -> vector<16xf32>
        %parallel_loop3A_901 = vector.extract %parallel_loop3A_900[15] : f32 from vector<16xf32>
        %parallel_loop3A_902 = arith.constant true
        %parallel_loop3A_903 = vector.broadcast %parallel_loop3A_902 : i1 to vector<16xi1>
        %parallel_loop3A_904 = tpu.scan <sum>, %parallel_loop3A_897 masked %parallel_loop3A_903 : vector<16xf32>, vector<16xi1> -> vector<16xf32>
        %parallel_loop3A_905 = vector.extract %parallel_loop3A_904[15] : f32 from vector<16xf32>
        %parallel_loop3A_906 = vector.broadcast %parallel_loop3A_901 : f32 to vector<16xf32>
        %parallel_loop3A_907 = arith.select %eq3A_28, %parallel_loop3A_906, %parallel_loop3A_843 : vector<16xi1>, vector<16xf32>
        %parallel_loop3A_908 = vector.broadcast %parallel_loop3A_905 : f32 to vector<16xf32>
        %parallel_loop3A_909 = arith.select %eq3A_28, %parallel_loop3A_908, %parallel_loop3A_845 : vector<16xi1>, vector<16xf32>
        %parallel_loop3A_910 = tpu.vector_load_idx %arg10[%parallel_loop3A_880] : memref<16384xi32, #tpu.memory_space<vmem>>[vector<16xi32>], vector<16xi32>,
        %parallel_loop3A_911 = tpu.vector_load_idx %arg10[%parallel_loop3A_883] : memref<16384xi32, #tpu.memory_space<vmem>>[vector<16xi32>], vector<16xi32>,
        %parallel_loop3A_912 = vector.bitcast %parallel_loop3A_910 : vector<16xi32> to vector<32xbf16>
        %parallel_loop3A_913 = vector.bitcast %parallel_loop3A_911 : vector<16xi32> to vector<32xbf16>
        %parallel_loop3A_914 = arith.mulf %parallel_loop3A_887, %parallel_loop3A_912 : vector<32xbf16>
        %parallel_loop3A_915 = arith.mulf %parallel_loop3A_888, %parallel_loop3A_913 : vector<32xbf16>
        %parallel_loop3A_916 = arith.addf %parallel_loop3A_914, %parallel_loop3A_915 : vector<32xbf16>
        %parallel_loop3A_917 = tpu.unpack_subelements %parallel_loop3A_916, 0 {pack_format = #tpu.pack_format<interleaved>} : vector<32xbf16> -> vector<16xf32>
        %parallel_loop3A_918 = tpu.unpack_subelements %parallel_loop3A_916, 1 {pack_format = #tpu.pack_format<interleaved>} : vector<32xbf16> -> vector<16xf32>
        %parallel_loop3A_919 = arith.constant true
        %parallel_loop3A_920 = vector.broadcast %parallel_loop3A_919 : i1 to vector<16xi1>
        %parallel_loop3A_921 = tpu.scan <sum>, %parallel_loop3A_917 masked %parallel_loop3A_920 : vector<16xf32>, vector<16xi1> -> vector<16xf32>
        %parallel_loop3A_922 = vector.extract %parallel_loop3A_921[15] : f32 from vector<16xf32>
        %parallel_loop3A_923 = arith.constant true
        %parallel_loop3A_924 = vector.broadcast %parallel_loop3A_923 : i1 to vector<16xi1>
        %parallel_loop3A_925 = tpu.scan <sum>, %parallel_loop3A_918 masked %parallel_loop3A_924 : vector<16xf32>, vector<16xi1> -> vector<16xf32>
        %parallel_loop3A_926 = vector.extract %parallel_loop3A_925[15] : f32 from vector<16xf32>
        %parallel_loop3A_927 = vector.broadcast %parallel_loop3A_922 : f32 to vector<16xf32>
        %parallel_loop3A_928 = arith.select %eq3A_28, %parallel_loop3A_927, %parallel_loop3A_864 : vector<16xi1>, vector<16xf32>
        %parallel_loop3A_929 = vector.broadcast %parallel_loop3A_926 : f32 to vector<16xf32>
        %parallel_loop3A_930 = arith.select %eq3A_28, %parallel_loop3A_929, %parallel_loop3A_866 : vector<16xi1>, vector<16xf32>
        %parallel_loop3A_931 = arith.constant 16 : i32
        %parallel_loop3A_932 = arith.muli %parallel_loop3A_418, %parallel_loop3A_931 : i32
        %parallel_loop3A_933 = arith.constant 8 : i32
        %parallel_loop3A_934 = arith.addi %parallel_loop3A_932, %parallel_loop3A_933 : i32
        %parallel_loop3A_935 = arith.index_cast %parallel_loop3A_934 : i32 to index
        %parallel_loop3A_936 = arith.constant 0 : index
        %parallel_loop3A_937 = tpu.vector_load %arg11[%parallel_loop3A_935, %parallel_loop3A_936] {strides = array<i32>} : memref<512x16xi32, #tpu.memory_space<vmem>>, vector<16xi32>,
        %parallel_loop3A_938 = arith.index_cast %parallel_loop3A_934 : i32 to index
        %parallel_loop3A_939 = arith.constant 0 : index
        %parallel_loop3A_940 = tpu.vector_load %arg12[%parallel_loop3A_938, %parallel_loop3A_939] {strides = array<i32>} : memref<512x16xf32, #tpu.memory_space<vmem>>, vector<16xf32>,
        %parallel_loop3A_941 = arith.index_cast %parallel_loop3A_934 : i32 to index
        %parallel_loop3A_942 = arith.constant 0 : index
        %parallel_loop3A_943 = tpu.vector_load %arg13[%parallel_loop3A_941, %parallel_loop3A_942] {strides = array<i32>} : memref<512x16xf32, #tpu.memory_space<vmem>>, vector<16xf32>,
        %parallel_loop3A_944 = arith.addi %parallel_loop3A_937, %mul3A_5 : vector<16xi32>
        %parallel_loop3A_945 = arith.constant 1 : i32
        %parallel_loop3A_946 = vector.broadcast %parallel_loop3A_945 : i32 to vector<16xi32>
        %parallel_loop3A_947 = arith.addi %parallel_loop3A_944, %parallel_loop3A_946 : vector<16xi32>
        %parallel_loop3A_948 = arith.mulf %parallel_loop3A_943, %mul3A_292 : vector<16xf32>
        %parallel_loop3A_949 = arith.mulf %parallel_loop3A_948, %parallel_loop3A_940 : vector<16xf32>
        %parallel_loop3A_950 = arith.subf %parallel_loop3A_948, %parallel_loop3A_949 : vector<16xf32>
        %parallel_loop3A_951 = tpu.pack_subelements %parallel_loop3A_950, %parallel_loop3A_950 {pack_format = #tpu.pack_format<interleaved>, positions = array<i32: 0, 1>} : vector<16xf32>, vector<16xf32> -> vector<32xbf16>
        %parallel_loop3A_952 = tpu.pack_subelements %parallel_loop3A_949, %parallel_loop3A_949 {pack_format = #tpu.pack_format<interleaved>, positions = array<i32: 0, 1>} : vector<16xf32>, vector<16xf32> -> vector<32xbf16>
        %parallel_loop3A_953 = tpu.vector_load_idx %arg9[%parallel_loop3A_944] : memref<16384xi32, #tpu.memory_space<vmem>>[vector<16xi32>], vector<16xi32>,
        %parallel_loop3A_954 = tpu.vector_load_idx %arg9[%parallel_loop3A_947] : memref<16384xi32, #tpu.memory_space<vmem>>[vector<16xi32>], vector<16xi32>,
        %parallel_loop3A_955 = vector.bitcast %parallel_loop3A_953 : vector<16xi32> to vector<32xbf16>
        %parallel_loop3A_956 = vector.bitcast %parallel_loop3A_954 : vector<16xi32> to vector<32xbf16>
        %parallel_loop3A_957 = arith.mulf %parallel_loop3A_951, %parallel_loop3A_955 : vector<32xbf16>
        %parallel_loop3A_958 = arith.mulf %parallel_loop3A_952, %parallel_loop3A_956 : vector<32xbf16>
        %parallel_loop3A_959 = arith.addf %parallel_loop3A_957, %parallel_loop3A_958 : vector<32xbf16>
        %parallel_loop3A_960 = tpu.unpack_subelements %parallel_loop3A_959, 0 {pack_format = #tpu.pack_format<interleaved>} : vector<32xbf16> -> vector<16xf32>
        %parallel_loop3A_961 = tpu.unpack_subelements %parallel_loop3A_959, 1 {pack_format = #tpu.pack_format<interleaved>} : vector<32xbf16> -> vector<16xf32>
        %parallel_loop3A_962 = arith.constant true
        %parallel_loop3A_963 = vector.broadcast %parallel_loop3A_962 : i1 to vector<16xi1>
        %parallel_loop3A_964 = tpu.scan <sum>, %parallel_loop3A_960 masked %parallel_loop3A_963 : vector<16xf32>, vector<16xi1> -> vector<16xf32>
        %parallel_loop3A_965 = vector.extract %parallel_loop3A_964[15] : f32 from vector<16xf32>
        %parallel_loop3A_966 = arith.constant true
        %parallel_loop3A_967 = vector.broadcast %parallel_loop3A_966 : i1 to vector<16xi1>
        %parallel_loop3A_968 = tpu.scan <sum>, %parallel_loop3A_961 masked %parallel_loop3A_967 : vector<16xf32>, vector<16xi1> -> vector<16xf32>
        %parallel_loop3A_969 = vector.extract %parallel_loop3A_968[15] : f32 from vector<16xf32>
        %parallel_loop3A_970 = vector.broadcast %parallel_loop3A_965 : f32 to vector<16xf32>
        %parallel_loop3A_971 = arith.select %eq3A_31, %parallel_loop3A_970, %parallel_loop3A_907 : vector<16xi1>, vector<16xf32>
        %parallel_loop3A_972 = vector.broadcast %parallel_loop3A_969 : f32 to vector<16xf32>
        %parallel_loop3A_973 = arith.select %eq3A_31, %parallel_loop3A_972, %parallel_loop3A_909 : vector<16xi1>, vector<16xf32>
        %parallel_loop3A_974 = tpu.vector_load_idx %arg10[%parallel_loop3A_944] : memref<16384xi32, #tpu.memory_space<vmem>>[vector<16xi32>], vector<16xi32>,
        %parallel_loop3A_975 = tpu.vector_load_idx %arg10[%parallel_loop3A_947] : memref<16384xi32, #tpu.memory_space<vmem>>[vector<16xi32>], vector<16xi32>,
        %parallel_loop3A_976 = vector.bitcast %parallel_loop3A_974 : vector<16xi32> to vector<32xbf16>
        %parallel_loop3A_977 = vector.bitcast %parallel_loop3A_975 : vector<16xi32> to vector<32xbf16>
        %parallel_loop3A_978 = arith.mulf %parallel_loop3A_951, %parallel_loop3A_976 : vector<32xbf16>
        %parallel_loop3A_979 = arith.mulf %parallel_loop3A_952, %parallel_loop3A_977 : vector<32xbf16>
        %parallel_loop3A_980 = arith.addf %parallel_loop3A_978, %parallel_loop3A_979 : vector<32xbf16>
        %parallel_loop3A_981 = tpu.unpack_subelements %parallel_loop3A_980, 0 {pack_format = #tpu.pack_format<interleaved>} : vector<32xbf16> -> vector<16xf32>
        %parallel_loop3A_982 = tpu.unpack_subelements %parallel_loop3A_980, 1 {pack_format = #tpu.pack_format<interleaved>} : vector<32xbf16> -> vector<16xf32>
        %parallel_loop3A_983 = arith.constant true
        %parallel_loop3A_984 = vector.broadcast %parallel_loop3A_983 : i1 to vector<16xi1>
        %parallel_loop3A_985 = tpu.scan <sum>, %parallel_loop3A_981 masked %parallel_loop3A_984 : vector<16xf32>, vector<16xi1> -> vector<16xf32>
        %parallel_loop3A_986 = vector.extract %parallel_loop3A_985[15] : f32 from vector<16xf32>
        %parallel_loop3A_987 = arith.constant true
        %parallel_loop3A_988 = vector.broadcast %parallel_loop3A_987 : i1 to vector<16xi1>
        %parallel_loop3A_989 = tpu.scan <sum>, %parallel_loop3A_982 masked %parallel_loop3A_988 : vector<16xf32>, vector<16xi1> -> vector<16xf32>
        %parallel_loop3A_990 = vector.extract %parallel_loop3A_989[15] : f32 from vector<16xf32>
        %parallel_loop3A_991 = vector.broadcast %parallel_loop3A_986 : f32 to vector<16xf32>
        %parallel_loop3A_992 = arith.select %eq3A_31, %parallel_loop3A_991, %parallel_loop3A_928 : vector<16xi1>, vector<16xf32>
        %parallel_loop3A_993 = vector.broadcast %parallel_loop3A_990 : f32 to vector<16xf32>
        %parallel_loop3A_994 = arith.select %eq3A_31, %parallel_loop3A_993, %parallel_loop3A_930 : vector<16xi1>, vector<16xf32>
        %parallel_loop3A_995 = arith.constant 16 : i32
        %parallel_loop3A_996 = arith.muli %parallel_loop3A_418, %parallel_loop3A_995 : i32
        %parallel_loop3A_997 = arith.constant 9 : i32
        %parallel_loop3A_998 = arith.addi %parallel_loop3A_996, %parallel_loop3A_997 : i32
        %parallel_loop3A_999 = arith.index_cast %parallel_loop3A_998 : i32 to index
        %parallel_loop3A_1000 = arith.constant 0 : index
        %parallel_loop3A_1001 = tpu.vector_load %arg11[%parallel_loop3A_999, %parallel_loop3A_1000] {strides = array<i32>} : memref<512x16xi32, #tpu.memory_space<vmem>>, vector<16xi32>,
        %parallel_loop3A_1002 = arith.index_cast %parallel_loop3A_998 : i32 to index
        %parallel_loop3A_1003 = arith.constant 0 : index
        %parallel_loop3A_1004 = tpu.vector_load %arg12[%parallel_loop3A_1002, %parallel_loop3A_1003] {strides = array<i32>} : memref<512x16xf32, #tpu.memory_space<vmem>>, vector<16xf32>,
        %parallel_loop3A_1005 = arith.index_cast %parallel_loop3A_998 : i32 to index
        %parallel_loop3A_1006 = arith.constant 0 : index
        %parallel_loop3A_1007 = tpu.vector_load %arg13[%parallel_loop3A_1005, %parallel_loop3A_1006] {strides = array<i32>} : memref<512x16xf32, #tpu.memory_space<vmem>>, vector<16xf32>,
        %parallel_loop3A_1008 = arith.addi %parallel_loop3A_1001, %mul3A_5 : vector<16xi32>
        %parallel_loop3A_1009 = arith.constant 1 : i32
        %parallel_loop3A_1010 = vector.broadcast %parallel_loop3A_1009 : i32 to vector<16xi32>
        %parallel_loop3A_1011 = arith.addi %parallel_loop3A_1008, %parallel_loop3A_1010 : vector<16xi32>
        %parallel_loop3A_1012 = arith.mulf %parallel_loop3A_1007, %mul3A_292 : vector<16xf32>
        %parallel_loop3A_1013 = arith.mulf %parallel_loop3A_1012, %parallel_loop3A_1004 : vector<16xf32>
        %parallel_loop3A_1014 = arith.subf %parallel_loop3A_1012, %parallel_loop3A_1013 : vector<16xf32>
        %parallel_loop3A_1015 = tpu.pack_subelements %parallel_loop3A_1014, %parallel_loop3A_1014 {pack_format = #tpu.pack_format<interleaved>, positions = array<i32: 0, 1>} : vector<16xf32>, vector<16xf32> -> vector<32xbf16>
        %parallel_loop3A_1016 = tpu.pack_subelements %parallel_loop3A_1013, %parallel_loop3A_1013 {pack_format = #tpu.pack_format<interleaved>, positions = array<i32: 0, 1>} : vector<16xf32>, vector<16xf32> -> vector<32xbf16>
        %parallel_loop3A_1017 = tpu.vector_load_idx %arg9[%parallel_loop3A_1008] : memref<16384xi32, #tpu.memory_space<vmem>>[vector<16xi32>], vector<16xi32>,
        %parallel_loop3A_1018 = tpu.vector_load_idx %arg9[%parallel_loop3A_1011] : memref<16384xi32, #tpu.memory_space<vmem>>[vector<16xi32>], vector<16xi32>,
        %parallel_loop3A_1019 = vector.bitcast %parallel_loop3A_1017 : vector<16xi32> to vector<32xbf16>
        %parallel_loop3A_1020 = vector.bitcast %parallel_loop3A_1018 : vector<16xi32> to vector<32xbf16>
        %parallel_loop3A_1021 = arith.mulf %parallel_loop3A_1015, %parallel_loop3A_1019 : vector<32xbf16>
        %parallel_loop3A_1022 = arith.mulf %parallel_loop3A_1016, %parallel_loop3A_1020 : vector<32xbf16>
        %parallel_loop3A_1023 = arith.addf %parallel_loop3A_1021, %parallel_loop3A_1022 : vector<32xbf16>
        %parallel_loop3A_1024 = tpu.unpack_subelements %parallel_loop3A_1023, 0 {pack_format = #tpu.pack_format<interleaved>} : vector<32xbf16> -> vector<16xf32>
        %parallel_loop3A_1025 = tpu.unpack_subelements %parallel_loop3A_1023, 1 {pack_format = #tpu.pack_format<interleaved>} : vector<32xbf16> -> vector<16xf32>
        %parallel_loop3A_1026 = arith.constant true
        %parallel_loop3A_1027 = vector.broadcast %parallel_loop3A_1026 : i1 to vector<16xi1>
        %parallel_loop3A_1028 = tpu.scan <sum>, %parallel_loop3A_1024 masked %parallel_loop3A_1027 : vector<16xf32>, vector<16xi1> -> vector<16xf32>
        %parallel_loop3A_1029 = vector.extract %parallel_loop3A_1028[15] : f32 from vector<16xf32>
        %parallel_loop3A_1030 = arith.constant true
        %parallel_loop3A_1031 = vector.broadcast %parallel_loop3A_1030 : i1 to vector<16xi1>
        %parallel_loop3A_1032 = tpu.scan <sum>, %parallel_loop3A_1025 masked %parallel_loop3A_1031 : vector<16xf32>, vector<16xi1> -> vector<16xf32>
        %parallel_loop3A_1033 = vector.extract %parallel_loop3A_1032[15] : f32 from vector<16xf32>
        %parallel_loop3A_1034 = vector.broadcast %parallel_loop3A_1029 : f32 to vector<16xf32>
        %parallel_loop3A_1035 = arith.select %eq3A_34, %parallel_loop3A_1034, %parallel_loop3A_971 : vector<16xi1>, vector<16xf32>
        %parallel_loop3A_1036 = vector.broadcast %parallel_loop3A_1033 : f32 to vector<16xf32>
        %parallel_loop3A_1037 = arith.select %eq3A_34, %parallel_loop3A_1036, %parallel_loop3A_973 : vector<16xi1>, vector<16xf32>
        %parallel_loop3A_1038 = tpu.vector_load_idx %arg10[%parallel_loop3A_1008] : memref<16384xi32, #tpu.memory_space<vmem>>[vector<16xi32>], vector<16xi32>,
        %parallel_loop3A_1039 = tpu.vector_load_idx %arg10[%parallel_loop3A_1011] : memref<16384xi32, #tpu.memory_space<vmem>>[vector<16xi32>], vector<16xi32>,
        %parallel_loop3A_1040 = vector.bitcast %parallel_loop3A_1038 : vector<16xi32> to vector<32xbf16>
        %parallel_loop3A_1041 = vector.bitcast %parallel_loop3A_1039 : vector<16xi32> to vector<32xbf16>
        %parallel_loop3A_1042 = arith.mulf %parallel_loop3A_1015, %parallel_loop3A_1040 : vector<32xbf16>
        %parallel_loop3A_1043 = arith.mulf %parallel_loop3A_1016, %parallel_loop3A_1041 : vector<32xbf16>
        %parallel_loop3A_1044 = arith.addf %parallel_loop3A_1042, %parallel_loop3A_1043 : vector<32xbf16>
        %parallel_loop3A_1045 = tpu.unpack_subelements %parallel_loop3A_1044, 0 {pack_format = #tpu.pack_format<interleaved>} : vector<32xbf16> -> vector<16xf32>
        %parallel_loop3A_1046 = tpu.unpack_subelements %parallel_loop3A_1044, 1 {pack_format = #tpu.pack_format<interleaved>} : vector<32xbf16> -> vector<16xf32>
        %parallel_loop3A_1047 = arith.constant true
        %parallel_loop3A_1048 = vector.broadcast %parallel_loop3A_1047 : i1 to vector<16xi1>
        %parallel_loop3A_1049 = tpu.scan <sum>, %parallel_loop3A_1045 masked %parallel_loop3A_1048 : vector<16xf32>, vector<16xi1> -> vector<16xf32>
        %parallel_loop3A_1050 = vector.extract %parallel_loop3A_1049[15] : f32 from vector<16xf32>
        %parallel_loop3A_1051 = arith.constant true
        %parallel_loop3A_1052 = vector.broadcast %parallel_loop3A_1051 : i1 to vector<16xi1>
        %parallel_loop3A_1053 = tpu.scan <sum>, %parallel_loop3A_1046 masked %parallel_loop3A_1052 : vector<16xf32>, vector<16xi1> -> vector<16xf32>
        %parallel_loop3A_1054 = vector.extract %parallel_loop3A_1053[15] : f32 from vector<16xf32>
        %parallel_loop3A_1055 = vector.broadcast %parallel_loop3A_1050 : f32 to vector<16xf32>
        %parallel_loop3A_1056 = arith.select %eq3A_34, %parallel_loop3A_1055, %parallel_loop3A_992 : vector<16xi1>, vector<16xf32>
        %parallel_loop3A_1057 = vector.broadcast %parallel_loop3A_1054 : f32 to vector<16xf32>
        %parallel_loop3A_1058 = arith.select %eq3A_34, %parallel_loop3A_1057, %parallel_loop3A_994 : vector<16xi1>, vector<16xf32>
        %parallel_loop3A_1059 = arith.constant 16 : i32
        %parallel_loop3A_1060 = arith.muli %parallel_loop3A_418, %parallel_loop3A_1059 : i32
        %parallel_loop3A_1061 = arith.constant 10 : i32
        %parallel_loop3A_1062 = arith.addi %parallel_loop3A_1060, %parallel_loop3A_1061 : i32
        %parallel_loop3A_1063 = arith.index_cast %parallel_loop3A_1062 : i32 to index
        %parallel_loop3A_1064 = arith.constant 0 : index
        %parallel_loop3A_1065 = tpu.vector_load %arg11[%parallel_loop3A_1063, %parallel_loop3A_1064] {strides = array<i32>} : memref<512x16xi32, #tpu.memory_space<vmem>>, vector<16xi32>,
        %parallel_loop3A_1066 = arith.index_cast %parallel_loop3A_1062 : i32 to index
        %parallel_loop3A_1067 = arith.constant 0 : index
        %parallel_loop3A_1068 = tpu.vector_load %arg12[%parallel_loop3A_1066, %parallel_loop3A_1067] {strides = array<i32>} : memref<512x16xf32, #tpu.memory_space<vmem>>, vector<16xf32>,
        %parallel_loop3A_1069 = arith.index_cast %parallel_loop3A_1062 : i32 to index
        %parallel_loop3A_1070 = arith.constant 0 : index
        %parallel_loop3A_1071 = tpu.vector_load %arg13[%parallel_loop3A_1069, %parallel_loop3A_1070] {strides = array<i32>} : memref<512x16xf32, #tpu.memory_space<vmem>>, vector<16xf32>,
        %parallel_loop3A_1072 = arith.addi %parallel_loop3A_1065, %mul3A_5 : vector<16xi32>
        %parallel_loop3A_1073 = arith.constant 1 : i32
        %parallel_loop3A_1074 = vector.broadcast %parallel_loop3A_1073 : i32 to vector<16xi32>
        %parallel_loop3A_1075 = arith.addi %parallel_loop3A_1072, %parallel_loop3A_1074 : vector<16xi32>
        %parallel_loop3A_1076 = arith.mulf %parallel_loop3A_1071, %mul3A_292 : vector<16xf32>
        %parallel_loop3A_1077 = arith.mulf %parallel_loop3A_1076, %parallel_loop3A_1068 : vector<16xf32>
        %parallel_loop3A_1078 = arith.subf %parallel_loop3A_1076, %parallel_loop3A_1077 : vector<16xf32>
        %parallel_loop3A_1079 = tpu.pack_subelements %parallel_loop3A_1078, %parallel_loop3A_1078 {pack_format = #tpu.pack_format<interleaved>, positions = array<i32: 0, 1>} : vector<16xf32>, vector<16xf32> -> vector<32xbf16>
        %parallel_loop3A_1080 = tpu.pack_subelements %parallel_loop3A_1077, %parallel_loop3A_1077 {pack_format = #tpu.pack_format<interleaved>, positions = array<i32: 0, 1>} : vector<16xf32>, vector<16xf32> -> vector<32xbf16>
        %parallel_loop3A_1081 = tpu.vector_load_idx %arg9[%parallel_loop3A_1072] : memref<16384xi32, #tpu.memory_space<vmem>>[vector<16xi32>], vector<16xi32>,
        %parallel_loop3A_1082 = tpu.vector_load_idx %arg9[%parallel_loop3A_1075] : memref<16384xi32, #tpu.memory_space<vmem>>[vector<16xi32>], vector<16xi32>,
        %parallel_loop3A_1083 = vector.bitcast %parallel_loop3A_1081 : vector<16xi32> to vector<32xbf16>
        %parallel_loop3A_1084 = vector.bitcast %parallel_loop3A_1082 : vector<16xi32> to vector<32xbf16>
        %parallel_loop3A_1085 = arith.mulf %parallel_loop3A_1079, %parallel_loop3A_1083 : vector<32xbf16>
        %parallel_loop3A_1086 = arith.mulf %parallel_loop3A_1080, %parallel_loop3A_1084 : vector<32xbf16>
        %parallel_loop3A_1087 = arith.addf %parallel_loop3A_1085, %parallel_loop3A_1086 : vector<32xbf16>
        %parallel_loop3A_1088 = tpu.unpack_subelements %parallel_loop3A_1087, 0 {pack_format = #tpu.pack_format<interleaved>} : vector<32xbf16> -> vector<16xf32>
        %parallel_loop3A_1089 = tpu.unpack_subelements %parallel_loop3A_1087, 1 {pack_format = #tpu.pack_format<interleaved>} : vector<32xbf16> -> vector<16xf32>
        %parallel_loop3A_1090 = arith.constant true
        %parallel_loop3A_1091 = vector.broadcast %parallel_loop3A_1090 : i1 to vector<16xi1>
        %parallel_loop3A_1092 = tpu.scan <sum>, %parallel_loop3A_1088 masked %parallel_loop3A_1091 : vector<16xf32>, vector<16xi1> -> vector<16xf32>
        %parallel_loop3A_1093 = vector.extract %parallel_loop3A_1092[15] : f32 from vector<16xf32>
        %parallel_loop3A_1094 = arith.constant true
        %parallel_loop3A_1095 = vector.broadcast %parallel_loop3A_1094 : i1 to vector<16xi1>
        %parallel_loop3A_1096 = tpu.scan <sum>, %parallel_loop3A_1089 masked %parallel_loop3A_1095 : vector<16xf32>, vector<16xi1> -> vector<16xf32>
        %parallel_loop3A_1097 = vector.extract %parallel_loop3A_1096[15] : f32 from vector<16xf32>
        %parallel_loop3A_1098 = vector.broadcast %parallel_loop3A_1093 : f32 to vector<16xf32>
        %parallel_loop3A_1099 = arith.select %eq3A_37, %parallel_loop3A_1098, %parallel_loop3A_1035 : vector<16xi1>, vector<16xf32>
        %parallel_loop3A_1100 = vector.broadcast %parallel_loop3A_1097 : f32 to vector<16xf32>
        %parallel_loop3A_1101 = arith.select %eq3A_37, %parallel_loop3A_1100, %parallel_loop3A_1037 : vector<16xi1>, vector<16xf32>
        %parallel_loop3A_1102 = tpu.vector_load_idx %arg10[%parallel_loop3A_1072] : memref<16384xi32, #tpu.memory_space<vmem>>[vector<16xi32>], vector<16xi32>,
        %parallel_loop3A_1103 = tpu.vector_load_idx %arg10[%parallel_loop3A_1075] : memref<16384xi32, #tpu.memory_space<vmem>>[vector<16xi32>], vector<16xi32>,
        %parallel_loop3A_1104 = vector.bitcast %parallel_loop3A_1102 : vector<16xi32> to vector<32xbf16>
        %parallel_loop3A_1105 = vector.bitcast %parallel_loop3A_1103 : vector<16xi32> to vector<32xbf16>
        %parallel_loop3A_1106 = arith.mulf %parallel_loop3A_1079, %parallel_loop3A_1104 : vector<32xbf16>
        %parallel_loop3A_1107 = arith.mulf %parallel_loop3A_1080, %parallel_loop3A_1105 : vector<32xbf16>
        %parallel_loop3A_1108 = arith.addf %parallel_loop3A_1106, %parallel_loop3A_1107 : vector<32xbf16>
        %parallel_loop3A_1109 = tpu.unpack_subelements %parallel_loop3A_1108, 0 {pack_format = #tpu.pack_format<interleaved>} : vector<32xbf16> -> vector<16xf32>
        %parallel_loop3A_1110 = tpu.unpack_subelements %parallel_loop3A_1108, 1 {pack_format = #tpu.pack_format<interleaved>} : vector<32xbf16> -> vector<16xf32>
        %parallel_loop3A_1111 = arith.constant true
        %parallel_loop3A_1112 = vector.broadcast %parallel_loop3A_1111 : i1 to vector<16xi1>
        %parallel_loop3A_1113 = tpu.scan <sum>, %parallel_loop3A_1109 masked %parallel_loop3A_1112 : vector<16xf32>, vector<16xi1> -> vector<16xf32>
        %parallel_loop3A_1114 = vector.extract %parallel_loop3A_1113[15] : f32 from vector<16xf32>
        %parallel_loop3A_1115 = arith.constant true
        %parallel_loop3A_1116 = vector.broadcast %parallel_loop3A_1115 : i1 to vector<16xi1>
        %parallel_loop3A_1117 = tpu.scan <sum>, %parallel_loop3A_1110 masked %parallel_loop3A_1116 : vector<16xf32>, vector<16xi1> -> vector<16xf32>
        %parallel_loop3A_1118 = vector.extract %parallel_loop3A_1117[15] : f32 from vector<16xf32>
        %parallel_loop3A_1119 = vector.broadcast %parallel_loop3A_1114 : f32 to vector<16xf32>
        %parallel_loop3A_1120 = arith.select %eq3A_37, %parallel_loop3A_1119, %parallel_loop3A_1056 : vector<16xi1>, vector<16xf32>
        %parallel_loop3A_1121 = vector.broadcast %parallel_loop3A_1118 : f32 to vector<16xf32>
        %parallel_loop3A_1122 = arith.select %eq3A_37, %parallel_loop3A_1121, %parallel_loop3A_1058 : vector<16xi1>, vector<16xf32>
        %parallel_loop3A_1123 = arith.constant 16 : i32
        %parallel_loop3A_1124 = arith.muli %parallel_loop3A_418, %parallel_loop3A_1123 : i32
        %parallel_loop3A_1125 = arith.constant 11 : i32
        %parallel_loop3A_1126 = arith.addi %parallel_loop3A_1124, %parallel_loop3A_1125 : i32
        %parallel_loop3A_1127 = arith.index_cast %parallel_loop3A_1126 : i32 to index
        %parallel_loop3A_1128 = arith.constant 0 : index
        %parallel_loop3A_1129 = tpu.vector_load %arg11[%parallel_loop3A_1127, %parallel_loop3A_1128] {strides = array<i32>} : memref<512x16xi32, #tpu.memory_space<vmem>>, vector<16xi32>,
        %parallel_loop3A_1130 = arith.index_cast %parallel_loop3A_1126 : i32 to index
        %parallel_loop3A_1131 = arith.constant 0 : index
        %parallel_loop3A_1132 = tpu.vector_load %arg12[%parallel_loop3A_1130, %parallel_loop3A_1131] {strides = array<i32>} : memref<512x16xf32, #tpu.memory_space<vmem>>, vector<16xf32>,
        %parallel_loop3A_1133 = arith.index_cast %parallel_loop3A_1126 : i32 to index
        %parallel_loop3A_1134 = arith.constant 0 : index
        %parallel_loop3A_1135 = tpu.vector_load %arg13[%parallel_loop3A_1133, %parallel_loop3A_1134] {strides = array<i32>} : memref<512x16xf32, #tpu.memory_space<vmem>>, vector<16xf32>,
        %parallel_loop3A_1136 = arith.addi %parallel_loop3A_1129, %mul3A_5 : vector<16xi32>
        %parallel_loop3A_1137 = arith.constant 1 : i32
        %parallel_loop3A_1138 = vector.broadcast %parallel_loop3A_1137 : i32 to vector<16xi32>
        %parallel_loop3A_1139 = arith.addi %parallel_loop3A_1136, %parallel_loop3A_1138 : vector<16xi32>
        %parallel_loop3A_1140 = arith.mulf %parallel_loop3A_1135, %mul3A_292 : vector<16xf32>
        %parallel_loop3A_1141 = arith.mulf %parallel_loop3A_1140, %parallel_loop3A_1132 : vector<16xf32>
        %parallel_loop3A_1142 = arith.subf %parallel_loop3A_1140, %parallel_loop3A_1141 : vector<16xf32>
        %parallel_loop3A_1143 = tpu.pack_subelements %parallel_loop3A_1142, %parallel_loop3A_1142 {pack_format = #tpu.pack_format<interleaved>, positions = array<i32: 0, 1>} : vector<16xf32>, vector<16xf32> -> vector<32xbf16>
        %parallel_loop3A_1144 = tpu.pack_subelements %parallel_loop3A_1141, %parallel_loop3A_1141 {pack_format = #tpu.pack_format<interleaved>, positions = array<i32: 0, 1>} : vector<16xf32>, vector<16xf32> -> vector<32xbf16>
        %parallel_loop3A_1145 = tpu.vector_load_idx %arg9[%parallel_loop3A_1136] : memref<16384xi32, #tpu.memory_space<vmem>>[vector<16xi32>], vector<16xi32>,
        %parallel_loop3A_1146 = tpu.vector_load_idx %arg9[%parallel_loop3A_1139] : memref<16384xi32, #tpu.memory_space<vmem>>[vector<16xi32>], vector<16xi32>,
        %parallel_loop3A_1147 = vector.bitcast %parallel_loop3A_1145 : vector<16xi32> to vector<32xbf16>
        %parallel_loop3A_1148 = vector.bitcast %parallel_loop3A_1146 : vector<16xi32> to vector<32xbf16>
        %parallel_loop3A_1149 = arith.mulf %parallel_loop3A_1143, %parallel_loop3A_1147 : vector<32xbf16>
        %parallel_loop3A_1150 = arith.mulf %parallel_loop3A_1144, %parallel_loop3A_1148 : vector<32xbf16>
        %parallel_loop3A_1151 = arith.addf %parallel_loop3A_1149, %parallel_loop3A_1150 : vector<32xbf16>
        %parallel_loop3A_1152 = tpu.unpack_subelements %parallel_loop3A_1151, 0 {pack_format = #tpu.pack_format<interleaved>} : vector<32xbf16> -> vector<16xf32>
        %parallel_loop3A_1153 = tpu.unpack_subelements %parallel_loop3A_1151, 1 {pack_format = #tpu.pack_format<interleaved>} : vector<32xbf16> -> vector<16xf32>
        %parallel_loop3A_1154 = arith.constant true
        %parallel_loop3A_1155 = vector.broadcast %parallel_loop3A_1154 : i1 to vector<16xi1>
        %parallel_loop3A_1156 = tpu.scan <sum>, %parallel_loop3A_1152 masked %parallel_loop3A_1155 : vector<16xf32>, vector<16xi1> -> vector<16xf32>
        %parallel_loop3A_1157 = vector.extract %parallel_loop3A_1156[15] : f32 from vector<16xf32>
        %parallel_loop3A_1158 = arith.constant true
        %parallel_loop3A_1159 = vector.broadcast %parallel_loop3A_1158 : i1 to vector<16xi1>
        %parallel_loop3A_1160 = tpu.scan <sum>, %parallel_loop3A_1153 masked %parallel_loop3A_1159 : vector<16xf32>, vector<16xi1> -> vector<16xf32>
        %parallel_loop3A_1161 = vector.extract %parallel_loop3A_1160[15] : f32 from vector<16xf32>
        %parallel_loop3A_1162 = vector.broadcast %parallel_loop3A_1157 : f32 to vector<16xf32>
        %parallel_loop3A_1163 = arith.select %eq3A_40, %parallel_loop3A_1162, %parallel_loop3A_1099 : vector<16xi1>, vector<16xf32>
        %parallel_loop3A_1164 = vector.broadcast %parallel_loop3A_1161 : f32 to vector<16xf32>
        %parallel_loop3A_1165 = arith.select %eq3A_40, %parallel_loop3A_1164, %parallel_loop3A_1101 : vector<16xi1>, vector<16xf32>
        %parallel_loop3A_1166 = tpu.vector_load_idx %arg10[%parallel_loop3A_1136] : memref<16384xi32, #tpu.memory_space<vmem>>[vector<16xi32>], vector<16xi32>,
        %parallel_loop3A_1167 = tpu.vector_load_idx %arg10[%parallel_loop3A_1139] : memref<16384xi32, #tpu.memory_space<vmem>>[vector<16xi32>], vector<16xi32>,
        %parallel_loop3A_1168 = vector.bitcast %parallel_loop3A_1166 : vector<16xi32> to vector<32xbf16>
        %parallel_loop3A_1169 = vector.bitcast %parallel_loop3A_1167 : vector<16xi32> to vector<32xbf16>
        %parallel_loop3A_1170 = arith.mulf %parallel_loop3A_1143, %parallel_loop3A_1168 : vector<32xbf16>
        %parallel_loop3A_1171 = arith.mulf %parallel_loop3A_1144, %parallel_loop3A_1169 : vector<32xbf16>
        %parallel_loop3A_1172 = arith.addf %parallel_loop3A_1170, %parallel_loop3A_1171 : vector<32xbf16>
        %parallel_loop3A_1173 = tpu.unpack_subelements %parallel_loop3A_1172, 0 {pack_format = #tpu.pack_format<interleaved>} : vector<32xbf16> -> vector<16xf32>
        %parallel_loop3A_1174 = tpu.unpack_subelements %parallel_loop3A_1172, 1 {pack_format = #tpu.pack_format<interleaved>} : vector<32xbf16> -> vector<16xf32>
        %parallel_loop3A_1175 = arith.constant true
        %parallel_loop3A_1176 = vector.broadcast %parallel_loop3A_1175 : i1 to vector<16xi1>
        %parallel_loop3A_1177 = tpu.scan <sum>, %parallel_loop3A_1173 masked %parallel_loop3A_1176 : vector<16xf32>, vector<16xi1> -> vector<16xf32>
        %parallel_loop3A_1178 = vector.extract %parallel_loop3A_1177[15] : f32 from vector<16xf32>
        %parallel_loop3A_1179 = arith.constant true
        %parallel_loop3A_1180 = vector.broadcast %parallel_loop3A_1179 : i1 to vector<16xi1>
        %parallel_loop3A_1181 = tpu.scan <sum>, %parallel_loop3A_1174 masked %parallel_loop3A_1180 : vector<16xf32>, vector<16xi1> -> vector<16xf32>
        %parallel_loop3A_1182 = vector.extract %parallel_loop3A_1181[15] : f32 from vector<16xf32>
        %parallel_loop3A_1183 = vector.broadcast %parallel_loop3A_1178 : f32 to vector<16xf32>
        %parallel_loop3A_1184 = arith.select %eq3A_40, %parallel_loop3A_1183, %parallel_loop3A_1120 : vector<16xi1>, vector<16xf32>
        %parallel_loop3A_1185 = vector.broadcast %parallel_loop3A_1182 : f32 to vector<16xf32>
        %parallel_loop3A_1186 = arith.select %eq3A_40, %parallel_loop3A_1185, %parallel_loop3A_1122 : vector<16xi1>, vector<16xf32>
        %parallel_loop3A_1187 = arith.constant 16 : i32
        %parallel_loop3A_1188 = arith.muli %parallel_loop3A_418, %parallel_loop3A_1187 : i32
        %parallel_loop3A_1189 = arith.constant 12 : i32
        %parallel_loop3A_1190 = arith.addi %parallel_loop3A_1188, %parallel_loop3A_1189 : i32
        %parallel_loop3A_1191 = arith.index_cast %parallel_loop3A_1190 : i32 to index
        %parallel_loop3A_1192 = arith.constant 0 : index
        %parallel_loop3A_1193 = tpu.vector_load %arg11[%parallel_loop3A_1191, %parallel_loop3A_1192] {strides = array<i32>} : memref<512x16xi32, #tpu.memory_space<vmem>>, vector<16xi32>,
        %parallel_loop3A_1194 = arith.index_cast %parallel_loop3A_1190 : i32 to index
        %parallel_loop3A_1195 = arith.constant 0 : index
        %parallel_loop3A_1196 = tpu.vector_load %arg12[%parallel_loop3A_1194, %parallel_loop3A_1195] {strides = array<i32>} : memref<512x16xf32, #tpu.memory_space<vmem>>, vector<16xf32>,
        %parallel_loop3A_1197 = arith.index_cast %parallel_loop3A_1190 : i32 to index
        %parallel_loop3A_1198 = arith.constant 0 : index
        %parallel_loop3A_1199 = tpu.vector_load %arg13[%parallel_loop3A_1197, %parallel_loop3A_1198] {strides = array<i32>} : memref<512x16xf32, #tpu.memory_space<vmem>>, vector<16xf32>,
        %parallel_loop3A_1200 = arith.addi %parallel_loop3A_1193, %mul3A_5 : vector<16xi32>
        %parallel_loop3A_1201 = arith.constant 1 : i32
        %parallel_loop3A_1202 = vector.broadcast %parallel_loop3A_1201 : i32 to vector<16xi32>
        %parallel_loop3A_1203 = arith.addi %parallel_loop3A_1200, %parallel_loop3A_1202 : vector<16xi32>
        %parallel_loop3A_1204 = arith.mulf %parallel_loop3A_1199, %mul3A_292 : vector<16xf32>
        %parallel_loop3A_1205 = arith.mulf %parallel_loop3A_1204, %parallel_loop3A_1196 : vector<16xf32>
        %parallel_loop3A_1206 = arith.subf %parallel_loop3A_1204, %parallel_loop3A_1205 : vector<16xf32>
        %parallel_loop3A_1207 = tpu.pack_subelements %parallel_loop3A_1206, %parallel_loop3A_1206 {pack_format = #tpu.pack_format<interleaved>, positions = array<i32: 0, 1>} : vector<16xf32>, vector<16xf32> -> vector<32xbf16>
        %parallel_loop3A_1208 = tpu.pack_subelements %parallel_loop3A_1205, %parallel_loop3A_1205 {pack_format = #tpu.pack_format<interleaved>, positions = array<i32: 0, 1>} : vector<16xf32>, vector<16xf32> -> vector<32xbf16>
        %parallel_loop3A_1209 = tpu.vector_load_idx %arg9[%parallel_loop3A_1200] : memref<16384xi32, #tpu.memory_space<vmem>>[vector<16xi32>], vector<16xi32>,
        %parallel_loop3A_1210 = tpu.vector_load_idx %arg9[%parallel_loop3A_1203] : memref<16384xi32, #tpu.memory_space<vmem>>[vector<16xi32>], vector<16xi32>,
        %parallel_loop3A_1211 = vector.bitcast %parallel_loop3A_1209 : vector<16xi32> to vector<32xbf16>
        %parallel_loop3A_1212 = vector.bitcast %parallel_loop3A_1210 : vector<16xi32> to vector<32xbf16>
        %parallel_loop3A_1213 = arith.mulf %parallel_loop3A_1207, %parallel_loop3A_1211 : vector<32xbf16>
        %parallel_loop3A_1214 = arith.mulf %parallel_loop3A_1208, %parallel_loop3A_1212 : vector<32xbf16>
        %parallel_loop3A_1215 = arith.addf %parallel_loop3A_1213, %parallel_loop3A_1214 : vector<32xbf16>
        %parallel_loop3A_1216 = tpu.unpack_subelements %parallel_loop3A_1215, 0 {pack_format = #tpu.pack_format<interleaved>} : vector<32xbf16> -> vector<16xf32>
        %parallel_loop3A_1217 = tpu.unpack_subelements %parallel_loop3A_1215, 1 {pack_format = #tpu.pack_format<interleaved>} : vector<32xbf16> -> vector<16xf32>
        %parallel_loop3A_1218 = arith.constant true
        %parallel_loop3A_1219 = vector.broadcast %parallel_loop3A_1218 : i1 to vector<16xi1>
        %parallel_loop3A_1220 = tpu.scan <sum>, %parallel_loop3A_1216 masked %parallel_loop3A_1219 : vector<16xf32>, vector<16xi1> -> vector<16xf32>
        %parallel_loop3A_1221 = vector.extract %parallel_loop3A_1220[15] : f32 from vector<16xf32>
        %parallel_loop3A_1222 = arith.constant true
        %parallel_loop3A_1223 = vector.broadcast %parallel_loop3A_1222 : i1 to vector<16xi1>
        %parallel_loop3A_1224 = tpu.scan <sum>, %parallel_loop3A_1217 masked %parallel_loop3A_1223 : vector<16xf32>, vector<16xi1> -> vector<16xf32>
        %parallel_loop3A_1225 = vector.extract %parallel_loop3A_1224[15] : f32 from vector<16xf32>
        %parallel_loop3A_1226 = vector.broadcast %parallel_loop3A_1221 : f32 to vector<16xf32>
        %parallel_loop3A_1227 = arith.select %eq3A_43, %parallel_loop3A_1226, %parallel_loop3A_1163 : vector<16xi1>, vector<16xf32>
        %parallel_loop3A_1228 = vector.broadcast %parallel_loop3A_1225 : f32 to vector<16xf32>
        %parallel_loop3A_1229 = arith.select %eq3A_43, %parallel_loop3A_1228, %parallel_loop3A_1165 : vector<16xi1>, vector<16xf32>
        %parallel_loop3A_1230 = tpu.vector_load_idx %arg10[%parallel_loop3A_1200] : memref<16384xi32, #tpu.memory_space<vmem>>[vector<16xi32>], vector<16xi32>,
        %parallel_loop3A_1231 = tpu.vector_load_idx %arg10[%parallel_loop3A_1203] : memref<16384xi32, #tpu.memory_space<vmem>>[vector<16xi32>], vector<16xi32>,
        %parallel_loop3A_1232 = vector.bitcast %parallel_loop3A_1230 : vector<16xi32> to vector<32xbf16>
        %parallel_loop3A_1233 = vector.bitcast %parallel_loop3A_1231 : vector<16xi32> to vector<32xbf16>
        %parallel_loop3A_1234 = arith.mulf %parallel_loop3A_1207, %parallel_loop3A_1232 : vector<32xbf16>
        %parallel_loop3A_1235 = arith.mulf %parallel_loop3A_1208, %parallel_loop3A_1233 : vector<32xbf16>
        %parallel_loop3A_1236 = arith.addf %parallel_loop3A_1234, %parallel_loop3A_1235 : vector<32xbf16>
        %parallel_loop3A_1237 = tpu.unpack_subelements %parallel_loop3A_1236, 0 {pack_format = #tpu.pack_format<interleaved>} : vector<32xbf16> -> vector<16xf32>
        %parallel_loop3A_1238 = tpu.unpack_subelements %parallel_loop3A_1236, 1 {pack_format = #tpu.pack_format<interleaved>} : vector<32xbf16> -> vector<16xf32>
        %parallel_loop3A_1239 = arith.constant true
        %parallel_loop3A_1240 = vector.broadcast %parallel_loop3A_1239 : i1 to vector<16xi1>
        %parallel_loop3A_1241 = tpu.scan <sum>, %parallel_loop3A_1237 masked %parallel_loop3A_1240 : vector<16xf32>, vector<16xi1> -> vector<16xf32>
        %parallel_loop3A_1242 = vector.extract %parallel_loop3A_1241[15] : f32 from vector<16xf32>
        %parallel_loop3A_1243 = arith.constant true
        %parallel_loop3A_1244 = vector.broadcast %parallel_loop3A_1243 : i1 to vector<16xi1>
        %parallel_loop3A_1245 = tpu.scan <sum>, %parallel_loop3A_1238 masked %parallel_loop3A_1244 : vector<16xf32>, vector<16xi1> -> vector<16xf32>
        %parallel_loop3A_1246 = vector.extract %parallel_loop3A_1245[15] : f32 from vector<16xf32>
        %parallel_loop3A_1247 = vector.broadcast %parallel_loop3A_1242 : f32 to vector<16xf32>
        %parallel_loop3A_1248 = arith.select %eq3A_43, %parallel_loop3A_1247, %parallel_loop3A_1184 : vector<16xi1>, vector<16xf32>
        %parallel_loop3A_1249 = vector.broadcast %parallel_loop3A_1246 : f32 to vector<16xf32>
        %parallel_loop3A_1250 = arith.select %eq3A_43, %parallel_loop3A_1249, %parallel_loop3A_1186 : vector<16xi1>, vector<16xf32>
        %parallel_loop3A_1251 = arith.constant 16 : i32
        %parallel_loop3A_1252 = arith.muli %parallel_loop3A_418, %parallel_loop3A_1251 : i32
        %parallel_loop3A_1253 = arith.constant 13 : i32
        %parallel_loop3A_1254 = arith.addi %parallel_loop3A_1252, %parallel_loop3A_1253 : i32
        %parallel_loop3A_1255 = arith.index_cast %parallel_loop3A_1254 : i32 to index
        %parallel_loop3A_1256 = arith.constant 0 : index
        %parallel_loop3A_1257 = tpu.vector_load %arg11[%parallel_loop3A_1255, %parallel_loop3A_1256] {strides = array<i32>} : memref<512x16xi32, #tpu.memory_space<vmem>>, vector<16xi32>,
        %parallel_loop3A_1258 = arith.index_cast %parallel_loop3A_1254 : i32 to index
        %parallel_loop3A_1259 = arith.constant 0 : index
        %parallel_loop3A_1260 = tpu.vector_load %arg12[%parallel_loop3A_1258, %parallel_loop3A_1259] {strides = array<i32>} : memref<512x16xf32, #tpu.memory_space<vmem>>, vector<16xf32>,
        %parallel_loop3A_1261 = arith.index_cast %parallel_loop3A_1254 : i32 to index
        %parallel_loop3A_1262 = arith.constant 0 : index
        %parallel_loop3A_1263 = tpu.vector_load %arg13[%parallel_loop3A_1261, %parallel_loop3A_1262] {strides = array<i32>} : memref<512x16xf32, #tpu.memory_space<vmem>>, vector<16xf32>,
        %parallel_loop3A_1264 = arith.addi %parallel_loop3A_1257, %mul3A_5 : vector<16xi32>
        %parallel_loop3A_1265 = arith.constant 1 : i32
        %parallel_loop3A_1266 = vector.broadcast %parallel_loop3A_1265 : i32 to vector<16xi32>
        %parallel_loop3A_1267 = arith.addi %parallel_loop3A_1264, %parallel_loop3A_1266 : vector<16xi32>
        %parallel_loop3A_1268 = arith.mulf %parallel_loop3A_1263, %mul3A_292 : vector<16xf32>
        %parallel_loop3A_1269 = arith.mulf %parallel_loop3A_1268, %parallel_loop3A_1260 : vector<16xf32>
        %parallel_loop3A_1270 = arith.subf %parallel_loop3A_1268, %parallel_loop3A_1269 : vector<16xf32>
        %parallel_loop3A_1271 = tpu.pack_subelements %parallel_loop3A_1270, %parallel_loop3A_1270 {pack_format = #tpu.pack_format<interleaved>, positions = array<i32: 0, 1>} : vector<16xf32>, vector<16xf32> -> vector<32xbf16>
        %parallel_loop3A_1272 = tpu.pack_subelements %parallel_loop3A_1269, %parallel_loop3A_1269 {pack_format = #tpu.pack_format<interleaved>, positions = array<i32: 0, 1>} : vector<16xf32>, vector<16xf32> -> vector<32xbf16>
        %parallel_loop3A_1273 = tpu.vector_load_idx %arg9[%parallel_loop3A_1264] : memref<16384xi32, #tpu.memory_space<vmem>>[vector<16xi32>], vector<16xi32>,
        %parallel_loop3A_1274 = tpu.vector_load_idx %arg9[%parallel_loop3A_1267] : memref<16384xi32, #tpu.memory_space<vmem>>[vector<16xi32>], vector<16xi32>,
        %parallel_loop3A_1275 = vector.bitcast %parallel_loop3A_1273 : vector<16xi32> to vector<32xbf16>
        %parallel_loop3A_1276 = vector.bitcast %parallel_loop3A_1274 : vector<16xi32> to vector<32xbf16>
        %parallel_loop3A_1277 = arith.mulf %parallel_loop3A_1271, %parallel_loop3A_1275 : vector<32xbf16>
        %parallel_loop3A_1278 = arith.mulf %parallel_loop3A_1272, %parallel_loop3A_1276 : vector<32xbf16>
        %parallel_loop3A_1279 = arith.addf %parallel_loop3A_1277, %parallel_loop3A_1278 : vector<32xbf16>
        %parallel_loop3A_1280 = tpu.unpack_subelements %parallel_loop3A_1279, 0 {pack_format = #tpu.pack_format<interleaved>} : vector<32xbf16> -> vector<16xf32>
        %parallel_loop3A_1281 = tpu.unpack_subelements %parallel_loop3A_1279, 1 {pack_format = #tpu.pack_format<interleaved>} : vector<32xbf16> -> vector<16xf32>
        %parallel_loop3A_1282 = arith.constant true
        %parallel_loop3A_1283 = vector.broadcast %parallel_loop3A_1282 : i1 to vector<16xi1>
        %parallel_loop3A_1284 = tpu.scan <sum>, %parallel_loop3A_1280 masked %parallel_loop3A_1283 : vector<16xf32>, vector<16xi1> -> vector<16xf32>
        %parallel_loop3A_1285 = vector.extract %parallel_loop3A_1284[15] : f32 from vector<16xf32>
        %parallel_loop3A_1286 = arith.constant true
        %parallel_loop3A_1287 = vector.broadcast %parallel_loop3A_1286 : i1 to vector<16xi1>
        %parallel_loop3A_1288 = tpu.scan <sum>, %parallel_loop3A_1281 masked %parallel_loop3A_1287 : vector<16xf32>, vector<16xi1> -> vector<16xf32>
        %parallel_loop3A_1289 = vector.extract %parallel_loop3A_1288[15] : f32 from vector<16xf32>
        %parallel_loop3A_1290 = vector.broadcast %parallel_loop3A_1285 : f32 to vector<16xf32>
        %parallel_loop3A_1291 = arith.select %eq3A_46, %parallel_loop3A_1290, %parallel_loop3A_1227 : vector<16xi1>, vector<16xf32>
        %parallel_loop3A_1292 = vector.broadcast %parallel_loop3A_1289 : f32 to vector<16xf32>
        %parallel_loop3A_1293 = arith.select %eq3A_46, %parallel_loop3A_1292, %parallel_loop3A_1229 : vector<16xi1>, vector<16xf32>
        %parallel_loop3A_1294 = tpu.vector_load_idx %arg10[%parallel_loop3A_1264] : memref<16384xi32, #tpu.memory_space<vmem>>[vector<16xi32>], vector<16xi32>,
        %parallel_loop3A_1295 = tpu.vector_load_idx %arg10[%parallel_loop3A_1267] : memref<16384xi32, #tpu.memory_space<vmem>>[vector<16xi32>], vector<16xi32>,
        %parallel_loop3A_1296 = vector.bitcast %parallel_loop3A_1294 : vector<16xi32> to vector<32xbf16>
        %parallel_loop3A_1297 = vector.bitcast %parallel_loop3A_1295 : vector<16xi32> to vector<32xbf16>
        %parallel_loop3A_1298 = arith.mulf %parallel_loop3A_1271, %parallel_loop3A_1296 : vector<32xbf16>
        %parallel_loop3A_1299 = arith.mulf %parallel_loop3A_1272, %parallel_loop3A_1297 : vector<32xbf16>
        %parallel_loop3A_1300 = arith.addf %parallel_loop3A_1298, %parallel_loop3A_1299 : vector<32xbf16>
        %parallel_loop3A_1301 = tpu.unpack_subelements %parallel_loop3A_1300, 0 {pack_format = #tpu.pack_format<interleaved>} : vector<32xbf16> -> vector<16xf32>
        %parallel_loop3A_1302 = tpu.unpack_subelements %parallel_loop3A_1300, 1 {pack_format = #tpu.pack_format<interleaved>} : vector<32xbf16> -> vector<16xf32>
        %parallel_loop3A_1303 = arith.constant true
        %parallel_loop3A_1304 = vector.broadcast %parallel_loop3A_1303 : i1 to vector<16xi1>
        %parallel_loop3A_1305 = tpu.scan <sum>, %parallel_loop3A_1301 masked %parallel_loop3A_1304 : vector<16xf32>, vector<16xi1> -> vector<16xf32>
        %parallel_loop3A_1306 = vector.extract %parallel_loop3A_1305[15] : f32 from vector<16xf32>
        %parallel_loop3A_1307 = arith.constant true
        %parallel_loop3A_1308 = vector.broadcast %parallel_loop3A_1307 : i1 to vector<16xi1>
        %parallel_loop3A_1309 = tpu.scan <sum>, %parallel_loop3A_1302 masked %parallel_loop3A_1308 : vector<16xf32>, vector<16xi1> -> vector<16xf32>
        %parallel_loop3A_1310 = vector.extract %parallel_loop3A_1309[15] : f32 from vector<16xf32>
        %parallel_loop3A_1311 = vector.broadcast %parallel_loop3A_1306 : f32 to vector<16xf32>
        %parallel_loop3A_1312 = arith.select %eq3A_46, %parallel_loop3A_1311, %parallel_loop3A_1248 : vector<16xi1>, vector<16xf32>
        %parallel_loop3A_1313 = vector.broadcast %parallel_loop3A_1310 : f32 to vector<16xf32>
        %parallel_loop3A_1314 = arith.select %eq3A_46, %parallel_loop3A_1313, %parallel_loop3A_1250 : vector<16xi1>, vector<16xf32>
        %parallel_loop3A_1315 = arith.constant 16 : i32
        %parallel_loop3A_1316 = arith.muli %parallel_loop3A_418, %parallel_loop3A_1315 : i32
        %parallel_loop3A_1317 = arith.constant 14 : i32
        %parallel_loop3A_1318 = arith.addi %parallel_loop3A_1316, %parallel_loop3A_1317 : i32
        %parallel_loop3A_1319 = arith.index_cast %parallel_loop3A_1318 : i32 to index
        %parallel_loop3A_1320 = arith.constant 0 : index
        %parallel_loop3A_1321 = tpu.vector_load %arg11[%parallel_loop3A_1319, %parallel_loop3A_1320] {strides = array<i32>} : memref<512x16xi32, #tpu.memory_space<vmem>>, vector<16xi32>,
        %parallel_loop3A_1322 = arith.index_cast %parallel_loop3A_1318 : i32 to index
        %parallel_loop3A_1323 = arith.constant 0 : index
        %parallel_loop3A_1324 = tpu.vector_load %arg12[%parallel_loop3A_1322, %parallel_loop3A_1323] {strides = array<i32>} : memref<512x16xf32, #tpu.memory_space<vmem>>, vector<16xf32>,
        %parallel_loop3A_1325 = arith.index_cast %parallel_loop3A_1318 : i32 to index
        %parallel_loop3A_1326 = arith.constant 0 : index
        %parallel_loop3A_1327 = tpu.vector_load %arg13[%parallel_loop3A_1325, %parallel_loop3A_1326] {strides = array<i32>} : memref<512x16xf32, #tpu.memory_space<vmem>>, vector<16xf32>,
        %parallel_loop3A_1328 = arith.addi %parallel_loop3A_1321, %mul3A_5 : vector<16xi32>
        %parallel_loop3A_1329 = arith.constant 1 : i32
        %parallel_loop3A_1330 = vector.broadcast %parallel_loop3A_1329 : i32 to vector<16xi32>
        %parallel_loop3A_1331 = arith.addi %parallel_loop3A_1328, %parallel_loop3A_1330 : vector<16xi32>
        %parallel_loop3A_1332 = arith.mulf %parallel_loop3A_1327, %mul3A_292 : vector<16xf32>
        %parallel_loop3A_1333 = arith.mulf %parallel_loop3A_1332, %parallel_loop3A_1324 : vector<16xf32>
        %parallel_loop3A_1334 = arith.subf %parallel_loop3A_1332, %parallel_loop3A_1333 : vector<16xf32>
        %parallel_loop3A_1335 = tpu.pack_subelements %parallel_loop3A_1334, %parallel_loop3A_1334 {pack_format = #tpu.pack_format<interleaved>, positions = array<i32: 0, 1>} : vector<16xf32>, vector<16xf32> -> vector<32xbf16>
        %parallel_loop3A_1336 = tpu.pack_subelements %parallel_loop3A_1333, %parallel_loop3A_1333 {pack_format = #tpu.pack_format<interleaved>, positions = array<i32: 0, 1>} : vector<16xf32>, vector<16xf32> -> vector<32xbf16>
        %parallel_loop3A_1337 = tpu.vector_load_idx %arg9[%parallel_loop3A_1328] : memref<16384xi32, #tpu.memory_space<vmem>>[vector<16xi32>], vector<16xi32>,
        %parallel_loop3A_1338 = tpu.vector_load_idx %arg9[%parallel_loop3A_1331] : memref<16384xi32, #tpu.memory_space<vmem>>[vector<16xi32>], vector<16xi32>,
        %parallel_loop3A_1339 = vector.bitcast %parallel_loop3A_1337 : vector<16xi32> to vector<32xbf16>
        %parallel_loop3A_1340 = vector.bitcast %parallel_loop3A_1338 : vector<16xi32> to vector<32xbf16>
        %parallel_loop3A_1341 = arith.mulf %parallel_loop3A_1335, %parallel_loop3A_1339 : vector<32xbf16>
        %parallel_loop3A_1342 = arith.mulf %parallel_loop3A_1336, %parallel_loop3A_1340 : vector<32xbf16>
        %parallel_loop3A_1343 = arith.addf %parallel_loop3A_1341, %parallel_loop3A_1342 : vector<32xbf16>
        %parallel_loop3A_1344 = tpu.unpack_subelements %parallel_loop3A_1343, 0 {pack_format = #tpu.pack_format<interleaved>} : vector<32xbf16> -> vector<16xf32>
        %parallel_loop3A_1345 = tpu.unpack_subelements %parallel_loop3A_1343, 1 {pack_format = #tpu.pack_format<interleaved>} : vector<32xbf16> -> vector<16xf32>
        %parallel_loop3A_1346 = arith.constant true
        %parallel_loop3A_1347 = vector.broadcast %parallel_loop3A_1346 : i1 to vector<16xi1>
        %parallel_loop3A_1348 = tpu.scan <sum>, %parallel_loop3A_1344 masked %parallel_loop3A_1347 : vector<16xf32>, vector<16xi1> -> vector<16xf32>
        %parallel_loop3A_1349 = vector.extract %parallel_loop3A_1348[15] : f32 from vector<16xf32>
        %parallel_loop3A_1350 = arith.constant true
        %parallel_loop3A_1351 = vector.broadcast %parallel_loop3A_1350 : i1 to vector<16xi1>
        %parallel_loop3A_1352 = tpu.scan <sum>, %parallel_loop3A_1345 masked %parallel_loop3A_1351 : vector<16xf32>, vector<16xi1> -> vector<16xf32>
        %parallel_loop3A_1353 = vector.extract %parallel_loop3A_1352[15] : f32 from vector<16xf32>
        %parallel_loop3A_1354 = vector.broadcast %parallel_loop3A_1349 : f32 to vector<16xf32>
        %parallel_loop3A_1355 = arith.select %eq3A_49, %parallel_loop3A_1354, %parallel_loop3A_1291 : vector<16xi1>, vector<16xf32>
        %parallel_loop3A_1356 = vector.broadcast %parallel_loop3A_1353 : f32 to vector<16xf32>
        %parallel_loop3A_1357 = arith.select %eq3A_49, %parallel_loop3A_1356, %parallel_loop3A_1293 : vector<16xi1>, vector<16xf32>
        %parallel_loop3A_1358 = tpu.vector_load_idx %arg10[%parallel_loop3A_1328] : memref<16384xi32, #tpu.memory_space<vmem>>[vector<16xi32>], vector<16xi32>,
        %parallel_loop3A_1359 = tpu.vector_load_idx %arg10[%parallel_loop3A_1331] : memref<16384xi32, #tpu.memory_space<vmem>>[vector<16xi32>], vector<16xi32>,
        %parallel_loop3A_1360 = vector.bitcast %parallel_loop3A_1358 : vector<16xi32> to vector<32xbf16>
        %parallel_loop3A_1361 = vector.bitcast %parallel_loop3A_1359 : vector<16xi32> to vector<32xbf16>
        %parallel_loop3A_1362 = arith.mulf %parallel_loop3A_1335, %parallel_loop3A_1360 : vector<32xbf16>
        %parallel_loop3A_1363 = arith.mulf %parallel_loop3A_1336, %parallel_loop3A_1361 : vector<32xbf16>
        %parallel_loop3A_1364 = arith.addf %parallel_loop3A_1362, %parallel_loop3A_1363 : vector<32xbf16>
        %parallel_loop3A_1365 = tpu.unpack_subelements %parallel_loop3A_1364, 0 {pack_format = #tpu.pack_format<interleaved>} : vector<32xbf16> -> vector<16xf32>
        %parallel_loop3A_1366 = tpu.unpack_subelements %parallel_loop3A_1364, 1 {pack_format = #tpu.pack_format<interleaved>} : vector<32xbf16> -> vector<16xf32>
        %parallel_loop3A_1367 = arith.constant true
        %parallel_loop3A_1368 = vector.broadcast %parallel_loop3A_1367 : i1 to vector<16xi1>
        %parallel_loop3A_1369 = tpu.scan <sum>, %parallel_loop3A_1365 masked %parallel_loop3A_1368 : vector<16xf32>, vector<16xi1> -> vector<16xf32>
        %parallel_loop3A_1370 = vector.extract %parallel_loop3A_1369[15] : f32 from vector<16xf32>
        %parallel_loop3A_1371 = arith.constant true
        %parallel_loop3A_1372 = vector.broadcast %parallel_loop3A_1371 : i1 to vector<16xi1>
        %parallel_loop3A_1373 = tpu.scan <sum>, %parallel_loop3A_1366 masked %parallel_loop3A_1372 : vector<16xf32>, vector<16xi1> -> vector<16xf32>
        %parallel_loop3A_1374 = vector.extract %parallel_loop3A_1373[15] : f32 from vector<16xf32>
        %parallel_loop3A_1375 = vector.broadcast %parallel_loop3A_1370 : f32 to vector<16xf32>
        %parallel_loop3A_1376 = arith.select %eq3A_49, %parallel_loop3A_1375, %parallel_loop3A_1312 : vector<16xi1>, vector<16xf32>
        %parallel_loop3A_1377 = vector.broadcast %parallel_loop3A_1374 : f32 to vector<16xf32>
        %parallel_loop3A_1378 = arith.select %eq3A_49, %parallel_loop3A_1377, %parallel_loop3A_1314 : vector<16xi1>, vector<16xf32>
        %parallel_loop3A_1379 = arith.constant 16 : i32
        %parallel_loop3A_1380 = arith.muli %parallel_loop3A_418, %parallel_loop3A_1379 : i32
        %parallel_loop3A_1381 = arith.constant 15 : i32
        %parallel_loop3A_1382 = arith.addi %parallel_loop3A_1380, %parallel_loop3A_1381 : i32
        %parallel_loop3A_1383 = arith.index_cast %parallel_loop3A_1382 : i32 to index
        %parallel_loop3A_1384 = arith.constant 0 : index
        %parallel_loop3A_1385 = tpu.vector_load %arg11[%parallel_loop3A_1383, %parallel_loop3A_1384] {strides = array<i32>} : memref<512x16xi32, #tpu.memory_space<vmem>>, vector<16xi32>,
        %parallel_loop3A_1386 = arith.index_cast %parallel_loop3A_1382 : i32 to index
        %parallel_loop3A_1387 = arith.constant 0 : index
        %parallel_loop3A_1388 = tpu.vector_load %arg12[%parallel_loop3A_1386, %parallel_loop3A_1387] {strides = array<i32>} : memref<512x16xf32, #tpu.memory_space<vmem>>, vector<16xf32>,
        %parallel_loop3A_1389 = arith.index_cast %parallel_loop3A_1382 : i32 to index
        %parallel_loop3A_1390 = arith.constant 0 : index
        %parallel_loop3A_1391 = tpu.vector_load %arg13[%parallel_loop3A_1389, %parallel_loop3A_1390] {strides = array<i32>} : memref<512x16xf32, #tpu.memory_space<vmem>>, vector<16xf32>,
        %parallel_loop3A_1392 = arith.addi %parallel_loop3A_1385, %mul3A_5 : vector<16xi32>
        %parallel_loop3A_1393 = arith.constant 1 : i32
        %parallel_loop3A_1394 = vector.broadcast %parallel_loop3A_1393 : i32 to vector<16xi32>
        %parallel_loop3A_1395 = arith.addi %parallel_loop3A_1392, %parallel_loop3A_1394 : vector<16xi32>
        %parallel_loop3A_1396 = arith.mulf %parallel_loop3A_1391, %mul3A_292 : vector<16xf32>
        %parallel_loop3A_1397 = arith.mulf %parallel_loop3A_1396, %parallel_loop3A_1388 : vector<16xf32>
        %parallel_loop3A_1398 = arith.subf %parallel_loop3A_1396, %parallel_loop3A_1397 : vector<16xf32>
        %parallel_loop3A_1399 = tpu.pack_subelements %parallel_loop3A_1398, %parallel_loop3A_1398 {pack_format = #tpu.pack_format<interleaved>, positions = array<i32: 0, 1>} : vector<16xf32>, vector<16xf32> -> vector<32xbf16>
        %parallel_loop3A_1400 = tpu.pack_subelements %parallel_loop3A_1397, %parallel_loop3A_1397 {pack_format = #tpu.pack_format<interleaved>, positions = array<i32: 0, 1>} : vector<16xf32>, vector<16xf32> -> vector<32xbf16>
        %parallel_loop3A_1401 = tpu.vector_load_idx %arg9[%parallel_loop3A_1392] : memref<16384xi32, #tpu.memory_space<vmem>>[vector<16xi32>], vector<16xi32>,
        %parallel_loop3A_1402 = tpu.vector_load_idx %arg9[%parallel_loop3A_1395] : memref<16384xi32, #tpu.memory_space<vmem>>[vector<16xi32>], vector<16xi32>,
        %parallel_loop3A_1403 = vector.bitcast %parallel_loop3A_1401 : vector<16xi32> to vector<32xbf16>
        %parallel_loop3A_1404 = vector.bitcast %parallel_loop3A_1402 : vector<16xi32> to vector<32xbf16>
        %parallel_loop3A_1405 = arith.mulf %parallel_loop3A_1399, %parallel_loop3A_1403 : vector<32xbf16>
        %parallel_loop3A_1406 = arith.mulf %parallel_loop3A_1400, %parallel_loop3A_1404 : vector<32xbf16>
        %parallel_loop3A_1407 = arith.addf %parallel_loop3A_1405, %parallel_loop3A_1406 : vector<32xbf16>
        %parallel_loop3A_1408 = tpu.unpack_subelements %parallel_loop3A_1407, 0 {pack_format = #tpu.pack_format<interleaved>} : vector<32xbf16> -> vector<16xf32>
        %parallel_loop3A_1409 = tpu.unpack_subelements %parallel_loop3A_1407, 1 {pack_format = #tpu.pack_format<interleaved>} : vector<32xbf16> -> vector<16xf32>
        %parallel_loop3A_1410 = arith.constant true
        %parallel_loop3A_1411 = vector.broadcast %parallel_loop3A_1410 : i1 to vector<16xi1>
        %parallel_loop3A_1412 = tpu.scan <sum>, %parallel_loop3A_1408 masked %parallel_loop3A_1411 : vector<16xf32>, vector<16xi1> -> vector<16xf32>
        %parallel_loop3A_1413 = vector.extract %parallel_loop3A_1412[15] : f32 from vector<16xf32>
        %parallel_loop3A_1414 = arith.constant true
        %parallel_loop3A_1415 = vector.broadcast %parallel_loop3A_1414 : i1 to vector<16xi1>
        %parallel_loop3A_1416 = tpu.scan <sum>, %parallel_loop3A_1409 masked %parallel_loop3A_1415 : vector<16xf32>, vector<16xi1> -> vector<16xf32>
        %parallel_loop3A_1417 = vector.extract %parallel_loop3A_1416[15] : f32 from vector<16xf32>
        %parallel_loop3A_1418 = vector.broadcast %parallel_loop3A_1413 : f32 to vector<16xf32>
        %parallel_loop3A_1419 = arith.select %eq3A_52, %parallel_loop3A_1418, %parallel_loop3A_1355 : vector<16xi1>, vector<16xf32>
        %parallel_loop3A_1420 = vector.broadcast %parallel_loop3A_1417 : f32 to vector<16xf32>
        %parallel_loop3A_1421 = arith.select %eq3A_52, %parallel_loop3A_1420, %parallel_loop3A_1357 : vector<16xi1>, vector<16xf32>
        %parallel_loop3A_1422 = tpu.vector_load_idx %arg10[%parallel_loop3A_1392] : memref<16384xi32, #tpu.memory_space<vmem>>[vector<16xi32>], vector<16xi32>,
        %parallel_loop3A_1423 = tpu.vector_load_idx %arg10[%parallel_loop3A_1395] : memref<16384xi32, #tpu.memory_space<vmem>>[vector<16xi32>], vector<16xi32>,
        %parallel_loop3A_1424 = vector.bitcast %parallel_loop3A_1422 : vector<16xi32> to vector<32xbf16>
        %parallel_loop3A_1425 = vector.bitcast %parallel_loop3A_1423 : vector<16xi32> to vector<32xbf16>
        %parallel_loop3A_1426 = arith.mulf %parallel_loop3A_1399, %parallel_loop3A_1424 : vector<32xbf16>
        %parallel_loop3A_1427 = arith.mulf %parallel_loop3A_1400, %parallel_loop3A_1425 : vector<32xbf16>
        %parallel_loop3A_1428 = arith.addf %parallel_loop3A_1426, %parallel_loop3A_1427 : vector<32xbf16>
        %parallel_loop3A_1429 = tpu.unpack_subelements %parallel_loop3A_1428, 0 {pack_format = #tpu.pack_format<interleaved>} : vector<32xbf16> -> vector<16xf32>
        %parallel_loop3A_1430 = tpu.unpack_subelements %parallel_loop3A_1428, 1 {pack_format = #tpu.pack_format<interleaved>} : vector<32xbf16> -> vector<16xf32>
        %parallel_loop3A_1431 = arith.constant true
        %parallel_loop3A_1432 = vector.broadcast %parallel_loop3A_1431 : i1 to vector<16xi1>
        %parallel_loop3A_1433 = tpu.scan <sum>, %parallel_loop3A_1429 masked %parallel_loop3A_1432 : vector<16xf32>, vector<16xi1> -> vector<16xf32>
        %parallel_loop3A_1434 = vector.extract %parallel_loop3A_1433[15] : f32 from vector<16xf32>
        %parallel_loop3A_1435 = arith.constant true
        %parallel_loop3A_1436 = vector.broadcast %parallel_loop3A_1435 : i1 to vector<16xi1>
        %parallel_loop3A_1437 = tpu.scan <sum>, %parallel_loop3A_1430 masked %parallel_loop3A_1436 : vector<16xf32>, vector<16xi1> -> vector<16xf32>
        %parallel_loop3A_1438 = vector.extract %parallel_loop3A_1437[15] : f32 from vector<16xf32>
        %parallel_loop3A_1439 = vector.broadcast %parallel_loop3A_1434 : f32 to vector<16xf32>
        %parallel_loop3A_1440 = arith.select %eq3A_52, %parallel_loop3A_1439, %parallel_loop3A_1376 : vector<16xi1>, vector<16xf32>
        %parallel_loop3A_1441 = vector.broadcast %parallel_loop3A_1438 : f32 to vector<16xf32>
        %parallel_loop3A_1442 = arith.select %eq3A_52, %parallel_loop3A_1441, %parallel_loop3A_1378 : vector<16xi1>, vector<16xf32>
        %parallel_loop3A_1443 = arith.constant 512 : i32
        %parallel_loop3A_1444 = arith.muli %select_n3A_289, %parallel_loop3A_1443 : i32
        %parallel_loop3A_1445 = arith.constant 0 : i32
        %parallel_loop3A_1446 = arith.addi %parallel_loop3A_1445, %parallel_loop3A_1444 : i32
        %parallel_loop3A_1447 = arith.constant 16 : i32
        %parallel_loop3A_1448 = arith.muli %parallel_loop3A_418, %parallel_loop3A_1447 : i32
        %parallel_loop3A_1449 = arith.addi %parallel_loop3A_1446, %parallel_loop3A_1448 : i32
        %parallel_loop3A_1450 = arith.index_cast %parallel_loop3A_1449 : i32 to index
        %parallel_loop3A_1451 = tpu.vector_load %arg17[%parallel_loop3A_1450] {strides = array<i32>} : memref<8192xf32, #tpu.memory_space<vmem>>, vector<16xf32>,
        tpu.vector_store %arg17[%parallel_loop3A_1450], %parallel_loop3A_1419 {add = true, strides = array<i32>} : memref<8192xf32, #tpu.memory_space<vmem>>, vector<16xf32>,
        %parallel_loop3A_1452 = arith.constant 512 : i32
        %parallel_loop3A_1453 = arith.muli %select_n3A_289, %parallel_loop3A_1452 : i32
        %parallel_loop3A_1454 = arith.constant 2048 : i32
        %parallel_loop3A_1455 = arith.addi %parallel_loop3A_1454, %parallel_loop3A_1453 : i32
        %parallel_loop3A_1456 = arith.constant 16 : i32
        %parallel_loop3A_1457 = arith.muli %parallel_loop3A_418, %parallel_loop3A_1456 : i32
        %parallel_loop3A_1458 = arith.addi %parallel_loop3A_1455, %parallel_loop3A_1457 : i32
        %parallel_loop3A_1459 = arith.index_cast %parallel_loop3A_1458 : i32 to index
        %parallel_loop3A_1460 = tpu.vector_load %arg17[%parallel_loop3A_1459] {strides = array<i32>} : memref<8192xf32, #tpu.memory_space<vmem>>, vector<16xf32>,
        tpu.vector_store %arg17[%parallel_loop3A_1459], %parallel_loop3A_1421 {add = true, strides = array<i32>} : memref<8192xf32, #tpu.memory_space<vmem>>, vector<16xf32>,
        %parallel_loop3A_1461 = arith.constant 512 : i32
        %parallel_loop3A_1462 = arith.muli %select_n3A_289, %parallel_loop3A_1461 : i32
        %parallel_loop3A_1463 = arith.constant 4096 : i32
        %parallel_loop3A_1464 = arith.addi %parallel_loop3A_1463, %parallel_loop3A_1462 : i32
        %parallel_loop3A_1465 = arith.constant 16 : i32
        %parallel_loop3A_1466 = arith.muli %parallel_loop3A_418, %parallel_loop3A_1465 : i32
        %parallel_loop3A_1467 = arith.addi %parallel_loop3A_1464, %parallel_loop3A_1466 : i32
        %parallel_loop3A_1468 = arith.index_cast %parallel_loop3A_1467 : i32 to index
        %parallel_loop3A_1469 = tpu.vector_load %arg17[%parallel_loop3A_1468] {strides = array<i32>} : memref<8192xf32, #tpu.memory_space<vmem>>, vector<16xf32>,
        tpu.vector_store %arg17[%parallel_loop3A_1468], %parallel_loop3A_1440 {add = true, strides = array<i32>} : memref<8192xf32, #tpu.memory_space<vmem>>, vector<16xf32>,
        %parallel_loop3A_1470 = arith.constant 512 : i32
        %parallel_loop3A_1471 = arith.muli %select_n3A_289, %parallel_loop3A_1470 : i32
        %parallel_loop3A_1472 = arith.constant 6144 : i32
        %parallel_loop3A_1473 = arith.addi %parallel_loop3A_1472, %parallel_loop3A_1471 : i32
        %parallel_loop3A_1474 = arith.constant 16 : i32
        %parallel_loop3A_1475 = arith.muli %parallel_loop3A_418, %parallel_loop3A_1474 : i32
        %parallel_loop3A_1476 = arith.addi %parallel_loop3A_1473, %parallel_loop3A_1475 : i32
        %parallel_loop3A_1477 = arith.index_cast %parallel_loop3A_1476 : i32 to index
        %parallel_loop3A_1478 = tpu.vector_load %arg17[%parallel_loop3A_1477] {strides = array<i32>} : memref<8192xf32, #tpu.memory_space<vmem>>, vector<16xf32>,
        tpu.vector_store %arg17[%parallel_loop3A_1477], %parallel_loop3A_1442 {add = true, strides = array<i32>} : memref<8192xf32, #tpu.memory_space<vmem>>, vector<16xf32>,
      } {sc.loop_unroll_factor = 4 : i64, sc.parallel_access}
      %lt3A_295 = arith.constant 15 : i32
      %lt3A_296 = arith.cmpi slt, %scan3A_112, %lt3A_295 : i32
      %convert_element_type3A_297 = arith.extui %lt3A_296 : i1 to i32
      %cond3A_298 = arith.constant 0 : i32
      %cond3A_299 = arith.cmpi ne, %convert_element_type3A_297, %cond3A_298 : i32
      scf.if %cond3A_299 {
        %add3A_418 = arith.constant 2 : i32
        %add3A_419 = arith.addi %mul3A_114, %add3A_418 : i32
        %jit3A_420 = arith.constant 4 : i32
        %div3A_421 = arith.divsi %add3A_419, %jit3A_420 : i32
        %sign3A_422 = arith.constant 0 : i32
        %sign3A_423 = arith.cmpi sgt, %add3A_419, %sign3A_422 : i32
        %sign3A_424 = arith.extui %sign3A_423 : i1 to i32
        %sign3A_425 = arith.constant 0 : i32
        %sign3A_426 = arith.cmpi slt, %add3A_419, %sign3A_425 : i32
        %sign3A_427 = arith.extui %sign3A_426 : i1 to i32
        %sign3A_428 = arith.subi %sign3A_424, %sign3A_427 : i32
        %sign3A_429 = arith.constant 0 : i32
        %sign3A_430 = arith.cmpi sgt, %jit3A_420, %sign3A_429 : i32
        %sign3A_431 = arith.extui %sign3A_430 : i1 to i32
        %sign3A_432 = arith.constant 0 : i32
        %sign3A_433 = arith.cmpi slt, %jit3A_420, %sign3A_432 : i32
        %sign3A_434 = arith.extui %sign3A_433 : i1 to i32
        %sign3A_435 = arith.subi %sign3A_431, %sign3A_434 : i32
        %ne3A_436 = arith.cmpi ne, %sign3A_428, %sign3A_435 : i32
        %rem3A_437 = arith.remsi %add3A_419, %jit3A_420 : i32
        %ne3A_438 = arith.constant 0 : i32
        %ne3A_439 = arith.cmpi ne, %rem3A_437, %ne3A_438 : i32
        %and3A_440 = arith.andi %ne3A_436, %ne3A_439 : i1
        %sub3A_441 = arith.constant 1 : i32
        %sub3A_442 = arith.subi %div3A_421, %sub3A_441 : i32
        %select_n3A_443 = arith.select %and3A_440, %sub3A_442, %div3A_421 : i32
        %mul3A_444 = arith.constant 16 : i32
        %mul3A_445 = arith.muli %select_n3A_443, %mul3A_444 : i32
        %jit3A_446 = arith.constant 4 : i32
        %eq3A_447 = arith.constant 0 : i32
        %eq3A_448 = arith.cmpi eq, %jit3A_446, %eq3A_447 : i32
        %jit3A_449 = arith.constant 1 : i32
        %select_n3A_450 = arith.select %eq3A_448, %jit3A_449, %jit3A_446 : i32
        %rem3A_451 = arith.remsi %add3A_419, %select_n3A_450 : i32
        %ne3A_452 = arith.constant 0 : i32
        %ne3A_453 = arith.cmpi ne, %rem3A_451, %ne3A_452 : i32
        %lt3A_454 = arith.constant 0 : i32
        %lt3A_455 = arith.cmpi slt, %rem3A_451, %lt3A_454 : i32
        %lt3A_456 = arith.constant 0 : i32
        %lt3A_457 = arith.cmpi slt, %select_n3A_450, %lt3A_456 : i32
        %ne3A_458 = arith.xori %lt3A_455, %lt3A_457 : i1
        %and3A_459 = arith.andi %ne3A_458, %ne3A_453 : i1
        %add3A_460 = arith.addi %rem3A_451, %select_n3A_450 : i32
        %select_n3A_461 = arith.select %and3A_459, %add3A_460, %rem3A_451 : i32
        %mul3A_462 = arith.constant 512 : i32
        %mul3A_463 = arith.muli %select_n3A_461, %mul3A_462 : i32
        %add3A_464 = arith.addi %mul3A_2, %mul3A_463 : i32
        %dma_start3A_465 = tpu.memref_slice %arg4[%add3A_464, %mul3A_445] : memref<65536x128xi32, #tpu.memory_space<hbm>> -> memref<512x16xi32, #tpu.memory_space<hbm>>
        %dma_start3A_466 = tpu.memref_slice %arg4[%add3A_464, %mul3A_445] : memref<65536x128xi32, #tpu.memory_space<hbm>> -> memref<512x16xi32, #tpu.memory_space<hbm>>
        tpu.enqueue_dma source(%dma_start3A_466 : memref<512x16xi32, #tpu.memory_space<hbm>>) target(%arg11 : memref<512x16xi32, #tpu.memory_space<vmem>>) target_semaphore(%arg19 : memref<!tpu.dma_semaphore, #tpu.memory_space<semaphore_mem>>)
        %dma_start3A_467 = tpu.memref_slice %arg5[%add3A_464, %mul3A_445] : memref<65536x128xf32, #tpu.memory_space<hbm>> -> memref<512x16xf32, #tpu.memory_space<hbm>>
        %dma_start3A_468 = tpu.memref_slice %arg5[%add3A_464, %mul3A_445] : memref<65536x128xf32, #tpu.memory_space<hbm>> -> memref<512x16xf32, #tpu.memory_space<hbm>>
        tpu.enqueue_dma source(%dma_start3A_468 : memref<512x16xf32, #tpu.memory_space<hbm>>) target(%arg12 : memref<512x16xf32, #tpu.memory_space<vmem>>) target_semaphore(%arg19 : memref<!tpu.dma_semaphore, #tpu.memory_space<semaphore_mem>>)
        %dma_start3A_469 = tpu.memref_slice %arg6[%add3A_464, %mul3A_445] : memref<65536x128xf32, #tpu.memory_space<hbm>> -> memref<512x16xf32, #tpu.memory_space<hbm>>
        %dma_start3A_470 = tpu.memref_slice %arg6[%add3A_464, %mul3A_445] : memref<65536x128xf32, #tpu.memory_space<hbm>> -> memref<512x16xf32, #tpu.memory_space<hbm>>
        tpu.enqueue_dma source(%dma_start3A_470 : memref<512x16xf32, #tpu.memory_space<hbm>>) target(%arg13 : memref<512x16xf32, #tpu.memory_space<vmem>>) target_semaphore(%arg19 : memref<!tpu.dma_semaphore, #tpu.memory_space<semaphore_mem>>)
      } else {
      }
      %jit3A_300 = arith.constant 4 : i32
      %div3A_301 = arith.divsi %add3A_116, %jit3A_300 : i32
      %sign3A_302 = arith.constant 0 : i32
      %sign3A_303 = arith.cmpi sgt, %add3A_116, %sign3A_302 : i32
      %sign3A_304 = arith.extui %sign3A_303 : i1 to i32
      %sign3A_305 = arith.constant 0 : i32
      %sign3A_306 = arith.cmpi slt, %add3A_116, %sign3A_305 : i32
      %sign3A_307 = arith.extui %sign3A_306 : i1 to i32
      %sign3A_308 = arith.subi %sign3A_304, %sign3A_307 : i32
      %sign3A_309 = arith.constant 0 : i32
      %sign3A_310 = arith.cmpi sgt, %jit3A_300, %sign3A_309 : i32
      %sign3A_311 = arith.extui %sign3A_310 : i1 to i32
      %sign3A_312 = arith.constant 0 : i32
      %sign3A_313 = arith.cmpi slt, %jit3A_300, %sign3A_312 : i32
      %sign3A_314 = arith.extui %sign3A_313 : i1 to i32
      %sign3A_315 = arith.subi %sign3A_311, %sign3A_314 : i32
      %ne3A_316 = arith.cmpi ne, %sign3A_308, %sign3A_315 : i32
      %rem3A_317 = arith.remsi %add3A_116, %jit3A_300 : i32
      %ne3A_318 = arith.constant 0 : i32
      %ne3A_319 = arith.cmpi ne, %rem3A_317, %ne3A_318 : i32
      %and3A_320 = arith.andi %ne3A_316, %ne3A_319 : i1
      %sub3A_321 = arith.constant 1 : i32
      %sub3A_322 = arith.subi %div3A_301, %sub3A_321 : i32
      %select_n3A_323 = arith.select %and3A_320, %sub3A_322, %div3A_301 : i32
      %mul3A_324 = arith.constant 16 : i32
      %mul3A_325 = arith.muli %select_n3A_323, %mul3A_324 : i32
      %jit3A_326 = arith.constant 4 : i32
      %eq3A_327 = arith.constant 0 : i32
      %eq3A_328 = arith.cmpi eq, %jit3A_326, %eq3A_327 : i32
      %jit3A_329 = arith.constant 1 : i32
      %select_n3A_330 = arith.select %eq3A_328, %jit3A_329, %jit3A_326 : i32
      %rem3A_331 = arith.remsi %add3A_116, %select_n3A_330 : i32
      %ne3A_332 = arith.constant 0 : i32
      %ne3A_333 = arith.cmpi ne, %rem3A_331, %ne3A_332 : i32
      %lt3A_334 = arith.constant 0 : i32
      %lt3A_335 = arith.cmpi slt, %rem3A_331, %lt3A_334 : i32
      %lt3A_336 = arith.constant 0 : i32
      %lt3A_337 = arith.cmpi slt, %select_n3A_330, %lt3A_336 : i32
      %ne3A_338 = arith.xori %lt3A_335, %lt3A_337 : i1
      %and3A_339 = arith.andi %ne3A_338, %ne3A_333 : i1
      %add3A_340 = arith.addi %rem3A_331, %select_n3A_330 : i32
      %select_n3A_341 = arith.select %and3A_339, %add3A_340, %rem3A_331 : i32
      %mul3A_342 = arith.constant 512 : i32
      %mul3A_343 = arith.muli %select_n3A_341, %mul3A_342 : i32
      %add3A_344 = arith.addi %mul3A_2, %mul3A_343 : i32
      %dma_wait3A_345 = tpu.memref_slice %arg4[%add3A_344, %mul3A_325] : memref<65536x128xi32, #tpu.memory_space<hbm>> -> memref<512x16xi32, #tpu.memory_space<hbm>>
      %dma_wait3A_346 = tpu.memref_slice %arg4[%add3A_344, %mul3A_325] : memref<65536x128xi32, #tpu.memory_space<hbm>> -> memref<512x16xi32, #tpu.memory_space<hbm>>
      tpu.wait_dma2 semaphore(%arg20 : memref<!tpu.dma_semaphore, #tpu.memory_space<semaphore_mem>>) src(%dma_wait3A_346 : memref<512x16xi32, #tpu.memory_space<hbm>>) dst(%arg14 : memref<512x16xi32, #tpu.memory_space<vmem>>)
      %dma_wait3A_347 = tpu.memref_slice %arg5[%add3A_344, %mul3A_325] : memref<65536x128xf32, #tpu.memory_space<hbm>> -> memref<512x16xf32, #tpu.memory_space<hbm>>
      %dma_wait3A_348 = tpu.memref_slice %arg5[%add3A_344, %mul3A_325] : memref<65536x128xf32, #tpu.memory_space<hbm>> -> memref<512x16xf32, #tpu.memory_space<hbm>>
      tpu.wait_dma2 semaphore(%arg20 : memref<!tpu.dma_semaphore, #tpu.memory_space<semaphore_mem>>) src(%dma_wait3A_348 : memref<512x16xf32, #tpu.memory_space<hbm>>) dst(%arg15 : memref<512x16xf32, #tpu.memory_space<vmem>>)
      %dma_wait3A_349 = tpu.memref_slice %arg6[%add3A_344, %mul3A_325] : memref<65536x128xf32, #tpu.memory_space<hbm>> -> memref<512x16xf32, #tpu.memory_space<hbm>>
      %dma_wait3A_350 = tpu.memref_slice %arg6[%add3A_344, %mul3A_325] : memref<65536x128xf32, #tpu.memory_space<hbm>> -> memref<512x16xf32, #tpu.memory_space<hbm>>
      tpu.wait_dma2 semaphore(%arg20 : memref<!tpu.dma_semaphore, #tpu.memory_space<semaphore_mem>>) src(%dma_wait3A_350 : memref<512x16xf32, #tpu.memory_space<hbm>>) dst(%arg16 : memref<512x16xf32, #tpu.memory_space<vmem>>)
      %jit3A_351 = arith.constant 4 : i32
      %div3A_352 = arith.divsi %add3A_116, %jit3A_351 : i32
      %sign3A_353 = arith.constant 0 : i32
      %sign3A_354 = arith.cmpi sgt, %add3A_116, %sign3A_353 : i32
      %sign3A_355 = arith.extui %sign3A_354 : i1 to i32
      %sign3A_356 = arith.constant 0 : i32
      %sign3A_357 = arith.cmpi slt, %add3A_116, %sign3A_356 : i32
      %sign3A_358 = arith.extui %sign3A_357 : i1 to i32
      %sign3A_359 = arith.subi %sign3A_355, %sign3A_358 : i32
      %sign3A_360 = arith.constant 0 : i32
      %sign3A_361 = arith.cmpi sgt, %jit3A_351, %sign3A_360 : i32
      %sign3A_362 = arith.extui %sign3A_361 : i1 to i32
      %sign3A_363 = arith.constant 0 : i32
      %sign3A_364 = arith.cmpi slt, %jit3A_351, %sign3A_363 : i32
      %sign3A_365 = arith.extui %sign3A_364 : i1 to i32
      %sign3A_366 = arith.subi %sign3A_362, %sign3A_365 : i32
      %ne3A_367 = arith.cmpi ne, %sign3A_359, %sign3A_366 : i32
      %rem3A_368 = arith.remsi %add3A_116, %jit3A_351 : i32
      %ne3A_369 = arith.constant 0 : i32
      %ne3A_370 = arith.cmpi ne, %rem3A_368, %ne3A_369 : i32
      %and3A_371 = arith.andi %ne3A_367, %ne3A_370 : i1
      %sub3A_372 = arith.constant 1 : i32
      %sub3A_373 = arith.subi %div3A_352, %sub3A_372 : i32
      %select_n3A_374 = arith.select %and3A_371, %sub3A_373, %div3A_352 : i32
      %mul3A_375 = arith.constant 16 : i32
      %mul3A_376 = arith.muli %select_n3A_374, %mul3A_375 : i32
      %jit3A_377 = arith.constant 4 : i32
      %eq3A_378 = arith.constant 0 : i32
      %eq3A_379 = arith.cmpi eq, %jit3A_377, %eq3A_378 : i32
      %jit3A_380 = arith.constant 1 : i32
      %select_n3A_381 = arith.select %eq3A_379, %jit3A_380, %jit3A_377 : i32
      %rem3A_382 = arith.remsi %add3A_116, %select_n3A_381 : i32
      %ne3A_383 = arith.constant 0 : i32
      %ne3A_384 = arith.cmpi ne, %rem3A_382, %ne3A_383 : i32
      %lt3A_385 = arith.constant 0 : i32
      %lt3A_386 = arith.cmpi slt, %rem3A_382, %lt3A_385 : i32
      %lt3A_387 = arith.constant 0 : i32
      %lt3A_388 = arith.cmpi slt, %select_n3A_381, %lt3A_387 : i32
      %ne3A_389 = arith.xori %lt3A_386, %lt3A_388 : i1
      %and3A_390 = arith.andi %ne3A_389, %ne3A_384 : i1
      %add3A_391 = arith.addi %rem3A_382, %select_n3A_381 : i32
      %select_n3A_392 = arith.select %and3A_390, %add3A_391, %rem3A_382 : i32
      %mul3A_393 = arith.constant 512 : i32
      %mul3A_394 = arith.muli %select_n3A_392, %mul3A_393 : i32
      %add3A_395 = arith.addi %mul3A_2, %mul3A_394 : i32
      %jit3A_396 = arith.constant 4 : i32
      %eq3A_397 = arith.constant 0 : i32
      %eq3A_398 = arith.cmpi eq, %jit3A_396, %eq3A_397 : i32
      %jit3A_399 = arith.constant 1 : i32
      %select_n3A_400 = arith.select %eq3A_398, %jit3A_399, %jit3A_396 : i32
      %rem3A_401 = arith.remsi %add3A_116, %select_n3A_400 : i32
      %ne3A_402 = arith.constant 0 : i32
      %ne3A_403 = arith.cmpi ne, %rem3A_401, %ne3A_402 : i32
      %lt3A_404 = arith.constant 0 : i32
      %lt3A_405 = arith.cmpi slt, %rem3A_401, %lt3A_404 : i32
      %lt3A_406 = arith.constant 0 : i32
      %lt3A_407 = arith.cmpi slt, %select_n3A_400, %lt3A_406 : i32
      %ne3A_408 = arith.xori %lt3A_405, %lt3A_407 : i1
      %and3A_409 = arith.andi %ne3A_408, %ne3A_403 : i1
      %add3A_410 = arith.addi %rem3A_401, %select_n3A_400 : i32
      %select_n3A_411 = arith.select %and3A_409, %add3A_410, %rem3A_401 : i32
      %get3A_412 = arith.index_cast %mul3A_376 : i32 to index
      %get3A_413 = tpu.vector_load %arg18[%get3A_412] {strides = array<i32>} : memref<128xf32, #tpu.memory_space<vmem>>, vector<16xf32>,
      %mul3A_414 = arith.mulf %get3A_413, %div3A : vector<16xf32>
      %parallel_loop3A_415 = arith.constant 0 : i32
      %parallel_loop3A_416 = arith.constant 32 : i32
      %parallel_loop3A_417 = arith.constant 1 : i32
      scf.for %parallel_loop3A_418 = %parallel_loop3A_415 to %parallel_loop3A_416 step %parallel_loop3A_417  : i32 {
        %parallel_loop3A_419 = arith.constant 16 : i32
        %parallel_loop3A_420 = arith.muli %parallel_loop3A_418, %parallel_loop3A_419 : i32
        %parallel_loop3A_421 = arith.constant 0 : i32
        %parallel_loop3A_422 = arith.addi %parallel_loop3A_420, %parallel_loop3A_421 : i32
        %parallel_loop3A_423 = arith.index_cast %parallel_loop3A_422 : i32 to index
        %parallel_loop3A_424 = arith.constant 0 : index
        %parallel_loop3A_425 = tpu.vector_load %arg14[%parallel_loop3A_423, %parallel_loop3A_424] {strides = array<i32>} : memref<512x16xi32, #tpu.memory_space<vmem>>, vector<16xi32>,
        %parallel_loop3A_426 = arith.index_cast %parallel_loop3A_422 : i32 to index
        %parallel_loop3A_427 = arith.constant 0 : index
        %parallel_loop3A_428 = tpu.vector_load %arg15[%parallel_loop3A_426, %parallel_loop3A_427] {strides = array<i32>} : memref<512x16xf32, #tpu.memory_space<vmem>>, vector<16xf32>,
        %parallel_loop3A_429 = arith.index_cast %parallel_loop3A_422 : i32 to index
        %parallel_loop3A_430 = arith.constant 0 : index
        %parallel_loop3A_431 = tpu.vector_load %arg16[%parallel_loop3A_429, %parallel_loop3A_430] {strides = array<i32>} : memref<512x16xf32, #tpu.memory_space<vmem>>, vector<16xf32>,
        %parallel_loop3A_432 = arith.addi %parallel_loop3A_425, %mul3A_5 : vector<16xi32>
        %parallel_loop3A_433 = arith.constant 1 : i32
        %parallel_loop3A_434 = vector.broadcast %parallel_loop3A_433 : i32 to vector<16xi32>
        %parallel_loop3A_435 = arith.addi %parallel_loop3A_432, %parallel_loop3A_434 : vector<16xi32>
        %parallel_loop3A_436 = arith.mulf %parallel_loop3A_431, %mul3A_414 : vector<16xf32>
        %parallel_loop3A_437 = arith.mulf %parallel_loop3A_436, %parallel_loop3A_428 : vector<16xf32>
        %parallel_loop3A_438 = arith.subf %parallel_loop3A_436, %parallel_loop3A_437 : vector<16xf32>
        %parallel_loop3A_439 = tpu.pack_subelements %parallel_loop3A_438, %parallel_loop3A_438 {pack_format = #tpu.pack_format<interleaved>, positions = array<i32: 0, 1>} : vector<16xf32>, vector<16xf32> -> vector<32xbf16>
        %parallel_loop3A_440 = tpu.pack_subelements %parallel_loop3A_437, %parallel_loop3A_437 {pack_format = #tpu.pack_format<interleaved>, positions = array<i32: 0, 1>} : vector<16xf32>, vector<16xf32> -> vector<32xbf16>
        %parallel_loop3A_441 = tpu.vector_load_idx %arg9[%parallel_loop3A_432] : memref<16384xi32, #tpu.memory_space<vmem>>[vector<16xi32>], vector<16xi32>,
        %parallel_loop3A_442 = tpu.vector_load_idx %arg9[%parallel_loop3A_435] : memref<16384xi32, #tpu.memory_space<vmem>>[vector<16xi32>], vector<16xi32>,
        %parallel_loop3A_443 = vector.bitcast %parallel_loop3A_441 : vector<16xi32> to vector<32xbf16>
        %parallel_loop3A_444 = vector.bitcast %parallel_loop3A_442 : vector<16xi32> to vector<32xbf16>
        %parallel_loop3A_445 = arith.mulf %parallel_loop3A_439, %parallel_loop3A_443 : vector<32xbf16>
        %parallel_loop3A_446 = arith.mulf %parallel_loop3A_440, %parallel_loop3A_444 : vector<32xbf16>
        %parallel_loop3A_447 = arith.addf %parallel_loop3A_445, %parallel_loop3A_446 : vector<32xbf16>
        %parallel_loop3A_448 = tpu.unpack_subelements %parallel_loop3A_447, 0 {pack_format = #tpu.pack_format<interleaved>} : vector<32xbf16> -> vector<16xf32>
        %parallel_loop3A_449 = tpu.unpack_subelements %parallel_loop3A_447, 1 {pack_format = #tpu.pack_format<interleaved>} : vector<32xbf16> -> vector<16xf32>
        %parallel_loop3A_450 = arith.constant true
        %parallel_loop3A_451 = vector.broadcast %parallel_loop3A_450 : i1 to vector<16xi1>
        %parallel_loop3A_452 = tpu.scan <sum>, %parallel_loop3A_448 masked %parallel_loop3A_451 : vector<16xf32>, vector<16xi1> -> vector<16xf32>
        %parallel_loop3A_453 = vector.extract %parallel_loop3A_452[15] : f32 from vector<16xf32>
        %parallel_loop3A_454 = arith.constant true
        %parallel_loop3A_455 = vector.broadcast %parallel_loop3A_454 : i1 to vector<16xi1>
        %parallel_loop3A_456 = tpu.scan <sum>, %parallel_loop3A_449 masked %parallel_loop3A_455 : vector<16xf32>, vector<16xi1> -> vector<16xf32>
        %parallel_loop3A_457 = vector.extract %parallel_loop3A_456[15] : f32 from vector<16xf32>
        %parallel_loop3A_458 = vector.broadcast %parallel_loop3A_453 : f32 to vector<16xf32>
        %parallel_loop3A_459 = arith.select %eq3A_7, %parallel_loop3A_458, %broadcast_in_dim3A_53 : vector<16xi1>, vector<16xf32>
        %parallel_loop3A_460 = vector.broadcast %parallel_loop3A_457 : f32 to vector<16xf32>
        %parallel_loop3A_461 = arith.select %eq3A_7, %parallel_loop3A_460, %broadcast_in_dim3A_53 : vector<16xi1>, vector<16xf32>
        %parallel_loop3A_462 = tpu.vector_load_idx %arg10[%parallel_loop3A_432] : memref<16384xi32, #tpu.memory_space<vmem>>[vector<16xi32>], vector<16xi32>,
        %parallel_loop3A_463 = tpu.vector_load_idx %arg10[%parallel_loop3A_435] : memref<16384xi32, #tpu.memory_space<vmem>>[vector<16xi32>], vector<16xi32>,
        %parallel_loop3A_464 = vector.bitcast %parallel_loop3A_462 : vector<16xi32> to vector<32xbf16>
        %parallel_loop3A_465 = vector.bitcast %parallel_loop3A_463 : vector<16xi32> to vector<32xbf16>
        %parallel_loop3A_466 = arith.mulf %parallel_loop3A_439, %parallel_loop3A_464 : vector<32xbf16>
        %parallel_loop3A_467 = arith.mulf %parallel_loop3A_440, %parallel_loop3A_465 : vector<32xbf16>
        %parallel_loop3A_468 = arith.addf %parallel_loop3A_466, %parallel_loop3A_467 : vector<32xbf16>
        %parallel_loop3A_469 = tpu.unpack_subelements %parallel_loop3A_468, 0 {pack_format = #tpu.pack_format<interleaved>} : vector<32xbf16> -> vector<16xf32>
        %parallel_loop3A_470 = tpu.unpack_subelements %parallel_loop3A_468, 1 {pack_format = #tpu.pack_format<interleaved>} : vector<32xbf16> -> vector<16xf32>
        %parallel_loop3A_471 = arith.constant true
        %parallel_loop3A_472 = vector.broadcast %parallel_loop3A_471 : i1 to vector<16xi1>
        %parallel_loop3A_473 = tpu.scan <sum>, %parallel_loop3A_469 masked %parallel_loop3A_472 : vector<16xf32>, vector<16xi1> -> vector<16xf32>
        %parallel_loop3A_474 = vector.extract %parallel_loop3A_473[15] : f32 from vector<16xf32>
        %parallel_loop3A_475 = arith.constant true
        %parallel_loop3A_476 = vector.broadcast %parallel_loop3A_475 : i1 to vector<16xi1>
        %parallel_loop3A_477 = tpu.scan <sum>, %parallel_loop3A_470 masked %parallel_loop3A_476 : vector<16xf32>, vector<16xi1> -> vector<16xf32>
        %parallel_loop3A_478 = vector.extract %parallel_loop3A_477[15] : f32 from vector<16xf32>
        %parallel_loop3A_479 = vector.broadcast %parallel_loop3A_474 : f32 to vector<16xf32>
        %parallel_loop3A_480 = arith.select %eq3A_7, %parallel_loop3A_479, %broadcast_in_dim3A_53 : vector<16xi1>, vector<16xf32>
        %parallel_loop3A_481 = vector.broadcast %parallel_loop3A_478 : f32 to vector<16xf32>
        %parallel_loop3A_482 = arith.select %eq3A_7, %parallel_loop3A_481, %broadcast_in_dim3A_53 : vector<16xi1>, vector<16xf32>
        %parallel_loop3A_483 = arith.constant 16 : i32
        %parallel_loop3A_484 = arith.muli %parallel_loop3A_418, %parallel_loop3A_483 : i32
        %parallel_loop3A_485 = arith.constant 1 : i32
        %parallel_loop3A_486 = arith.addi %parallel_loop3A_484, %parallel_loop3A_485 : i32
        %parallel_loop3A_487 = arith.index_cast %parallel_loop3A_486 : i32 to index
        %parallel_loop3A_488 = arith.constant 0 : index
        %parallel_loop3A_489 = tpu.vector_load %arg14[%parallel_loop3A_487, %parallel_loop3A_488] {strides = array<i32>} : memref<512x16xi32, #tpu.memory_space<vmem>>, vector<16xi32>,
        %parallel_loop3A_490 = arith.index_cast %parallel_loop3A_486 : i32 to index
        %parallel_loop3A_491 = arith.constant 0 : index
        %parallel_loop3A_492 = tpu.vector_load %arg15[%parallel_loop3A_490, %parallel_loop3A_491] {strides = array<i32>} : memref<512x16xf32, #tpu.memory_space<vmem>>, vector<16xf32>,
        %parallel_loop3A_493 = arith.index_cast %parallel_loop3A_486 : i32 to index
        %parallel_loop3A_494 = arith.constant 0 : index
        %parallel_loop3A_495 = tpu.vector_load %arg16[%parallel_loop3A_493, %parallel_loop3A_494] {strides = array<i32>} : memref<512x16xf32, #tpu.memory_space<vmem>>, vector<16xf32>,
        %parallel_loop3A_496 = arith.addi %parallel_loop3A_489, %mul3A_5 : vector<16xi32>
        %parallel_loop3A_497 = arith.constant 1 : i32
        %parallel_loop3A_498 = vector.broadcast %parallel_loop3A_497 : i32 to vector<16xi32>
        %parallel_loop3A_499 = arith.addi %parallel_loop3A_496, %parallel_loop3A_498 : vector<16xi32>
        %parallel_loop3A_500 = arith.mulf %parallel_loop3A_495, %mul3A_414 : vector<16xf32>
        %parallel_loop3A_501 = arith.mulf %parallel_loop3A_500, %parallel_loop3A_492 : vector<16xf32>
        %parallel_loop3A_502 = arith.subf %parallel_loop3A_500, %parallel_loop3A_501 : vector<16xf32>
        %parallel_loop3A_503 = tpu.pack_subelements %parallel_loop3A_502, %parallel_loop3A_502 {pack_format = #tpu.pack_format<interleaved>, positions = array<i32: 0, 1>} : vector<16xf32>, vector<16xf32> -> vector<32xbf16>
        %parallel_loop3A_504 = tpu.pack_subelements %parallel_loop3A_501, %parallel_loop3A_501 {pack_format = #tpu.pack_format<interleaved>, positions = array<i32: 0, 1>} : vector<16xf32>, vector<16xf32> -> vector<32xbf16>
        %parallel_loop3A_505 = tpu.vector_load_idx %arg9[%parallel_loop3A_496] : memref<16384xi32, #tpu.memory_space<vmem>>[vector<16xi32>], vector<16xi32>,
        %parallel_loop3A_506 = tpu.vector_load_idx %arg9[%parallel_loop3A_499] : memref<16384xi32, #tpu.memory_space<vmem>>[vector<16xi32>], vector<16xi32>,
        %parallel_loop3A_507 = vector.bitcast %parallel_loop3A_505 : vector<16xi32> to vector<32xbf16>
        %parallel_loop3A_508 = vector.bitcast %parallel_loop3A_506 : vector<16xi32> to vector<32xbf16>
        %parallel_loop3A_509 = arith.mulf %parallel_loop3A_503, %parallel_loop3A_507 : vector<32xbf16>
        %parallel_loop3A_510 = arith.mulf %parallel_loop3A_504, %parallel_loop3A_508 : vector<32xbf16>
        %parallel_loop3A_511 = arith.addf %parallel_loop3A_509, %parallel_loop3A_510 : vector<32xbf16>
        %parallel_loop3A_512 = tpu.unpack_subelements %parallel_loop3A_511, 0 {pack_format = #tpu.pack_format<interleaved>} : vector<32xbf16> -> vector<16xf32>
        %parallel_loop3A_513 = tpu.unpack_subelements %parallel_loop3A_511, 1 {pack_format = #tpu.pack_format<interleaved>} : vector<32xbf16> -> vector<16xf32>
        %parallel_loop3A_514 = arith.constant true
        %parallel_loop3A_515 = vector.broadcast %parallel_loop3A_514 : i1 to vector<16xi1>
        %parallel_loop3A_516 = tpu.scan <sum>, %parallel_loop3A_512 masked %parallel_loop3A_515 : vector<16xf32>, vector<16xi1> -> vector<16xf32>
        %parallel_loop3A_517 = vector.extract %parallel_loop3A_516[15] : f32 from vector<16xf32>
        %parallel_loop3A_518 = arith.constant true
        %parallel_loop3A_519 = vector.broadcast %parallel_loop3A_518 : i1 to vector<16xi1>
        %parallel_loop3A_520 = tpu.scan <sum>, %parallel_loop3A_513 masked %parallel_loop3A_519 : vector<16xf32>, vector<16xi1> -> vector<16xf32>
        %parallel_loop3A_521 = vector.extract %parallel_loop3A_520[15] : f32 from vector<16xf32>
        %parallel_loop3A_522 = vector.broadcast %parallel_loop3A_517 : f32 to vector<16xf32>
        %parallel_loop3A_523 = arith.select %eq3A_10, %parallel_loop3A_522, %parallel_loop3A_459 : vector<16xi1>, vector<16xf32>
        %parallel_loop3A_524 = vector.broadcast %parallel_loop3A_521 : f32 to vector<16xf32>
        %parallel_loop3A_525 = arith.select %eq3A_10, %parallel_loop3A_524, %parallel_loop3A_461 : vector<16xi1>, vector<16xf32>
        %parallel_loop3A_526 = tpu.vector_load_idx %arg10[%parallel_loop3A_496] : memref<16384xi32, #tpu.memory_space<vmem>>[vector<16xi32>], vector<16xi32>,
        %parallel_loop3A_527 = tpu.vector_load_idx %arg10[%parallel_loop3A_499] : memref<16384xi32, #tpu.memory_space<vmem>>[vector<16xi32>], vector<16xi32>,
        %parallel_loop3A_528 = vector.bitcast %parallel_loop3A_526 : vector<16xi32> to vector<32xbf16>
        %parallel_loop3A_529 = vector.bitcast %parallel_loop3A_527 : vector<16xi32> to vector<32xbf16>
        %parallel_loop3A_530 = arith.mulf %parallel_loop3A_503, %parallel_loop3A_528 : vector<32xbf16>
        %parallel_loop3A_531 = arith.mulf %parallel_loop3A_504, %parallel_loop3A_529 : vector<32xbf16>
        %parallel_loop3A_532 = arith.addf %parallel_loop3A_530, %parallel_loop3A_531 : vector<32xbf16>
        %parallel_loop3A_533 = tpu.unpack_subelements %parallel_loop3A_532, 0 {pack_format = #tpu.pack_format<interleaved>} : vector<32xbf16> -> vector<16xf32>
        %parallel_loop3A_534 = tpu.unpack_subelements %parallel_loop3A_532, 1 {pack_format = #tpu.pack_format<interleaved>} : vector<32xbf16> -> vector<16xf32>
        %parallel_loop3A_535 = arith.constant true
        %parallel_loop3A_536 = vector.broadcast %parallel_loop3A_535 : i1 to vector<16xi1>
        %parallel_loop3A_537 = tpu.scan <sum>, %parallel_loop3A_533 masked %parallel_loop3A_536 : vector<16xf32>, vector<16xi1> -> vector<16xf32>
        %parallel_loop3A_538 = vector.extract %parallel_loop3A_537[15] : f32 from vector<16xf32>
        %parallel_loop3A_539 = arith.constant true
        %parallel_loop3A_540 = vector.broadcast %parallel_loop3A_539 : i1 to vector<16xi1>
        %parallel_loop3A_541 = tpu.scan <sum>, %parallel_loop3A_534 masked %parallel_loop3A_540 : vector<16xf32>, vector<16xi1> -> vector<16xf32>
        %parallel_loop3A_542 = vector.extract %parallel_loop3A_541[15] : f32 from vector<16xf32>
        %parallel_loop3A_543 = vector.broadcast %parallel_loop3A_538 : f32 to vector<16xf32>
        %parallel_loop3A_544 = arith.select %eq3A_10, %parallel_loop3A_543, %parallel_loop3A_480 : vector<16xi1>, vector<16xf32>
        %parallel_loop3A_545 = vector.broadcast %parallel_loop3A_542 : f32 to vector<16xf32>
        %parallel_loop3A_546 = arith.select %eq3A_10, %parallel_loop3A_545, %parallel_loop3A_482 : vector<16xi1>, vector<16xf32>
        %parallel_loop3A_547 = arith.constant 16 : i32
        %parallel_loop3A_548 = arith.muli %parallel_loop3A_418, %parallel_loop3A_547 : i32
        %parallel_loop3A_549 = arith.constant 2 : i32
        %parallel_loop3A_550 = arith.addi %parallel_loop3A_548, %parallel_loop3A_549 : i32
        %parallel_loop3A_551 = arith.index_cast %parallel_loop3A_550 : i32 to index
        %parallel_loop3A_552 = arith.constant 0 : index
        %parallel_loop3A_553 = tpu.vector_load %arg14[%parallel_loop3A_551, %parallel_loop3A_552] {strides = array<i32>} : memref<512x16xi32, #tpu.memory_space<vmem>>, vector<16xi32>,
        %parallel_loop3A_554 = arith.index_cast %parallel_loop3A_550 : i32 to index
        %parallel_loop3A_555 = arith.constant 0 : index
        %parallel_loop3A_556 = tpu.vector_load %arg15[%parallel_loop3A_554, %parallel_loop3A_555] {strides = array<i32>} : memref<512x16xf32, #tpu.memory_space<vmem>>, vector<16xf32>,
        %parallel_loop3A_557 = arith.index_cast %parallel_loop3A_550 : i32 to index
        %parallel_loop3A_558 = arith.constant 0 : index
        %parallel_loop3A_559 = tpu.vector_load %arg16[%parallel_loop3A_557, %parallel_loop3A_558] {strides = array<i32>} : memref<512x16xf32, #tpu.memory_space<vmem>>, vector<16xf32>,
        %parallel_loop3A_560 = arith.addi %parallel_loop3A_553, %mul3A_5 : vector<16xi32>
        %parallel_loop3A_561 = arith.constant 1 : i32
        %parallel_loop3A_562 = vector.broadcast %parallel_loop3A_561 : i32 to vector<16xi32>
        %parallel_loop3A_563 = arith.addi %parallel_loop3A_560, %parallel_loop3A_562 : vector<16xi32>
        %parallel_loop3A_564 = arith.mulf %parallel_loop3A_559, %mul3A_414 : vector<16xf32>
        %parallel_loop3A_565 = arith.mulf %parallel_loop3A_564, %parallel_loop3A_556 : vector<16xf32>
        %parallel_loop3A_566 = arith.subf %parallel_loop3A_564, %parallel_loop3A_565 : vector<16xf32>
        %parallel_loop3A_567 = tpu.pack_subelements %parallel_loop3A_566, %parallel_loop3A_566 {pack_format = #tpu.pack_format<interleaved>, positions = array<i32: 0, 1>} : vector<16xf32>, vector<16xf32> -> vector<32xbf16>
        %parallel_loop3A_568 = tpu.pack_subelements %parallel_loop3A_565, %parallel_loop3A_565 {pack_format = #tpu.pack_format<interleaved>, positions = array<i32: 0, 1>} : vector<16xf32>, vector<16xf32> -> vector<32xbf16>
        %parallel_loop3A_569 = tpu.vector_load_idx %arg9[%parallel_loop3A_560] : memref<16384xi32, #tpu.memory_space<vmem>>[vector<16xi32>], vector<16xi32>,
        %parallel_loop3A_570 = tpu.vector_load_idx %arg9[%parallel_loop3A_563] : memref<16384xi32, #tpu.memory_space<vmem>>[vector<16xi32>], vector<16xi32>,
        %parallel_loop3A_571 = vector.bitcast %parallel_loop3A_569 : vector<16xi32> to vector<32xbf16>
        %parallel_loop3A_572 = vector.bitcast %parallel_loop3A_570 : vector<16xi32> to vector<32xbf16>
        %parallel_loop3A_573 = arith.mulf %parallel_loop3A_567, %parallel_loop3A_571 : vector<32xbf16>
        %parallel_loop3A_574 = arith.mulf %parallel_loop3A_568, %parallel_loop3A_572 : vector<32xbf16>
        %parallel_loop3A_575 = arith.addf %parallel_loop3A_573, %parallel_loop3A_574 : vector<32xbf16>
        %parallel_loop3A_576 = tpu.unpack_subelements %parallel_loop3A_575, 0 {pack_format = #tpu.pack_format<interleaved>} : vector<32xbf16> -> vector<16xf32>
        %parallel_loop3A_577 = tpu.unpack_subelements %parallel_loop3A_575, 1 {pack_format = #tpu.pack_format<interleaved>} : vector<32xbf16> -> vector<16xf32>
        %parallel_loop3A_578 = arith.constant true
        %parallel_loop3A_579 = vector.broadcast %parallel_loop3A_578 : i1 to vector<16xi1>
        %parallel_loop3A_580 = tpu.scan <sum>, %parallel_loop3A_576 masked %parallel_loop3A_579 : vector<16xf32>, vector<16xi1> -> vector<16xf32>
        %parallel_loop3A_581 = vector.extract %parallel_loop3A_580[15] : f32 from vector<16xf32>
        %parallel_loop3A_582 = arith.constant true
        %parallel_loop3A_583 = vector.broadcast %parallel_loop3A_582 : i1 to vector<16xi1>
        %parallel_loop3A_584 = tpu.scan <sum>, %parallel_loop3A_577 masked %parallel_loop3A_583 : vector<16xf32>, vector<16xi1> -> vector<16xf32>
        %parallel_loop3A_585 = vector.extract %parallel_loop3A_584[15] : f32 from vector<16xf32>
        %parallel_loop3A_586 = vector.broadcast %parallel_loop3A_581 : f32 to vector<16xf32>
        %parallel_loop3A_587 = arith.select %eq3A_13, %parallel_loop3A_586, %parallel_loop3A_523 : vector<16xi1>, vector<16xf32>
        %parallel_loop3A_588 = vector.broadcast %parallel_loop3A_585 : f32 to vector<16xf32>
        %parallel_loop3A_589 = arith.select %eq3A_13, %parallel_loop3A_588, %parallel_loop3A_525 : vector<16xi1>, vector<16xf32>
        %parallel_loop3A_590 = tpu.vector_load_idx %arg10[%parallel_loop3A_560] : memref<16384xi32, #tpu.memory_space<vmem>>[vector<16xi32>], vector<16xi32>,
        %parallel_loop3A_591 = tpu.vector_load_idx %arg10[%parallel_loop3A_563] : memref<16384xi32, #tpu.memory_space<vmem>>[vector<16xi32>], vector<16xi32>,
        %parallel_loop3A_592 = vector.bitcast %parallel_loop3A_590 : vector<16xi32> to vector<32xbf16>
        %parallel_loop3A_593 = vector.bitcast %parallel_loop3A_591 : vector<16xi32> to vector<32xbf16>
        %parallel_loop3A_594 = arith.mulf %parallel_loop3A_567, %parallel_loop3A_592 : vector<32xbf16>
        %parallel_loop3A_595 = arith.mulf %parallel_loop3A_568, %parallel_loop3A_593 : vector<32xbf16>
        %parallel_loop3A_596 = arith.addf %parallel_loop3A_594, %parallel_loop3A_595 : vector<32xbf16>
        %parallel_loop3A_597 = tpu.unpack_subelements %parallel_loop3A_596, 0 {pack_format = #tpu.pack_format<interleaved>} : vector<32xbf16> -> vector<16xf32>
        %parallel_loop3A_598 = tpu.unpack_subelements %parallel_loop3A_596, 1 {pack_format = #tpu.pack_format<interleaved>} : vector<32xbf16> -> vector<16xf32>
        %parallel_loop3A_599 = arith.constant true
        %parallel_loop3A_600 = vector.broadcast %parallel_loop3A_599 : i1 to vector<16xi1>
        %parallel_loop3A_601 = tpu.scan <sum>, %parallel_loop3A_597 masked %parallel_loop3A_600 : vector<16xf32>, vector<16xi1> -> vector<16xf32>
        %parallel_loop3A_602 = vector.extract %parallel_loop3A_601[15] : f32 from vector<16xf32>
        %parallel_loop3A_603 = arith.constant true
        %parallel_loop3A_604 = vector.broadcast %parallel_loop3A_603 : i1 to vector<16xi1>
        %parallel_loop3A_605 = tpu.scan <sum>, %parallel_loop3A_598 masked %parallel_loop3A_604 : vector<16xf32>, vector<16xi1> -> vector<16xf32>
        %parallel_loop3A_606 = vector.extract %parallel_loop3A_605[15] : f32 from vector<16xf32>
        %parallel_loop3A_607 = vector.broadcast %parallel_loop3A_602 : f32 to vector<16xf32>
        %parallel_loop3A_608 = arith.select %eq3A_13, %parallel_loop3A_607, %parallel_loop3A_544 : vector<16xi1>, vector<16xf32>
        %parallel_loop3A_609 = vector.broadcast %parallel_loop3A_606 : f32 to vector<16xf32>
        %parallel_loop3A_610 = arith.select %eq3A_13, %parallel_loop3A_609, %parallel_loop3A_546 : vector<16xi1>, vector<16xf32>
        %parallel_loop3A_611 = arith.constant 16 : i32
        %parallel_loop3A_612 = arith.muli %parallel_loop3A_418, %parallel_loop3A_611 : i32
        %parallel_loop3A_613 = arith.constant 3 : i32
        %parallel_loop3A_614 = arith.addi %parallel_loop3A_612, %parallel_loop3A_613 : i32
        %parallel_loop3A_615 = arith.index_cast %parallel_loop3A_614 : i32 to index
        %parallel_loop3A_616 = arith.constant 0 : index
        %parallel_loop3A_617 = tpu.vector_load %arg14[%parallel_loop3A_615, %parallel_loop3A_616] {strides = array<i32>} : memref<512x16xi32, #tpu.memory_space<vmem>>, vector<16xi32>,
        %parallel_loop3A_618 = arith.index_cast %parallel_loop3A_614 : i32 to index
        %parallel_loop3A_619 = arith.constant 0 : index
        %parallel_loop3A_620 = tpu.vector_load %arg15[%parallel_loop3A_618, %parallel_loop3A_619] {strides = array<i32>} : memref<512x16xf32, #tpu.memory_space<vmem>>, vector<16xf32>,
        %parallel_loop3A_621 = arith.index_cast %parallel_loop3A_614 : i32 to index
        %parallel_loop3A_622 = arith.constant 0 : index
        %parallel_loop3A_623 = tpu.vector_load %arg16[%parallel_loop3A_621, %parallel_loop3A_622] {strides = array<i32>} : memref<512x16xf32, #tpu.memory_space<vmem>>, vector<16xf32>,
        %parallel_loop3A_624 = arith.addi %parallel_loop3A_617, %mul3A_5 : vector<16xi32>
        %parallel_loop3A_625 = arith.constant 1 : i32
        %parallel_loop3A_626 = vector.broadcast %parallel_loop3A_625 : i32 to vector<16xi32>
        %parallel_loop3A_627 = arith.addi %parallel_loop3A_624, %parallel_loop3A_626 : vector<16xi32>
        %parallel_loop3A_628 = arith.mulf %parallel_loop3A_623, %mul3A_414 : vector<16xf32>
        %parallel_loop3A_629 = arith.mulf %parallel_loop3A_628, %parallel_loop3A_620 : vector<16xf32>
        %parallel_loop3A_630 = arith.subf %parallel_loop3A_628, %parallel_loop3A_629 : vector<16xf32>
        %parallel_loop3A_631 = tpu.pack_subelements %parallel_loop3A_630, %parallel_loop3A_630 {pack_format = #tpu.pack_format<interleaved>, positions = array<i32: 0, 1>} : vector<16xf32>, vector<16xf32> -> vector<32xbf16>
        %parallel_loop3A_632 = tpu.pack_subelements %parallel_loop3A_629, %parallel_loop3A_629 {pack_format = #tpu.pack_format<interleaved>, positions = array<i32: 0, 1>} : vector<16xf32>, vector<16xf32> -> vector<32xbf16>
        %parallel_loop3A_633 = tpu.vector_load_idx %arg9[%parallel_loop3A_624] : memref<16384xi32, #tpu.memory_space<vmem>>[vector<16xi32>], vector<16xi32>,
        %parallel_loop3A_634 = tpu.vector_load_idx %arg9[%parallel_loop3A_627] : memref<16384xi32, #tpu.memory_space<vmem>>[vector<16xi32>], vector<16xi32>,
        %parallel_loop3A_635 = vector.bitcast %parallel_loop3A_633 : vector<16xi32> to vector<32xbf16>
        %parallel_loop3A_636 = vector.bitcast %parallel_loop3A_634 : vector<16xi32> to vector<32xbf16>
        %parallel_loop3A_637 = arith.mulf %parallel_loop3A_631, %parallel_loop3A_635 : vector<32xbf16>
        %parallel_loop3A_638 = arith.mulf %parallel_loop3A_632, %parallel_loop3A_636 : vector<32xbf16>
        %parallel_loop3A_639 = arith.addf %parallel_loop3A_637, %parallel_loop3A_638 : vector<32xbf16>
        %parallel_loop3A_640 = tpu.unpack_subelements %parallel_loop3A_639, 0 {pack_format = #tpu.pack_format<interleaved>} : vector<32xbf16> -> vector<16xf32>
        %parallel_loop3A_641 = tpu.unpack_subelements %parallel_loop3A_639, 1 {pack_format = #tpu.pack_format<interleaved>} : vector<32xbf16> -> vector<16xf32>
        %parallel_loop3A_642 = arith.constant true
        %parallel_loop3A_643 = vector.broadcast %parallel_loop3A_642 : i1 to vector<16xi1>
        %parallel_loop3A_644 = tpu.scan <sum>, %parallel_loop3A_640 masked %parallel_loop3A_643 : vector<16xf32>, vector<16xi1> -> vector<16xf32>
        %parallel_loop3A_645 = vector.extract %parallel_loop3A_644[15] : f32 from vector<16xf32>
        %parallel_loop3A_646 = arith.constant true
        %parallel_loop3A_647 = vector.broadcast %parallel_loop3A_646 : i1 to vector<16xi1>
        %parallel_loop3A_648 = tpu.scan <sum>, %parallel_loop3A_641 masked %parallel_loop3A_647 : vector<16xf32>, vector<16xi1> -> vector<16xf32>
        %parallel_loop3A_649 = vector.extract %parallel_loop3A_648[15] : f32 from vector<16xf32>
        %parallel_loop3A_650 = vector.broadcast %parallel_loop3A_645 : f32 to vector<16xf32>
        %parallel_loop3A_651 = arith.select %eq3A_16, %parallel_loop3A_650, %parallel_loop3A_587 : vector<16xi1>, vector<16xf32>
        %parallel_loop3A_652 = vector.broadcast %parallel_loop3A_649 : f32 to vector<16xf32>
        %parallel_loop3A_653 = arith.select %eq3A_16, %parallel_loop3A_652, %parallel_loop3A_589 : vector<16xi1>, vector<16xf32>
        %parallel_loop3A_654 = tpu.vector_load_idx %arg10[%parallel_loop3A_624] : memref<16384xi32, #tpu.memory_space<vmem>>[vector<16xi32>], vector<16xi32>,
        %parallel_loop3A_655 = tpu.vector_load_idx %arg10[%parallel_loop3A_627] : memref<16384xi32, #tpu.memory_space<vmem>>[vector<16xi32>], vector<16xi32>,
        %parallel_loop3A_656 = vector.bitcast %parallel_loop3A_654 : vector<16xi32> to vector<32xbf16>
        %parallel_loop3A_657 = vector.bitcast %parallel_loop3A_655 : vector<16xi32> to vector<32xbf16>
        %parallel_loop3A_658 = arith.mulf %parallel_loop3A_631, %parallel_loop3A_656 : vector<32xbf16>
        %parallel_loop3A_659 = arith.mulf %parallel_loop3A_632, %parallel_loop3A_657 : vector<32xbf16>
        %parallel_loop3A_660 = arith.addf %parallel_loop3A_658, %parallel_loop3A_659 : vector<32xbf16>
        %parallel_loop3A_661 = tpu.unpack_subelements %parallel_loop3A_660, 0 {pack_format = #tpu.pack_format<interleaved>} : vector<32xbf16> -> vector<16xf32>
        %parallel_loop3A_662 = tpu.unpack_subelements %parallel_loop3A_660, 1 {pack_format = #tpu.pack_format<interleaved>} : vector<32xbf16> -> vector<16xf32>
        %parallel_loop3A_663 = arith.constant true
        %parallel_loop3A_664 = vector.broadcast %parallel_loop3A_663 : i1 to vector<16xi1>
        %parallel_loop3A_665 = tpu.scan <sum>, %parallel_loop3A_661 masked %parallel_loop3A_664 : vector<16xf32>, vector<16xi1> -> vector<16xf32>
        %parallel_loop3A_666 = vector.extract %parallel_loop3A_665[15] : f32 from vector<16xf32>
        %parallel_loop3A_667 = arith.constant true
        %parallel_loop3A_668 = vector.broadcast %parallel_loop3A_667 : i1 to vector<16xi1>
        %parallel_loop3A_669 = tpu.scan <sum>, %parallel_loop3A_662 masked %parallel_loop3A_668 : vector<16xf32>, vector<16xi1> -> vector<16xf32>
        %parallel_loop3A_670 = vector.extract %parallel_loop3A_669[15] : f32 from vector<16xf32>
        %parallel_loop3A_671 = vector.broadcast %parallel_loop3A_666 : f32 to vector<16xf32>
        %parallel_loop3A_672 = arith.select %eq3A_16, %parallel_loop3A_671, %parallel_loop3A_608 : vector<16xi1>, vector<16xf32>
        %parallel_loop3A_673 = vector.broadcast %parallel_loop3A_670 : f32 to vector<16xf32>
        %parallel_loop3A_674 = arith.select %eq3A_16, %parallel_loop3A_673, %parallel_loop3A_610 : vector<16xi1>, vector<16xf32>
        %parallel_loop3A_675 = arith.constant 16 : i32
        %parallel_loop3A_676 = arith.muli %parallel_loop3A_418, %parallel_loop3A_675 : i32
        %parallel_loop3A_677 = arith.constant 4 : i32
        %parallel_loop3A_678 = arith.addi %parallel_loop3A_676, %parallel_loop3A_677 : i32
        %parallel_loop3A_679 = arith.index_cast %parallel_loop3A_678 : i32 to index
        %parallel_loop3A_680 = arith.constant 0 : index
        %parallel_loop3A_681 = tpu.vector_load %arg14[%parallel_loop3A_679, %parallel_loop3A_680] {strides = array<i32>} : memref<512x16xi32, #tpu.memory_space<vmem>>, vector<16xi32>,
        %parallel_loop3A_682 = arith.index_cast %parallel_loop3A_678 : i32 to index
        %parallel_loop3A_683 = arith.constant 0 : index
        %parallel_loop3A_684 = tpu.vector_load %arg15[%parallel_loop3A_682, %parallel_loop3A_683] {strides = array<i32>} : memref<512x16xf32, #tpu.memory_space<vmem>>, vector<16xf32>,
        %parallel_loop3A_685 = arith.index_cast %parallel_loop3A_678 : i32 to index
        %parallel_loop3A_686 = arith.constant 0 : index
        %parallel_loop3A_687 = tpu.vector_load %arg16[%parallel_loop3A_685, %parallel_loop3A_686] {strides = array<i32>} : memref<512x16xf32, #tpu.memory_space<vmem>>, vector<16xf32>,
        %parallel_loop3A_688 = arith.addi %parallel_loop3A_681, %mul3A_5 : vector<16xi32>
        %parallel_loop3A_689 = arith.constant 1 : i32
        %parallel_loop3A_690 = vector.broadcast %parallel_loop3A_689 : i32 to vector<16xi32>
        %parallel_loop3A_691 = arith.addi %parallel_loop3A_688, %parallel_loop3A_690 : vector<16xi32>
        %parallel_loop3A_692 = arith.mulf %parallel_loop3A_687, %mul3A_414 : vector<16xf32>
        %parallel_loop3A_693 = arith.mulf %parallel_loop3A_692, %parallel_loop3A_684 : vector<16xf32>
        %parallel_loop3A_694 = arith.subf %parallel_loop3A_692, %parallel_loop3A_693 : vector<16xf32>
        %parallel_loop3A_695 = tpu.pack_subelements %parallel_loop3A_694, %parallel_loop3A_694 {pack_format = #tpu.pack_format<interleaved>, positions = array<i32: 0, 1>} : vector<16xf32>, vector<16xf32> -> vector<32xbf16>
        %parallel_loop3A_696 = tpu.pack_subelements %parallel_loop3A_693, %parallel_loop3A_693 {pack_format = #tpu.pack_format<interleaved>, positions = array<i32: 0, 1>} : vector<16xf32>, vector<16xf32> -> vector<32xbf16>
        %parallel_loop3A_697 = tpu.vector_load_idx %arg9[%parallel_loop3A_688] : memref<16384xi32, #tpu.memory_space<vmem>>[vector<16xi32>], vector<16xi32>,
        %parallel_loop3A_698 = tpu.vector_load_idx %arg9[%parallel_loop3A_691] : memref<16384xi32, #tpu.memory_space<vmem>>[vector<16xi32>], vector<16xi32>,
        %parallel_loop3A_699 = vector.bitcast %parallel_loop3A_697 : vector<16xi32> to vector<32xbf16>
        %parallel_loop3A_700 = vector.bitcast %parallel_loop3A_698 : vector<16xi32> to vector<32xbf16>
        %parallel_loop3A_701 = arith.mulf %parallel_loop3A_695, %parallel_loop3A_699 : vector<32xbf16>
        %parallel_loop3A_702 = arith.mulf %parallel_loop3A_696, %parallel_loop3A_700 : vector<32xbf16>
        %parallel_loop3A_703 = arith.addf %parallel_loop3A_701, %parallel_loop3A_702 : vector<32xbf16>
        %parallel_loop3A_704 = tpu.unpack_subelements %parallel_loop3A_703, 0 {pack_format = #tpu.pack_format<interleaved>} : vector<32xbf16> -> vector<16xf32>
        %parallel_loop3A_705 = tpu.unpack_subelements %parallel_loop3A_703, 1 {pack_format = #tpu.pack_format<interleaved>} : vector<32xbf16> -> vector<16xf32>
        %parallel_loop3A_706 = arith.constant true
        %parallel_loop3A_707 = vector.broadcast %parallel_loop3A_706 : i1 to vector<16xi1>
        %parallel_loop3A_708 = tpu.scan <sum>, %parallel_loop3A_704 masked %parallel_loop3A_707 : vector<16xf32>, vector<16xi1> -> vector<16xf32>
        %parallel_loop3A_709 = vector.extract %parallel_loop3A_708[15] : f32 from vector<16xf32>
        %parallel_loop3A_710 = arith.constant true
        %parallel_loop3A_711 = vector.broadcast %parallel_loop3A_710 : i1 to vector<16xi1>
        %parallel_loop3A_712 = tpu.scan <sum>, %parallel_loop3A_705 masked %parallel_loop3A_711 : vector<16xf32>, vector<16xi1> -> vector<16xf32>
        %parallel_loop3A_713 = vector.extract %parallel_loop3A_712[15] : f32 from vector<16xf32>
        %parallel_loop3A_714 = vector.broadcast %parallel_loop3A_709 : f32 to vector<16xf32>
        %parallel_loop3A_715 = arith.select %eq3A_19, %parallel_loop3A_714, %parallel_loop3A_651 : vector<16xi1>, vector<16xf32>
        %parallel_loop3A_716 = vector.broadcast %parallel_loop3A_713 : f32 to vector<16xf32>
        %parallel_loop3A_717 = arith.select %eq3A_19, %parallel_loop3A_716, %parallel_loop3A_653 : vector<16xi1>, vector<16xf32>
        %parallel_loop3A_718 = tpu.vector_load_idx %arg10[%parallel_loop3A_688] : memref<16384xi32, #tpu.memory_space<vmem>>[vector<16xi32>], vector<16xi32>,
        %parallel_loop3A_719 = tpu.vector_load_idx %arg10[%parallel_loop3A_691] : memref<16384xi32, #tpu.memory_space<vmem>>[vector<16xi32>], vector<16xi32>,
        %parallel_loop3A_720 = vector.bitcast %parallel_loop3A_718 : vector<16xi32> to vector<32xbf16>
        %parallel_loop3A_721 = vector.bitcast %parallel_loop3A_719 : vector<16xi32> to vector<32xbf16>
        %parallel_loop3A_722 = arith.mulf %parallel_loop3A_695, %parallel_loop3A_720 : vector<32xbf16>
        %parallel_loop3A_723 = arith.mulf %parallel_loop3A_696, %parallel_loop3A_721 : vector<32xbf16>
        %parallel_loop3A_724 = arith.addf %parallel_loop3A_722, %parallel_loop3A_723 : vector<32xbf16>
        %parallel_loop3A_725 = tpu.unpack_subelements %parallel_loop3A_724, 0 {pack_format = #tpu.pack_format<interleaved>} : vector<32xbf16> -> vector<16xf32>
        %parallel_loop3A_726 = tpu.unpack_subelements %parallel_loop3A_724, 1 {pack_format = #tpu.pack_format<interleaved>} : vector<32xbf16> -> vector<16xf32>
        %parallel_loop3A_727 = arith.constant true
        %parallel_loop3A_728 = vector.broadcast %parallel_loop3A_727 : i1 to vector<16xi1>
        %parallel_loop3A_729 = tpu.scan <sum>, %parallel_loop3A_725 masked %parallel_loop3A_728 : vector<16xf32>, vector<16xi1> -> vector<16xf32>
        %parallel_loop3A_730 = vector.extract %parallel_loop3A_729[15] : f32 from vector<16xf32>
        %parallel_loop3A_731 = arith.constant true
        %parallel_loop3A_732 = vector.broadcast %parallel_loop3A_731 : i1 to vector<16xi1>
        %parallel_loop3A_733 = tpu.scan <sum>, %parallel_loop3A_726 masked %parallel_loop3A_732 : vector<16xf32>, vector<16xi1> -> vector<16xf32>
        %parallel_loop3A_734 = vector.extract %parallel_loop3A_733[15] : f32 from vector<16xf32>
        %parallel_loop3A_735 = vector.broadcast %parallel_loop3A_730 : f32 to vector<16xf32>
        %parallel_loop3A_736 = arith.select %eq3A_19, %parallel_loop3A_735, %parallel_loop3A_672 : vector<16xi1>, vector<16xf32>
        %parallel_loop3A_737 = vector.broadcast %parallel_loop3A_734 : f32 to vector<16xf32>
        %parallel_loop3A_738 = arith.select %eq3A_19, %parallel_loop3A_737, %parallel_loop3A_674 : vector<16xi1>, vector<16xf32>
        %parallel_loop3A_739 = arith.constant 16 : i32
        %parallel_loop3A_740 = arith.muli %parallel_loop3A_418, %parallel_loop3A_739 : i32
        %parallel_loop3A_741 = arith.constant 5 : i32
        %parallel_loop3A_742 = arith.addi %parallel_loop3A_740, %parallel_loop3A_741 : i32
        %parallel_loop3A_743 = arith.index_cast %parallel_loop3A_742 : i32 to index
        %parallel_loop3A_744 = arith.constant 0 : index
        %parallel_loop3A_745 = tpu.vector_load %arg14[%parallel_loop3A_743, %parallel_loop3A_744] {strides = array<i32>} : memref<512x16xi32, #tpu.memory_space<vmem>>, vector<16xi32>,
        %parallel_loop3A_746 = arith.index_cast %parallel_loop3A_742 : i32 to index
        %parallel_loop3A_747 = arith.constant 0 : index
        %parallel_loop3A_748 = tpu.vector_load %arg15[%parallel_loop3A_746, %parallel_loop3A_747] {strides = array<i32>} : memref<512x16xf32, #tpu.memory_space<vmem>>, vector<16xf32>,
        %parallel_loop3A_749 = arith.index_cast %parallel_loop3A_742 : i32 to index
        %parallel_loop3A_750 = arith.constant 0 : index
        %parallel_loop3A_751 = tpu.vector_load %arg16[%parallel_loop3A_749, %parallel_loop3A_750] {strides = array<i32>} : memref<512x16xf32, #tpu.memory_space<vmem>>, vector<16xf32>,
        %parallel_loop3A_752 = arith.addi %parallel_loop3A_745, %mul3A_5 : vector<16xi32>
        %parallel_loop3A_753 = arith.constant 1 : i32
        %parallel_loop3A_754 = vector.broadcast %parallel_loop3A_753 : i32 to vector<16xi32>
        %parallel_loop3A_755 = arith.addi %parallel_loop3A_752, %parallel_loop3A_754 : vector<16xi32>
        %parallel_loop3A_756 = arith.mulf %parallel_loop3A_751, %mul3A_414 : vector<16xf32>
        %parallel_loop3A_757 = arith.mulf %parallel_loop3A_756, %parallel_loop3A_748 : vector<16xf32>
        %parallel_loop3A_758 = arith.subf %parallel_loop3A_756, %parallel_loop3A_757 : vector<16xf32>
        %parallel_loop3A_759 = tpu.pack_subelements %parallel_loop3A_758, %parallel_loop3A_758 {pack_format = #tpu.pack_format<interleaved>, positions = array<i32: 0, 1>} : vector<16xf32>, vector<16xf32> -> vector<32xbf16>
        %parallel_loop3A_760 = tpu.pack_subelements %parallel_loop3A_757, %parallel_loop3A_757 {pack_format = #tpu.pack_format<interleaved>, positions = array<i32: 0, 1>} : vector<16xf32>, vector<16xf32> -> vector<32xbf16>
        %parallel_loop3A_761 = tpu.vector_load_idx %arg9[%parallel_loop3A_752] : memref<16384xi32, #tpu.memory_space<vmem>>[vector<16xi32>], vector<16xi32>,
        %parallel_loop3A_762 = tpu.vector_load_idx %arg9[%parallel_loop3A_755] : memref<16384xi32, #tpu.memory_space<vmem>>[vector<16xi32>], vector<16xi32>,
        %parallel_loop3A_763 = vector.bitcast %parallel_loop3A_761 : vector<16xi32> to vector<32xbf16>
        %parallel_loop3A_764 = vector.bitcast %parallel_loop3A_762 : vector<16xi32> to vector<32xbf16>
        %parallel_loop3A_765 = arith.mulf %parallel_loop3A_759, %parallel_loop3A_763 : vector<32xbf16>
        %parallel_loop3A_766 = arith.mulf %parallel_loop3A_760, %parallel_loop3A_764 : vector<32xbf16>
        %parallel_loop3A_767 = arith.addf %parallel_loop3A_765, %parallel_loop3A_766 : vector<32xbf16>
        %parallel_loop3A_768 = tpu.unpack_subelements %parallel_loop3A_767, 0 {pack_format = #tpu.pack_format<interleaved>} : vector<32xbf16> -> vector<16xf32>
        %parallel_loop3A_769 = tpu.unpack_subelements %parallel_loop3A_767, 1 {pack_format = #tpu.pack_format<interleaved>} : vector<32xbf16> -> vector<16xf32>
        %parallel_loop3A_770 = arith.constant true
        %parallel_loop3A_771 = vector.broadcast %parallel_loop3A_770 : i1 to vector<16xi1>
        %parallel_loop3A_772 = tpu.scan <sum>, %parallel_loop3A_768 masked %parallel_loop3A_771 : vector<16xf32>, vector<16xi1> -> vector<16xf32>
        %parallel_loop3A_773 = vector.extract %parallel_loop3A_772[15] : f32 from vector<16xf32>
        %parallel_loop3A_774 = arith.constant true
        %parallel_loop3A_775 = vector.broadcast %parallel_loop3A_774 : i1 to vector<16xi1>
        %parallel_loop3A_776 = tpu.scan <sum>, %parallel_loop3A_769 masked %parallel_loop3A_775 : vector<16xf32>, vector<16xi1> -> vector<16xf32>
        %parallel_loop3A_777 = vector.extract %parallel_loop3A_776[15] : f32 from vector<16xf32>
        %parallel_loop3A_778 = vector.broadcast %parallel_loop3A_773 : f32 to vector<16xf32>
        %parallel_loop3A_779 = arith.select %eq3A_22, %parallel_loop3A_778, %parallel_loop3A_715 : vector<16xi1>, vector<16xf32>
        %parallel_loop3A_780 = vector.broadcast %parallel_loop3A_777 : f32 to vector<16xf32>
        %parallel_loop3A_781 = arith.select %eq3A_22, %parallel_loop3A_780, %parallel_loop3A_717 : vector<16xi1>, vector<16xf32>
        %parallel_loop3A_782 = tpu.vector_load_idx %arg10[%parallel_loop3A_752] : memref<16384xi32, #tpu.memory_space<vmem>>[vector<16xi32>], vector<16xi32>,
        %parallel_loop3A_783 = tpu.vector_load_idx %arg10[%parallel_loop3A_755] : memref<16384xi32, #tpu.memory_space<vmem>>[vector<16xi32>], vector<16xi32>,
        %parallel_loop3A_784 = vector.bitcast %parallel_loop3A_782 : vector<16xi32> to vector<32xbf16>
        %parallel_loop3A_785 = vector.bitcast %parallel_loop3A_783 : vector<16xi32> to vector<32xbf16>
        %parallel_loop3A_786 = arith.mulf %parallel_loop3A_759, %parallel_loop3A_784 : vector<32xbf16>
        %parallel_loop3A_787 = arith.mulf %parallel_loop3A_760, %parallel_loop3A_785 : vector<32xbf16>
        %parallel_loop3A_788 = arith.addf %parallel_loop3A_786, %parallel_loop3A_787 : vector<32xbf16>
        %parallel_loop3A_789 = tpu.unpack_subelements %parallel_loop3A_788, 0 {pack_format = #tpu.pack_format<interleaved>} : vector<32xbf16> -> vector<16xf32>
        %parallel_loop3A_790 = tpu.unpack_subelements %parallel_loop3A_788, 1 {pack_format = #tpu.pack_format<interleaved>} : vector<32xbf16> -> vector<16xf32>
        %parallel_loop3A_791 = arith.constant true
        %parallel_loop3A_792 = vector.broadcast %parallel_loop3A_791 : i1 to vector<16xi1>
        %parallel_loop3A_793 = tpu.scan <sum>, %parallel_loop3A_789 masked %parallel_loop3A_792 : vector<16xf32>, vector<16xi1> -> vector<16xf32>
        %parallel_loop3A_794 = vector.extract %parallel_loop3A_793[15] : f32 from vector<16xf32>
        %parallel_loop3A_795 = arith.constant true
        %parallel_loop3A_796 = vector.broadcast %parallel_loop3A_795 : i1 to vector<16xi1>
        %parallel_loop3A_797 = tpu.scan <sum>, %parallel_loop3A_790 masked %parallel_loop3A_796 : vector<16xf32>, vector<16xi1> -> vector<16xf32>
        %parallel_loop3A_798 = vector.extract %parallel_loop3A_797[15] : f32 from vector<16xf32>
        %parallel_loop3A_799 = vector.broadcast %parallel_loop3A_794 : f32 to vector<16xf32>
        %parallel_loop3A_800 = arith.select %eq3A_22, %parallel_loop3A_799, %parallel_loop3A_736 : vector<16xi1>, vector<16xf32>
        %parallel_loop3A_801 = vector.broadcast %parallel_loop3A_798 : f32 to vector<16xf32>
        %parallel_loop3A_802 = arith.select %eq3A_22, %parallel_loop3A_801, %parallel_loop3A_738 : vector<16xi1>, vector<16xf32>
        %parallel_loop3A_803 = arith.constant 16 : i32
        %parallel_loop3A_804 = arith.muli %parallel_loop3A_418, %parallel_loop3A_803 : i32
        %parallel_loop3A_805 = arith.constant 6 : i32
        %parallel_loop3A_806 = arith.addi %parallel_loop3A_804, %parallel_loop3A_805 : i32
        %parallel_loop3A_807 = arith.index_cast %parallel_loop3A_806 : i32 to index
        %parallel_loop3A_808 = arith.constant 0 : index
        %parallel_loop3A_809 = tpu.vector_load %arg14[%parallel_loop3A_807, %parallel_loop3A_808] {strides = array<i32>} : memref<512x16xi32, #tpu.memory_space<vmem>>, vector<16xi32>,
        %parallel_loop3A_810 = arith.index_cast %parallel_loop3A_806 : i32 to index
        %parallel_loop3A_811 = arith.constant 0 : index
        %parallel_loop3A_812 = tpu.vector_load %arg15[%parallel_loop3A_810, %parallel_loop3A_811] {strides = array<i32>} : memref<512x16xf32, #tpu.memory_space<vmem>>, vector<16xf32>,
        %parallel_loop3A_813 = arith.index_cast %parallel_loop3A_806 : i32 to index
        %parallel_loop3A_814 = arith.constant 0 : index
        %parallel_loop3A_815 = tpu.vector_load %arg16[%parallel_loop3A_813, %parallel_loop3A_814] {strides = array<i32>} : memref<512x16xf32, #tpu.memory_space<vmem>>, vector<16xf32>,
        %parallel_loop3A_816 = arith.addi %parallel_loop3A_809, %mul3A_5 : vector<16xi32>
        %parallel_loop3A_817 = arith.constant 1 : i32
        %parallel_loop3A_818 = vector.broadcast %parallel_loop3A_817 : i32 to vector<16xi32>
        %parallel_loop3A_819 = arith.addi %parallel_loop3A_816, %parallel_loop3A_818 : vector<16xi32>
        %parallel_loop3A_820 = arith.mulf %parallel_loop3A_815, %mul3A_414 : vector<16xf32>
        %parallel_loop3A_821 = arith.mulf %parallel_loop3A_820, %parallel_loop3A_812 : vector<16xf32>
        %parallel_loop3A_822 = arith.subf %parallel_loop3A_820, %parallel_loop3A_821 : vector<16xf32>
        %parallel_loop3A_823 = tpu.pack_subelements %parallel_loop3A_822, %parallel_loop3A_822 {pack_format = #tpu.pack_format<interleaved>, positions = array<i32: 0, 1>} : vector<16xf32>, vector<16xf32> -> vector<32xbf16>
        %parallel_loop3A_824 = tpu.pack_subelements %parallel_loop3A_821, %parallel_loop3A_821 {pack_format = #tpu.pack_format<interleaved>, positions = array<i32: 0, 1>} : vector<16xf32>, vector<16xf32> -> vector<32xbf16>
        %parallel_loop3A_825 = tpu.vector_load_idx %arg9[%parallel_loop3A_816] : memref<16384xi32, #tpu.memory_space<vmem>>[vector<16xi32>], vector<16xi32>,
        %parallel_loop3A_826 = tpu.vector_load_idx %arg9[%parallel_loop3A_819] : memref<16384xi32, #tpu.memory_space<vmem>>[vector<16xi32>], vector<16xi32>,
        %parallel_loop3A_827 = vector.bitcast %parallel_loop3A_825 : vector<16xi32> to vector<32xbf16>
        %parallel_loop3A_828 = vector.bitcast %parallel_loop3A_826 : vector<16xi32> to vector<32xbf16>
        %parallel_loop3A_829 = arith.mulf %parallel_loop3A_823, %parallel_loop3A_827 : vector<32xbf16>
        %parallel_loop3A_830 = arith.mulf %parallel_loop3A_824, %parallel_loop3A_828 : vector<32xbf16>
        %parallel_loop3A_831 = arith.addf %parallel_loop3A_829, %parallel_loop3A_830 : vector<32xbf16>
        %parallel_loop3A_832 = tpu.unpack_subelements %parallel_loop3A_831, 0 {pack_format = #tpu.pack_format<interleaved>} : vector<32xbf16> -> vector<16xf32>
        %parallel_loop3A_833 = tpu.unpack_subelements %parallel_loop3A_831, 1 {pack_format = #tpu.pack_format<interleaved>} : vector<32xbf16> -> vector<16xf32>
        %parallel_loop3A_834 = arith.constant true
        %parallel_loop3A_835 = vector.broadcast %parallel_loop3A_834 : i1 to vector<16xi1>
        %parallel_loop3A_836 = tpu.scan <sum>, %parallel_loop3A_832 masked %parallel_loop3A_835 : vector<16xf32>, vector<16xi1> -> vector<16xf32>
        %parallel_loop3A_837 = vector.extract %parallel_loop3A_836[15] : f32 from vector<16xf32>
        %parallel_loop3A_838 = arith.constant true
        %parallel_loop3A_839 = vector.broadcast %parallel_loop3A_838 : i1 to vector<16xi1>
        %parallel_loop3A_840 = tpu.scan <sum>, %parallel_loop3A_833 masked %parallel_loop3A_839 : vector<16xf32>, vector<16xi1> -> vector<16xf32>
        %parallel_loop3A_841 = vector.extract %parallel_loop3A_840[15] : f32 from vector<16xf32>
        %parallel_loop3A_842 = vector.broadcast %parallel_loop3A_837 : f32 to vector<16xf32>
        %parallel_loop3A_843 = arith.select %eq3A_25, %parallel_loop3A_842, %parallel_loop3A_779 : vector<16xi1>, vector<16xf32>
        %parallel_loop3A_844 = vector.broadcast %parallel_loop3A_841 : f32 to vector<16xf32>
        %parallel_loop3A_845 = arith.select %eq3A_25, %parallel_loop3A_844, %parallel_loop3A_781 : vector<16xi1>, vector<16xf32>
        %parallel_loop3A_846 = tpu.vector_load_idx %arg10[%parallel_loop3A_816] : memref<16384xi32, #tpu.memory_space<vmem>>[vector<16xi32>], vector<16xi32>,
        %parallel_loop3A_847 = tpu.vector_load_idx %arg10[%parallel_loop3A_819] : memref<16384xi32, #tpu.memory_space<vmem>>[vector<16xi32>], vector<16xi32>,
        %parallel_loop3A_848 = vector.bitcast %parallel_loop3A_846 : vector<16xi32> to vector<32xbf16>
        %parallel_loop3A_849 = vector.bitcast %parallel_loop3A_847 : vector<16xi32> to vector<32xbf16>
        %parallel_loop3A_850 = arith.mulf %parallel_loop3A_823, %parallel_loop3A_848 : vector<32xbf16>
        %parallel_loop3A_851 = arith.mulf %parallel_loop3A_824, %parallel_loop3A_849 : vector<32xbf16>
        %parallel_loop3A_852 = arith.addf %parallel_loop3A_850, %parallel_loop3A_851 : vector<32xbf16>
        %parallel_loop3A_853 = tpu.unpack_subelements %parallel_loop3A_852, 0 {pack_format = #tpu.pack_format<interleaved>} : vector<32xbf16> -> vector<16xf32>
        %parallel_loop3A_854 = tpu.unpack_subelements %parallel_loop3A_852, 1 {pack_format = #tpu.pack_format<interleaved>} : vector<32xbf16> -> vector<16xf32>
        %parallel_loop3A_855 = arith.constant true
        %parallel_loop3A_856 = vector.broadcast %parallel_loop3A_855 : i1 to vector<16xi1>
        %parallel_loop3A_857 = tpu.scan <sum>, %parallel_loop3A_853 masked %parallel_loop3A_856 : vector<16xf32>, vector<16xi1> -> vector<16xf32>
        %parallel_loop3A_858 = vector.extract %parallel_loop3A_857[15] : f32 from vector<16xf32>
        %parallel_loop3A_859 = arith.constant true
        %parallel_loop3A_860 = vector.broadcast %parallel_loop3A_859 : i1 to vector<16xi1>
        %parallel_loop3A_861 = tpu.scan <sum>, %parallel_loop3A_854 masked %parallel_loop3A_860 : vector<16xf32>, vector<16xi1> -> vector<16xf32>
        %parallel_loop3A_862 = vector.extract %parallel_loop3A_861[15] : f32 from vector<16xf32>
        %parallel_loop3A_863 = vector.broadcast %parallel_loop3A_858 : f32 to vector<16xf32>
        %parallel_loop3A_864 = arith.select %eq3A_25, %parallel_loop3A_863, %parallel_loop3A_800 : vector<16xi1>, vector<16xf32>
        %parallel_loop3A_865 = vector.broadcast %parallel_loop3A_862 : f32 to vector<16xf32>
        %parallel_loop3A_866 = arith.select %eq3A_25, %parallel_loop3A_865, %parallel_loop3A_802 : vector<16xi1>, vector<16xf32>
        %parallel_loop3A_867 = arith.constant 16 : i32
        %parallel_loop3A_868 = arith.muli %parallel_loop3A_418, %parallel_loop3A_867 : i32
        %parallel_loop3A_869 = arith.constant 7 : i32
        %parallel_loop3A_870 = arith.addi %parallel_loop3A_868, %parallel_loop3A_869 : i32
        %parallel_loop3A_871 = arith.index_cast %parallel_loop3A_870 : i32 to index
        %parallel_loop3A_872 = arith.constant 0 : index
        %parallel_loop3A_873 = tpu.vector_load %arg14[%parallel_loop3A_871, %parallel_loop3A_872] {strides = array<i32>} : memref<512x16xi32, #tpu.memory_space<vmem>>, vector<16xi32>,
        %parallel_loop3A_874 = arith.index_cast %parallel_loop3A_870 : i32 to index
        %parallel_loop3A_875 = arith.constant 0 : index
        %parallel_loop3A_876 = tpu.vector_load %arg15[%parallel_loop3A_874, %parallel_loop3A_875] {strides = array<i32>} : memref<512x16xf32, #tpu.memory_space<vmem>>, vector<16xf32>,
        %parallel_loop3A_877 = arith.index_cast %parallel_loop3A_870 : i32 to index
        %parallel_loop3A_878 = arith.constant 0 : index
        %parallel_loop3A_879 = tpu.vector_load %arg16[%parallel_loop3A_877, %parallel_loop3A_878] {strides = array<i32>} : memref<512x16xf32, #tpu.memory_space<vmem>>, vector<16xf32>,
        %parallel_loop3A_880 = arith.addi %parallel_loop3A_873, %mul3A_5 : vector<16xi32>
        %parallel_loop3A_881 = arith.constant 1 : i32
        %parallel_loop3A_882 = vector.broadcast %parallel_loop3A_881 : i32 to vector<16xi32>
        %parallel_loop3A_883 = arith.addi %parallel_loop3A_880, %parallel_loop3A_882 : vector<16xi32>
        %parallel_loop3A_884 = arith.mulf %parallel_loop3A_879, %mul3A_414 : vector<16xf32>
        %parallel_loop3A_885 = arith.mulf %parallel_loop3A_884, %parallel_loop3A_876 : vector<16xf32>
        %parallel_loop3A_886 = arith.subf %parallel_loop3A_884, %parallel_loop3A_885 : vector<16xf32>
        %parallel_loop3A_887 = tpu.pack_subelements %parallel_loop3A_886, %parallel_loop3A_886 {pack_format = #tpu.pack_format<interleaved>, positions = array<i32: 0, 1>} : vector<16xf32>, vector<16xf32> -> vector<32xbf16>
        %parallel_loop3A_888 = tpu.pack_subelements %parallel_loop3A_885, %parallel_loop3A_885 {pack_format = #tpu.pack_format<interleaved>, positions = array<i32: 0, 1>} : vector<16xf32>, vector<16xf32> -> vector<32xbf16>
        %parallel_loop3A_889 = tpu.vector_load_idx %arg9[%parallel_loop3A_880] : memref<16384xi32, #tpu.memory_space<vmem>>[vector<16xi32>], vector<16xi32>,
        %parallel_loop3A_890 = tpu.vector_load_idx %arg9[%parallel_loop3A_883] : memref<16384xi32, #tpu.memory_space<vmem>>[vector<16xi32>], vector<16xi32>,
        %parallel_loop3A_891 = vector.bitcast %parallel_loop3A_889 : vector<16xi32> to vector<32xbf16>
        %parallel_loop3A_892 = vector.bitcast %parallel_loop3A_890 : vector<16xi32> to vector<32xbf16>
        %parallel_loop3A_893 = arith.mulf %parallel_loop3A_887, %parallel_loop3A_891 : vector<32xbf16>
        %parallel_loop3A_894 = arith.mulf %parallel_loop3A_888, %parallel_loop3A_892 : vector<32xbf16>
        %parallel_loop3A_895 = arith.addf %parallel_loop3A_893, %parallel_loop3A_894 : vector<32xbf16>
        %parallel_loop3A_896 = tpu.unpack_subelements %parallel_loop3A_895, 0 {pack_format = #tpu.pack_format<interleaved>} : vector<32xbf16> -> vector<16xf32>
        %parallel_loop3A_897 = tpu.unpack_subelements %parallel_loop3A_895, 1 {pack_format = #tpu.pack_format<interleaved>} : vector<32xbf16> -> vector<16xf32>
        %parallel_loop3A_898 = arith.constant true
        %parallel_loop3A_899 = vector.broadcast %parallel_loop3A_898 : i1 to vector<16xi1>
        %parallel_loop3A_900 = tpu.scan <sum>, %parallel_loop3A_896 masked %parallel_loop3A_899 : vector<16xf32>, vector<16xi1> -> vector<16xf32>
        %parallel_loop3A_901 = vector.extract %parallel_loop3A_900[15] : f32 from vector<16xf32>
        %parallel_loop3A_902 = arith.constant true
        %parallel_loop3A_903 = vector.broadcast %parallel_loop3A_902 : i1 to vector<16xi1>
        %parallel_loop3A_904 = tpu.scan <sum>, %parallel_loop3A_897 masked %parallel_loop3A_903 : vector<16xf32>, vector<16xi1> -> vector<16xf32>
        %parallel_loop3A_905 = vector.extract %parallel_loop3A_904[15] : f32 from vector<16xf32>
        %parallel_loop3A_906 = vector.broadcast %parallel_loop3A_901 : f32 to vector<16xf32>
        %parallel_loop3A_907 = arith.select %eq3A_28, %parallel_loop3A_906, %parallel_loop3A_843 : vector<16xi1>, vector<16xf32>
        %parallel_loop3A_908 = vector.broadcast %parallel_loop3A_905 : f32 to vector<16xf32>
        %parallel_loop3A_909 = arith.select %eq3A_28, %parallel_loop3A_908, %parallel_loop3A_845 : vector<16xi1>, vector<16xf32>
        %parallel_loop3A_910 = tpu.vector_load_idx %arg10[%parallel_loop3A_880] : memref<16384xi32, #tpu.memory_space<vmem>>[vector<16xi32>], vector<16xi32>,
        %parallel_loop3A_911 = tpu.vector_load_idx %arg10[%parallel_loop3A_883] : memref<16384xi32, #tpu.memory_space<vmem>>[vector<16xi32>], vector<16xi32>,
        %parallel_loop3A_912 = vector.bitcast %parallel_loop3A_910 : vector<16xi32> to vector<32xbf16>
        %parallel_loop3A_913 = vector.bitcast %parallel_loop3A_911 : vector<16xi32> to vector<32xbf16>
        %parallel_loop3A_914 = arith.mulf %parallel_loop3A_887, %parallel_loop3A_912 : vector<32xbf16>
        %parallel_loop3A_915 = arith.mulf %parallel_loop3A_888, %parallel_loop3A_913 : vector<32xbf16>
        %parallel_loop3A_916 = arith.addf %parallel_loop3A_914, %parallel_loop3A_915 : vector<32xbf16>
        %parallel_loop3A_917 = tpu.unpack_subelements %parallel_loop3A_916, 0 {pack_format = #tpu.pack_format<interleaved>} : vector<32xbf16> -> vector<16xf32>
        %parallel_loop3A_918 = tpu.unpack_subelements %parallel_loop3A_916, 1 {pack_format = #tpu.pack_format<interleaved>} : vector<32xbf16> -> vector<16xf32>
        %parallel_loop3A_919 = arith.constant true
        %parallel_loop3A_920 = vector.broadcast %parallel_loop3A_919 : i1 to vector<16xi1>
        %parallel_loop3A_921 = tpu.scan <sum>, %parallel_loop3A_917 masked %parallel_loop3A_920 : vector<16xf32>, vector<16xi1> -> vector<16xf32>
        %parallel_loop3A_922 = vector.extract %parallel_loop3A_921[15] : f32 from vector<16xf32>
        %parallel_loop3A_923 = arith.constant true
        %parallel_loop3A_924 = vector.broadcast %parallel_loop3A_923 : i1 to vector<16xi1>
        %parallel_loop3A_925 = tpu.scan <sum>, %parallel_loop3A_918 masked %parallel_loop3A_924 : vector<16xf32>, vector<16xi1> -> vector<16xf32>
        %parallel_loop3A_926 = vector.extract %parallel_loop3A_925[15] : f32 from vector<16xf32>
        %parallel_loop3A_927 = vector.broadcast %parallel_loop3A_922 : f32 to vector<16xf32>
        %parallel_loop3A_928 = arith.select %eq3A_28, %parallel_loop3A_927, %parallel_loop3A_864 : vector<16xi1>, vector<16xf32>
        %parallel_loop3A_929 = vector.broadcast %parallel_loop3A_926 : f32 to vector<16xf32>
        %parallel_loop3A_930 = arith.select %eq3A_28, %parallel_loop3A_929, %parallel_loop3A_866 : vector<16xi1>, vector<16xf32>
        %parallel_loop3A_931 = arith.constant 16 : i32
        %parallel_loop3A_932 = arith.muli %parallel_loop3A_418, %parallel_loop3A_931 : i32
        %parallel_loop3A_933 = arith.constant 8 : i32
        %parallel_loop3A_934 = arith.addi %parallel_loop3A_932, %parallel_loop3A_933 : i32
        %parallel_loop3A_935 = arith.index_cast %parallel_loop3A_934 : i32 to index
        %parallel_loop3A_936 = arith.constant 0 : index
        %parallel_loop3A_937 = tpu.vector_load %arg14[%parallel_loop3A_935, %parallel_loop3A_936] {strides = array<i32>} : memref<512x16xi32, #tpu.memory_space<vmem>>, vector<16xi32>,
        %parallel_loop3A_938 = arith.index_cast %parallel_loop3A_934 : i32 to index
        %parallel_loop3A_939 = arith.constant 0 : index
        %parallel_loop3A_940 = tpu.vector_load %arg15[%parallel_loop3A_938, %parallel_loop3A_939] {strides = array<i32>} : memref<512x16xf32, #tpu.memory_space<vmem>>, vector<16xf32>,
        %parallel_loop3A_941 = arith.index_cast %parallel_loop3A_934 : i32 to index
        %parallel_loop3A_942 = arith.constant 0 : index
        %parallel_loop3A_943 = tpu.vector_load %arg16[%parallel_loop3A_941, %parallel_loop3A_942] {strides = array<i32>} : memref<512x16xf32, #tpu.memory_space<vmem>>, vector<16xf32>,
        %parallel_loop3A_944 = arith.addi %parallel_loop3A_937, %mul3A_5 : vector<16xi32>
        %parallel_loop3A_945 = arith.constant 1 : i32
        %parallel_loop3A_946 = vector.broadcast %parallel_loop3A_945 : i32 to vector<16xi32>
        %parallel_loop3A_947 = arith.addi %parallel_loop3A_944, %parallel_loop3A_946 : vector<16xi32>
        %parallel_loop3A_948 = arith.mulf %parallel_loop3A_943, %mul3A_414 : vector<16xf32>
        %parallel_loop3A_949 = arith.mulf %parallel_loop3A_948, %parallel_loop3A_940 : vector<16xf32>
        %parallel_loop3A_950 = arith.subf %parallel_loop3A_948, %parallel_loop3A_949 : vector<16xf32>
        %parallel_loop3A_951 = tpu.pack_subelements %parallel_loop3A_950, %parallel_loop3A_950 {pack_format = #tpu.pack_format<interleaved>, positions = array<i32: 0, 1>} : vector<16xf32>, vector<16xf32> -> vector<32xbf16>
        %parallel_loop3A_952 = tpu.pack_subelements %parallel_loop3A_949, %parallel_loop3A_949 {pack_format = #tpu.pack_format<interleaved>, positions = array<i32: 0, 1>} : vector<16xf32>, vector<16xf32> -> vector<32xbf16>
        %parallel_loop3A_953 = tpu.vector_load_idx %arg9[%parallel_loop3A_944] : memref<16384xi32, #tpu.memory_space<vmem>>[vector<16xi32>], vector<16xi32>,
        %parallel_loop3A_954 = tpu.vector_load_idx %arg9[%parallel_loop3A_947] : memref<16384xi32, #tpu.memory_space<vmem>>[vector<16xi32>], vector<16xi32>,
        %parallel_loop3A_955 = vector.bitcast %parallel_loop3A_953 : vector<16xi32> to vector<32xbf16>
        %parallel_loop3A_956 = vector.bitcast %parallel_loop3A_954 : vector<16xi32> to vector<32xbf16>
        %parallel_loop3A_957 = arith.mulf %parallel_loop3A_951, %parallel_loop3A_955 : vector<32xbf16>
        %parallel_loop3A_958 = arith.mulf %parallel_loop3A_952, %parallel_loop3A_956 : vector<32xbf16>
        %parallel_loop3A_959 = arith.addf %parallel_loop3A_957, %parallel_loop3A_958 : vector<32xbf16>
        %parallel_loop3A_960 = tpu.unpack_subelements %parallel_loop3A_959, 0 {pack_format = #tpu.pack_format<interleaved>} : vector<32xbf16> -> vector<16xf32>
        %parallel_loop3A_961 = tpu.unpack_subelements %parallel_loop3A_959, 1 {pack_format = #tpu.pack_format<interleaved>} : vector<32xbf16> -> vector<16xf32>
        %parallel_loop3A_962 = arith.constant true
        %parallel_loop3A_963 = vector.broadcast %parallel_loop3A_962 : i1 to vector<16xi1>
        %parallel_loop3A_964 = tpu.scan <sum>, %parallel_loop3A_960 masked %parallel_loop3A_963 : vector<16xf32>, vector<16xi1> -> vector<16xf32>
        %parallel_loop3A_965 = vector.extract %parallel_loop3A_964[15] : f32 from vector<16xf32>
        %parallel_loop3A_966 = arith.constant true
        %parallel_loop3A_967 = vector.broadcast %parallel_loop3A_966 : i1 to vector<16xi1>
        %parallel_loop3A_968 = tpu.scan <sum>, %parallel_loop3A_961 masked %parallel_loop3A_967 : vector<16xf32>, vector<16xi1> -> vector<16xf32>
        %parallel_loop3A_969 = vector.extract %parallel_loop3A_968[15] : f32 from vector<16xf32>
        %parallel_loop3A_970 = vector.broadcast %parallel_loop3A_965 : f32 to vector<16xf32>
        %parallel_loop3A_971 = arith.select %eq3A_31, %parallel_loop3A_970, %parallel_loop3A_907 : vector<16xi1>, vector<16xf32>
        %parallel_loop3A_972 = vector.broadcast %parallel_loop3A_969 : f32 to vector<16xf32>
        %parallel_loop3A_973 = arith.select %eq3A_31, %parallel_loop3A_972, %parallel_loop3A_909 : vector<16xi1>, vector<16xf32>
        %parallel_loop3A_974 = tpu.vector_load_idx %arg10[%parallel_loop3A_944] : memref<16384xi32, #tpu.memory_space<vmem>>[vector<16xi32>], vector<16xi32>,
        %parallel_loop3A_975 = tpu.vector_load_idx %arg10[%parallel_loop3A_947] : memref<16384xi32, #tpu.memory_space<vmem>>[vector<16xi32>], vector<16xi32>,
        %parallel_loop3A_976 = vector.bitcast %parallel_loop3A_974 : vector<16xi32> to vector<32xbf16>
        %parallel_loop3A_977 = vector.bitcast %parallel_loop3A_975 : vector<16xi32> to vector<32xbf16>
        %parallel_loop3A_978 = arith.mulf %parallel_loop3A_951, %parallel_loop3A_976 : vector<32xbf16>
        %parallel_loop3A_979 = arith.mulf %parallel_loop3A_952, %parallel_loop3A_977 : vector<32xbf16>
        %parallel_loop3A_980 = arith.addf %parallel_loop3A_978, %parallel_loop3A_979 : vector<32xbf16>
        %parallel_loop3A_981 = tpu.unpack_subelements %parallel_loop3A_980, 0 {pack_format = #tpu.pack_format<interleaved>} : vector<32xbf16> -> vector<16xf32>
        %parallel_loop3A_982 = tpu.unpack_subelements %parallel_loop3A_980, 1 {pack_format = #tpu.pack_format<interleaved>} : vector<32xbf16> -> vector<16xf32>
        %parallel_loop3A_983 = arith.constant true
        %parallel_loop3A_984 = vector.broadcast %parallel_loop3A_983 : i1 to vector<16xi1>
        %parallel_loop3A_985 = tpu.scan <sum>, %parallel_loop3A_981 masked %parallel_loop3A_984 : vector<16xf32>, vector<16xi1> -> vector<16xf32>
        %parallel_loop3A_986 = vector.extract %parallel_loop3A_985[15] : f32 from vector<16xf32>
        %parallel_loop3A_987 = arith.constant true
        %parallel_loop3A_988 = vector.broadcast %parallel_loop3A_987 : i1 to vector<16xi1>
        %parallel_loop3A_989 = tpu.scan <sum>, %parallel_loop3A_982 masked %parallel_loop3A_988 : vector<16xf32>, vector<16xi1> -> vector<16xf32>
        %parallel_loop3A_990 = vector.extract %parallel_loop3A_989[15] : f32 from vector<16xf32>
        %parallel_loop3A_991 = vector.broadcast %parallel_loop3A_986 : f32 to vector<16xf32>
        %parallel_loop3A_992 = arith.select %eq3A_31, %parallel_loop3A_991, %parallel_loop3A_928 : vector<16xi1>, vector<16xf32>
        %parallel_loop3A_993 = vector.broadcast %parallel_loop3A_990 : f32 to vector<16xf32>
        %parallel_loop3A_994 = arith.select %eq3A_31, %parallel_loop3A_993, %parallel_loop3A_930 : vector<16xi1>, vector<16xf32>
        %parallel_loop3A_995 = arith.constant 16 : i32
        %parallel_loop3A_996 = arith.muli %parallel_loop3A_418, %parallel_loop3A_995 : i32
        %parallel_loop3A_997 = arith.constant 9 : i32
        %parallel_loop3A_998 = arith.addi %parallel_loop3A_996, %parallel_loop3A_997 : i32
        %parallel_loop3A_999 = arith.index_cast %parallel_loop3A_998 : i32 to index
        %parallel_loop3A_1000 = arith.constant 0 : index
        %parallel_loop3A_1001 = tpu.vector_load %arg14[%parallel_loop3A_999, %parallel_loop3A_1000] {strides = array<i32>} : memref<512x16xi32, #tpu.memory_space<vmem>>, vector<16xi32>,
        %parallel_loop3A_1002 = arith.index_cast %parallel_loop3A_998 : i32 to index
        %parallel_loop3A_1003 = arith.constant 0 : index
        %parallel_loop3A_1004 = tpu.vector_load %arg15[%parallel_loop3A_1002, %parallel_loop3A_1003] {strides = array<i32>} : memref<512x16xf32, #tpu.memory_space<vmem>>, vector<16xf32>,
        %parallel_loop3A_1005 = arith.index_cast %parallel_loop3A_998 : i32 to index
        %parallel_loop3A_1006 = arith.constant 0 : index
        %parallel_loop3A_1007 = tpu.vector_load %arg16[%parallel_loop3A_1005, %parallel_loop3A_1006] {strides = array<i32>} : memref<512x16xf32, #tpu.memory_space<vmem>>, vector<16xf32>,
        %parallel_loop3A_1008 = arith.addi %parallel_loop3A_1001, %mul3A_5 : vector<16xi32>
        %parallel_loop3A_1009 = arith.constant 1 : i32
        %parallel_loop3A_1010 = vector.broadcast %parallel_loop3A_1009 : i32 to vector<16xi32>
        %parallel_loop3A_1011 = arith.addi %parallel_loop3A_1008, %parallel_loop3A_1010 : vector<16xi32>
        %parallel_loop3A_1012 = arith.mulf %parallel_loop3A_1007, %mul3A_414 : vector<16xf32>
        %parallel_loop3A_1013 = arith.mulf %parallel_loop3A_1012, %parallel_loop3A_1004 : vector<16xf32>
        %parallel_loop3A_1014 = arith.subf %parallel_loop3A_1012, %parallel_loop3A_1013 : vector<16xf32>
        %parallel_loop3A_1015 = tpu.pack_subelements %parallel_loop3A_1014, %parallel_loop3A_1014 {pack_format = #tpu.pack_format<interleaved>, positions = array<i32: 0, 1>} : vector<16xf32>, vector<16xf32> -> vector<32xbf16>
        %parallel_loop3A_1016 = tpu.pack_subelements %parallel_loop3A_1013, %parallel_loop3A_1013 {pack_format = #tpu.pack_format<interleaved>, positions = array<i32: 0, 1>} : vector<16xf32>, vector<16xf32> -> vector<32xbf16>
        %parallel_loop3A_1017 = tpu.vector_load_idx %arg9[%parallel_loop3A_1008] : memref<16384xi32, #tpu.memory_space<vmem>>[vector<16xi32>], vector<16xi32>,
        %parallel_loop3A_1018 = tpu.vector_load_idx %arg9[%parallel_loop3A_1011] : memref<16384xi32, #tpu.memory_space<vmem>>[vector<16xi32>], vector<16xi32>,
        %parallel_loop3A_1019 = vector.bitcast %parallel_loop3A_1017 : vector<16xi32> to vector<32xbf16>
        %parallel_loop3A_1020 = vector.bitcast %parallel_loop3A_1018 : vector<16xi32> to vector<32xbf16>
        %parallel_loop3A_1021 = arith.mulf %parallel_loop3A_1015, %parallel_loop3A_1019 : vector<32xbf16>
        %parallel_loop3A_1022 = arith.mulf %parallel_loop3A_1016, %parallel_loop3A_1020 : vector<32xbf16>
        %parallel_loop3A_1023 = arith.addf %parallel_loop3A_1021, %parallel_loop3A_1022 : vector<32xbf16>
        %parallel_loop3A_1024 = tpu.unpack_subelements %parallel_loop3A_1023, 0 {pack_format = #tpu.pack_format<interleaved>} : vector<32xbf16> -> vector<16xf32>
        %parallel_loop3A_1025 = tpu.unpack_subelements %parallel_loop3A_1023, 1 {pack_format = #tpu.pack_format<interleaved>} : vector<32xbf16> -> vector<16xf32>
        %parallel_loop3A_1026 = arith.constant true
        %parallel_loop3A_1027 = vector.broadcast %parallel_loop3A_1026 : i1 to vector<16xi1>
        %parallel_loop3A_1028 = tpu.scan <sum>, %parallel_loop3A_1024 masked %parallel_loop3A_1027 : vector<16xf32>, vector<16xi1> -> vector<16xf32>
        %parallel_loop3A_1029 = vector.extract %parallel_loop3A_1028[15] : f32 from vector<16xf32>
        %parallel_loop3A_1030 = arith.constant true
        %parallel_loop3A_1031 = vector.broadcast %parallel_loop3A_1030 : i1 to vector<16xi1>
        %parallel_loop3A_1032 = tpu.scan <sum>, %parallel_loop3A_1025 masked %parallel_loop3A_1031 : vector<16xf32>, vector<16xi1> -> vector<16xf32>
        %parallel_loop3A_1033 = vector.extract %parallel_loop3A_1032[15] : f32 from vector<16xf32>
        %parallel_loop3A_1034 = vector.broadcast %parallel_loop3A_1029 : f32 to vector<16xf32>
        %parallel_loop3A_1035 = arith.select %eq3A_34, %parallel_loop3A_1034, %parallel_loop3A_971 : vector<16xi1>, vector<16xf32>
        %parallel_loop3A_1036 = vector.broadcast %parallel_loop3A_1033 : f32 to vector<16xf32>
        %parallel_loop3A_1037 = arith.select %eq3A_34, %parallel_loop3A_1036, %parallel_loop3A_973 : vector<16xi1>, vector<16xf32>
        %parallel_loop3A_1038 = tpu.vector_load_idx %arg10[%parallel_loop3A_1008] : memref<16384xi32, #tpu.memory_space<vmem>>[vector<16xi32>], vector<16xi32>,
        %parallel_loop3A_1039 = tpu.vector_load_idx %arg10[%parallel_loop3A_1011] : memref<16384xi32, #tpu.memory_space<vmem>>[vector<16xi32>], vector<16xi32>,
        %parallel_loop3A_1040 = vector.bitcast %parallel_loop3A_1038 : vector<16xi32> to vector<32xbf16>
        %parallel_loop3A_1041 = vector.bitcast %parallel_loop3A_1039 : vector<16xi32> to vector<32xbf16>
        %parallel_loop3A_1042 = arith.mulf %parallel_loop3A_1015, %parallel_loop3A_1040 : vector<32xbf16>
        %parallel_loop3A_1043 = arith.mulf %parallel_loop3A_1016, %parallel_loop3A_1041 : vector<32xbf16>
        %parallel_loop3A_1044 = arith.addf %parallel_loop3A_1042, %parallel_loop3A_1043 : vector<32xbf16>
        %parallel_loop3A_1045 = tpu.unpack_subelements %parallel_loop3A_1044, 0 {pack_format = #tpu.pack_format<interleaved>} : vector<32xbf16> -> vector<16xf32>
        %parallel_loop3A_1046 = tpu.unpack_subelements %parallel_loop3A_1044, 1 {pack_format = #tpu.pack_format<interleaved>} : vector<32xbf16> -> vector<16xf32>
        %parallel_loop3A_1047 = arith.constant true
        %parallel_loop3A_1048 = vector.broadcast %parallel_loop3A_1047 : i1 to vector<16xi1>
        %parallel_loop3A_1049 = tpu.scan <sum>, %parallel_loop3A_1045 masked %parallel_loop3A_1048 : vector<16xf32>, vector<16xi1> -> vector<16xf32>
        %parallel_loop3A_1050 = vector.extract %parallel_loop3A_1049[15] : f32 from vector<16xf32>
        %parallel_loop3A_1051 = arith.constant true
        %parallel_loop3A_1052 = vector.broadcast %parallel_loop3A_1051 : i1 to vector<16xi1>
        %parallel_loop3A_1053 = tpu.scan <sum>, %parallel_loop3A_1046 masked %parallel_loop3A_1052 : vector<16xf32>, vector<16xi1> -> vector<16xf32>
        %parallel_loop3A_1054 = vector.extract %parallel_loop3A_1053[15] : f32 from vector<16xf32>
        %parallel_loop3A_1055 = vector.broadcast %parallel_loop3A_1050 : f32 to vector<16xf32>
        %parallel_loop3A_1056 = arith.select %eq3A_34, %parallel_loop3A_1055, %parallel_loop3A_992 : vector<16xi1>, vector<16xf32>
        %parallel_loop3A_1057 = vector.broadcast %parallel_loop3A_1054 : f32 to vector<16xf32>
        %parallel_loop3A_1058 = arith.select %eq3A_34, %parallel_loop3A_1057, %parallel_loop3A_994 : vector<16xi1>, vector<16xf32>
        %parallel_loop3A_1059 = arith.constant 16 : i32
        %parallel_loop3A_1060 = arith.muli %parallel_loop3A_418, %parallel_loop3A_1059 : i32
        %parallel_loop3A_1061 = arith.constant 10 : i32
        %parallel_loop3A_1062 = arith.addi %parallel_loop3A_1060, %parallel_loop3A_1061 : i32
        %parallel_loop3A_1063 = arith.index_cast %parallel_loop3A_1062 : i32 to index
        %parallel_loop3A_1064 = arith.constant 0 : index
        %parallel_loop3A_1065 = tpu.vector_load %arg14[%parallel_loop3A_1063, %parallel_loop3A_1064] {strides = array<i32>} : memref<512x16xi32, #tpu.memory_space<vmem>>, vector<16xi32>,
        %parallel_loop3A_1066 = arith.index_cast %parallel_loop3A_1062 : i32 to index
        %parallel_loop3A_1067 = arith.constant 0 : index
        %parallel_loop3A_1068 = tpu.vector_load %arg15[%parallel_loop3A_1066, %parallel_loop3A_1067] {strides = array<i32>} : memref<512x16xf32, #tpu.memory_space<vmem>>, vector<16xf32>,
        %parallel_loop3A_1069 = arith.index_cast %parallel_loop3A_1062 : i32 to index
        %parallel_loop3A_1070 = arith.constant 0 : index
        %parallel_loop3A_1071 = tpu.vector_load %arg16[%parallel_loop3A_1069, %parallel_loop3A_1070] {strides = array<i32>} : memref<512x16xf32, #tpu.memory_space<vmem>>, vector<16xf32>,
        %parallel_loop3A_1072 = arith.addi %parallel_loop3A_1065, %mul3A_5 : vector<16xi32>
        %parallel_loop3A_1073 = arith.constant 1 : i32
        %parallel_loop3A_1074 = vector.broadcast %parallel_loop3A_1073 : i32 to vector<16xi32>
        %parallel_loop3A_1075 = arith.addi %parallel_loop3A_1072, %parallel_loop3A_1074 : vector<16xi32>
        %parallel_loop3A_1076 = arith.mulf %parallel_loop3A_1071, %mul3A_414 : vector<16xf32>
        %parallel_loop3A_1077 = arith.mulf %parallel_loop3A_1076, %parallel_loop3A_1068 : vector<16xf32>
        %parallel_loop3A_1078 = arith.subf %parallel_loop3A_1076, %parallel_loop3A_1077 : vector<16xf32>
        %parallel_loop3A_1079 = tpu.pack_subelements %parallel_loop3A_1078, %parallel_loop3A_1078 {pack_format = #tpu.pack_format<interleaved>, positions = array<i32: 0, 1>} : vector<16xf32>, vector<16xf32> -> vector<32xbf16>
        %parallel_loop3A_1080 = tpu.pack_subelements %parallel_loop3A_1077, %parallel_loop3A_1077 {pack_format = #tpu.pack_format<interleaved>, positions = array<i32: 0, 1>} : vector<16xf32>, vector<16xf32> -> vector<32xbf16>
        %parallel_loop3A_1081 = tpu.vector_load_idx %arg9[%parallel_loop3A_1072] : memref<16384xi32, #tpu.memory_space<vmem>>[vector<16xi32>], vector<16xi32>,
        %parallel_loop3A_1082 = tpu.vector_load_idx %arg9[%parallel_loop3A_1075] : memref<16384xi32, #tpu.memory_space<vmem>>[vector<16xi32>], vector<16xi32>,
        %parallel_loop3A_1083 = vector.bitcast %parallel_loop3A_1081 : vector<16xi32> to vector<32xbf16>
        %parallel_loop3A_1084 = vector.bitcast %parallel_loop3A_1082 : vector<16xi32> to vector<32xbf16>
        %parallel_loop3A_1085 = arith.mulf %parallel_loop3A_1079, %parallel_loop3A_1083 : vector<32xbf16>
        %parallel_loop3A_1086 = arith.mulf %parallel_loop3A_1080, %parallel_loop3A_1084 : vector<32xbf16>
        %parallel_loop3A_1087 = arith.addf %parallel_loop3A_1085, %parallel_loop3A_1086 : vector<32xbf16>
        %parallel_loop3A_1088 = tpu.unpack_subelements %parallel_loop3A_1087, 0 {pack_format = #tpu.pack_format<interleaved>} : vector<32xbf16> -> vector<16xf32>
        %parallel_loop3A_1089 = tpu.unpack_subelements %parallel_loop3A_1087, 1 {pack_format = #tpu.pack_format<interleaved>} : vector<32xbf16> -> vector<16xf32>
        %parallel_loop3A_1090 = arith.constant true
        %parallel_loop3A_1091 = vector.broadcast %parallel_loop3A_1090 : i1 to vector<16xi1>
        %parallel_loop3A_1092 = tpu.scan <sum>, %parallel_loop3A_1088 masked %parallel_loop3A_1091 : vector<16xf32>, vector<16xi1> -> vector<16xf32>
        %parallel_loop3A_1093 = vector.extract %parallel_loop3A_1092[15] : f32 from vector<16xf32>
        %parallel_loop3A_1094 = arith.constant true
        %parallel_loop3A_1095 = vector.broadcast %parallel_loop3A_1094 : i1 to vector<16xi1>
        %parallel_loop3A_1096 = tpu.scan <sum>, %parallel_loop3A_1089 masked %parallel_loop3A_1095 : vector<16xf32>, vector<16xi1> -> vector<16xf32>
        %parallel_loop3A_1097 = vector.extract %parallel_loop3A_1096[15] : f32 from vector<16xf32>
        %parallel_loop3A_1098 = vector.broadcast %parallel_loop3A_1093 : f32 to vector<16xf32>
        %parallel_loop3A_1099 = arith.select %eq3A_37, %parallel_loop3A_1098, %parallel_loop3A_1035 : vector<16xi1>, vector<16xf32>
        %parallel_loop3A_1100 = vector.broadcast %parallel_loop3A_1097 : f32 to vector<16xf32>
        %parallel_loop3A_1101 = arith.select %eq3A_37, %parallel_loop3A_1100, %parallel_loop3A_1037 : vector<16xi1>, vector<16xf32>
        %parallel_loop3A_1102 = tpu.vector_load_idx %arg10[%parallel_loop3A_1072] : memref<16384xi32, #tpu.memory_space<vmem>>[vector<16xi32>], vector<16xi32>,
        %parallel_loop3A_1103 = tpu.vector_load_idx %arg10[%parallel_loop3A_1075] : memref<16384xi32, #tpu.memory_space<vmem>>[vector<16xi32>], vector<16xi32>,
        %parallel_loop3A_1104 = vector.bitcast %parallel_loop3A_1102 : vector<16xi32> to vector<32xbf16>
        %parallel_loop3A_1105 = vector.bitcast %parallel_loop3A_1103 : vector<16xi32> to vector<32xbf16>
        %parallel_loop3A_1106 = arith.mulf %parallel_loop3A_1079, %parallel_loop3A_1104 : vector<32xbf16>
        %parallel_loop3A_1107 = arith.mulf %parallel_loop3A_1080, %parallel_loop3A_1105 : vector<32xbf16>
        %parallel_loop3A_1108 = arith.addf %parallel_loop3A_1106, %parallel_loop3A_1107 : vector<32xbf16>
        %parallel_loop3A_1109 = tpu.unpack_subelements %parallel_loop3A_1108, 0 {pack_format = #tpu.pack_format<interleaved>} : vector<32xbf16> -> vector<16xf32>
        %parallel_loop3A_1110 = tpu.unpack_subelements %parallel_loop3A_1108, 1 {pack_format = #tpu.pack_format<interleaved>} : vector<32xbf16> -> vector<16xf32>
        %parallel_loop3A_1111 = arith.constant true
        %parallel_loop3A_1112 = vector.broadcast %parallel_loop3A_1111 : i1 to vector<16xi1>
        %parallel_loop3A_1113 = tpu.scan <sum>, %parallel_loop3A_1109 masked %parallel_loop3A_1112 : vector<16xf32>, vector<16xi1> -> vector<16xf32>
        %parallel_loop3A_1114 = vector.extract %parallel_loop3A_1113[15] : f32 from vector<16xf32>
        %parallel_loop3A_1115 = arith.constant true
        %parallel_loop3A_1116 = vector.broadcast %parallel_loop3A_1115 : i1 to vector<16xi1>
        %parallel_loop3A_1117 = tpu.scan <sum>, %parallel_loop3A_1110 masked %parallel_loop3A_1116 : vector<16xf32>, vector<16xi1> -> vector<16xf32>
        %parallel_loop3A_1118 = vector.extract %parallel_loop3A_1117[15] : f32 from vector<16xf32>
        %parallel_loop3A_1119 = vector.broadcast %parallel_loop3A_1114 : f32 to vector<16xf32>
        %parallel_loop3A_1120 = arith.select %eq3A_37, %parallel_loop3A_1119, %parallel_loop3A_1056 : vector<16xi1>, vector<16xf32>
        %parallel_loop3A_1121 = vector.broadcast %parallel_loop3A_1118 : f32 to vector<16xf32>
        %parallel_loop3A_1122 = arith.select %eq3A_37, %parallel_loop3A_1121, %parallel_loop3A_1058 : vector<16xi1>, vector<16xf32>
        %parallel_loop3A_1123 = arith.constant 16 : i32
        %parallel_loop3A_1124 = arith.muli %parallel_loop3A_418, %parallel_loop3A_1123 : i32
        %parallel_loop3A_1125 = arith.constant 11 : i32
        %parallel_loop3A_1126 = arith.addi %parallel_loop3A_1124, %parallel_loop3A_1125 : i32
        %parallel_loop3A_1127 = arith.index_cast %parallel_loop3A_1126 : i32 to index
        %parallel_loop3A_1128 = arith.constant 0 : index
        %parallel_loop3A_1129 = tpu.vector_load %arg14[%parallel_loop3A_1127, %parallel_loop3A_1128] {strides = array<i32>} : memref<512x16xi32, #tpu.memory_space<vmem>>, vector<16xi32>,
        %parallel_loop3A_1130 = arith.index_cast %parallel_loop3A_1126 : i32 to index
        %parallel_loop3A_1131 = arith.constant 0 : index
        %parallel_loop3A_1132 = tpu.vector_load %arg15[%parallel_loop3A_1130, %parallel_loop3A_1131] {strides = array<i32>} : memref<512x16xf32, #tpu.memory_space<vmem>>, vector<16xf32>,
        %parallel_loop3A_1133 = arith.index_cast %parallel_loop3A_1126 : i32 to index
        %parallel_loop3A_1134 = arith.constant 0 : index
        %parallel_loop3A_1135 = tpu.vector_load %arg16[%parallel_loop3A_1133, %parallel_loop3A_1134] {strides = array<i32>} : memref<512x16xf32, #tpu.memory_space<vmem>>, vector<16xf32>,
        %parallel_loop3A_1136 = arith.addi %parallel_loop3A_1129, %mul3A_5 : vector<16xi32>
        %parallel_loop3A_1137 = arith.constant 1 : i32
        %parallel_loop3A_1138 = vector.broadcast %parallel_loop3A_1137 : i32 to vector<16xi32>
        %parallel_loop3A_1139 = arith.addi %parallel_loop3A_1136, %parallel_loop3A_1138 : vector<16xi32>
        %parallel_loop3A_1140 = arith.mulf %parallel_loop3A_1135, %mul3A_414 : vector<16xf32>
        %parallel_loop3A_1141 = arith.mulf %parallel_loop3A_1140, %parallel_loop3A_1132 : vector<16xf32>
        %parallel_loop3A_1142 = arith.subf %parallel_loop3A_1140, %parallel_loop3A_1141 : vector<16xf32>
        %parallel_loop3A_1143 = tpu.pack_subelements %parallel_loop3A_1142, %parallel_loop3A_1142 {pack_format = #tpu.pack_format<interleaved>, positions = array<i32: 0, 1>} : vector<16xf32>, vector<16xf32> -> vector<32xbf16>
        %parallel_loop3A_1144 = tpu.pack_subelements %parallel_loop3A_1141, %parallel_loop3A_1141 {pack_format = #tpu.pack_format<interleaved>, positions = array<i32: 0, 1>} : vector<16xf32>, vector<16xf32> -> vector<32xbf16>
        %parallel_loop3A_1145 = tpu.vector_load_idx %arg9[%parallel_loop3A_1136] : memref<16384xi32, #tpu.memory_space<vmem>>[vector<16xi32>], vector<16xi32>,
        %parallel_loop3A_1146 = tpu.vector_load_idx %arg9[%parallel_loop3A_1139] : memref<16384xi32, #tpu.memory_space<vmem>>[vector<16xi32>], vector<16xi32>,
        %parallel_loop3A_1147 = vector.bitcast %parallel_loop3A_1145 : vector<16xi32> to vector<32xbf16>
        %parallel_loop3A_1148 = vector.bitcast %parallel_loop3A_1146 : vector<16xi32> to vector<32xbf16>
        %parallel_loop3A_1149 = arith.mulf %parallel_loop3A_1143, %parallel_loop3A_1147 : vector<32xbf16>
        %parallel_loop3A_1150 = arith.mulf %parallel_loop3A_1144, %parallel_loop3A_1148 : vector<32xbf16>
        %parallel_loop3A_1151 = arith.addf %parallel_loop3A_1149, %parallel_loop3A_1150 : vector<32xbf16>
        %parallel_loop3A_1152 = tpu.unpack_subelements %parallel_loop3A_1151, 0 {pack_format = #tpu.pack_format<interleaved>} : vector<32xbf16> -> vector<16xf32>
        %parallel_loop3A_1153 = tpu.unpack_subelements %parallel_loop3A_1151, 1 {pack_format = #tpu.pack_format<interleaved>} : vector<32xbf16> -> vector<16xf32>
        %parallel_loop3A_1154 = arith.constant true
        %parallel_loop3A_1155 = vector.broadcast %parallel_loop3A_1154 : i1 to vector<16xi1>
        %parallel_loop3A_1156 = tpu.scan <sum>, %parallel_loop3A_1152 masked %parallel_loop3A_1155 : vector<16xf32>, vector<16xi1> -> vector<16xf32>
        %parallel_loop3A_1157 = vector.extract %parallel_loop3A_1156[15] : f32 from vector<16xf32>
        %parallel_loop3A_1158 = arith.constant true
        %parallel_loop3A_1159 = vector.broadcast %parallel_loop3A_1158 : i1 to vector<16xi1>
        %parallel_loop3A_1160 = tpu.scan <sum>, %parallel_loop3A_1153 masked %parallel_loop3A_1159 : vector<16xf32>, vector<16xi1> -> vector<16xf32>
        %parallel_loop3A_1161 = vector.extract %parallel_loop3A_1160[15] : f32 from vector<16xf32>
        %parallel_loop3A_1162 = vector.broadcast %parallel_loop3A_1157 : f32 to vector<16xf32>
        %parallel_loop3A_1163 = arith.select %eq3A_40, %parallel_loop3A_1162, %parallel_loop3A_1099 : vector<16xi1>, vector<16xf32>
        %parallel_loop3A_1164 = vector.broadcast %parallel_loop3A_1161 : f32 to vector<16xf32>
        %parallel_loop3A_1165 = arith.select %eq3A_40, %parallel_loop3A_1164, %parallel_loop3A_1101 : vector<16xi1>, vector<16xf32>
        %parallel_loop3A_1166 = tpu.vector_load_idx %arg10[%parallel_loop3A_1136] : memref<16384xi32, #tpu.memory_space<vmem>>[vector<16xi32>], vector<16xi32>,
        %parallel_loop3A_1167 = tpu.vector_load_idx %arg10[%parallel_loop3A_1139] : memref<16384xi32, #tpu.memory_space<vmem>>[vector<16xi32>], vector<16xi32>,
        %parallel_loop3A_1168 = vector.bitcast %parallel_loop3A_1166 : vector<16xi32> to vector<32xbf16>
        %parallel_loop3A_1169 = vector.bitcast %parallel_loop3A_1167 : vector<16xi32> to vector<32xbf16>
        %parallel_loop3A_1170 = arith.mulf %parallel_loop3A_1143, %parallel_loop3A_1168 : vector<32xbf16>
        %parallel_loop3A_1171 = arith.mulf %parallel_loop3A_1144, %parallel_loop3A_1169 : vector<32xbf16>
        %parallel_loop3A_1172 = arith.addf %parallel_loop3A_1170, %parallel_loop3A_1171 : vector<32xbf16>
        %parallel_loop3A_1173 = tpu.unpack_subelements %parallel_loop3A_1172, 0 {pack_format = #tpu.pack_format<interleaved>} : vector<32xbf16> -> vector<16xf32>
        %parallel_loop3A_1174 = tpu.unpack_subelements %parallel_loop3A_1172, 1 {pack_format = #tpu.pack_format<interleaved>} : vector<32xbf16> -> vector<16xf32>
        %parallel_loop3A_1175 = arith.constant true
        %parallel_loop3A_1176 = vector.broadcast %parallel_loop3A_1175 : i1 to vector<16xi1>
        %parallel_loop3A_1177 = tpu.scan <sum>, %parallel_loop3A_1173 masked %parallel_loop3A_1176 : vector<16xf32>, vector<16xi1> -> vector<16xf32>
        %parallel_loop3A_1178 = vector.extract %parallel_loop3A_1177[15] : f32 from vector<16xf32>
        %parallel_loop3A_1179 = arith.constant true
        %parallel_loop3A_1180 = vector.broadcast %parallel_loop3A_1179 : i1 to vector<16xi1>
        %parallel_loop3A_1181 = tpu.scan <sum>, %parallel_loop3A_1174 masked %parallel_loop3A_1180 : vector<16xf32>, vector<16xi1> -> vector<16xf32>
        %parallel_loop3A_1182 = vector.extract %parallel_loop3A_1181[15] : f32 from vector<16xf32>
        %parallel_loop3A_1183 = vector.broadcast %parallel_loop3A_1178 : f32 to vector<16xf32>
        %parallel_loop3A_1184 = arith.select %eq3A_40, %parallel_loop3A_1183, %parallel_loop3A_1120 : vector<16xi1>, vector<16xf32>
        %parallel_loop3A_1185 = vector.broadcast %parallel_loop3A_1182 : f32 to vector<16xf32>
        %parallel_loop3A_1186 = arith.select %eq3A_40, %parallel_loop3A_1185, %parallel_loop3A_1122 : vector<16xi1>, vector<16xf32>
        %parallel_loop3A_1187 = arith.constant 16 : i32
        %parallel_loop3A_1188 = arith.muli %parallel_loop3A_418, %parallel_loop3A_1187 : i32
        %parallel_loop3A_1189 = arith.constant 12 : i32
        %parallel_loop3A_1190 = arith.addi %parallel_loop3A_1188, %parallel_loop3A_1189 : i32
        %parallel_loop3A_1191 = arith.index_cast %parallel_loop3A_1190 : i32 to index
        %parallel_loop3A_1192 = arith.constant 0 : index
        %parallel_loop3A_1193 = tpu.vector_load %arg14[%parallel_loop3A_1191, %parallel_loop3A_1192] {strides = array<i32>} : memref<512x16xi32, #tpu.memory_space<vmem>>, vector<16xi32>,
        %parallel_loop3A_1194 = arith.index_cast %parallel_loop3A_1190 : i32 to index
        %parallel_loop3A_1195 = arith.constant 0 : index
        %parallel_loop3A_1196 = tpu.vector_load %arg15[%parallel_loop3A_1194, %parallel_loop3A_1195] {strides = array<i32>} : memref<512x16xf32, #tpu.memory_space<vmem>>, vector<16xf32>,
        %parallel_loop3A_1197 = arith.index_cast %parallel_loop3A_1190 : i32 to index
        %parallel_loop3A_1198 = arith.constant 0 : index
        %parallel_loop3A_1199 = tpu.vector_load %arg16[%parallel_loop3A_1197, %parallel_loop3A_1198] {strides = array<i32>} : memref<512x16xf32, #tpu.memory_space<vmem>>, vector<16xf32>,
        %parallel_loop3A_1200 = arith.addi %parallel_loop3A_1193, %mul3A_5 : vector<16xi32>
        %parallel_loop3A_1201 = arith.constant 1 : i32
        %parallel_loop3A_1202 = vector.broadcast %parallel_loop3A_1201 : i32 to vector<16xi32>
        %parallel_loop3A_1203 = arith.addi %parallel_loop3A_1200, %parallel_loop3A_1202 : vector<16xi32>
        %parallel_loop3A_1204 = arith.mulf %parallel_loop3A_1199, %mul3A_414 : vector<16xf32>
        %parallel_loop3A_1205 = arith.mulf %parallel_loop3A_1204, %parallel_loop3A_1196 : vector<16xf32>
        %parallel_loop3A_1206 = arith.subf %parallel_loop3A_1204, %parallel_loop3A_1205 : vector<16xf32>
        %parallel_loop3A_1207 = tpu.pack_subelements %parallel_loop3A_1206, %parallel_loop3A_1206 {pack_format = #tpu.pack_format<interleaved>, positions = array<i32: 0, 1>} : vector<16xf32>, vector<16xf32> -> vector<32xbf16>
        %parallel_loop3A_1208 = tpu.pack_subelements %parallel_loop3A_1205, %parallel_loop3A_1205 {pack_format = #tpu.pack_format<interleaved>, positions = array<i32: 0, 1>} : vector<16xf32>, vector<16xf32> -> vector<32xbf16>
        %parallel_loop3A_1209 = tpu.vector_load_idx %arg9[%parallel_loop3A_1200] : memref<16384xi32, #tpu.memory_space<vmem>>[vector<16xi32>], vector<16xi32>,
        %parallel_loop3A_1210 = tpu.vector_load_idx %arg9[%parallel_loop3A_1203] : memref<16384xi32, #tpu.memory_space<vmem>>[vector<16xi32>], vector<16xi32>,
        %parallel_loop3A_1211 = vector.bitcast %parallel_loop3A_1209 : vector<16xi32> to vector<32xbf16>
        %parallel_loop3A_1212 = vector.bitcast %parallel_loop3A_1210 : vector<16xi32> to vector<32xbf16>
        %parallel_loop3A_1213 = arith.mulf %parallel_loop3A_1207, %parallel_loop3A_1211 : vector<32xbf16>
        %parallel_loop3A_1214 = arith.mulf %parallel_loop3A_1208, %parallel_loop3A_1212 : vector<32xbf16>
        %parallel_loop3A_1215 = arith.addf %parallel_loop3A_1213, %parallel_loop3A_1214 : vector<32xbf16>
        %parallel_loop3A_1216 = tpu.unpack_subelements %parallel_loop3A_1215, 0 {pack_format = #tpu.pack_format<interleaved>} : vector<32xbf16> -> vector<16xf32>
        %parallel_loop3A_1217 = tpu.unpack_subelements %parallel_loop3A_1215, 1 {pack_format = #tpu.pack_format<interleaved>} : vector<32xbf16> -> vector<16xf32>
        %parallel_loop3A_1218 = arith.constant true
        %parallel_loop3A_1219 = vector.broadcast %parallel_loop3A_1218 : i1 to vector<16xi1>
        %parallel_loop3A_1220 = tpu.scan <sum>, %parallel_loop3A_1216 masked %parallel_loop3A_1219 : vector<16xf32>, vector<16xi1> -> vector<16xf32>
        %parallel_loop3A_1221 = vector.extract %parallel_loop3A_1220[15] : f32 from vector<16xf32>
        %parallel_loop3A_1222 = arith.constant true
        %parallel_loop3A_1223 = vector.broadcast %parallel_loop3A_1222 : i1 to vector<16xi1>
        %parallel_loop3A_1224 = tpu.scan <sum>, %parallel_loop3A_1217 masked %parallel_loop3A_1223 : vector<16xf32>, vector<16xi1> -> vector<16xf32>
        %parallel_loop3A_1225 = vector.extract %parallel_loop3A_1224[15] : f32 from vector<16xf32>
        %parallel_loop3A_1226 = vector.broadcast %parallel_loop3A_1221 : f32 to vector<16xf32>
        %parallel_loop3A_1227 = arith.select %eq3A_43, %parallel_loop3A_1226, %parallel_loop3A_1163 : vector<16xi1>, vector<16xf32>
        %parallel_loop3A_1228 = vector.broadcast %parallel_loop3A_1225 : f32 to vector<16xf32>
        %parallel_loop3A_1229 = arith.select %eq3A_43, %parallel_loop3A_1228, %parallel_loop3A_1165 : vector<16xi1>, vector<16xf32>
        %parallel_loop3A_1230 = tpu.vector_load_idx %arg10[%parallel_loop3A_1200] : memref<16384xi32, #tpu.memory_space<vmem>>[vector<16xi32>], vector<16xi32>,
        %parallel_loop3A_1231 = tpu.vector_load_idx %arg10[%parallel_loop3A_1203] : memref<16384xi32, #tpu.memory_space<vmem>>[vector<16xi32>], vector<16xi32>,
        %parallel_loop3A_1232 = vector.bitcast %parallel_loop3A_1230 : vector<16xi32> to vector<32xbf16>
        %parallel_loop3A_1233 = vector.bitcast %parallel_loop3A_1231 : vector<16xi32> to vector<32xbf16>
        %parallel_loop3A_1234 = arith.mulf %parallel_loop3A_1207, %parallel_loop3A_1232 : vector<32xbf16>
        %parallel_loop3A_1235 = arith.mulf %parallel_loop3A_1208, %parallel_loop3A_1233 : vector<32xbf16>
        %parallel_loop3A_1236 = arith.addf %parallel_loop3A_1234, %parallel_loop3A_1235 : vector<32xbf16>
        %parallel_loop3A_1237 = tpu.unpack_subelements %parallel_loop3A_1236, 0 {pack_format = #tpu.pack_format<interleaved>} : vector<32xbf16> -> vector<16xf32>
        %parallel_loop3A_1238 = tpu.unpack_subelements %parallel_loop3A_1236, 1 {pack_format = #tpu.pack_format<interleaved>} : vector<32xbf16> -> vector<16xf32>
        %parallel_loop3A_1239 = arith.constant true
        %parallel_loop3A_1240 = vector.broadcast %parallel_loop3A_1239 : i1 to vector<16xi1>
        %parallel_loop3A_1241 = tpu.scan <sum>, %parallel_loop3A_1237 masked %parallel_loop3A_1240 : vector<16xf32>, vector<16xi1> -> vector<16xf32>
        %parallel_loop3A_1242 = vector.extract %parallel_loop3A_1241[15] : f32 from vector<16xf32>
        %parallel_loop3A_1243 = arith.constant true
        %parallel_loop3A_1244 = vector.broadcast %parallel_loop3A_1243 : i1 to vector<16xi1>
        %parallel_loop3A_1245 = tpu.scan <sum>, %parallel_loop3A_1238 masked %parallel_loop3A_1244 : vector<16xf32>, vector<16xi1> -> vector<16xf32>
        %parallel_loop3A_1246 = vector.extract %parallel_loop3A_1245[15] : f32 from vector<16xf32>
        %parallel_loop3A_1247 = vector.broadcast %parallel_loop3A_1242 : f32 to vector<16xf32>
        %parallel_loop3A_1248 = arith.select %eq3A_43, %parallel_loop3A_1247, %parallel_loop3A_1184 : vector<16xi1>, vector<16xf32>
        %parallel_loop3A_1249 = vector.broadcast %parallel_loop3A_1246 : f32 to vector<16xf32>
        %parallel_loop3A_1250 = arith.select %eq3A_43, %parallel_loop3A_1249, %parallel_loop3A_1186 : vector<16xi1>, vector<16xf32>
        %parallel_loop3A_1251 = arith.constant 16 : i32
        %parallel_loop3A_1252 = arith.muli %parallel_loop3A_418, %parallel_loop3A_1251 : i32
        %parallel_loop3A_1253 = arith.constant 13 : i32
        %parallel_loop3A_1254 = arith.addi %parallel_loop3A_1252, %parallel_loop3A_1253 : i32
        %parallel_loop3A_1255 = arith.index_cast %parallel_loop3A_1254 : i32 to index
        %parallel_loop3A_1256 = arith.constant 0 : index
        %parallel_loop3A_1257 = tpu.vector_load %arg14[%parallel_loop3A_1255, %parallel_loop3A_1256] {strides = array<i32>} : memref<512x16xi32, #tpu.memory_space<vmem>>, vector<16xi32>,
        %parallel_loop3A_1258 = arith.index_cast %parallel_loop3A_1254 : i32 to index
        %parallel_loop3A_1259 = arith.constant 0 : index
        %parallel_loop3A_1260 = tpu.vector_load %arg15[%parallel_loop3A_1258, %parallel_loop3A_1259] {strides = array<i32>} : memref<512x16xf32, #tpu.memory_space<vmem>>, vector<16xf32>,
        %parallel_loop3A_1261 = arith.index_cast %parallel_loop3A_1254 : i32 to index
        %parallel_loop3A_1262 = arith.constant 0 : index
        %parallel_loop3A_1263 = tpu.vector_load %arg16[%parallel_loop3A_1261, %parallel_loop3A_1262] {strides = array<i32>} : memref<512x16xf32, #tpu.memory_space<vmem>>, vector<16xf32>,
        %parallel_loop3A_1264 = arith.addi %parallel_loop3A_1257, %mul3A_5 : vector<16xi32>
        %parallel_loop3A_1265 = arith.constant 1 : i32
        %parallel_loop3A_1266 = vector.broadcast %parallel_loop3A_1265 : i32 to vector<16xi32>
        %parallel_loop3A_1267 = arith.addi %parallel_loop3A_1264, %parallel_loop3A_1266 : vector<16xi32>
        %parallel_loop3A_1268 = arith.mulf %parallel_loop3A_1263, %mul3A_414 : vector<16xf32>
        %parallel_loop3A_1269 = arith.mulf %parallel_loop3A_1268, %parallel_loop3A_1260 : vector<16xf32>
        %parallel_loop3A_1270 = arith.subf %parallel_loop3A_1268, %parallel_loop3A_1269 : vector<16xf32>
        %parallel_loop3A_1271 = tpu.pack_subelements %parallel_loop3A_1270, %parallel_loop3A_1270 {pack_format = #tpu.pack_format<interleaved>, positions = array<i32: 0, 1>} : vector<16xf32>, vector<16xf32> -> vector<32xbf16>
        %parallel_loop3A_1272 = tpu.pack_subelements %parallel_loop3A_1269, %parallel_loop3A_1269 {pack_format = #tpu.pack_format<interleaved>, positions = array<i32: 0, 1>} : vector<16xf32>, vector<16xf32> -> vector<32xbf16>
        %parallel_loop3A_1273 = tpu.vector_load_idx %arg9[%parallel_loop3A_1264] : memref<16384xi32, #tpu.memory_space<vmem>>[vector<16xi32>], vector<16xi32>,
        %parallel_loop3A_1274 = tpu.vector_load_idx %arg9[%parallel_loop3A_1267] : memref<16384xi32, #tpu.memory_space<vmem>>[vector<16xi32>], vector<16xi32>,
        %parallel_loop3A_1275 = vector.bitcast %parallel_loop3A_1273 : vector<16xi32> to vector<32xbf16>
        %parallel_loop3A_1276 = vector.bitcast %parallel_loop3A_1274 : vector<16xi32> to vector<32xbf16>
        %parallel_loop3A_1277 = arith.mulf %parallel_loop3A_1271, %parallel_loop3A_1275 : vector<32xbf16>
        %parallel_loop3A_1278 = arith.mulf %parallel_loop3A_1272, %parallel_loop3A_1276 : vector<32xbf16>
        %parallel_loop3A_1279 = arith.addf %parallel_loop3A_1277, %parallel_loop3A_1278 : vector<32xbf16>
        %parallel_loop3A_1280 = tpu.unpack_subelements %parallel_loop3A_1279, 0 {pack_format = #tpu.pack_format<interleaved>} : vector<32xbf16> -> vector<16xf32>
        %parallel_loop3A_1281 = tpu.unpack_subelements %parallel_loop3A_1279, 1 {pack_format = #tpu.pack_format<interleaved>} : vector<32xbf16> -> vector<16xf32>
        %parallel_loop3A_1282 = arith.constant true
        %parallel_loop3A_1283 = vector.broadcast %parallel_loop3A_1282 : i1 to vector<16xi1>
        %parallel_loop3A_1284 = tpu.scan <sum>, %parallel_loop3A_1280 masked %parallel_loop3A_1283 : vector<16xf32>, vector<16xi1> -> vector<16xf32>
        %parallel_loop3A_1285 = vector.extract %parallel_loop3A_1284[15] : f32 from vector<16xf32>
        %parallel_loop3A_1286 = arith.constant true
        %parallel_loop3A_1287 = vector.broadcast %parallel_loop3A_1286 : i1 to vector<16xi1>
        %parallel_loop3A_1288 = tpu.scan <sum>, %parallel_loop3A_1281 masked %parallel_loop3A_1287 : vector<16xf32>, vector<16xi1> -> vector<16xf32>
        %parallel_loop3A_1289 = vector.extract %parallel_loop3A_1288[15] : f32 from vector<16xf32>
        %parallel_loop3A_1290 = vector.broadcast %parallel_loop3A_1285 : f32 to vector<16xf32>
        %parallel_loop3A_1291 = arith.select %eq3A_46, %parallel_loop3A_1290, %parallel_loop3A_1227 : vector<16xi1>, vector<16xf32>
        %parallel_loop3A_1292 = vector.broadcast %parallel_loop3A_1289 : f32 to vector<16xf32>
        %parallel_loop3A_1293 = arith.select %eq3A_46, %parallel_loop3A_1292, %parallel_loop3A_1229 : vector<16xi1>, vector<16xf32>
        %parallel_loop3A_1294 = tpu.vector_load_idx %arg10[%parallel_loop3A_1264] : memref<16384xi32, #tpu.memory_space<vmem>>[vector<16xi32>], vector<16xi32>,
        %parallel_loop3A_1295 = tpu.vector_load_idx %arg10[%parallel_loop3A_1267] : memref<16384xi32, #tpu.memory_space<vmem>>[vector<16xi32>], vector<16xi32>,
        %parallel_loop3A_1296 = vector.bitcast %parallel_loop3A_1294 : vector<16xi32> to vector<32xbf16>
        %parallel_loop3A_1297 = vector.bitcast %parallel_loop3A_1295 : vector<16xi32> to vector<32xbf16>
        %parallel_loop3A_1298 = arith.mulf %parallel_loop3A_1271, %parallel_loop3A_1296 : vector<32xbf16>
        %parallel_loop3A_1299 = arith.mulf %parallel_loop3A_1272, %parallel_loop3A_1297 : vector<32xbf16>
        %parallel_loop3A_1300 = arith.addf %parallel_loop3A_1298, %parallel_loop3A_1299 : vector<32xbf16>
        %parallel_loop3A_1301 = tpu.unpack_subelements %parallel_loop3A_1300, 0 {pack_format = #tpu.pack_format<interleaved>} : vector<32xbf16> -> vector<16xf32>
        %parallel_loop3A_1302 = tpu.unpack_subelements %parallel_loop3A_1300, 1 {pack_format = #tpu.pack_format<interleaved>} : vector<32xbf16> -> vector<16xf32>
        %parallel_loop3A_1303 = arith.constant true
        %parallel_loop3A_1304 = vector.broadcast %parallel_loop3A_1303 : i1 to vector<16xi1>
        %parallel_loop3A_1305 = tpu.scan <sum>, %parallel_loop3A_1301 masked %parallel_loop3A_1304 : vector<16xf32>, vector<16xi1> -> vector<16xf32>
        %parallel_loop3A_1306 = vector.extract %parallel_loop3A_1305[15] : f32 from vector<16xf32>
        %parallel_loop3A_1307 = arith.constant true
        %parallel_loop3A_1308 = vector.broadcast %parallel_loop3A_1307 : i1 to vector<16xi1>
        %parallel_loop3A_1309 = tpu.scan <sum>, %parallel_loop3A_1302 masked %parallel_loop3A_1308 : vector<16xf32>, vector<16xi1> -> vector<16xf32>
        %parallel_loop3A_1310 = vector.extract %parallel_loop3A_1309[15] : f32 from vector<16xf32>
        %parallel_loop3A_1311 = vector.broadcast %parallel_loop3A_1306 : f32 to vector<16xf32>
        %parallel_loop3A_1312 = arith.select %eq3A_46, %parallel_loop3A_1311, %parallel_loop3A_1248 : vector<16xi1>, vector<16xf32>
        %parallel_loop3A_1313 = vector.broadcast %parallel_loop3A_1310 : f32 to vector<16xf32>
        %parallel_loop3A_1314 = arith.select %eq3A_46, %parallel_loop3A_1313, %parallel_loop3A_1250 : vector<16xi1>, vector<16xf32>
        %parallel_loop3A_1315 = arith.constant 16 : i32
        %parallel_loop3A_1316 = arith.muli %parallel_loop3A_418, %parallel_loop3A_1315 : i32
        %parallel_loop3A_1317 = arith.constant 14 : i32
        %parallel_loop3A_1318 = arith.addi %parallel_loop3A_1316, %parallel_loop3A_1317 : i32
        %parallel_loop3A_1319 = arith.index_cast %parallel_loop3A_1318 : i32 to index
        %parallel_loop3A_1320 = arith.constant 0 : index
        %parallel_loop3A_1321 = tpu.vector_load %arg14[%parallel_loop3A_1319, %parallel_loop3A_1320] {strides = array<i32>} : memref<512x16xi32, #tpu.memory_space<vmem>>, vector<16xi32>,
        %parallel_loop3A_1322 = arith.index_cast %parallel_loop3A_1318 : i32 to index
        %parallel_loop3A_1323 = arith.constant 0 : index
        %parallel_loop3A_1324 = tpu.vector_load %arg15[%parallel_loop3A_1322, %parallel_loop3A_1323] {strides = array<i32>} : memref<512x16xf32, #tpu.memory_space<vmem>>, vector<16xf32>,
        %parallel_loop3A_1325 = arith.index_cast %parallel_loop3A_1318 : i32 to index
        %parallel_loop3A_1326 = arith.constant 0 : index
        %parallel_loop3A_1327 = tpu.vector_load %arg16[%parallel_loop3A_1325, %parallel_loop3A_1326] {strides = array<i32>} : memref<512x16xf32, #tpu.memory_space<vmem>>, vector<16xf32>,
        %parallel_loop3A_1328 = arith.addi %parallel_loop3A_1321, %mul3A_5 : vector<16xi32>
        %parallel_loop3A_1329 = arith.constant 1 : i32
        %parallel_loop3A_1330 = vector.broadcast %parallel_loop3A_1329 : i32 to vector<16xi32>
        %parallel_loop3A_1331 = arith.addi %parallel_loop3A_1328, %parallel_loop3A_1330 : vector<16xi32>
        %parallel_loop3A_1332 = arith.mulf %parallel_loop3A_1327, %mul3A_414 : vector<16xf32>
        %parallel_loop3A_1333 = arith.mulf %parallel_loop3A_1332, %parallel_loop3A_1324 : vector<16xf32>
        %parallel_loop3A_1334 = arith.subf %parallel_loop3A_1332, %parallel_loop3A_1333 : vector<16xf32>
        %parallel_loop3A_1335 = tpu.pack_subelements %parallel_loop3A_1334, %parallel_loop3A_1334 {pack_format = #tpu.pack_format<interleaved>, positions = array<i32: 0, 1>} : vector<16xf32>, vector<16xf32> -> vector<32xbf16>
        %parallel_loop3A_1336 = tpu.pack_subelements %parallel_loop3A_1333, %parallel_loop3A_1333 {pack_format = #tpu.pack_format<interleaved>, positions = array<i32: 0, 1>} : vector<16xf32>, vector<16xf32> -> vector<32xbf16>
        %parallel_loop3A_1337 = tpu.vector_load_idx %arg9[%parallel_loop3A_1328] : memref<16384xi32, #tpu.memory_space<vmem>>[vector<16xi32>], vector<16xi32>,
        %parallel_loop3A_1338 = tpu.vector_load_idx %arg9[%parallel_loop3A_1331] : memref<16384xi32, #tpu.memory_space<vmem>>[vector<16xi32>], vector<16xi32>,
        %parallel_loop3A_1339 = vector.bitcast %parallel_loop3A_1337 : vector<16xi32> to vector<32xbf16>
        %parallel_loop3A_1340 = vector.bitcast %parallel_loop3A_1338 : vector<16xi32> to vector<32xbf16>
        %parallel_loop3A_1341 = arith.mulf %parallel_loop3A_1335, %parallel_loop3A_1339 : vector<32xbf16>
        %parallel_loop3A_1342 = arith.mulf %parallel_loop3A_1336, %parallel_loop3A_1340 : vector<32xbf16>
        %parallel_loop3A_1343 = arith.addf %parallel_loop3A_1341, %parallel_loop3A_1342 : vector<32xbf16>
        %parallel_loop3A_1344 = tpu.unpack_subelements %parallel_loop3A_1343, 0 {pack_format = #tpu.pack_format<interleaved>} : vector<32xbf16> -> vector<16xf32>
        %parallel_loop3A_1345 = tpu.unpack_subelements %parallel_loop3A_1343, 1 {pack_format = #tpu.pack_format<interleaved>} : vector<32xbf16> -> vector<16xf32>
        %parallel_loop3A_1346 = arith.constant true
        %parallel_loop3A_1347 = vector.broadcast %parallel_loop3A_1346 : i1 to vector<16xi1>
        %parallel_loop3A_1348 = tpu.scan <sum>, %parallel_loop3A_1344 masked %parallel_loop3A_1347 : vector<16xf32>, vector<16xi1> -> vector<16xf32>
        %parallel_loop3A_1349 = vector.extract %parallel_loop3A_1348[15] : f32 from vector<16xf32>
        %parallel_loop3A_1350 = arith.constant true
        %parallel_loop3A_1351 = vector.broadcast %parallel_loop3A_1350 : i1 to vector<16xi1>
        %parallel_loop3A_1352 = tpu.scan <sum>, %parallel_loop3A_1345 masked %parallel_loop3A_1351 : vector<16xf32>, vector<16xi1> -> vector<16xf32>
        %parallel_loop3A_1353 = vector.extract %parallel_loop3A_1352[15] : f32 from vector<16xf32>
        %parallel_loop3A_1354 = vector.broadcast %parallel_loop3A_1349 : f32 to vector<16xf32>
        %parallel_loop3A_1355 = arith.select %eq3A_49, %parallel_loop3A_1354, %parallel_loop3A_1291 : vector<16xi1>, vector<16xf32>
        %parallel_loop3A_1356 = vector.broadcast %parallel_loop3A_1353 : f32 to vector<16xf32>
        %parallel_loop3A_1357 = arith.select %eq3A_49, %parallel_loop3A_1356, %parallel_loop3A_1293 : vector<16xi1>, vector<16xf32>
        %parallel_loop3A_1358 = tpu.vector_load_idx %arg10[%parallel_loop3A_1328] : memref<16384xi32, #tpu.memory_space<vmem>>[vector<16xi32>], vector<16xi32>,
        %parallel_loop3A_1359 = tpu.vector_load_idx %arg10[%parallel_loop3A_1331] : memref<16384xi32, #tpu.memory_space<vmem>>[vector<16xi32>], vector<16xi32>,
        %parallel_loop3A_1360 = vector.bitcast %parallel_loop3A_1358 : vector<16xi32> to vector<32xbf16>
        %parallel_loop3A_1361 = vector.bitcast %parallel_loop3A_1359 : vector<16xi32> to vector<32xbf16>
        %parallel_loop3A_1362 = arith.mulf %parallel_loop3A_1335, %parallel_loop3A_1360 : vector<32xbf16>
        %parallel_loop3A_1363 = arith.mulf %parallel_loop3A_1336, %parallel_loop3A_1361 : vector<32xbf16>
        %parallel_loop3A_1364 = arith.addf %parallel_loop3A_1362, %parallel_loop3A_1363 : vector<32xbf16>
        %parallel_loop3A_1365 = tpu.unpack_subelements %parallel_loop3A_1364, 0 {pack_format = #tpu.pack_format<interleaved>} : vector<32xbf16> -> vector<16xf32>
        %parallel_loop3A_1366 = tpu.unpack_subelements %parallel_loop3A_1364, 1 {pack_format = #tpu.pack_format<interleaved>} : vector<32xbf16> -> vector<16xf32>
        %parallel_loop3A_1367 = arith.constant true
        %parallel_loop3A_1368 = vector.broadcast %parallel_loop3A_1367 : i1 to vector<16xi1>
        %parallel_loop3A_1369 = tpu.scan <sum>, %parallel_loop3A_1365 masked %parallel_loop3A_1368 : vector<16xf32>, vector<16xi1> -> vector<16xf32>
        %parallel_loop3A_1370 = vector.extract %parallel_loop3A_1369[15] : f32 from vector<16xf32>
        %parallel_loop3A_1371 = arith.constant true
        %parallel_loop3A_1372 = vector.broadcast %parallel_loop3A_1371 : i1 to vector<16xi1>
        %parallel_loop3A_1373 = tpu.scan <sum>, %parallel_loop3A_1366 masked %parallel_loop3A_1372 : vector<16xf32>, vector<16xi1> -> vector<16xf32>
        %parallel_loop3A_1374 = vector.extract %parallel_loop3A_1373[15] : f32 from vector<16xf32>
        %parallel_loop3A_1375 = vector.broadcast %parallel_loop3A_1370 : f32 to vector<16xf32>
        %parallel_loop3A_1376 = arith.select %eq3A_49, %parallel_loop3A_1375, %parallel_loop3A_1312 : vector<16xi1>, vector<16xf32>
        %parallel_loop3A_1377 = vector.broadcast %parallel_loop3A_1374 : f32 to vector<16xf32>
        %parallel_loop3A_1378 = arith.select %eq3A_49, %parallel_loop3A_1377, %parallel_loop3A_1314 : vector<16xi1>, vector<16xf32>
        %parallel_loop3A_1379 = arith.constant 16 : i32
        %parallel_loop3A_1380 = arith.muli %parallel_loop3A_418, %parallel_loop3A_1379 : i32
        %parallel_loop3A_1381 = arith.constant 15 : i32
        %parallel_loop3A_1382 = arith.addi %parallel_loop3A_1380, %parallel_loop3A_1381 : i32
        %parallel_loop3A_1383 = arith.index_cast %parallel_loop3A_1382 : i32 to index
        %parallel_loop3A_1384 = arith.constant 0 : index
        %parallel_loop3A_1385 = tpu.vector_load %arg14[%parallel_loop3A_1383, %parallel_loop3A_1384] {strides = array<i32>} : memref<512x16xi32, #tpu.memory_space<vmem>>, vector<16xi32>,
        %parallel_loop3A_1386 = arith.index_cast %parallel_loop3A_1382 : i32 to index
        %parallel_loop3A_1387 = arith.constant 0 : index
        %parallel_loop3A_1388 = tpu.vector_load %arg15[%parallel_loop3A_1386, %parallel_loop3A_1387] {strides = array<i32>} : memref<512x16xf32, #tpu.memory_space<vmem>>, vector<16xf32>,
        %parallel_loop3A_1389 = arith.index_cast %parallel_loop3A_1382 : i32 to index
        %parallel_loop3A_1390 = arith.constant 0 : index
        %parallel_loop3A_1391 = tpu.vector_load %arg16[%parallel_loop3A_1389, %parallel_loop3A_1390] {strides = array<i32>} : memref<512x16xf32, #tpu.memory_space<vmem>>, vector<16xf32>,
        %parallel_loop3A_1392 = arith.addi %parallel_loop3A_1385, %mul3A_5 : vector<16xi32>
        %parallel_loop3A_1393 = arith.constant 1 : i32
        %parallel_loop3A_1394 = vector.broadcast %parallel_loop3A_1393 : i32 to vector<16xi32>
        %parallel_loop3A_1395 = arith.addi %parallel_loop3A_1392, %parallel_loop3A_1394 : vector<16xi32>
        %parallel_loop3A_1396 = arith.mulf %parallel_loop3A_1391, %mul3A_414 : vector<16xf32>
        %parallel_loop3A_1397 = arith.mulf %parallel_loop3A_1396, %parallel_loop3A_1388 : vector<16xf32>
        %parallel_loop3A_1398 = arith.subf %parallel_loop3A_1396, %parallel_loop3A_1397 : vector<16xf32>
        %parallel_loop3A_1399 = tpu.pack_subelements %parallel_loop3A_1398, %parallel_loop3A_1398 {pack_format = #tpu.pack_format<interleaved>, positions = array<i32: 0, 1>} : vector<16xf32>, vector<16xf32> -> vector<32xbf16>
        %parallel_loop3A_1400 = tpu.pack_subelements %parallel_loop3A_1397, %parallel_loop3A_1397 {pack_format = #tpu.pack_format<interleaved>, positions = array<i32: 0, 1>} : vector<16xf32>, vector<16xf32> -> vector<32xbf16>
        %parallel_loop3A_1401 = tpu.vector_load_idx %arg9[%parallel_loop3A_1392] : memref<16384xi32, #tpu.memory_space<vmem>>[vector<16xi32>], vector<16xi32>,
        %parallel_loop3A_1402 = tpu.vector_load_idx %arg9[%parallel_loop3A_1395] : memref<16384xi32, #tpu.memory_space<vmem>>[vector<16xi32>], vector<16xi32>,
        %parallel_loop3A_1403 = vector.bitcast %parallel_loop3A_1401 : vector<16xi32> to vector<32xbf16>
        %parallel_loop3A_1404 = vector.bitcast %parallel_loop3A_1402 : vector<16xi32> to vector<32xbf16>
        %parallel_loop3A_1405 = arith.mulf %parallel_loop3A_1399, %parallel_loop3A_1403 : vector<32xbf16>
        %parallel_loop3A_1406 = arith.mulf %parallel_loop3A_1400, %parallel_loop3A_1404 : vector<32xbf16>
        %parallel_loop3A_1407 = arith.addf %parallel_loop3A_1405, %parallel_loop3A_1406 : vector<32xbf16>
        %parallel_loop3A_1408 = tpu.unpack_subelements %parallel_loop3A_1407, 0 {pack_format = #tpu.pack_format<interleaved>} : vector<32xbf16> -> vector<16xf32>
        %parallel_loop3A_1409 = tpu.unpack_subelements %parallel_loop3A_1407, 1 {pack_format = #tpu.pack_format<interleaved>} : vector<32xbf16> -> vector<16xf32>
        %parallel_loop3A_1410 = arith.constant true
        %parallel_loop3A_1411 = vector.broadcast %parallel_loop3A_1410 : i1 to vector<16xi1>
        %parallel_loop3A_1412 = tpu.scan <sum>, %parallel_loop3A_1408 masked %parallel_loop3A_1411 : vector<16xf32>, vector<16xi1> -> vector<16xf32>
        %parallel_loop3A_1413 = vector.extract %parallel_loop3A_1412[15] : f32 from vector<16xf32>
        %parallel_loop3A_1414 = arith.constant true
        %parallel_loop3A_1415 = vector.broadcast %parallel_loop3A_1414 : i1 to vector<16xi1>
        %parallel_loop3A_1416 = tpu.scan <sum>, %parallel_loop3A_1409 masked %parallel_loop3A_1415 : vector<16xf32>, vector<16xi1> -> vector<16xf32>
        %parallel_loop3A_1417 = vector.extract %parallel_loop3A_1416[15] : f32 from vector<16xf32>
        %parallel_loop3A_1418 = vector.broadcast %parallel_loop3A_1413 : f32 to vector<16xf32>
        %parallel_loop3A_1419 = arith.select %eq3A_52, %parallel_loop3A_1418, %parallel_loop3A_1355 : vector<16xi1>, vector<16xf32>
        %parallel_loop3A_1420 = vector.broadcast %parallel_loop3A_1417 : f32 to vector<16xf32>
        %parallel_loop3A_1421 = arith.select %eq3A_52, %parallel_loop3A_1420, %parallel_loop3A_1357 : vector<16xi1>, vector<16xf32>
        %parallel_loop3A_1422 = tpu.vector_load_idx %arg10[%parallel_loop3A_1392] : memref<16384xi32, #tpu.memory_space<vmem>>[vector<16xi32>], vector<16xi32>,
        %parallel_loop3A_1423 = tpu.vector_load_idx %arg10[%parallel_loop3A_1395] : memref<16384xi32, #tpu.memory_space<vmem>>[vector<16xi32>], vector<16xi32>,
        %parallel_loop3A_1424 = vector.bitcast %parallel_loop3A_1422 : vector<16xi32> to vector<32xbf16>
        %parallel_loop3A_1425 = vector.bitcast %parallel_loop3A_1423 : vector<16xi32> to vector<32xbf16>
        %parallel_loop3A_1426 = arith.mulf %parallel_loop3A_1399, %parallel_loop3A_1424 : vector<32xbf16>
        %parallel_loop3A_1427 = arith.mulf %parallel_loop3A_1400, %parallel_loop3A_1425 : vector<32xbf16>
        %parallel_loop3A_1428 = arith.addf %parallel_loop3A_1426, %parallel_loop3A_1427 : vector<32xbf16>
        %parallel_loop3A_1429 = tpu.unpack_subelements %parallel_loop3A_1428, 0 {pack_format = #tpu.pack_format<interleaved>} : vector<32xbf16> -> vector<16xf32>
        %parallel_loop3A_1430 = tpu.unpack_subelements %parallel_loop3A_1428, 1 {pack_format = #tpu.pack_format<interleaved>} : vector<32xbf16> -> vector<16xf32>
        %parallel_loop3A_1431 = arith.constant true
        %parallel_loop3A_1432 = vector.broadcast %parallel_loop3A_1431 : i1 to vector<16xi1>
        %parallel_loop3A_1433 = tpu.scan <sum>, %parallel_loop3A_1429 masked %parallel_loop3A_1432 : vector<16xf32>, vector<16xi1> -> vector<16xf32>
        %parallel_loop3A_1434 = vector.extract %parallel_loop3A_1433[15] : f32 from vector<16xf32>
        %parallel_loop3A_1435 = arith.constant true
        %parallel_loop3A_1436 = vector.broadcast %parallel_loop3A_1435 : i1 to vector<16xi1>
        %parallel_loop3A_1437 = tpu.scan <sum>, %parallel_loop3A_1430 masked %parallel_loop3A_1436 : vector<16xf32>, vector<16xi1> -> vector<16xf32>
        %parallel_loop3A_1438 = vector.extract %parallel_loop3A_1437[15] : f32 from vector<16xf32>
        %parallel_loop3A_1439 = vector.broadcast %parallel_loop3A_1434 : f32 to vector<16xf32>
        %parallel_loop3A_1440 = arith.select %eq3A_52, %parallel_loop3A_1439, %parallel_loop3A_1376 : vector<16xi1>, vector<16xf32>
        %parallel_loop3A_1441 = vector.broadcast %parallel_loop3A_1438 : f32 to vector<16xf32>
        %parallel_loop3A_1442 = arith.select %eq3A_52, %parallel_loop3A_1441, %parallel_loop3A_1378 : vector<16xi1>, vector<16xf32>
        %parallel_loop3A_1443 = arith.constant 512 : i32
        %parallel_loop3A_1444 = arith.muli %select_n3A_411, %parallel_loop3A_1443 : i32
        %parallel_loop3A_1445 = arith.constant 0 : i32
        %parallel_loop3A_1446 = arith.addi %parallel_loop3A_1445, %parallel_loop3A_1444 : i32
        %parallel_loop3A_1447 = arith.constant 16 : i32
        %parallel_loop3A_1448 = arith.muli %parallel_loop3A_418, %parallel_loop3A_1447 : i32
        %parallel_loop3A_1449 = arith.addi %parallel_loop3A_1446, %parallel_loop3A_1448 : i32
        %parallel_loop3A_1450 = arith.index_cast %parallel_loop3A_1449 : i32 to index
        %parallel_loop3A_1451 = tpu.vector_load %arg17[%parallel_loop3A_1450] {strides = array<i32>} : memref<8192xf32, #tpu.memory_space<vmem>>, vector<16xf32>,
        tpu.vector_store %arg17[%parallel_loop3A_1450], %parallel_loop3A_1419 {add = true, strides = array<i32>} : memref<8192xf32, #tpu.memory_space<vmem>>, vector<16xf32>,
        %parallel_loop3A_1452 = arith.constant 512 : i32
        %parallel_loop3A_1453 = arith.muli %select_n3A_411, %parallel_loop3A_1452 : i32
        %parallel_loop3A_1454 = arith.constant 2048 : i32
        %parallel_loop3A_1455 = arith.addi %parallel_loop3A_1454, %parallel_loop3A_1453 : i32
        %parallel_loop3A_1456 = arith.constant 16 : i32
        %parallel_loop3A_1457 = arith.muli %parallel_loop3A_418, %parallel_loop3A_1456 : i32
        %parallel_loop3A_1458 = arith.addi %parallel_loop3A_1455, %parallel_loop3A_1457 : i32
        %parallel_loop3A_1459 = arith.index_cast %parallel_loop3A_1458 : i32 to index
        %parallel_loop3A_1460 = tpu.vector_load %arg17[%parallel_loop3A_1459] {strides = array<i32>} : memref<8192xf32, #tpu.memory_space<vmem>>, vector<16xf32>,
        tpu.vector_store %arg17[%parallel_loop3A_1459], %parallel_loop3A_1421 {add = true, strides = array<i32>} : memref<8192xf32, #tpu.memory_space<vmem>>, vector<16xf32>,
        %parallel_loop3A_1461 = arith.constant 512 : i32
        %parallel_loop3A_1462 = arith.muli %select_n3A_411, %parallel_loop3A_1461 : i32
        %parallel_loop3A_1463 = arith.constant 4096 : i32
        %parallel_loop3A_1464 = arith.addi %parallel_loop3A_1463, %parallel_loop3A_1462 : i32
        %parallel_loop3A_1465 = arith.constant 16 : i32
        %parallel_loop3A_1466 = arith.muli %parallel_loop3A_418, %parallel_loop3A_1465 : i32
        %parallel_loop3A_1467 = arith.addi %parallel_loop3A_1464, %parallel_loop3A_1466 : i32
        %parallel_loop3A_1468 = arith.index_cast %parallel_loop3A_1467 : i32 to index
        %parallel_loop3A_1469 = tpu.vector_load %arg17[%parallel_loop3A_1468] {strides = array<i32>} : memref<8192xf32, #tpu.memory_space<vmem>>, vector<16xf32>,
        tpu.vector_store %arg17[%parallel_loop3A_1468], %parallel_loop3A_1440 {add = true, strides = array<i32>} : memref<8192xf32, #tpu.memory_space<vmem>>, vector<16xf32>,
        %parallel_loop3A_1470 = arith.constant 512 : i32
        %parallel_loop3A_1471 = arith.muli %select_n3A_411, %parallel_loop3A_1470 : i32
        %parallel_loop3A_1472 = arith.constant 6144 : i32
        %parallel_loop3A_1473 = arith.addi %parallel_loop3A_1472, %parallel_loop3A_1471 : i32
        %parallel_loop3A_1474 = arith.constant 16 : i32
        %parallel_loop3A_1475 = arith.muli %parallel_loop3A_418, %parallel_loop3A_1474 : i32
        %parallel_loop3A_1476 = arith.addi %parallel_loop3A_1473, %parallel_loop3A_1475 : i32
        %parallel_loop3A_1477 = arith.index_cast %parallel_loop3A_1476 : i32 to index
        %parallel_loop3A_1478 = tpu.vector_load %arg17[%parallel_loop3A_1477] {strides = array<i32>} : memref<8192xf32, #tpu.memory_space<vmem>>, vector<16xf32>,
        tpu.vector_store %arg17[%parallel_loop3A_1477], %parallel_loop3A_1442 {add = true, strides = array<i32>} : memref<8192xf32, #tpu.memory_space<vmem>>, vector<16xf32>,
      } {sc.loop_unroll_factor = 4 : i64, sc.parallel_access}
    }
    %scan3A_108 = arith.constant 16 : i32
    %run_scoped3A = arith.constant 0 : i32
    "tpu.region"() ({
      %run_scoped3A_112 = tpu.sem_alloc : memref<!tpu.dma_semaphore, #tpu.memory_space<semaphore_mem>>
      %dma_start3A_113 = arith.constant 0 : i32
      %dma_start3A_114 = tpu.memref_slice %arg17[%dma_start3A_113] : memref<8192xf32, #tpu.memory_space<vmem>> -> memref<2048xf32, #tpu.memory_space<vmem>>
      %dma_start3A_115 = tpu.memref_slice %arg8[%run_scoped3A, %mul3A_2] : memref<4x65536xf32, #tpu.memory_space<hbm>> -> memref<1x2048xf32, #tpu.memory_space<hbm>>
      %dma_start3A_116 = tpu.memref_squeeze %dma_start3A_115 : memref<1x2048xf32, #tpu.memory_space<hbm>> -> memref<2048xf32, #tpu.memory_space<hbm>>
      %dma_start3A_117 = tpu.memref_slice %arg8[%run_scoped3A, %mul3A_2] : memref<4x65536xf32, #tpu.memory_space<hbm>> -> memref<1x2048xf32, #tpu.memory_space<hbm>>
      %dma_start3A_118 = tpu.memref_squeeze %dma_start3A_117 : memref<1x2048xf32, #tpu.memory_space<hbm>> -> memref<2048xf32, #tpu.memory_space<hbm>>
      %dma_start3A_119 = arith.constant 0 : i32
      %dma_start3A_120 = tpu.memref_slice %arg17[%dma_start3A_119] : memref<8192xf32, #tpu.memory_space<vmem>> -> memref<2048xf32, #tpu.memory_space<vmem>>
      tpu.enqueue_dma source(%dma_start3A_120 : memref<2048xf32, #tpu.memory_space<vmem>>) target(%dma_start3A_118 : memref<2048xf32, #tpu.memory_space<hbm>>) target_semaphore(%run_scoped3A_112 : memref<!tpu.dma_semaphore, #tpu.memory_space<semaphore_mem>>)
      %dma_wait3A = arith.constant 0 : i32
      %dma_wait3A_121 = tpu.memref_slice %arg17[%dma_wait3A] : memref<8192xf32, #tpu.memory_space<vmem>> -> memref<2048xf32, #tpu.memory_space<vmem>>
      %dma_wait3A_122 = tpu.memref_slice %arg8[%run_scoped3A, %mul3A_2] : memref<4x65536xf32, #tpu.memory_space<hbm>> -> memref<1x2048xf32, #tpu.memory_space<hbm>>
      %dma_wait3A_123 = tpu.memref_squeeze %dma_wait3A_122 : memref<1x2048xf32, #tpu.memory_space<hbm>> -> memref<2048xf32, #tpu.memory_space<hbm>>
      %dma_wait3A_124 = tpu.memref_slice %arg8[%run_scoped3A, %mul3A_2] : memref<4x65536xf32, #tpu.memory_space<hbm>> -> memref<1x2048xf32, #tpu.memory_space<hbm>>
      %dma_wait3A_125 = tpu.memref_squeeze %dma_wait3A_124 : memref<1x2048xf32, #tpu.memory_space<hbm>> -> memref<2048xf32, #tpu.memory_space<hbm>>
      %dma_wait3A_126 = arith.constant 0 : i32
      %dma_wait3A_127 = tpu.memref_slice %arg17[%dma_wait3A_126] : memref<8192xf32, #tpu.memory_space<vmem>> -> memref<2048xf32, #tpu.memory_space<vmem>>
      tpu.wait_dma2 semaphore(%run_scoped3A_112 : memref<!tpu.dma_semaphore, #tpu.memory_space<semaphore_mem>>) src(%dma_wait3A_127 : memref<2048xf32, #tpu.memory_space<vmem>>) dst(%dma_wait3A_125 : memref<2048xf32, #tpu.memory_space<hbm>>)
      tpu.yield
    }) : () -> ()
    %run_scoped3A_109 = arith.constant 1 : i32
    "tpu.region"() ({
      %run_scoped3A_112 = tpu.sem_alloc : memref<!tpu.dma_semaphore, #tpu.memory_space<semaphore_mem>>
      %dma_start3A_113 = arith.constant 2048 : i32
      %dma_start3A_114 = tpu.memref_slice %arg17[%dma_start3A_113] : memref<8192xf32, #tpu.memory_space<vmem>> -> memref<2048xf32, #tpu.memory_space<vmem>>
      %dma_start3A_115 = tpu.memref_slice %arg8[%run_scoped3A_109, %mul3A_2] : memref<4x65536xf32, #tpu.memory_space<hbm>> -> memref<1x2048xf32, #tpu.memory_space<hbm>>
      %dma_start3A_116 = tpu.memref_squeeze %dma_start3A_115 : memref<1x2048xf32, #tpu.memory_space<hbm>> -> memref<2048xf32, #tpu.memory_space<hbm>>
      %dma_start3A_117 = tpu.memref_slice %arg8[%run_scoped3A_109, %mul3A_2] : memref<4x65536xf32, #tpu.memory_space<hbm>> -> memref<1x2048xf32, #tpu.memory_space<hbm>>
      %dma_start3A_118 = tpu.memref_squeeze %dma_start3A_117 : memref<1x2048xf32, #tpu.memory_space<hbm>> -> memref<2048xf32, #tpu.memory_space<hbm>>
      %dma_start3A_119 = arith.constant 2048 : i32
      %dma_start3A_120 = tpu.memref_slice %arg17[%dma_start3A_119] : memref<8192xf32, #tpu.memory_space<vmem>> -> memref<2048xf32, #tpu.memory_space<vmem>>
      tpu.enqueue_dma source(%dma_start3A_120 : memref<2048xf32, #tpu.memory_space<vmem>>) target(%dma_start3A_118 : memref<2048xf32, #tpu.memory_space<hbm>>) target_semaphore(%run_scoped3A_112 : memref<!tpu.dma_semaphore, #tpu.memory_space<semaphore_mem>>)
      %dma_wait3A = arith.constant 2048 : i32
      %dma_wait3A_121 = tpu.memref_slice %arg17[%dma_wait3A] : memref<8192xf32, #tpu.memory_space<vmem>> -> memref<2048xf32, #tpu.memory_space<vmem>>
      %dma_wait3A_122 = tpu.memref_slice %arg8[%run_scoped3A_109, %mul3A_2] : memref<4x65536xf32, #tpu.memory_space<hbm>> -> memref<1x2048xf32, #tpu.memory_space<hbm>>
      %dma_wait3A_123 = tpu.memref_squeeze %dma_wait3A_122 : memref<1x2048xf32, #tpu.memory_space<hbm>> -> memref<2048xf32, #tpu.memory_space<hbm>>
      %dma_wait3A_124 = tpu.memref_slice %arg8[%run_scoped3A_109, %mul3A_2] : memref<4x65536xf32, #tpu.memory_space<hbm>> -> memref<1x2048xf32, #tpu.memory_space<hbm>>
      %dma_wait3A_125 = tpu.memref_squeeze %dma_wait3A_124 : memref<1x2048xf32, #tpu.memory_space<hbm>> -> memref<2048xf32, #tpu.memory_space<hbm>>
      %dma_wait3A_126 = arith.constant 2048 : i32
      %dma_wait3A_127 = tpu.memref_slice %arg17[%dma_wait3A_126] : memref<8192xf32, #tpu.memory_space<vmem>> -> memref<2048xf32, #tpu.memory_space<vmem>>
      tpu.wait_dma2 semaphore(%run_scoped3A_112 : memref<!tpu.dma_semaphore, #tpu.memory_space<semaphore_mem>>) src(%dma_wait3A_127 : memref<2048xf32, #tpu.memory_space<vmem>>) dst(%dma_wait3A_125 : memref<2048xf32, #tpu.memory_space<hbm>>)
      tpu.yield
    }) : () -> ()
    %run_scoped3A_110 = arith.constant 2 : i32
    "tpu.region"() ({
      %run_scoped3A_112 = tpu.sem_alloc : memref<!tpu.dma_semaphore, #tpu.memory_space<semaphore_mem>>
      %dma_start3A_113 = arith.constant 4096 : i32
      %dma_start3A_114 = tpu.memref_slice %arg17[%dma_start3A_113] : memref<8192xf32, #tpu.memory_space<vmem>> -> memref<2048xf32, #tpu.memory_space<vmem>>
      %dma_start3A_115 = tpu.memref_slice %arg8[%run_scoped3A_110, %mul3A_2] : memref<4x65536xf32, #tpu.memory_space<hbm>> -> memref<1x2048xf32, #tpu.memory_space<hbm>>
      %dma_start3A_116 = tpu.memref_squeeze %dma_start3A_115 : memref<1x2048xf32, #tpu.memory_space<hbm>> -> memref<2048xf32, #tpu.memory_space<hbm>>
      %dma_start3A_117 = tpu.memref_slice %arg8[%run_scoped3A_110, %mul3A_2] : memref<4x65536xf32, #tpu.memory_space<hbm>> -> memref<1x2048xf32, #tpu.memory_space<hbm>>
      %dma_start3A_118 = tpu.memref_squeeze %dma_start3A_117 : memref<1x2048xf32, #tpu.memory_space<hbm>> -> memref<2048xf32, #tpu.memory_space<hbm>>
      %dma_start3A_119 = arith.constant 4096 : i32
      %dma_start3A_120 = tpu.memref_slice %arg17[%dma_start3A_119] : memref<8192xf32, #tpu.memory_space<vmem>> -> memref<2048xf32, #tpu.memory_space<vmem>>
      tpu.enqueue_dma source(%dma_start3A_120 : memref<2048xf32, #tpu.memory_space<vmem>>) target(%dma_start3A_118 : memref<2048xf32, #tpu.memory_space<hbm>>) target_semaphore(%run_scoped3A_112 : memref<!tpu.dma_semaphore, #tpu.memory_space<semaphore_mem>>)
      %dma_wait3A = arith.constant 4096 : i32
      %dma_wait3A_121 = tpu.memref_slice %arg17[%dma_wait3A] : memref<8192xf32, #tpu.memory_space<vmem>> -> memref<2048xf32, #tpu.memory_space<vmem>>
      %dma_wait3A_122 = tpu.memref_slice %arg8[%run_scoped3A_110, %mul3A_2] : memref<4x65536xf32, #tpu.memory_space<hbm>> -> memref<1x2048xf32, #tpu.memory_space<hbm>>
      %dma_wait3A_123 = tpu.memref_squeeze %dma_wait3A_122 : memref<1x2048xf32, #tpu.memory_space<hbm>> -> memref<2048xf32, #tpu.memory_space<hbm>>
      %dma_wait3A_124 = tpu.memref_slice %arg8[%run_scoped3A_110, %mul3A_2] : memref<4x65536xf32, #tpu.memory_space<hbm>> -> memref<1x2048xf32, #tpu.memory_space<hbm>>
      %dma_wait3A_125 = tpu.memref_squeeze %dma_wait3A_124 : memref<1x2048xf32, #tpu.memory_space<hbm>> -> memref<2048xf32, #tpu.memory_space<hbm>>
      %dma_wait3A_126 = arith.constant 4096 : i32
      %dma_wait3A_127 = tpu.memref_slice %arg17[%dma_wait3A_126] : memref<8192xf32, #tpu.memory_space<vmem>> -> memref<2048xf32, #tpu.memory_space<vmem>>
      tpu.wait_dma2 semaphore(%run_scoped3A_112 : memref<!tpu.dma_semaphore, #tpu.memory_space<semaphore_mem>>) src(%dma_wait3A_127 : memref<2048xf32, #tpu.memory_space<vmem>>) dst(%dma_wait3A_125 : memref<2048xf32, #tpu.memory_space<hbm>>)
      tpu.yield
    }) : () -> ()
    %run_scoped3A_111 = arith.constant 3 : i32
    "tpu.region"() ({
      %run_scoped3A_112 = tpu.sem_alloc : memref<!tpu.dma_semaphore, #tpu.memory_space<semaphore_mem>>
      %dma_start3A_113 = arith.constant 6144 : i32
      %dma_start3A_114 = tpu.memref_slice %arg17[%dma_start3A_113] : memref<8192xf32, #tpu.memory_space<vmem>> -> memref<2048xf32, #tpu.memory_space<vmem>>
      %dma_start3A_115 = tpu.memref_slice %arg8[%run_scoped3A_111, %mul3A_2] : memref<4x65536xf32, #tpu.memory_space<hbm>> -> memref<1x2048xf32, #tpu.memory_space<hbm>>
      %dma_start3A_116 = tpu.memref_squeeze %dma_start3A_115 : memref<1x2048xf32, #tpu.memory_space<hbm>> -> memref<2048xf32, #tpu.memory_space<hbm>>
      %dma_start3A_117 = tpu.memref_slice %arg8[%run_scoped3A_111, %mul3A_2] : memref<4x65536xf32, #tpu.memory_space<hbm>> -> memref<1x2048xf32, #tpu.memory_space<hbm>>
      %dma_start3A_118 = tpu.memref_squeeze %dma_start3A_117 : memref<1x2048xf32, #tpu.memory_space<hbm>> -> memref<2048xf32, #tpu.memory_space<hbm>>
      %dma_start3A_119 = arith.constant 6144 : i32
      %dma_start3A_120 = tpu.memref_slice %arg17[%dma_start3A_119] : memref<8192xf32, #tpu.memory_space<vmem>> -> memref<2048xf32, #tpu.memory_space<vmem>>
      tpu.enqueue_dma source(%dma_start3A_120 : memref<2048xf32, #tpu.memory_space<vmem>>) target(%dma_start3A_118 : memref<2048xf32, #tpu.memory_space<hbm>>) target_semaphore(%run_scoped3A_112 : memref<!tpu.dma_semaphore, #tpu.memory_space<semaphore_mem>>)
      %dma_wait3A = arith.constant 6144 : i32
      %dma_wait3A_121 = tpu.memref_slice %arg17[%dma_wait3A] : memref<8192xf32, #tpu.memory_space<vmem>> -> memref<2048xf32, #tpu.memory_space<vmem>>
      %dma_wait3A_122 = tpu.memref_slice %arg8[%run_scoped3A_111, %mul3A_2] : memref<4x65536xf32, #tpu.memory_space<hbm>> -> memref<1x2048xf32, #tpu.memory_space<hbm>>
      %dma_wait3A_123 = tpu.memref_squeeze %dma_wait3A_122 : memref<1x2048xf32, #tpu.memory_space<hbm>> -> memref<2048xf32, #tpu.memory_space<hbm>>
      %dma_wait3A_124 = tpu.memref_slice %arg8[%run_scoped3A_111, %mul3A_2] : memref<4x65536xf32, #tpu.memory_space<hbm>> -> memref<1x2048xf32, #tpu.memory_space<hbm>>
      %dma_wait3A_125 = tpu.memref_squeeze %dma_wait3A_124 : memref<1x2048xf32, #tpu.memory_space<hbm>> -> memref<2048xf32, #tpu.memory_space<hbm>>
      %dma_wait3A_126 = arith.constant 6144 : i32
      %dma_wait3A_127 = tpu.memref_slice %arg17[%dma_wait3A_126] : memref<8192xf32, #tpu.memory_space<vmem>> -> memref<2048xf32, #tpu.memory_space<vmem>>
      tpu.wait_dma2 semaphore(%run_scoped3A_112 : memref<!tpu.dma_semaphore, #tpu.memory_space<semaphore_mem>>) src(%dma_wait3A_127 : memref<2048xf32, #tpu.memory_space<vmem>>) dst(%dma_wait3A_125 : memref<2048xf32, #tpu.memory_space<hbm>>)
      tpu.yield
    }) : () -> ()
    return
  }
}

</mosaic_0001>

<sc_bundles>
// kernel: _das.3.cloned.1.call-start
scs
__scs_entry_jumppad:
0x0: {  	(pc) =	sbr.rel $0x88, $3  }
0x1: {  	(tag) =	ssettag $0x0;
	lr =	simm.s32 $0x1  }
0x2: {  	[smem:$0x3F9B] =	sst lr;
	_ =	strace $0xD0000000  }
0x3: {  	_ = 	snop  }
0x4: {  	_ = 	snop  }
0x5: {  	_ = 	snop  }
0x6: {  	_ = 	snop  }
0x7: {  	_ = 	snop  }
__scs_overlays_trampoline_lowered:
0x8: {  	[smem:$0x3FAA] =	sst s0  }
0x9: {  	[smem:$0x3FAB] =	sst s1  }
0xa: {  	[smem:$0x3FAC] =	sst s2  }
0xb: {  	[smem:$0x3FAD] =	sst s3  }
0xc: {  	[smem:$0x3FAE] =	sst s4  }
0xd: {  	[smem:$0x3FAF] =	sst s5  }
0xe: {  	[smem:$0x3FB0] =	sst s6  }
0xf: {  	[smem:$0x3FB1] =	sst s7  }
0x10: {  	[smem:$0x3FB2] =	sst s8  }
0x11: {  	[smem:$0x3FB3] =	sst s9;
	s0 =	simm.s32 @!p0 $0x0  }
0x12: {  	s1 =	sld [smem:$0x3F99];
	s0 =	simm.s32 @p0 $0x1  }
0x13: {  	[smem:$0x3FB4] =	sst s0;
	s0 =	simm.s32 @!p1 $0x0  }
0x14: {  	s2 =	sld [smem:$0x3F98];
	s0 =	simm.s32 @p1 $0x1  }
0x15: {  	[smem:$0x3FB5] =	sst s0;
	s0 =	simm.s32 @!p2 $0x0  }
0x16: {  	s3 =	sld [smem:$0x3FDB];
	s0 =	simm.s32 @p2 $0x1  }
0x17: {  	s4 =	simm.s32 $0x1BF5;
	[smem:$0x3FB7] =	sst s0  }
0x18: {  	s0 =	sld [smem:$0x3F9A];
	_ =	swait.ge [sflag:s4], $0x0  }
0x19: {  	s7 =	sld [smem:$0x3F9B]  }
0x1a: {  	s8 =	sadd.s32 $0xFFFFE003, lr  }
0x1b: {  	s9 =	sadd.s32 $0xFFFFFEF7, lr;
	s5 =	simm.s32 $0xFFFFFFFF;
	p2 =	slt.u32 s8, $0xFFFFF086  }
0x1c: {  	p1 =	slt.u32 s9, $0xF7A;
	s5 =	simm.s32 @!p2 $0x0  }
0x1d: {  	s5 =	simm.s32 @p1 $0x1;
	p0 =	seq.s32 s7, s2  }
0x1e: {  	s7 =	smul.u32 @!p0 $0xF7A, s2;
	p2 =	seq.s32 @!p0 s5, $0x0  }
0x1f: {  	s9 =	smul.u32 $0xF7A, s1;
	s8 =	simm.s32 @!p0 $0x1BF5;
	p2 =	por !p2, p0  }
0x20: {  	[sflag:s8] =	ssyncset.s32 @!p0 $0xFFFFF086;
	s6 =	sadd.s32 @!p0 s3, s7;
	s7 =	simm.s32 @!p0 $0x108  }
0x21: {  	s3 =	sadd.s32 s3, s9;
	s6 =	sadd.s32 @!p0 $0x88, s6;
	s7 =	simm.s32 @p2 $0x1082  }
0x22: {  	[simem:s7], [sflag:s8] =	dma.local @!p0 [hbm:s6], $0xF7A  }
0x23: {  	s9 =	sor.u32 $0xD0000000, s2;
	s6 =	simm.s32 $0x108;
	_ =	swait.ge @!p0 [sflag:s8], $0x0  }
0x24: {  	s3 =	sadd.s32 $0x88, s3;
	s6 =	simm.s32 @!p1 $0x1082;
	[sflag:s4] =	ssyncset.s32 $0xFFFFF086  }
0x25: {  	[simem:s6], [sflag:s4] =	dma.local [hbm:s3], $0xF7A  }
0x26: {  	[smem:$0x3F9B] =	sst s1;
	(tag) =	ssettag s2;
	_ =	strace s9  }
0x27: {  	s1 =	sld [smem:$0x3FAB]  }
0x28: {  	s2 =	sld [smem:$0x3FAC]  }
0x29: {  	s4 =	sld [smem:$0x3FAE]  }
0x2a: {  	p0 =	seq.s32 s5, $0x0;
	s5 =	sld [smem:$0x3FAF]  }
0x2b: {  	s6 =	sld [smem:$0x3FB0]  }
0x2c: {  	s7 =	sld [smem:$0x3FB1]  }
0x2d: {  	s3 =	simm.s32 $0x108;
	s8 =	sld [smem:$0x3FB2]  }
0x2e: {  	s3 =	simm.s32 @!p0 $0x1082;
	s9 =	sld [smem:$0x3FB3]  }
0x2f: {  	lr =	sadd.s32 s0, s3;
	s0 =	sld [smem:$0x3FAA]  }
0x30: {  	s3 =	sld [smem:$0x3FAD]  }
0x31: {  	[smem:$0x3FB6] =	sst s10  }
0x32: {  	s10 =	sld [smem:$0x3FB4];
	_ =	sdelay $0x3  }
0x33: {  	p0 =	seq.s32 s10, $0x1;
	s10 =	sld [smem:$0x3FB6];
	_ =	sdelay $0x3  }
0x34: {  	[smem:$0x3FB6] =	sst s10  }
0x35: {  	s10 =	sld [smem:$0x3FB5];
	_ =	sdelay $0x3  }
0x36: {  	p1 =	seq.s32 s10, $0x1;
	s10 =	sld [smem:$0x3FB6];
	_ =	sdelay $0x3  }
0x37: {  	[smem:$0x3FB6] =	sst s10  }
0x38: {  	s10 =	sld [smem:$0x3FB7]  }
0x39: {  	_ = 	snop;
	(pc) =	sbr.ind lr, $3  }
0x3a: {  	_ = 	snop  }
0x3b: {  	_ = 	snop  }
0x3c: {  	p2 =	seq.s32 s10, $0x1;
	s10 =	sld [smem:$0x3FB6]  }
0x3d: {  	_ =	shalt  }
0x3e: {  	_ =	shalt  }
0x3f: {  	_ =	shalt  }
0x40: {  	_ =	shalt  }
0x41: {  	_ =	shalt  }
0x42: {  	_ =	shalt  }
0x43: {  	_ =	shalt  }
0x44: {  	_ =	shalt  }
0x45: {  	_ =	shalt  }
0x46: {  	_ =	shalt  }
0x47: {  	_ =	shalt  }
0x48: {  	_ =	shalt  }
0x49: {  	_ =	shalt  }
0x4a: {  	_ =	shalt  }
0x4b: {  	_ =	shalt  }
0x4c: {  	_ =	shalt  }
0x4d: {  	_ =	shalt  }
0x4e: {  	_ =	shalt  }
0x4f: {  	_ =	shalt  }
0x50: {  	_ =	shalt  }
0x51: {  	_ =	shalt  }
0x52: {  	_ =	shalt  }
0x53: {  	_ =	shalt  }
0x54: {  	_ =	shalt  }
0x55: {  	_ =	shalt  }
0x56: {  	_ =	shalt  }
0x57: {  	_ =	shalt  }
0x58: {  	_ =	shalt  }
0x59: {  	_ =	shalt  }
0x5a: {  	_ =	shalt  }
0x5b: {  	_ =	shalt  }
0x5c: {  	_ =	shalt  }
0x5d: {  	_ =	shalt  }
0x5e: {  	_ =	shalt  }
0x5f: {  	_ =	shalt  }
0x60: {  	_ =	shalt  }
0x61: {  	_ =	shalt  }
0x62: {  	_ =	shalt  }
0x63: {  	_ =	shalt  }
0x64: {  	_ =	shalt  }
0x65: {  	_ =	shalt  }
0x66: {  	_ =	shalt  }
0x67: {  	_ =	shalt  }
0x68: {  	_ =	shalt  }
0x69: {  	_ =	shalt  }
0x6a: {  	_ =	shalt  }
0x6b: {  	_ =	shalt  }
0x6c: {  	_ =	shalt  }
0x6d: {  	_ =	shalt  }
0x6e: {  	_ =	shalt  }
0x6f: {  	_ =	shalt  }
0x70: {  	_ =	shalt  }
0x71: {  	_ =	shalt  }
0x72: {  	_ =	shalt  }
0x73: {  	_ =	shalt  }
0x74: {  	_ =	shalt  }
0x75: {  	_ =	shalt  }
0x76: {  	_ =	shalt  }
0x77: {  	_ =	shalt  }
0x78: {  	_ =	shalt  }
0x79: {  	_ =	shalt  }
0x7a: {  	_ =	shalt  }
0x7b: {  	_ =	shalt  }
0x7c: {  	_ =	shalt  }
0x7d: {  	_ =	shalt  }
0x7e: {  	_ =	shalt  }
0x7f: {  	_ =	shalt  }
0x80: {  	_ =	shalt  }
0x81: {  	_ =	shalt  }
0x82: {  	_ =	shalt  }
0x83: {  	_ =	shalt  }
0x84: {  	_ =	shalt  }
0x85: {  	_ =	shalt  }
0x86: {  	_ =	shalt  }
0x87: {  	_ =	shalt  }
.Lfunc_end0:
.L_simem_size_0:
called_computation_lowered:
.L_overlay_start_0:
0x88: {  	s2 =	sld [smem:$0x3FD9]  }
0x89: {  	s3 =	sld [smem:$0x3FFE];
	_ =	sdelay $0x1  }
0x8a: {  	s1 =	srdreg.scid  }
0x8b: {  	s0 =	sand.u32 $0x1, s1  }
0x8c: {  	s17 =	sshll.u32 s0, $0xA;
	s2 =	sadd.s32 s3, s2  }
0x8d: {  	s2 =	sadd.s32 s2, s17  }
0x8e: {  	[smem:$0x3FC2] =	sst s2  }
0x8f: {  	_ = 	snop  }
0x90: {  	s2 =	sld [smem:$0x3FC9]  }
0x91: {  	s18 =	sld [smem:$0x3FC8]  }
0x92: {  	s4 =	sld [smem:$0x3FC7]  }
0x93: {  	s5 =	sld [smem:$0x3FC6]  }
0x94: {  	s6 =	sld [smem:$0x3FC5]  }
0x95: {  	s7 =	sld [smem:$0x3FC4];
	(tm) =	ssettm $0x1  }
0x96: {  	s8 =	sld [smem:$0x3FFB];
	_ =	sdelay $0x3  }
0x97: {  	_ =	strace s8  }
0x98: {  	s8 =	sld [smem:$0x3FFC];
	_ =	sdelay $0x3  }
0x99: {  	_ =	strace s8  }
0x9a: {  	s8 =	sld [smem:$0x3FFD];
	_ =	sdelay $0x3  }
0x9b: {  	_ =	strace s8  }
0x9c: {  	_ =	strace $0x8FFFFFFF  }
0x9d: {  	s19 =	sld [smem:$0x3FDB];
	_ =	sdelay $0x1  }
0x9e: {  	s9 =	simm.s32 $_scs_section_size  }
0x9f: {  	s10 =	simm.s32 $_size__tile_overlayer_lowered;
	s11 =	simm.s32 $_tile_overlayer_lowered  }
0xa0: {  	s22 =	simm.s32 $0x1BFF;
	s21 =	sshll.u32 s11, $0x1;
	s8 =	sadd.s32 s9, s19  }
0xa1: {  	s12 =	simm.s32 $0x0;
	s20 =	sshll.u32 s10, $0x1;
	s10 =	sadd.s32 s21, s8  }
0xa2: {  	[timem:s12], [sflag:s22] =	dma.local [hbm:s10], s20  }
0xa3: {  	_ =	swait.ge [sflag:s22], s20  }
0xa4: {  	s9 =	ssub.s32 $0x0, s20;
	[sflag:s22] =	ssyncset.done $0x0  }
0xa5: {  	[sflag:s22] =	ssyncadd.s32 s9;
	_ =	sdelay $0x1  }
0xa6: {  	s23 =	simm.s32 $0x1B8B  }
0xa7: {  	_ =	swait.ge [sflag:s23], $0x1  }
0xa8: {  	[sflag:s23] =	ssyncset.done $0x0  }
0xa9: {  	s25 =	simm.s32 $0x1B8E;
	s24 =	sld [smem:$0x3FFE];
	[sflag:s23] =	ssyncadd.s32 $0xFFFFFFFF  }
0xaa: {  	s26 =	simm.s32 $execute0_lowered;
	[smem:$0x3FD2] =	sst s25  }
0xab: {  	s10 =	sshll.u32 s26, $0x1;
	_ =	strace $0x80000046;
	[dreg:$0x1] =	wrdreg $0xFFFFFFFF  }
0xac: {  	s28 =	simm.s32 $_size_execute0_lowered;
	s8 =	sadd.s32 s8, s10;
	[dreg:$0x0] =	wrdreg $0x0  }
0xad: {  	s10 =	sshll.u32 s28, $0x1;
	[dreg:$0x2] =	wrdreg s8  }
0xae: {  	[dreg:$0x3] =	wrdreg s10  }
0xaf: {  	[dreg:$0x4] =	wrdreg $0xC0  }
0xb0: {  	_ =	task [dreg:s12], $0x5FFFF  }
0xb1: {  	[dreg:$0x1] =	wrdreg $0xFFFFFFFF  }
0xb2: {  	[dreg:$0x0] =	wrdreg $0x60  }
0xb3: {  	[dreg:$0x2] =	wrdreg s2  }
0xb4: {  	[dreg:$0x3] =	wrdreg s18  }
0xb5: {  	[dreg:$0x4] =	wrdreg s4  }
0xb6: {  	[dreg:$0x5] =	wrdreg s5  }
0xb7: {  	[dreg:$0x6] =	wrdreg s6  }
0xb8: {  	[dreg:$0x7] =	wrdreg s7  }
0xb9: {  	[dreg:$0x8] =	wrdreg s24  }
0xba: {  	[dreg:$0x9] =	wrdreg $0x9  }
0xbb: {  	_ =	task.clear_ibuf [dreg:s12], $0xAFFFF;
	_ =	strace $0x90000046  }
0xbc: {  	s29 =	simm.s32 $0x9;
	_ =	strace $0x80000048  }
0xbd: {  	_ =	swait.ge [sflag:s29], $0x1  }
0xbe: {  	[sflag:s29] =	ssyncadd.s32 $0xFFFFFFFF  }
0xbf: {  	_ =	strace $0x90000048  }
0xc0: {  	_ =	sfence  }
0xc1: {  	s30 =	sld [smem:$0x0];
	_ =	sdelay $0x2  }
0xc2: {  	s31 =	sshll.u32 s1, $0xD;
	s1 =	sshrl.u32 s1, $0x2  }
0xc3: {  	s3 =	sand.u32 $0x4000, s31;
	s1 =	sadd.s32 s1, s30  }
0xc4: {  	s0 =	sor.u32 s3, s0;
	s1 =	sshll.u32 s1, $0x11  }
0xc5: {  	s0 =	sor.u32 s1, s0  }
0xc6: {  	s0 =	sadd.s32 $0x8F2B, s0  }
0xc7: {  	[sflag:s0] =	ssyncadd.remote.s32 $0x1  }
0xc8: {  	_ =	sfence.sel $0xFFFF  }
0xc9: {  	[dreg:$0x0] =	wrdreg $0xFFFFFFFF;
	(pc) =	sbr.abs _section_cstart, $3  }
0xca: {  	[dreg:$0x1] =	wrdreg $0xFFFFFFFF  }
0xcb: {  	_ =	task.clear_ibuf [dreg:s12], $0x2FFFF;
	_ =	strace $0x9FFFFFFF  }
0xcc: {  	(tm) =	ssettm $0x7FFFFFFF  }
0xcd: {  	_ =	shalt  }
tec
execute0_lowered:
.L_overlay_start_1:
0x0: {  	(tag) =	ssettag $0x1  }
0x1: {  	s0 =	rddreg [dreg:$0x0]  }
0x2: {  	s1 =	rddreg [dreg:$0x1]  }
0x3: {  	s3 =	rddreg [dreg:$0x2]  }
0x4: {  	s4 =	rddreg [dreg:$0x3]  }
0x5: {  	s5 =	rddreg [dreg:$0x4]  }
0x6: {  	s2 =	rddreg [dreg:$0x6]  }
0x7: {  	s6 =	srdreg.scid;
	s7 =	stileid.u32  }
0x8: {  	s8 =	simm.s32 $0x0;
	s28 =	simm.s32 $0x12000;
	s6 =	sand.u32 $0x1, s6  }
0x9: {  	s29 =	simm.s32 $0x1;
	s7 =	sshll.u32 s7, $0xC;
	s9 =	sshll.u32 s6, $0xB  }
0xa: {  	s30 =	simm.s32 $0x4000;
	s31 =	simm.s32 $0x2;
	s9 =	sor.u32 s9, s7  }
0xb: {  	[smem:$0x7FF] =	sst s8;
	s6 =	ssub.s32 $0x2, s6;
	s10 =	sshll.u32 s9, $0x4  }
0xc: {  	_ =	strace $0x80000047;
	s19 =	sshrl.u32 s6, $0x1;
	s20 =	sadd.s32 s3, s10  }
0xd: {  	s7 =	sshrl.u32 s9, $0x3;
	s21 =	sadd.s32 s4, s10;
	[dreg:$0x8] =	wrdreg s20  }
0xe: {  	v0 =	vlaneseq.u32;
	s6 =	ssub.s32 s6, s19;
	s22 =	sadd.s32 s5, s10;
	[dreg:$0x9] =	wrdreg s21  }
0xf: {  	v1 =	vimm.f32 $0.0e+00;
	vm0 =	vmmov $0x1;
	vm1 =	vmmov $0x3;
	s2 =	sadd.s32 s7, s2;
	s26 =	smax.u32 s6, $0x1;
	[dreg:$0xa] =	wrdreg s22  }
0x10: {  	vm2 =	vmmov $0x7;
	vm3 =	vmmov $0xf;
	vm4 =	vmmov $0x1f;
	s19 =	simm.s32 $0x3;
	s23 =	sadd.s32 $0x400, s2;
	[dreg:$0xf] =	wrdreg s26  }
0x11: {  	vm5 =	vmmov $0x3f;
	vm6 =	vmmov $0x7f;
	vm7 =	vmmov $0xff;
	s6 =	simm.s32 $0x0;
	s24 =	sadd.s32 $0x2400, s2;
	[dreg:$0xb] =	wrdreg s23  }
0x12: {  	vm8 =	vmmov $0x1ff;
	vm9 =	vmmov $0x3ff;
	v0 =	vmul.u32 $0x400, v0;
	s25 =	sadd.s32 $0x4400, s2;
	s2 =	sadd.s32 $0x6400, s2;
	[dreg:$0xc] =	wrdreg s24  }
0x13: {  	vm10 =	vmmov $0x7ff;
	vm11 =	vmmov $0xfff;
	vm12 =	vmmov $0x1fff;
	s20 =	simm.s32 $0x10;
	s21 =	simm.s32 $0x80;
	[dreg:$0xd] =	wrdreg s25  }
0x14: {  	vm13 =	vmmov $0x3fff;
	vm14 =	vmmov $0x7fff;
	v2 =	vor.u32 $0x1, v0;
	s26 =	simm.s32 $0x10000;
	[dreg:$0xe] =	wrdreg s2;
	s25 =	simm.s32 $0xE000  }
.LBB2_1:
0x15: {  	[dreg:$0x10] =	wrdreg s6  }
0x16: {  	s2 =	rddreg [dreg:$0x5];
	s24 =	simm.s32 $0x16000  }
0x17: {  	[tilespmem:s24], [sflag:$0x3] =	stream.linear.gather [hbm4b:s2+s8], $0x80, $0x38;
	[tilespmem:$0x16080] =	vst v63  }
0x18: {  	_ =	swait.ge [sflag:s19], $0x80  }
0x19: {  	[sflag:s19] =	ssyncset.done $0x0  }
0x1a: {  	[sflag:s19] =	ssyncadd.s32 $0xFFFFFF80  }
0x1b: {  	v3 =	vld [tilespmem:$0x16000]  }
0x1c: {  	v4 =	vld [tilespmem:$0x16010]  }
0x1d: {  	v5 =	vld [tilespmem:$0x16020]  }
0x1e: {  	v6 =	vld [tilespmem:$0x16030]  }
0x1f: {  	v7 =	vld [tilespmem:$0x16040]  }
0x20: {  	v8 =	vld [tilespmem:$0x16050]  }
0x21: {  	v9 =	vld [tilespmem:$0x16060]  }
0x22: {  	s6 =	simm.s32 $0x40;
	s2 =	simm.s32 $0x0;
	v10 =	vld [tilespmem:$0x16070]  }
.LBB2_2:
0x23: {  	p0 =	sne.s32 s6, $0x7FC0;
	[tilespmem:s2+$0x14000] =	vst v1;
	s2 =	smov.u32 s6;
	s6 =	sadd.s32 $0x40, s6  }
.Ltmp0:
0x24: {  	(pc) =	sbr.rel @p0 .LBB2_2-.Ltmp0, $2  }
0x25: {  	_ =	sdelay $0x2  }
0x26: {  	s2 =	sshra.s32 s2, $0x2  }
0x27: {  	v3 =	vadd.f32 $0.0e+00, v3;
	_ =	sdelay $0x1  }
0x28: {  	v3 =	vadd.f32 v4, v3;
	_ =	sdelay $0x1  }
0x29: {  	v3 =	vadd.f32 v5, v3;
	_ =	sdelay $0x1  }
0x2a: {  	v3 =	vadd.f32 v6, v3;
	_ =	sdelay $0x1  }
0x2b: {  	v3 =	vadd.f32 v7, v3;
	_ =	sdelay $0x1  }
0x2c: {  	v3 =	vadd.f32 v8, v3;
	_ =	sdelay $0x1  }
0x2d: {  	v3 =	vadd.f32 v9, v3;
	_ =	sdelay $0x1  }
0x2e: {  	v3 =	vadd.f32 v10, v3;
	_ =	sdelay $0x1  }
0x2f: {  	(xrf2) =	vadd.scan.msk.f32 $0xffff, v3;
	_ =	sdelay $0x9  }
0x30: {  	v3, _, _ =	vpop (xrf2)  }
0x31: {  	v3 =	vmax.f32 v3, $1.175494350e-38  }
0x32: {  	v3 =	vbroadcast v3, $0xF;
	_ =	sdelay $0x1  }
0x33: {  	(erf) = vrcp.f32 v3;
	_ =	sdelay $0x3  }
0x34: {  	[tilespmem:s2+$0x14000] =	vst v1;
	s17 =	rddreg [dreg:$0x8];
	s6 =	simm.s32 $0x8000  }
0x35: {  	[tilespmem:s6], [sflag:$0x1] =	stream.strided.gather [hbm4b:s17+s20], $0x2000, s21, s20, $0x38;
	[tilespmem:$0x16080] =	vst v63  }
0x36: {  	s18 =	rddreg [dreg:$0x9];
	s22 =	simm.s32 $0xA000  }
0x37: {  	[tilespmem:s22], [sflag:$0x1] =	stream.strided.gather [hbm4b:s18+s20], $0x2000, s21, s20, $0x38;
	[tilespmem:$0x16080] =	vst v63  }
0x38: {  	s23 =	rddreg [dreg:$0xa];
	s24 =	simm.s32 $0xC000  }
0x39: {  	[tilespmem:s24], [sflag:$0x1] =	stream.strided.gather [hbm4b:s23+s20], $0x2000, s21, s20, $0x38;
	v1 =	vpop (erf);
	[tilespmem:$0x16080] =	vst v63  }
0x3a: {  	s23 =	simm.s32 $0x0;
	[tilespmem:$0x1FFF0] =	vst v1  }
.LBB2_4:
0x3b: {  	s2 =	sshll.u32 s23, $0xA  }
0x3c: {  	s24 =	sand.u32 $0x400, s2  }
0x3d: {  	s2 =	sor.u32 $0x200, s24  }
0x3e: {  	s6 =	sshll.u32 s23, $0x3;
	s7 =	sor.u32 s9, s2  }
0x3f: {  	s6 =	sand.u32 $0x70, s6;
	s7 =	sshll.u32 s7, $0x7  }
0x40: {  	s7 =	sor.u32 s6, s7  }
0x41: {  	s7 =	sshrl.u32 s7, $0x3  }
0x42: {  	s10 =	sadd.s32 s3, s7  }
0x43: {  	[tilespmem:s25], [sflag:$0x2] =	stream.strided.gather [hbm4b:s10+s20], $0x2000, s21, s20, $0x38;
	[tilespmem:$0x16080] =	vst v63  }
0x44: {  	s17 =	sadd.s32 s4, s7  }
0x45: {  	[tilespmem:s26], [sflag:$0x2] =	stream.strided.gather [hbm4b:s17+s20], $0x2000, s21, s20, $0x38;
	[tilespmem:$0x16080] =	vst v63  }
0x46: {  	s7 =	sadd.s32 s5, s7  }
0x47: {  	[tilespmem:s28], [sflag:$0x2] =	stream.strided.gather [hbm4b:s7+s20], $0x2000, s21, s20, $0x38;
	[tilespmem:$0x16080] =	vst v63  }
0x48: {  	_ =	swait.ge [sflag:s29], $0x2000  }
0x49: {  	[sflag:s29] =	ssyncset.done $0x0  }
0x4a: {  	[sflag:s29] =	ssyncadd.s32 $0xFFFFE000  }
0x4b: {  	_ =	swait.ge [sflag:s29], $0x2000  }
0x4c: {  	s7 =	sshll.u32 s23, $0x1;
	[sflag:s29] =	ssyncset.done $0x0  }
0x4d: {  	s18 =	sand.u32 $0x2, s7;
	[sflag:s29] =	ssyncadd.s32 $0xFFFFE000  }
0x4e: {  	s11 =	sshrl.u32 s23, $0x1;
	p0 =	sne.s32 s18, $0x0;
	_ =	swait.ge [sflag:s29], $0x2000  }
0x4f: {  	s12 =	sshll.u32 @!p0 s11, $0xB;
	[sflag:s29] =	ssyncset.done $0x0  }
0x50: {  	s14 =	simm.s32 @!p0 $0x0;
	s13 =	sadd.s32 @!p0 s0, s12;
	[sflag:s29] =	ssyncadd.s32 $0xFFFFE000  }
0x51: {  	[tilespmem:s14], [sflag:$0x3] =	stream.linear.gather @!p0 [hbm4b:s13+s14], $0x4000, $0x38;
	[tilespmem:$0x16080] =	vst v63  }
0x52: {  	s13 =	simm.s32 @!p0 $0x3  }
0x53: {  	_ =	swait.ge @!p0 [sflag:s13], $0x4000  }
0x54: {  	[sflag:s13] =	ssyncset.done @!p0 $0x0  }
0x55: {  	s15 =	simm.s32 @!p0 $0x4000;
	s12 =	sadd.s32 @!p0 s1, s12;
	[sflag:s13] =	ssyncadd.s32 @!p0 $0xFFFFC000  }
0x56: {  	[tilespmem:s15], [sflag:$0x3] =	stream.linear.gather @!p0 [hbm4b:s12+s14], $0x4000, $0x38;
	[tilespmem:$0x16080] =	vst v63  }
0x57: {  	_ =	swait.ge @!p0 [sflag:s13], $0x4000  }
0x58: {  	s11 =	sshll.u32 s11, $0x4;
	[sflag:s13] =	ssyncset.done @!p0 $0x0  }
0x59: {  	s11 =	sand.u32 $0x3FFFFFF0, s11;
	v1 =	vld [tilespmem:$0x1FFF0];
	[sflag:s13] =	ssyncadd.s32 @!p0 $0xFFFFC000  }
0x5a: {  	v4 =	vld [tilespmem:s11+$0x16000];
	_ =	sdelay $0x2  }
0x5b: {  	s22 =	sshll.u32 s18, $0x9  }
0x5c: {  	s18 =	sor.u32 $0x14000, s22;
	s10 =	sor.u32 $0x14800, s22  }
0x5d: {  	s12 =	sor.u32 $0x15800, s22;
	s13 =	simm.s32 $0x0;
	s11 =	sor.u32 $0x15000, s22;
	v4 =	vmul.f32 v4, v1  }
.LBB2_5:
0x5e: {  	s14 =	sshll.u32 s13, $0x8  }
0x5f: {  	v5 =	vld [tilespmem:s14+$0x8000]  }
0x60: {  	v7 =	vld [tilespmem:s14+$0x8010]  }
0x61: {  	v8 =	vld [tilespmem:s14+$0xA000]  }
0x62: {  	v9 =	vld [tilespmem:s14+$0xC000]  }
0x63: {  	v13 =	vld [tilespmem:s14+$0xC010]  }
0x64: {  	v14 =	vld [tilespmem:s14+$0x8020]  }
0x65: {  	v15 =	vld [tilespmem:s14+$0xA010]  }
0x66: {  	v19 =	vld [tilespmem:s14+$0xC020]  }
0x67: {  	v20 =	vld [tilespmem:s14+$0x8030]  }
0x68: {  	v21 =	vld [tilespmem:s14+$0xA020]  }
0x69: {  	v22 =	vld [tilespmem:s14+$0xC030]  }
0x6a: {  	v23 =	vld [tilespmem:s14+$0x8040]  }
0x6b: {  	v50 =	vld [tilespmem:s14+$0xA030];
	v6 =	vadd.s32 v0, v5  }
0x6c: {  	v56 =	vld [tilespmem:s14+$0xC040];
	v5 =	vadd.s32 v2, v5  }
0x6d: {  	v59 =	vld [tilespmem:s14+$0xA040]  }
0x6e: {  	v62 =	vld [tilespmem:s14+$0x8050]  }
0x6f: {  	v33 =	vld [tilespmem:s14+$0xC050];
	v12 =	vadd.s32 v0, v7  }
0x70: {  	v7 =	vadd.s32 v2, v7;
	v10 =	vld.idx.msk [tilespmem:v6+s8+$0x0], $0xffff  }
0x71: {  	v11 =	vld.idx.msk [tilespmem:v5+s8+$0x0], $0xffff  }
0x72: {  	v9 =	vmul.f32 v9, v4;
	v6 =	vld.idx.msk [tilespmem:v6+s30+$0x0], $0xffff  }
0x73: {  	v13 =	vmul.f32 v13, v4;
	v18 =	vadd.s32 v0, v14;
	v14 =	vadd.s32 v2, v14;
	v5 =	vld.idx.msk [tilespmem:v5+s30+$0x0], $0xffff  }
0x74: {  	v48 =	vmul.f32 v19, v4;
	v49 =	vadd.s32 v0, v20;
	v20 =	vadd.s32 v2, v20;
	v16 =	vld.idx.msk [tilespmem:v12+s8+$0x0], $0xffff  }
0x75: {  	v55 =	vmul.f32 v22, v4;
	v57 =	vadd.s32 v0, v23;
	v8 =	vmul.f32 v9, v8;
	v17 =	vld.idx.msk [tilespmem:v7+s8+$0x0], $0xffff  }
0x76: {  	v61 =	vadd.s32 v2, v23;
	v30 =	vmul.f32 v56, v4;
	v15 =	vmul.f32 v13, v15;
	v12 =	vld.idx.msk [tilespmem:v12+s30+$0x0], $0xffff  }
0x77: {  	v35 =	vadd.s32 v0, v62;
	v21 =	vmul.f32 v48, v21;
	v9 =	vsub.f32 v9, v8;
	v7 =	vld.idx.msk [tilespmem:v7+s30+$0x0], $0xffff  }
0x78: {  	v60 =	vmul.f32 v55, v50;
	v8 =	vpack.i.f32.bf16 v8, v8;
	v13 =	vsub.f32 v13, v15;
	v44 =	vld.idx.msk [tilespmem:v18+s8+$0x0], $0xffff  }
0x79: {  	v47 =	vpack.i.f32.bf16 v15, v15;
	v15 =	vsub.f32 v48, v21;
	v18 =	vld.idx.msk [tilespmem:v18+s30+$0x0], $0xffff;
	v9 =	vpack.i.f32.bf16 v9, v9  }
0x7a: {  	v28 =	vsub.f32 v55, v60;
	v46 =	vld.idx.msk [tilespmem:v14+s8+$0x0], $0xffff;
	v10 =	vmul.bf16 v10, v9;
	v11 =	vmul.bf16 v11, v8  }
0x7b: {  	v14 =	vld.idx.msk [tilespmem:v14+s30+$0x0], $0xffff;
	v45 =	vpack.i.f32.bf16 v13, v13;
	v6 =	vmul.bf16 v6, v9;
	v5 =	vmul.bf16 v5, v8  }
0x7c: {  	v54 =	vld.idx.msk [tilespmem:v20+s8+$0x0], $0xffff;
	v53 =	vpack.i.f32.bf16 v15, v15;
	v16 =	vmul.bf16 v16, v45;
	v17 =	vmul.bf16 v17, v47  }
0x7d: {  	v29 =	vld.idx.msk [tilespmem:v20+s30+$0x0], $0xffff;
	v8 =	vmul.bf16 v12, v45;
	v7 =	vmul.bf16 v7, v47;
	v10 =	vadd.bf16 v11, v10  }
0x7e: {  	v52 =	vld.idx.msk [tilespmem:v49+s8+$0x0], $0xffff;
	v32 =	vpack.i.f32.bf16 v28, v28;
	v58 =	vmul.bf16 v44, v53;
	v12 =	vmul.bf16 v18, v53  }
0x7f: {  	v34 =	vld.idx.msk [tilespmem:v61+s8+$0x0], $0xffff;
	v5 =	vadd.bf16 v5, v6;
	v6 =	vadd.bf16 v17, v16;
	v24 =	vunpack.i.l.bf16.f32 v10  }
0x80: {  	v42 =	vld.idx.msk [tilespmem:v61+s30+$0x0], $0xffff;
	v7 =	vadd.bf16 v7, v8;
	v11 =	vpack.i.f32.bf16 v60, v60;
	v10 =	vunpack.i.u.bf16.f32 v10;
	(xrf2) =	vadd.scan.msk.f32 $0xffff, v24  }
0x81: {  	v28 =	vld [tilespmem:s14+$0x8070];
	v13 =	vmul.bf16 v54, v11;
	v51 =	vunpack.i.u.bf16.f32 v5;
	v5 =	vunpack.i.l.bf16.f32 v5;
	(xrf2) =	vadd.scan.msk.f32 $0xffff, v10  }
0x82: {  	v37 =	vld [tilespmem:s14+$0xA050];
	v11 =	vmul.bf16 v29, v11;
	v10 =	vmul.f32 v30, v59;
	(xrf2) =	vadd.scan.msk.f32 $0xffff, v5;
	v5 =	vpack.i.f32.bf16 v21, v21  }
0x83: {  	v31 =	vld.idx.msk [tilespmem:v57+s8+$0x0], $0xffff;
	v17 =	vunpack.i.l.bf16.f32 v6;
	v6 =	vunpack.i.u.bf16.f32 v6;
	v9 =	vmul.bf16 v46, v5  }
0x84: {  	(xrf2) =	vadd.scan.msk.f32 $0xffff, v51;
	v5 =	vmul.bf16 v14, v5;
	v18 =	vsub.f32 v30, v10;
	v10 =	vpack.i.f32.bf16 v10, v10  }
0x85: {  	v53 =	vld [tilespmem:s14+$0x8060];
	(xrf2) =	vadd.scan.msk.f32 $0xffff, v17;
	v17 =	vadd.s32 v2, v62;
	v46 =	vmul.bf16 v34, v10;
	v50 =	vmul.bf16 v42, v10  }
0x86: {  	v63 =	vld.idx.msk [tilespmem:v49+s30+$0x0], $0xffff;
	v42 =	vadd.s32 v0, v28;
	v5 =	vadd.bf16 v5, v12;
	v12 =	vmul.f32 v33, v4  }
0x87: {  	v39 =	vld.idx.msk [tilespmem:v57+s30+$0x0], $0xffff;
	v10 =	vadd.s32 v2, v28;
	(xrf2) =	vadd.scan.msk.f32 $0xffff, v6;
	v6 =	vunpack.i.l.bf16.f32 v7;
	v8 =	vadd.bf16 v9, v58  }
0x88: {  	v44 =	vld.idx.msk [tilespmem:v35+s8+$0x0], $0xffff;
	v7 =	vunpack.i.u.bf16.f32 v7;
	v41 =	vpack.i.f32.bf16 v18, v18;
	(xrf2) =	vadd.scan.msk.f32 $0xffff, v6;
	v47 =	vmul.f32 v12, v37  }
0x89: {  	v56 =	vld.idx.msk [tilespmem:v35+s30+$0x0], $0xffff;
	v18 =	vmul.bf16 v31, v41;
	v6 =	vunpack.i.u.bf16.f32 v8;
	(xrf2) =	vadd.scan.msk.f32 $0xffff, v7;
	v7 =	vunpack.i.l.bf16.f32 v8  }
0x8a: {  	v49 =	vsub.f32 v12, v47;
	v12 =	vadd.s32 v2, v53;
	v36, _, _ =	vpop (xrf2);
	(xrf2) =	vadd.scan.msk.f32 $0xffff, v7;
	v7 =	vmul.bf16 v52, v32  }
0x8b: {  	v48 =	vld.idx.msk [tilespmem:v17+s8+$0x0], $0xffff;
	v52 =	vpack.i.f32.bf16 v47, v47;
	v21 =	vbroadcast v36, $0xF;
	(xrf2) =	vadd.scan.msk.f32 $0xffff, v6;
	v6 =	vunpack.i.l.bf16.f32 v5  }
0x8c: {  	v38, _, _ =	vpop (xrf2);
	v51 =	vpack.i.f32.bf16 v49, v49;
	(xrf2) =	vadd.scan.msk.f32 $0xffff, v6;
	v6 =	vadd.bf16 v13, v7;
	v7 =	vmul.bf16 v63, v32  }
0x8d: {  	v5 =	vunpack.i.u.bf16.f32 v5;
	v24 =	vbroadcast v38, $0xF;
	v55 =	vmul.bf16 v44, v51  }
0x8e: {  	v40, _, _ =	vpop (xrf2);
	v63 =	vadd.s32 v0, v53;
	(xrf2) =	vadd.scan.msk.f32 $0xffff, v5;
	v5 =	vunpack.i.l.bf16.f32 v6;
	v7 =	vadd.bf16 v11, v7  }
0x8f: {  	v27 =	vmul.bf16 v56, v51;
	v43, _, _ =	vpop (xrf2);
	v9 =	vbroadcast v40, $0xF;
	v6 =	vunpack.i.u.bf16.f32 v6;
	(xrf2) =	vadd.scan.msk.f32 $0xffff, v5  }
0x90: {  	v44 =	vld [tilespmem:s14+$0xC070];
	v45, _, _ =	vpop (xrf2);
	v14 =	vmul.bf16 v48, v52;
	v16 =	vbroadcast v43, $0xF;
	(xrf2) =	vadd.scan.msk.f32 $0xffff, v6;
	v5 =	vunpack.i.l.bf16.f32 v7  }
0x91: {  	v28 =	vld [tilespmem:s14+$0xC080];
	v22 =	vbroadcast v45, $0xF;
	v54, _, _ =	vpop (xrf2);
	v6 =	vadd.bf16 v46, v18;
	(xrf2) =	vadd.scan.msk.f32 $0xffff, v5;
	v5 =	vmul.bf16 v39, v41  }
0x92: {  	v7 =	vunpack.i.u.bf16.f32 v7;
	v57, _, _ =	vpop (xrf2);
	v8 =	vadd.bf16 v14, v55;
	v13 =	vbroadcast v54, $0xF  }
0x93: {  	v34 =	vld [tilespmem:s14+$0xA060];
	v60 =	vbroadcast v57, $0xF;
	(xrf2) =	vadd.scan.msk.f32 $0xffff, v7;
	v7 =	vunpack.i.l.bf16.f32 v6;
	v5 =	vadd.bf16 v50, v5  }
0x94: {  	v58 =	vsel vm0, v21, v22;
	v59, _, _ =	vpop (xrf2);
	v6 =	vunpack.i.u.bf16.f32 v6;
	v13 =	vsel vm0, v24, v13;
	(xrf2) =	vadd.scan.msk.f32 $0xffff, v7;
	v7 =	vld.idx.msk [tilespmem:v17+s30+$0x0], $0xffff  }
0x95: {  	v24 =	vmul.f32 v44, v4;
	v9 =	vsel vm0, v9, v60;
	v50 =	vld [tilespmem:s14+$0xA070];
	(xrf2) =	vadd.scan.msk.f32 $0xffff, v6;
	v61, _, _ =	vpop (xrf2);
	v6 =	vunpack.i.l.bf16.f32 v5  }
0x96: {  	v20 =	vld.idx.msk [tilespmem:v42+s30+$0x0], $0xffff;
	v5 =	vunpack.i.u.bf16.f32 v5;
	v62, _, _ =	vpop (xrf2);
	v18 =	vbroadcast v61, $0xF;
	v61 =	vmul.f32 v28, v4;
	(xrf2) =	vadd.scan.msk.f32 $0xffff, v6  }
0x97: {  	v55 =	vld [tilespmem:s14+$0x8090];
	v6 =	vbroadcast v59, $0xF;
	v25, _, _ =	vpop (xrf2);
	v29 =	vbroadcast v62, $0xF;
	(xrf2) =	vadd.scan.msk.f32 $0xffff, v5;
	v5 =	vunpack.i.l.bf16.f32 v8  }
0x98: {  	v53 =	vld.idx.msk [tilespmem:v42+s8+$0x0], $0xffff;
	v8 =	vunpack.i.u.bf16.f32 v8;
	v26, _, _ =	vpop (xrf2);
	v30 =	vbroadcast v25, $0xF;
	v17 =	vsel vm1, v58, v18  }
0x99: {  	v25 =	vld [tilespmem:s14+$0x8080];
	v7 =	vmul.bf16 v7, v52;
	v6 =	vsel vm0, v16, v6;
	v32 =	vbroadcast v26, $0xF  }
0x9a: {  	(xrf2) =	vadd.scan.msk.f32 $0xffff, v5;
	v5 =	vld [tilespmem:s14+$0xC060];
	v11 =	vsel vm1, v13, v29;
	v54 =	vmul.f32 v24, v50;
	v31, _, _ =	vpop (xrf2);
	v9 =	vsel vm1, v9, v30  }
0x9b: {  	v36 =	vld.idx.msk [tilespmem:v63+s8+$0x0], $0xffff;
	v33, _, _ =	vpop (xrf2);
	v7 =	vadd.bf16 v7, v27;
	v6 =	vsel vm1, v6, v32;
	v15 =	vbroadcast v31, $0xF  }
0x9c: {  	v39 =	vld.idx.msk [tilespmem:v12+s8+$0x0], $0xffff;
	v58 =	vsub.f32 v24, v54;
	v35, _, _ =	vpop (xrf2);
	v19 =	vbroadcast v33, $0xF;
	v33 =	vadd.s32 v0, v55  }
0x9d: {  	v57 =	vld [tilespmem:s14+$0xA080];
	(xrf2) =	vadd.scan.msk.f32 $0xffff, v8;
	v38 =	vunpack.i.l.bf16.f32 v7;
	v13 =	vbroadcast v35, $0xF;
	v15 =	vsel vm2, v17, v15  }
0x9e: {  	v26 =	vld.idx.msk [tilespmem:v10+s8+$0x0], $0xffff;
	v27 =	vadd.s32 v0, v25;
	v25 =	vadd.s32 v2, v25;
	v7 =	vunpack.i.u.bf16.f32 v7  }
0x9f: {  	v10 =	vld.idx.msk [tilespmem:v10+s30+$0x0], $0xffff;
	v37, _, _ =	vpop (xrf2);
	v60 =	vpack.i.f32.bf16 v58, v58;
	v17 =	vadd.s32 v2, v55;
	v5 =	vmul.f32 v5, v4  }
0xa0: {  	v41 =	vld.idx.msk [tilespmem:v63+s30+$0x0], $0xffff;
	v40, _, _ =	vpop (xrf2);
	v16 =	vbroadcast v37, $0xF;
	v11 =	vsel vm2, v11, v19;
	v23 =	vmul.bf16 v53, v60  }
0xa1: {  	v12 =	vld.idx.msk [tilespmem:v12+s30+$0x0], $0xffff;
	v18 =	vmul.bf16 v20, v60;
	v43, _, _ =	vpop (xrf2);
	v45 =	vbroadcast v40, $0xF;
	v9 =	vsel vm2, v9, v13  }
0xa2: {  	v32 =	vld [tilespmem:s14+$0xC090];
	(xrf2) =	vadd.scan.msk.f32 $0xffff, v38;
	v13 =	vpack.i.f32.bf16 v54, v54;
	v8 =	vmul.f32 v5, v34;
	v47 =	vbroadcast v43, $0xF  }
0xa3: {  	v35 =	vld [tilespmem:s14+$0xA090];
	v6 =	vsel vm2, v6, v16;
	v63 =	vmul.bf16 v26, v13;
	v34 =	vmul.f32 v61, v57  }
0xa4: {  	v55 =	vld [tilespmem:s14+$0xA0A0];
	v10 =	vmul.bf16 v10, v13;
	v46, _, _ =	vpop (xrf2);
	v15 =	vsel vm3, v15, v45;
	v5 =	vsub.f32 v5, v8  }
0xa5: {  	v42 =	vld.idx.msk [tilespmem:v33+s8+$0x0], $0xffff;
	v48, _, _ =	vpop (xrf2);
	v11 =	vsel vm3, v11, v47;
	v51 =	vbroadcast v46, $0xF;
	v8 =	vpack.i.f32.bf16 v8, v8  }
0xa6: {  	(xrf2) =	vadd.scan.msk.f32 $0xffff, v7;
	v62 =	vld.idx.msk [tilespmem:v25+s8+$0x0], $0xffff;
	v10 =	vadd.bf16 v10, v18;
	v49, _, _ =	vpop (xrf2);
	v19 =	vbroadcast v48, $0xF;
	v21 =	vmul.bf16 v39, v8  }
0xa7: {  	v8 =	vmul.bf16 v12, v8;
	v39 =	vld.idx.msk [tilespmem:v25+s30+$0x0], $0xffff;
	v52, _, _ =	vpop (xrf2);
	v16 =	vbroadcast v49, $0xF;
	v5 =	vpack.i.f32.bf16 v5, v5  }
0xa8: {  	v48 =	vld [tilespmem:s14+$0xC0A0];
	v9 =	vsel vm3, v9, v51;
	v22 =	vbroadcast v52, $0xF;
	v14 =	vmul.bf16 v36, v5  }
0xa9: {  	v59 =	vld.idx.msk [tilespmem:v27+s8+$0x0], $0xffff;
	v6 =	vsel vm3, v6, v19;
	v5 =	vmul.bf16 v41, v5;
	v41 =	vmul.f32 v32, v4  }
0xaa: {  	v44 =	vld.idx.msk [tilespmem:v17+s8+$0x0], $0xffff;
	v15 =	vsel vm4, v15, v16;
	v11 =	vsel vm4, v11, v22;
	v14 =	vadd.bf16 v21, v14  }
0xab: {  	v51 =	vld [tilespmem:s14+$0x80B0];
	v5 =	vadd.bf16 v8, v5;
	v8 =	vpack.i.f32.bf16 v34, v34;
	v45 =	vmul.f32 v41, v35  }
0xac: {  	v36 =	vld [tilespmem:s14+$0x80A0];
	v21 =	vsub.f32 v61, v34;
	v56, _, _ =	vpop (xrf2);
	v43 =	vmul.bf16 v62, v8;
	v8 =	vmul.bf16 v39, v8  }
0xad: {  	v38 =	vld.idx.msk [tilespmem:v27+s30+$0x0], $0xffff;
	v18 =	vmul.f32 v48, v4;
	v16 =	vbroadcast v56, $0xF;
	v7 =	vunpack.i.l.bf16.f32 v14  }
0xae: {  	v32 =	vld [tilespmem:s14+$0x80C0];
	v14 =	vunpack.i.u.bf16.f32 v14;
	v37 =	vunpack.i.u.bf16.f32 v5;
	v5 =	vunpack.i.l.bf16.f32 v5  }
0xaf: {  	v40 =	vpack.i.f32.bf16 v21, v21;
	v50 =	vsub.f32 v41, v45;
	v54 =	vpack.i.f32.bf16 v45, v45;
	(xrf2) =	vadd.scan.msk.f32 $0xffff, v7  }
0xb0: {  	v49, _, _ =	vpop (xrf2);
	v61 =	vadd.s32 v0, v51;
	v7 =	vadd.bf16 v63, v23;
	v12 =	vmul.bf16 v59, v40;
	(xrf2) =	vadd.scan.msk.f32 $0xffff, v14  }
0xb1: {  	v46 =	vld.idx.msk [tilespmem:v33+s30+$0x0], $0xffff;
	v47 =	vadd.s32 v0, v36;
	v52 =	vbroadcast v49, $0xF;
	v22 =	vmul.bf16 v44, v54;
	(xrf2) =	vadd.scan.msk.f32 $0xffff, v5  }
0xb2: {  	v17 =	vld.idx.msk [tilespmem:v17+s30+$0x0], $0xffff;
	v63 =	vadd.s32 v2, v51;
	v5 =	vunpack.i.u.bf16.f32 v7;
	v7 =	vunpack.i.l.bf16.f32 v7;
	(xrf2) =	vadd.scan.msk.f32 $0xffff, v37  }
0xb3: {  	v29 =	vld [tilespmem:s14+$0xC0C0];
	v31 =	vmul.f32 v18, v55;
	v48 =	vadd.s32 v0, v32;
	v13 =	vadd.s32 v2, v32;
	(xrf2) =	vadd.scan.msk.f32 $0xffff, v7  }
0xb4: {  	v34 =	vld [tilespmem:s14+$0xA0B0];
	v9 =	vsel vm4, v9, v16;
	v12 =	vadd.bf16 v43, v12;
	v7 =	vunpack.i.l.bf16.f32 v10;
	(xrf2) =	vadd.scan.msk.f32 $0xffff, v5  }
0xb5: {  	v44 =	vld [tilespmem:s14+$0xC0B0];
	v16 =	vadd.s32 v2, v36;
	v10 =	vunpack.i.u.bf16.f32 v10;
	v5 =	vmul.bf16 v38, v40;
	(xrf2) =	vadd.scan.msk.f32 $0xffff, v7  }
0xb6: {  	v53 =	vpack.i.f32.bf16 v50, v50;
	v6 =	vsel vm4, v6, v52;
	v45 =	vld.idx.msk [tilespmem:v61+s8+$0x0], $0xffff;
	v7 =	vunpack.i.l.bf16.f32 v12;
	(xrf2) =	vadd.scan.msk.f32 $0xffff, v10  }
0xb7: {  	v24 =	vld.idx.msk [tilespmem:v61+s30+$0x0], $0xffff;
	v5 =	vadd.bf16 v8, v5;
	(xrf2) =	vadd.scan.msk.f32 $0xffff, v7;
	v7 =	vmul.bf16 v42, v53  }
0xb8: {  	v57 =	vld.idx.msk [tilespmem:v47+s8+$0x0], $0xffff;
	v12 =	vunpack.i.u.bf16.f32 v12;
	v8 =	vmul.bf16 v46, v53;
	v10 =	vmul.bf16 v17, v54  }
0xb9: {  	v61 =	vmul.f32 v29, v4;
	v60 =	vld.idx.msk [tilespmem:v47+s30+$0x0], $0xffff;
	(xrf2) =	vadd.scan.msk.f32 $0xffff, v12;
	v58 =	vunpack.i.l.bf16.f32 v5;
	v56, _, _ =	vpop (xrf2);
	v7 =	vadd.bf16 v22, v7  }
0xba: {  	v59 =	vld.idx.msk [tilespmem:v16+s8+$0x0], $0xffff;
	v5 =	vunpack.i.u.bf16.f32 v5;
	v8 =	vadd.bf16 v10, v8;
	(xrf2) =	vadd.scan.msk.f32 $0xffff, v58;
	v14 =	vbroadcast v56, $0xF;
	v62, _, _ =	vpop (xrf2)  }
0xbb: {  	v16 =	vld.idx.msk [tilespmem:v16+s30+$0x0], $0xffff;
	(xrf2) =	vadd.scan.msk.f32 $0xffff, v5;
	v30 =	vbroadcast v62, $0xF;
	v33, _, _ =	vpop (xrf2);
	v5 =	vunpack.i.l.bf16.f32 v7;
	v7 =	vunpack.i.u.bf16.f32 v7  }
0xbc: {  	v53 =	vld [tilespmem:s14+$0x80D0];
	v14 =	vsel vm5, v15, v14;
	v43, _, _ =	vpop (xrf2);
	(xrf2) =	vadd.scan.msk.f32 $0xffff, v5;
	v5 =	vsub.f32 v18, v31;
	v15 =	vbroadcast v33, $0xF  }
0xbd: {  	v56 =	vld [tilespmem:s14+$0xA0C0];
	v18 =	vmul.f32 v44, v4;
	v11 =	vsel vm5, v11, v30;
	v19 =	vbroadcast v43, $0xF  }
0xbe: {  	(xrf2) =	vadd.scan.msk.f32 $0xffff, v7;
	v7 =	vunpack.i.l.bf16.f32 v8;
	v46, _, _ =	vpop (xrf2);
	v8 =	vunpack.i.u.bf16.f32 v8;
	v5 =	vpack.i.f32.bf16 v5, v5  }
0xbf: {  	(xrf2) =	vadd.scan.msk.f32 $0xffff, v7;
	v7 =	vpack.i.f32.bf16 v31, v31;
	v49 =	vbroadcast v46, $0xF;
	v10 =	vmul.f32 v18, v34  }
0xc0: {  	v47, _, _ =	vpop (xrf2);
	v9 =	vsel vm5, v9, v15;
	v23 =	vmul.bf16 v57, v5;
	v21 =	vmul.bf16 v59, v7  }
0xc1: {  	s17 =	sshll.u32 s13, $0x4;
	v12 =	vld.idx.msk [tilespmem:v63+s8+$0x0], $0xffff;
	v31 =	vadd.s32 v0, v53;
	v51 =	vbroadcast v47, $0xF;
	v5 =	vmul.bf16 v60, v5  }
0xc2: {  	s15 =	sor.u32 $0x10, s17;
	v40 =	vld.idx.msk [tilespmem:v13+s8+$0x0], $0xffff;
	v50, _, _ =	vpop (xrf2);
	v6 =	vsel vm5, v6, v19;
	v7 =	vmul.bf16 v16, v7;
	v26 =	vmul.f32 v61, v56  }
0xc3: {  	s16 =	sshll.u32 s15, $0x4;
	v58 =	vld [tilespmem:s14+$0xC0D0];
	v52, _, _ =	vpop (xrf2);
	v14 =	vsel vm6, v14, v49;
	v54 =	vbroadcast v50, $0xF;
	v57 =	vsub.f32 v18, v10  }
0xc4: {  	v29 =	vld [tilespmem:s16+$0xA000];
	v10 =	vpack.i.f32.bf16 v10, v10;
	v21 =	vadd.bf16 v21, v23;
	v19 =	vbroadcast v52, $0xF  }
0xc5: {  	v43 =	vld [tilespmem:s14+$0x80E0];
	v11 =	vsel vm6, v11, v51;
	v23 =	vadd.s32 v2, v53;
	v5 =	vadd.bf16 v7, v5  }
0xc6: {  	v38 =	vld.idx.msk [tilespmem:v48+s8+$0x0], $0xffff;
	v55, _, _ =	vpop (xrf2);
	v12 =	vmul.bf16 v12, v10;
	v16 =	vsub.f32 v61, v26;
	v56 =	vpack.i.f32.bf16 v26, v26  }
0xc7: {  	(xrf2) =	vadd.scan.msk.f32 $0xffff, v8;
	v8 =	vld.idx.msk [tilespmem:v63+s30+$0x0], $0xffff;
	v25 =	vbroadcast v55, $0xF;
	v9 =	vsel vm6, v9, v54;
	v7 =	vpack.i.f32.bf16 v57, v57  }
0xc8: {  	v44 =	vld [tilespmem:s14+$0xA0D0];
	v35, _, _ =	vpop (xrf2);
	v54 =	vmul.f32 v58, v4;
	v26 =	vmul.bf16 v40, v56;
	v36 =	vunpack.i.l.bf16.f32 v21  }
0xc9: {  	v49 =	vld [tilespmem:s14+$0x80F0];
	v6 =	vsel vm6, v6, v19;
	v17 =	vbroadcast v35, $0xF;
	v20 =	vmul.bf16 v45, v7  }
0xca: {  	v27 =	vld.idx.msk [tilespmem:v48+s30+$0x0], $0xffff;
	v37, _, _ =	vpop (xrf2);
	v45 =	vadd.s32 v0, v43;
	v47 =	vunpack.i.u.bf16.f32 v21;
	v50 =	vunpack.i.l.bf16.f32 v5  }
0xcb: {  	v13 =	vld.idx.msk [tilespmem:v13+s30+$0x0], $0xffff;
	v7 =	vmul.bf16 v24, v7;
	v53 =	vpack.i.f32.bf16 v16, v16;
	v15 =	vbroadcast v37, $0xF  }
0xcc: {  	v52 =	vld [tilespmem:s14+$0xC0E0];
	v5 =	vunpack.i.u.bf16.f32 v5;
	v39, _, _ =	vpop (xrf2);
	v8 =	vmul.bf16 v8, v10;
	v19 =	vmul.bf16 v38, v53  }
0xcd: {  	v40 =	vld [tilespmem:s16+$0x8000];
	(xrf2) =	vadd.scan.msk.f32 $0xffff, v36;
	v14 =	vsel vm7, v14, v25;
	v36 =	vmul.f32 v54, v44;
	v25 =	vbroadcast v39, $0xF  }
0xce: {  	v60 =	vld.idx.msk [tilespmem:v31+s8+$0x0], $0xffff;
	v11 =	vsel vm7, v11, v17;
	v12 =	vadd.bf16 v12, v20;
	v37 =	vadd.s32 v0, v49  }
0xcf: {  	v63 =	vld.idx.msk [tilespmem:v31+s30+$0x0], $0xffff;
	v38 =	vadd.s32 v2, v49;
	v9 =	vsel vm7, v9, v15;
	v7 =	vadd.bf16 v8, v7  }
0xd0: {  	v51 =	vld [tilespmem:s14+$0xA0E0];
	(xrf2) =	vadd.scan.msk.f32 $0xffff, v47;
	v30, _, _ =	vpop (xrf2);
	v19 =	vadd.bf16 v26, v19;
	v16 =	vsub.f32 v54, v36;
	v8 =	vmul.bf16 v13, v56  }
0xd1: {  	v44 =	vld [tilespmem:s14+$0xC0F0];
	(xrf2) =	vadd.scan.msk.f32 $0xffff, v50;
	v10 =	vmul.f32 v52, v4;
	v58 =	vpack.i.f32.bf16 v36, v36;
	v30 =	vbroadcast v30, $0xF  }
0xd2: {  	v62 =	vld.idx.msk [tilespmem:v23+s8+$0x0], $0xffff;
	v41, _, _ =	vpop (xrf2);
	v6 =	vsel vm7, v6, v25;
	v25 =	vadd.s32 v2, v43;
	(xrf2) =	vadd.scan.msk.f32 $0xffff, v5;
	v5 =	vunpack.i.l.bf16.f32 v12  }
0xd3: {  	v23 =	vld.idx.msk [tilespmem:v23+s30+$0x0], $0xffff;
	v12 =	vunpack.i.u.bf16.f32 v12;
	v61 =	vadd.s32 v0, v40;
	v17 =	vbroadcast v41, $0xF  }
0xd4: {  	v52 =	vld [tilespmem:s14+$0x8120];
	v39 =	vunpack.i.l.bf16.f32 v7;
	v7 =	vunpack.i.u.bf16.f32 v7;
	v41 =	vmul.bf16 v27, v53  }
0xd5: {  	v42, _, _ =	vpop (xrf2);
	v55 =	vld.idx.msk [tilespmem:v45+s8+$0x0], $0xffff;
	v43 =	vpack.i.f32.bf16 v16, v16;
	v20 =	vmul.f32 v10, v51;
	v14 =	vsel vm8, v14, v30  }
0xd6: {  	(xrf2) =	vadd.scan.msk.f32 $0xffff, v5;
	v15 =	vbroadcast v42, $0xF;
	v32, _, _ =	vpop (xrf2);
	v30 =	vld.idx.msk [tilespmem:v45+s30+$0x0], $0xffff;
	v16 =	vmul.f32 v44, v4;
	v11 =	vsel vm8, v11, v17  }
0xd7: {  	(xrf2) =	vadd.scan.msk.f32 $0xffff, v12;
	v42 =	vld [tilespmem:s14+$0xA0F0];
	v59 =	vbroadcast v32, $0xF;
	v8 =	vadd.bf16 v8, v41;
	v17 =	vmul.bf16 v60, v43  }
0xd8: {  	(xrf2) =	vadd.scan.msk.f32 $0xffff, v39;
	v10 =	vsub.f32 v10, v20;
	v20 =	vpack.i.f32.bf16 v20, v20;
	v41 =	vld [tilespmem:s16+$0xC000];
	v9 =	vsel vm8, v9, v15  }
0xd9: {  	(xrf2) =	vadd.scan.msk.f32 $0xffff, v7;
	v7 =	vunpack.i.l.bf16.f32 v19;
	v15 =	vmul.bf16 v63, v43;
	v12 =	vmul.bf16 v23, v58;
	v63 =	vld [tilespmem:s14+$0x8110]  }
0xda: {  	v19 =	vunpack.i.u.bf16.f32 v19;
	v6 =	vsel vm8, v6, v59;
	v57 =	vld.idx.msk [tilespmem:v25+s8+$0x0], $0xffff;
	(xrf2) =	vadd.scan.msk.f32 $0xffff, v7;
	v7 =	vmul.bf16 v62, v58  }
0xdb: {  	v5 =	vld.idx.msk [tilespmem:v25+s30+$0x0], $0xffff;
	v60 =	vunpack.i.u.bf16.f32 v8;
	v62 =	vadd.s32 v2, v40;
	v10 =	vpack.i.f32.bf16 v10, v10  }
0xdc: {  	v26 =	vld.idx.msk [tilespmem:v37+s8+$0x0], $0xffff;
	v8 =	vunpack.i.l.bf16.f32 v8;
	v39 =	vmul.bf16 v55, v10;
	v46, _, _ =	vpop (xrf2);
	v7 =	vadd.bf16 v7, v17  }
0xdd: {  	v22 =	vld.idx.msk [tilespmem:v38+s8+$0x0], $0xffff;
	v12 =	vadd.bf16 v12, v15;
	v10 =	vmul.bf16 v30, v10;
	v48 =	vbroadcast v46, $0xF;
	v59, _, _ =	vpop (xrf2)  }
0xde: {  	v28 =	vld.idx.msk [tilespmem:v37+s30+$0x0], $0xffff;
	(xrf2) =	vadd.scan.msk.f32 $0xffff, v19;
	v19 =	vmul.f32 v41, v4;
	v27 =	vbroadcast v59, $0xF;
	v37 =	vunpack.i.l.bf16.f32 v7  }
0xdf: {  	v17 =	vld.idx.msk [tilespmem:v38+s30+$0x0], $0xffff;
	(xrf2) =	vadd.scan.msk.f32 $0xffff, v8;
	v36, _, _ =	vpop (xrf2);
	v7 =	vunpack.i.u.bf16.f32 v7;
	v23 =	vadd.s32 v2, v63;
	v40 =	vmul.bf16 v57, v20  }
0xe0: {  	(xrf2) =	vadd.scan.msk.f32 $0xffff, v60;
	v14 =	vsel vm9, v14, v48;
	v38, _, _ =	vpop (xrf2);
	v45 =	vbroadcast v36, $0xF;
	v18 =	vld.idx.msk [tilespmem:v62+s8+$0x0], $0xffff;
	v5 =	vmul.bf16 v5, v20  }
0xe1: {  	v21 =	vld.idx.msk [tilespmem:v62+s30+$0x0], $0xffff;
	v62 =	vmul.f32 v16, v42;
	v11 =	vsel vm9, v11, v27;
	v46, _, _ =	vpop (xrf2);
	(xrf2) =	vadd.scan.msk.f32 $0xffff, v37;
	v47 =	vbroadcast v38, $0xF  }
0xe2: {  	v56 =	vld [tilespmem:s14+$0xA110];
	v48, _, _ =	vpop (xrf2);
	(xrf2) =	vadd.scan.msk.f32 $0xffff, v7;
	v7 =	vunpack.i.l.bf16.f32 v12;
	v15 =	vadd.bf16 v40, v39;
	v25 =	vbroadcast v46, $0xF  }
0xe3: {  	v31 =	vld.idx.msk [tilespmem:v61+s30+$0x0], $0xffff;
	v12 =	vunpack.i.u.bf16.f32 v12;
	v9 =	vsel vm9, v9, v45;
	v5 =	vadd.bf16 v5, v10  }
0xe4: {  	v57 =	vld [tilespmem:s14+$0xC110];
	v16 =	vsub.f32 v16, v62;
	v10 =	vpack.i.f32.bf16 v62, v62;
	v33, _, _ =	vpop (xrf2);
	(xrf2) =	vadd.scan.msk.f32 $0xffff, v7;
	v7 =	vadd.s32 v0, v63  }
0xe5: {  	v36 =	vld [tilespmem:s14+$0xC120];
	v32 =	vbroadcast v48, $0xF;
	v6 =	vsel vm9, v6, v47;
	v22 =	vmul.bf16 v22, v10  }
0xe6: {  	v27 =	vld.idx.msk [tilespmem:v61+s8+$0x0], $0xffff;
	v48 =	vmul.f32 v19, v29;
	v10 =	vmul.bf16 v17, v10;
	v49 =	vunpack.i.l.bf16.f32 v15  }
0xe7: {  	v63 =	vld [tilespmem:s14+$0x8130];
	v34, _, _ =	vpop (xrf2);
	v50 =	vsel vm10, v14, v25;
	v53 =	vbroadcast v33, $0xF;
	v15 =	vunpack.i.u.bf16.f32 v15  }
0xe8: {  	(xrf2) =	vadd.scan.msk.f32 $0xffff, v12;
	v24 =	vld.idx.msk [tilespmem:v23+s8+$0x0], $0xffff;
	v12 =	vadd.s32 v2, v52;
	v35 =	vunpack.i.l.bf16.f32 v5;
	v5 =	vunpack.i.u.bf16.f32 v5;
	v51, _, _ =	vpop (xrf2)  }
0xe9: {  	v23 =	vld.idx.msk [tilespmem:v23+s30+$0x0], $0xffff;
	(xrf2) =	vadd.scan.msk.f32 $0xffff, v49;
	v11 =	vsel vm10, v11, v32;
	v54 =	vbroadcast v34, $0xF;
	v19 =	vsub.f32 v19, v48;
	v55, _, _ =	vpop (xrf2)  }
0xea: {  	v49 =	vld [tilespmem:s14+$0x8140];
	v14 =	vbroadcast v51, $0xF;
	v9 =	vsel vm10, v9, v53;
	(xrf2) =	vadd.scan.msk.f32 $0xffff, v15;
	v32 =	vbroadcast v55, $0xF  }
0xeb: {  	v6 =	vsel vm10, v6, v54;
	v58, _, _ =	vpop (xrf2);
	v19 =	vpack.i.f32.bf16 v19, v19;
	v54 =	vmul.f32 v57, v4;
	v15 =	vld.idx.msk [tilespmem:v7+s8+$0x0], $0xffff  }
0xec: {  	(xrf2) =	vadd.scan.msk.f32 $0xffff, v35;
	v8 =	vsel vm11, v50, v14;
	v20 =	vld.idx.msk [tilespmem:v7+s30+$0x0], $0xffff;
	v7 =	vadd.s32 v0, v52;
	v14 =	vbroadcast v58, $0xF  }
0xed: {  	v40 =	vld [tilespmem:s14+$0xC140];
	v59, _, _ =	vpop (xrf2);
	(xrf2) =	vadd.scan.msk.f32 $0xffff, v5;
	v5 =	vpack.i.f32.bf16 v16, v16;
	v38 =	vadd.s32 v0, v63;
	v27 =	vmul.bf16 v27, v19  }
0xee: {  	v51 =	vld [tilespmem:s14+$0xA130];
	v13 =	vadd.s32 v2, v63;
	v25 =	vbroadcast v59, $0xF;
	v26 =	vmul.bf16 v26, v5  }
0xef: {  	v52 =	vld [tilespmem:s14+$0xC130];
	v11 =	vsel vm11, v11, v32;
	v50 =	vmul.bf16 v28, v5;
	v56 =	vmul.f32 v54, v56  }
0xf0: {  	v63 =	vld [tilespmem:s14+$0xA140];
	v9 =	vsel vm11, v9, v14;
	v14 =	vpack.i.f32.bf16 v48, v48;
	v55 =	vadd.s32 v0, v49  }
0xf1: {  	v32 =	vld [tilespmem:s14+$0xA120];
	v29 =	vadd.s32 v2, v49;
	v60, _, _ =	vpop (xrf2);
	v6 =	vsel vm11, v6, v25;
	v22 =	vadd.bf16 v22, v26  }
0xf2: {  	v59 =	vld [tilespmem:s14+$0x8150];
	v10 =	vadd.bf16 v10, v50;
	v18 =	vmul.bf16 v18, v14;
	v14 =	vmul.bf16 v21, v14;
	v61, _, _ =	vpop (xrf2)  }
0xf3: {  	v16 =	vld.idx.msk [tilespmem:v12+s8+$0x0], $0xffff;
	v62 =	vsub.f32 v54, v56;
	v30 =	vbroadcast v60, $0xF;
	v42 =	vbroadcast v61, $0xF  }
0xf4: {  	v12 =	vld.idx.msk [tilespmem:v12+s30+$0x0], $0xffff;
	v53 =	vunpack.i.l.bf16.f32 v22;
	v22 =	vunpack.i.u.bf16.f32 v22;
	v58 =	vunpack.i.u.bf16.f32 v10  }
0xf5: {  	v43, _, _ =	vpop (xrf2);
	v35 =	vld.idx.msk [tilespmem:v7+s8+$0x0], $0xffff;
	v10 =	vunpack.i.l.bf16.f32 v10;
	v18 =	vadd.bf16 v18, v27;
	v61 =	vmul.bf16 v31, v19  }
0xf6: {  	v37 =	vld.idx.msk [tilespmem:v7+s30+$0x0], $0xffff;
	v41 =	vpack.i.f32.bf16 v62, v62;
	v30 =	vsel vm12, v8, v30;
	v45 =	vbroadcast v43, $0xF  }
0xf7: {  	v49 =	vld [tilespmem:s14+$0xA150];
	v44, _, _ =	vpop (xrf2);
	(xrf2) =	vadd.scan.msk.f32 $0xffff, v53;
	v15 =	vmul.bf16 v15, v41;
	v43 =	vadd.s32 v0, v59;
	v27 =	vadd.s32 v2, v59  }
0xf8: {  	v28 =	vld.idx.msk [tilespmem:v13+s8+$0x0], $0xffff;
	v11 =	vsel vm12, v11, v42;
	v46, _, _ =	vpop (xrf2);
	v8 =	vbroadcast v44, $0xF;
	(xrf2) =	vadd.scan.msk.f32 $0xffff, v22;
	v42 =	vmul.f32 v36, v4  }
0xf9: {  	v13 =	vld.idx.msk [tilespmem:v13+s30+$0x0], $0xffff;
	v25 =	vbroadcast v46, $0xF;
	v7 =	vsel vm12, v9, v45;
	(xrf2) =	vadd.scan.msk.f32 $0xffff, v10;
	v10 =	vadd.bf16 v14, v61  }
0xfa: {  	v19 =	vld.idx.msk [tilespmem:v55+s8+$0x0], $0xffff;
	v39, _, _ =	vpop (xrf2);
	v9 =	vpack.i.f32.bf16 v56, v56;
	v14 =	vmul.bf16 v20, v41;
	v46 =	vmul.f32 v52, v4  }
0xfb: {  	v36 =	vld.idx.msk [tilespmem:v29+s8+$0x0], $0xffff;
	v47 =	vbroadcast v39, $0xF;
	v8 =	vsel vm12, v6, v8;
	v39 =	vunpack.i.l.bf16.f32 v18  }
0xfc: {  	v29 =	vld.idx.msk [tilespmem:v29+s30+$0x0], $0xffff;
	v57, _, _ =	vpop (xrf2);
	v18 =	vunpack.i.u.bf16.f32 v18;
	v24 =	vmul.bf16 v24, v9;
	v9 =	vmul.bf16 v23, v9  }
0xfd: {  	v20 =	vld.idx.msk [tilespmem:v55+s30+$0x0], $0xffff;
	v44 =	vmul.f32 v42, v32;
	v5 =	vsel vm13, v30, v25;
	v26 =	vbroadcast v57, $0xF  }
0xfe: {  	v56 =	vld [tilespmem:s14+$0x8170];
	v60, _, _ =	vpop (xrf2);
	v45 =	vunpack.i.l.bf16.f32 v10;
	v10 =	vunpack.i.u.bf16.f32 v10;
	v17 =	vmul.f32 v46, v51  }
0xff: {  	v30 =	vld.idx.msk [tilespmem:v38+s30+$0x0], $0xffff;
	v57 =	vmul.f32 v40, v4;
	v6 =	vsel vm13, v11, v47;
	v31 =	vbroadcast v60, $0xF  }
0x100: {  	v51 =	vld [tilespmem:s14+$0xC150];
	v15 =	vadd.bf16 v24, v15;
	v9 =	vadd.bf16 v9, v14;
	v23 =	vpack.i.f32.bf16 v44, v44  }
0x101: {  	v11 =	vld.idx.msk [tilespmem:v38+s8+$0x0], $0xffff;
	v48 =	vsub.f32 v42, v44;
	v16 =	vmul.bf16 v16, v23;
	v24 =	vsub.f32 v46, v17  }
0x102: {  	(xrf2) =	vadd.scan.msk.f32 $0xffff, v58;
	v47 =	vld [tilespmem:s14+$0x8160];
	v12 =	vmul.bf16 v12, v23;
	v17 =	vpack.i.f32.bf16 v17, v17;
	v21 =	vmul.f32 v57, v63  }
0x103: {  	(xrf2) =	vadd.scan.msk.f32 $0xffff, v39;
	v32 =	vld.idx.msk [tilespmem:v43+s8+$0x0], $0xffff;
	v50 =	vunpack.i.u.bf16.f32 v15;
	v15 =	vunpack.i.l.bf16.f32 v15;
	v52 =	vunpack.i.l.bf16.f32 v9  }
0x104: {  	(xrf2) =	vadd.scan.msk.f32 $0xffff, v18;
	v38 =	vld.idx.msk [tilespmem:v27+s8+$0x0], $0xffff;
	v14 =	vpack.i.f32.bf16 v48, v48;
	v55 =	vmul.bf16 v28, v17;
	v9 =	vunpack.i.u.bf16.f32 v9  }
0x105: {  	v59 =	vld [tilespmem:s14+$0xC160];
	(xrf2) =	vadd.scan.msk.f32 $0xffff, v45;
	v13 =	vmul.bf16 v13, v17;
	v62 =	vadd.s32 v0, v56;
	v45 =	vadd.s32 v2, v56  }
0x106: {  	v27 =	vld.idx.msk [tilespmem:v27+s30+$0x0], $0xffff;
	v8 =	vsel vm13, v8, v31;
	v35 =	vmul.bf16 v35, v14;
	v14 =	vmul.bf16 v37, v14  }
0x107: {  	v23 =	vld.idx.msk [tilespmem:v43+s30+$0x0], $0xffff;
	v24 =	vpack.i.f32.bf16 v24, v24;
	v22 =	vmul.f32 v51, v4;
	v53 =	vadd.s32 v0, v47  }
0x108: {  	(xrf2) =	vadd.scan.msk.f32 $0xffff, v10;
	v25 =	vadd.s32 v2, v47;
	v54 =	vadd.bf16 v16, v35;
	v11 =	vmul.bf16 v11, v24  }
0x109: {  	v48 =	vld [tilespmem:s14+$0x8180];
	(xrf2) =	vadd.scan.msk.f32 $0xffff, v15;
	v12 =	vadd.bf16 v12, v14;
	v24 =	vmul.bf16 v30, v24;
	v14 =	vsub.f32 v57, v21  }
0x10a: {  	(xrf2) =	vadd.scan.msk.f32 $0xffff, v50;
	v33, _, _ =	vpop (xrf2);
	v47 =	vpack.i.f32.bf16 v21, v21;
	v16 =	vmul.f32 v59, v4;
	v18 =	vmul.f32 v22, v49  }
0x10b: {  	v15 =	vld [tilespmem:s14+$0xA160];
	(xrf2) =	vadd.scan.msk.f32 $0xffff, v52;
	v50 =	vmul.bf16 v36, v47;
	v52 =	vmul.bf16 v29, v47;
	v5 =	vsel vm14, v5, v33  }
0x10c: {  	v36 =	vld [tilespmem:s14+$0xA170];
	v58 =	vunpack.i.u.bf16.f32 v54;
	v10 =	vunpack.i.l.bf16.f32 v54;
	v11 =	vadd.bf16 v55, v11  }
0x10d: {  	(xrf2) =	vadd.scan.msk.f32 $0xffff, v9;
	v60 =	vunpack.i.u.bf16.f32 v12;
	v12 =	vunpack.i.l.bf16.f32 v12;
	v63 =	vadd.bf16 v13, v24;
	v54 =	vld [tilespmem:s14+$0xC170]  }
0x10e: {  	v46 =	vpack.i.f32.bf16 v14, v14;
	v55 =	vsel vm13, v7, v26;
	v29 =	vld.idx.msk [tilespmem:v62+s8+$0x0], $0xffff;
	v59 =	vadd.s32 v0, v48  }
0x10f: {  	v21 =	vadd.s32 v2, v48;
	v19 =	vmul.bf16 v19, v46;
	v51 =	vmul.bf16 v20, v46;
	v37 =	vld.idx.msk [tilespmem:v53+s8+$0x0], $0xffff  }
0x110: {  	v35, _, _ =	vpop (xrf2);
	(xrf2) =	vadd.scan.msk.f32 $0xffff, v10;
	v15 =	vmul.f32 v16, v15;
	v61 =	vunpack.i.u.bf16.f32 v11;
	v11 =	vunpack.i.l.bf16.f32 v11;
	v17 =	vld.idx.msk [tilespmem:v25+s8+$0x0], $0xffff  }
0x111: {  	v30, _, _ =	vpop (xrf2);
	(xrf2) =	vadd.scan.msk.f32 $0xffff, v58;
	v49 =	vunpack.i.l.bf16.f32 v63;
	v58 =	vpack.i.f32.bf16 v18, v18;
	v34 =	vld.idx.msk [tilespmem:v53+s30+$0x0], $0xffff;
	v53 =	vsub.f32 v22, v18  }
0x112: {  	v40, _, _ =	vpop (xrf2);
	v7 =	vunpack.i.u.bf16.f32 v63;
	(xrf2) =	vadd.scan.msk.f32 $0xffff, v12;
	v56 =	vadd.bf16 v50, v19;
	v9 =	vadd.bf16 v52, v51;
	v19 =	vld.idx.msk [tilespmem:v62+s30+$0x0], $0xffff  }
0x113: {  	v44 =	vld [tilespmem:s14+$0xA180];
	v28, _, _ =	vpop (xrf2);
	v47 =	vmul.bf16 v27, v58;
	v48 =	vsub.f32 v16, v15;
	v15 =	vpack.i.f32.bf16 v15, v15;
	(xrf2) =	vadd.scan.msk.f32 $0xffff, v60  }
0x114: {  	v62 =	vld [tilespmem:s14+$0x8190];
	v8 =	vsel vm14, v8, v40;
	(xrf2) =	vadd.scan.msk.f32 $0xffff, v11;
	v57 =	vpack.i.f32.bf16 v53, v53;
	v11 =	vunpack.i.u.bf16.f32 v56  }
0x115: {  	v13 =	vld.idx.msk [tilespmem:v25+s30+$0x0], $0xffff;
	v41, _, _ =	vpop (xrf2);
	v63 =	vunpack.i.l.bf16.f32 v9;
	v20 =	vmul.f32 v54, v4;
	v60 =	vmul.bf16 v32, v57  }
0x116: {  	v14 =	vld.idx.msk [tilespmem:v45+s8+$0x0], $0xffff;
	v42, _, _ =	vpop (xrf2);
	v9 =	vunpack.i.u.bf16.f32 v9;
	(xrf2) =	vadd.scan.msk.f32 $0xffff, v61;
	v61 =	vmul.bf16 v38, v58;
	v10 =	vmul.bf16 v23, v57  }
0x117: {  	v22 =	vld.idx.msk [tilespmem:v59+s8+$0x0], $0xffff;
	v12 =	vpack.i.f32.bf16 v48, v48;
	v39, _, _ =	vpop (xrf2);
	v24 =	vbroadcast v42, $0xF;
	(xrf2) =	vadd.scan.msk.f32 $0xffff, v49;
	v36 =	vmul.f32 v20, v36  }
0x118: {  	v31 =	vld.idx.msk [tilespmem:v59+s30+$0x0], $0xffff;
	v33, _, _ =	vpop (xrf2);
	(xrf2) =	vadd.scan.msk.f32 $0xffff, v7;
	v7 =	vunpack.i.l.bf16.f32 v56;
	v43 =	vadd.bf16 v61, v60;
	v27 =	vadd.bf16 v47, v10  }
0x119: {  	v32 =	vld.idx.msk [tilespmem:v45+s30+$0x0], $0xffff;
	v51 =	vadd.s32 v0, v62;
	v37 =	vmul.bf16 v37, v12;
	v17 =	vmul.bf16 v17, v15  }
0x11a: {  	v38 =	vld.idx.msk [tilespmem:v21+s30+$0x0], $0xffff;
	v52 =	vadd.s32 v2, v62;
	v56 =	vmul.bf16 v34, v12;
	v13 =	vmul.bf16 v13, v15  }
0x11b: {  	v49 =	vld [tilespmem:s14+$0xC180];
	v33 =	vbroadcast v33, $0xF;
	(xrf2) =	vadd.scan.msk.f32 $0xffff, v7;
	v7 =	vsel vm14, v6, v35;
	v6 =	vsel vm14, v55, v30  }
0x11c: {  	v30 =	vld.idx.msk [tilespmem:v21+s8+$0x0], $0xffff;
	v20 =	vsub.f32 v20, v36;
	v36 =	vpack.i.f32.bf16 v36, v36;
	v21 =	vbroadcast v41, $0xF  }
0x11d: {  	v25, _, _ =	vpop (xrf2);
	v47 =	vld [tilespmem:s14+$0x81B0];
	v50 =	vunpack.i.l.bf16.f32 v43;
	v53 =	vunpack.i.u.bf16.f32 v43;
	v54 =	vunpack.i.l.bf16.f32 v27  }
0x11e: {  	v26, _, _ =	vpop (xrf2);
	v55 =	vld [tilespmem:s14+$0x81A0];
	v17 =	vadd.bf16 v17, v37;
	v57 =	vunpack.i.u.bf16.f32 v27;
	v37 =	vbroadcast v28, $0xF  }
0x11f: {  	v23 =	vld [tilespmem:s14+$0xC190];
	v18, _, _ =	vpop (xrf2);
	v59 =	vadd.bf16 v13, v56;
	v62 =	vmul.bf16 v14, v36;
	v20 =	vpack.i.f32.bf16 v20, v20  }
0x120: {  	v34 =	vld [tilespmem:s14+$0xA190];
	(xrf2) =	vadd.scan.msk.f32 $0xffff, v11;
	v1 =	vbroadcast v18, $0xF;
	v58 =	vunpack.i.l.bf16.f32 v17;
	v60 =	vmul.f32 v49, v4  }
0x121: {  	(xrf2) =	vadd.scan.msk.f32 $0xffff, v63;
	v61 =	vmul.bf16 v29, v20;
	v17 =	vunpack.i.u.bf16.f32 v17;
	v27 =	vunpack.i.u.bf16.f32 v59;
	v28 =	vld.idx.msk [tilespmem:v51+s8+$0x0], $0xffff  }
0x122: {  	(xrf2) =	vadd.scan.msk.f32 $0xffff, v9;
	v9, _, _ =	vpop (xrf2);
	v19 =	vmul.bf16 v19, v20;
	v35 =	vld.idx.msk [tilespmem:v51+s30+$0x0], $0xffff;
	v51 =	vunpack.i.l.bf16.f32 v59;
	v29 =	vadd.s32 v0, v47  }
0x123: {  	v10, _, _ =	vpop (xrf2);
	(xrf2) =	vadd.scan.msk.f32 $0xffff, v50;
	v45 =	vld.idx.msk [tilespmem:v52+s8+$0x0], $0xffff;
	v9 =	vbroadcast v9, $0xF;
	v63 =	vadd.s32 v0, v55;
	v44 =	vmul.f32 v60, v44  }
0x124: {  	v46 =	vld.idx.msk [tilespmem:v52+s30+$0x0], $0xffff;
	v11, _, _ =	vpop (xrf2);
	(xrf2) =	vadd.scan.msk.f32 $0xffff, v53;
	v43 =	vadd.s32 v2, v55;
	v52 =	vadd.bf16 v62, v61;
	v10 =	vbroadcast v10, $0xF  }
0x125: {  	(xrf2) =	vadd.scan.msk.f32 $0xffff, v54;
	v54 =	vmul.bf16 v32, v36;
	v11 =	vbroadcast v11, $0xF;
	v40 =	vsub.f32 v60, v44  }
0x126: {  	v55 =	vld [tilespmem:s14+$0xC1A0];
	v12, _, _ =	vpop (xrf2);
	v48 =	vunpack.i.l.bf16.f32 v52;
	v59 =	vpack.i.f32.bf16 v44, v44;
	v60 =	vmul.f32 v23, v4  }
0x127: {  	v53 =	vld [tilespmem:s14+$0xA1A0];
	(xrf2) =	vadd.scan.msk.f32 $0xffff, v57;
	v13, _, _ =	vpop (xrf2);
	v56 =	vunpack.i.u.bf16.f32 v52;
	v12 =	vbroadcast v12, $0xF;
	v30 =	vmul.bf16 v30, v59  }
0x128: {  	v14, _, _ =	vpop (xrf2);
	(xrf2) =	vadd.scan.msk.f32 $0xffff, v58;
	v58 =	vadd.bf16 v54, v19;
	v62 =	vmul.bf16 v38, v59;
	v13 =	vbroadcast v13, $0xF;
	v50 =	vld.idx.msk [tilespmem:v29+s8+$0x0], $0xffff  }
0x129: {  	(xrf2) =	vadd.scan.msk.f32 $0xffff, v17;
	v57 =	vpack.i.f32.bf16 v40, v40;
	v34 =	vmul.f32 v60, v34;
	v14 =	vbroadcast v14, $0xF;
	v40 =	vld.idx.msk [tilespmem:v63+s8+$0x0], $0xffff  }
0x12a: {  	v15, _, _ =	vpop (xrf2);
	v22 =	vmul.bf16 v22, v57;
	v49 =	vld.idx.msk [tilespmem:v63+s30+$0x0], $0xffff;
	v61 =	vmul.bf16 v31, v57;
	v63 =	vadd.s32 v2, v47  }
0x12b: {  	(xrf2) =	vadd.scan.msk.f32 $0xffff, v51;
	v44 =	vld.idx.msk [tilespmem:v43+s8+$0x0], $0xffff;
	v41 =	vunpack.i.u.bf16.f32 v58;
	v32 =	vmul.f32 v55, v4;
	v15 =	vbroadcast v15, $0xF  }
0x12c: {  	v16, _, _ =	vpop (xrf2);
	v38 =	vld.idx.msk [tilespmem:v43+s30+$0x0], $0xffff;
	(xrf2) =	vadd.scan.msk.f32 $0xffff, v27;
	v27 =	vbroadcast v39, $0xF;
	v60 =	vsub.f32 v60, v34;
	v34 =	vpack.i.f32.bf16 v34, v34  }
0x12d: {  	v57 =	vld [tilespmem:s14+$0x81C0];
	v16 =	vbroadcast v16, $0xF;
	v30 =	vadd.bf16 v30, v22;
	v42 =	vmul.f32 v32, v53  }
0x12e: {  	v17, _, _ =	vpop (xrf2);
	(xrf2) =	vadd.scan.msk.f32 $0xffff, v48;
	v31 =	vadd.bf16 v62, v61;
	v45 =	vmul.bf16 v45, v34;
	v34 =	vmul.bf16 v46, v34  }
0x12f: {  	v55 =	vld [tilespmem:s14+$0xC1C0];
	v19, _, _ =	vpop (xrf2);
	v17 =	vbroadcast v17, $0xF;
	(xrf2) =	vadd.scan.msk.f32 $0xffff, v56;
	v56 =	vunpack.i.l.bf16.f32 v58;
	v47 =	vpack.i.f32.bf16 v60, v60  }
0x130: {  	v61 =	vld [tilespmem:s14+$0xA1B0];
	v1 =	vsel vm0, v27, v1;
	v19 =	vbroadcast v19, $0xF;
	v59 =	vunpack.i.l.bf16.f32 v30  }
0x131: {  	v53 =	vld.idx.msk [tilespmem:v29+s30+$0x0], $0xffff;
	v30 =	vunpack.i.u.bf16.f32 v30;
	v62 =	vunpack.i.u.bf16.f32 v31;
	v52 =	vmul.bf16 v28, v47  }
0x132: {  	v20, _, _ =	vpop (xrf2);
	v58 =	vld [tilespmem:s14+$0xC1B0];
	(xrf2) =	vadd.scan.msk.f32 $0xffff, v56;
	v32 =	vsub.f32 v32, v42;
	v35 =	vmul.bf16 v35, v47;
	v54 =	vadd.s32 v0, v57  }
0x133: {  	v42 =	vpack.i.f32.bf16 v42, v42;
	v1 =	vsel vm1, v1, v12;
	v51 =	vld.idx.msk [tilespmem:v63+s8+$0x0], $0xffff;
	v43 =	vadd.s32 v2, v57  }
0x134: {  	v22, _, _ =	vpop (xrf2);
	v31 =	vunpack.i.l.bf16.f32 v31;
	(xrf2) =	vadd.scan.msk.f32 $0xffff, v41;
	v39 =	vld.idx.msk [tilespmem:v63+s30+$0x0], $0xffff;
	v44 =	vmul.bf16 v44, v42;
	v41 =	vsel vm0, v37, v33  }
0x135: {  	v63 =	vld [tilespmem:s14+$0x81D0];
	v38 =	vmul.bf16 v38, v42;
	v45 =	vadd.bf16 v45, v52;
	v32 =	vpack.i.f32.bf16 v32, v32  }
0x136: {  	v48 =	vld [tilespmem:s14+$0xA1C0];
	v23, _, _ =	vpop (xrf2);
	v1 =	vsel vm2, v1, v16;
	(xrf2) =	vadd.scan.msk.f32 $0xffff, v59;
	v35 =	vadd.bf16 v34, v35;
	v40 =	vmul.bf16 v40, v32  }
0x137: {  	v28, _, _ =	vpop (xrf2);
	(xrf2) =	vadd.scan.msk.f32 $0xffff, v30;
	v36 =	vmul.f32 v58, v4;
	v52 =	vunpack.i.l.bf16.f32 v45;
	v58 =	vunpack.i.u.bf16.f32 v45;
	v45 =	vld.idx.msk [tilespmem:v54+s8+$0x0], $0xffff  }
0x138: {  	v9 =	vsel vm1, v41, v9;
	v41 =	vbroadcast v20, $0xF;
	v29, _, _ =	vpop (xrf2);
	(xrf2) =	vadd.scan.msk.f32 $0xffff, v31;
	v60 =	vadd.bf16 v44, v40;
	v44 =	vld.idx.msk [tilespmem:v43+s8+$0x0], $0xffff  }
0x139: {  	v30, _, _ =	vpop (xrf2);
	v56 =	vunpack.i.u.bf16.f32 v35;
	(xrf2) =	vadd.scan.msk.f32 $0xffff, v62;
	v57 =	vmul.f32 v36, v61;
	v61 =	vmul.bf16 v49, v32;
	v49 =	vld.idx.msk [tilespmem:v54+s30+$0x0], $0xffff  }
0x13a: {  	v31, _, _ =	vpop (xrf2);
	v62 =	vunpack.i.l.bf16.f32 v35;
	(xrf2) =	vadd.scan.msk.f32 $0xffff, v52;
	v52 =	vadd.s32 v0, v63;
	v43 =	vld.idx.msk [tilespmem:v43+s30+$0x0], $0xffff;
	v54 =	vmul.f32 v55, v4  }
0x13b: {  	v46 =	vadd.s32 v2, v63;
	v63 =	vld [tilespmem:s14+$0xC1D0];
	v59 =	vsub.f32 v36, v57;
	v47 =	vpack.i.f32.bf16 v57, v57  }
0x13c: {  	v32, _, _ =	vpop (xrf2);
	v55 =	vld [tilespmem:s14+$0x81E0];
	(xrf2) =	vadd.scan.msk.f32 $0xffff, v58;
	v57 =	vunpack.i.u.bf16.f32 v60;
	v38 =	vadd.bf16 v38, v61;
	v48 =	vmul.f32 v54, v48  }
0x13d: {  	v33, _, _ =	vpop (xrf2);
	(xrf2) =	vadd.scan.msk.f32 $0xffff, v62;
	v60 =	vunpack.i.l.bf16.f32 v60;
	v51 =	vmul.bf16 v51, v47;
	v39 =	vmul.bf16 v39, v47  }
0x13e: {  	v34, _, _ =	vpop (xrf2);
	(xrf2) =	vadd.scan.msk.f32 $0xffff, v56;
	v42 =	vpack.i.f32.bf16 v59, v59;
	v61 =	vunpack.i.u.bf16.f32 v38;
	v62 =	vunpack.i.l.bf16.f32 v38  }
0x13f: {  	v35, _, _ =	vpop (xrf2);
	(xrf2) =	vadd.scan.msk.f32 $0xffff, v60;
	v54 =	vsub.f32 v54, v48;
	v60 =	vbroadcast v25, $0xF;
	v50 =	vmul.bf16 v50, v42  }
0x140: {  	v48 =	vpack.i.f32.bf16 v48, v48;
	v42 =	vmul.bf16 v53, v42;
	v56 =	vmul.f32 v63, v4  }
0x141: {  	v36, _, _ =	vpop (xrf2);
	v59 =	vld [tilespmem:s14+$0xC1E0];
	(xrf2) =	vadd.scan.msk.f32 $0xffff, v57;
	v53 =	vadd.s32 v0, v55;
	v44 =	vmul.bf16 v44, v48;
	v43 =	vmul.bf16 v43, v48  }
0x142: {  	v37, _, _ =	vpop (xrf2);
	(xrf2) =	vadd.scan.msk.f32 $0xffff, v62;
	v54 =	vpack.i.f32.bf16 v54, v54;
	v62 =	vbroadcast v26, $0xF;
	v50 =	vadd.bf16 v51, v50;
	v51 =	vld [tilespmem:s14+$0xA1D0]  }
0x143: {  	v47 =	vld.idx.msk [tilespmem:v52+s8+$0x0], $0xffff;
	v38, _, _ =	vpop (xrf2);
	v21 =	vsel vm0, v21, v60;
	v42 =	vadd.bf16 v39, v42;
	v45 =	vmul.bf16 v45, v54  }
0x144: {  	v58 =	vld.idx.msk [tilespmem:v46+s8+$0x0], $0xffff;
	(xrf2) =	vadd.scan.msk.f32 $0xffff, v61;
	v38 =	vbroadcast v38, $0xF;
	v57 =	vunpack.i.u.bf16.f32 v50;
	v50 =	vunpack.i.l.bf16.f32 v50  }
0x145: {  	v39, _, _ =	vpop (xrf2);
	v24 =	vsel vm0, v24, v62;
	v62 =	vsel vm1, v21, v10;
	(xrf2) =	vadd.scan.msk.f32 $0xffff, v50;
	v50 =	vadd.s32 v2, v55;
	v55 =	vld [tilespmem:s14+$0x81F0]  }
0x146: {  	v61 =	vld [tilespmem:s14+$0xA1E0];
	v39 =	vbroadcast v39, $0xF;
	v44 =	vadd.bf16 v44, v45;
	v45 =	vmul.bf16 v49, v54  }
0x147: {  	v46 =	vld.idx.msk [tilespmem:v46+s30+$0x0], $0xffff;
	v11 =	vsel vm1, v24, v11;
	v24 =	vbroadcast v30, $0xF;
	v51 =	vmul.f32 v56, v51  }
0x148: {  	v52 =	vld.idx.msk [tilespmem:v52+s30+$0x0], $0xffff;
	v40, _, _ =	vpop (xrf2);
	v11 =	vsel vm2, v11, v15;
	(xrf2) =	vadd.scan.msk.f32 $0xffff, v57;
	v57 =	vunpack.i.l.bf16.f32 v42;
	v42 =	vunpack.i.u.bf16.f32 v42  }
0x149: {  	v25, _, _ =	vpop (xrf2);
	v49 =	vunpack.i.u.bf16.f32 v44;
	(xrf2) =	vadd.scan.msk.f32 $0xffff, v57;
	v57 =	vld [tilespmem:s14+$0xC1F0];
	v63 =	vsub.f32 v56, v51;
	v56 =	vmul.f32 v59, v4  }
0x14a: {  	v26, _, _ =	vpop (xrf2);
	v54 =	vld.idx.msk [tilespmem:v53+s8+$0x0], $0xffff;
	(xrf2) =	vadd.scan.msk.f32 $0xffff, v42;
	v42 =	vunpack.i.l.bf16.f32 v44;
	v59 =	vadd.bf16 v43, v45;
	v45 =	vadd.s32 v0, v55  }
0x14b: {  	v3 =	vld [tilespmem:s14+$0xA1F0];
	v44, _, _ =	vpop (xrf2);
	(xrf2) =	vadd.scan.msk.f32 $0xffff, v42;
	v51 =	vpack.i.f32.bf16 v51, v51;
	v42 =	vadd.s32 v2, v55;
	v61 =	vmul.f32 v56, v61  }
0x14c: {  	v58 =	vmul.bf16 v58, v51;
	v46 =	vmul.bf16 v46, v51;
	v48 =	vpack.i.f32.bf16 v63, v63;
	v63 =	vld.idx.msk [tilespmem:v50+s8+$0x0], $0xffff  }
0x14d: {  	v55 =	vmul.bf16 v47, v48;
	v52 =	vmul.bf16 v52, v48;
	v51 =	vsub.f32 v56, v61;
	v56 =	vld.idx.msk [tilespmem:v50+s30+$0x0], $0xffff  }
0x14e: {  	v53 =	vld.idx.msk [tilespmem:v53+s30+$0x0], $0xffff;
	v15 =	vsel vm3, v11, v41;
	v43, _, _ =	vpop (xrf2);
	(xrf2) =	vadd.scan.msk.f32 $0xffff, v49;
	v49 =	vunpack.i.l.bf16.f32 v59;
	v57 =	vmul.f32 v57, v4  }
0x14f: {  	v18 =	vunpack.i.u.bf16.f32 v59;
	v47, _, _ =	vpop (xrf2);
	(xrf2) =	vadd.scan.msk.f32 $0xffff, v49;
	v55 =	vadd.bf16 v58, v55;
	v46 =	vadd.bf16 v46, v52;
	v58 =	vld.idx.msk [tilespmem:v45+s8+$0x0], $0xffff  }
0x150: {  	v48, _, _ =	vpop (xrf2);
	v52 =	vpack.i.f32.bf16 v61, v61;
	v3 =	vmul.f32 v57, v3;
	v51 =	vpack.i.f32.bf16 v51, v51;
	v59 =	vld.idx.msk [tilespmem:v42+s8+$0x0], $0xffff  }
0x151: {  	(xrf2) =	vadd.scan.msk.f32 $0xffff, v18;
	v49, _, _ =	vpop (xrf2);
	v54 =	vmul.bf16 v54, v51;
	v18 =	vunpack.i.l.bf16.f32 v55;
	v61 =	vmul.bf16 v63, v52  }
0x152: {  	v50, _, _ =	vpop (xrf2);
	v63 =	vunpack.i.u.bf16.f32 v55;
	(xrf2) =	vadd.scan.msk.f32 $0xffff, v18;
	v55 =	vmul.bf16 v56, v52;
	v56 =	vsub.f32 v57, v3  }
0x153: {  	v53 =	vmul.bf16 v53, v51;
	v51, _, _ =	vpop (xrf2);
	(xrf2) =	vadd.scan.msk.f32 $0xffff, v63;
	v63 =	vunpack.i.u.bf16.f32 v46;
	v46 =	vunpack.i.l.bf16.f32 v46  }
0x154: {  	v54 =	vadd.bf16 v61, v54;
	v57, _, _ =	vpop (xrf2);
	(xrf2) =	vadd.scan.msk.f32 $0xffff, v46;
	v46 =	vpack.i.f32.bf16 v3, v3;
	v18 =	vpack.i.f32.bf16 v56, v56  }
0x155: {  	v52, _, _ =	vpop (xrf2);
	v53 =	vadd.bf16 v55, v53;
	(xrf2) =	vadd.scan.msk.f32 $0xffff, v63;
	v63 =	vmul.bf16 v59, v46;
	v56 =	vmul.bf16 v58, v18  }
0x156: {  	v41 =	vbroadcast v40, $0xF;
	v61 =	vunpack.i.l.bf16.f32 v54;
	v54 =	vunpack.i.u.bf16.f32 v54;
	v3, _, _ =	vpop (xrf2)  }
0x157: {  	v59, _, _ =	vpop (xrf2);
	(xrf2) =	vadd.scan.msk.f32 $0xffff, v61;
	v60 =	vunpack.i.l.bf16.f32 v53;
	v3 =	vbroadcast v3, $0xF;
	v55 =	vadd.bf16 v63, v56  }
0x158: {  	v27, _, _ =	vpop (xrf2);
	(xrf2) =	vadd.scan.msk.f32 $0xffff, v54;
	v63 =	vsel vm2, v62, v14;
	v62 =	vbroadcast v28, $0xF;
	v28 =	vbroadcast v31, $0xF  }
0x159: {  	v53 =	vunpack.i.u.bf16.f32 v53;
	v31 =	vbroadcast v33, $0xF;
	v33 =	vbroadcast v34, $0xF;
	(xrf2) =	vadd.scan.msk.f32 $0xffff, v60;
	v56, _, _ =	vpop (xrf2)  }
0x15a: {  	v34 =	vbroadcast v35, $0xF;
	v35 =	vbroadcast v36, $0xF;
	v61 =	vunpack.i.l.bf16.f32 v55;
	v54, _, _ =	vpop (xrf2);
	(xrf2) =	vadd.scan.msk.f32 $0xffff, v53  }
0x15b: {  	v9 =	vsel vm2, v9, v13;
	v36 =	vbroadcast v37, $0xF;
	v60 =	vbroadcast v22, $0xF;
	v21, _, _ =	vpop (xrf2);
	(xrf2) =	vadd.scan.msk.f32 $0xffff, v61  }
0x15c: {  	v58 =	vsel vm3, v63, v19;
	v63 =	vbroadcast v29, $0xF;
	v29 =	vbroadcast v32, $0xF;
	v10, _, _ =	vpop (xrf2)  }
0x15d: {  	v27 =	vbroadcast v27, $0xF;
	v32 =	vunpack.i.u.bf16.f32 v55;
	v55 =	vbroadcast v26, $0xF;
	v12, _, _ =	vpop (xrf2)  }
0x15e: {  	v53 =	vsel vm3, v9, v17;
	v1 =	vsel vm3, v1, v60;
	v17 =	vsel vm4, v58, v62;
	v13, _, _ =	vpop (xrf2)  }
0x15f: {  	v19 =	vsel vm4, v15, v63;
	v58 =	vbroadcast v44, $0xF;
	v62 =	vbroadcast v43, $0xF;
	v14, _, _ =	vpop (xrf2)  }
0x160: {  	v61 =	vbroadcast v23, $0xF;
	v1 =	vsel vm4, v1, v24;
	v17 =	vsel vm5, v17, v29;
	v9, _, _ =	vpop (xrf2)  }
0x161: {  	s22 =	sadd.s32 s17, s18;
	v54 =	vbroadcast v54, $0xF;
	v1 =	vsel vm5, v1, v33;
	v17 =	vsel vm6, v17, v35;
	v11, _, _ =	vpop (xrf2)  }
0x162: {  	[tilespmem:s22+$0x0] =	vst.add.f32.msk $0xffff, v5;
	s22 =	sadd.s32 s17, s10;
	v35 =	vbroadcast v47, $0xF;
	v21 =	vbroadcast v21, $0xF;
	v16 =	vsel vm4, v53, v61;
	v5, _, _ =	vpop (xrf2)  }
0x163: {  	[tilespmem:s22+$0x0] =	vst.add.f32.msk $0xffff, v7;
	s22 =	sadd.s32 s17, s11;
	v1 =	vsel vm6, v1, v38;
	v53 =	vbroadcast v25, $0xF;
	v38 =	vbroadcast v49, $0xF;
	v7, _, _ =	vpop (xrf2)  }
0x164: {  	[tilespmem:s22+$0x0] =	vst.add.f32.msk $0xffff, v6;
	s22 =	sadd.s32 s17, s12;
	v17 =	vsel vm7, v17, v41;
	v41 =	vbroadcast v51, $0xF;
	v10 =	vbroadcast v10, $0xF;
	v15, _, _ =	vpop (xrf2)  }
0x165: {  	s16 =	sor.u32 $0x20, s17;
	[tilespmem:s22+$0x0] =	vst.add.f32.msk $0xffff, v8;
	v30 =	vsel vm5, v16, v28;
	v16 =	vsel vm5, v19, v31;
	v1 =	vsel vm7, v1, v55;
	v6, _, _ =	vpop (xrf2)  }
0x166: {  	s22 =	sshll.u32 s16, $0x4;
	v17 =	vsel vm8, v17, v62;
	v12 =	vbroadcast v12, $0xF;
	v8 =	vsel vm6, v30, v34;
	(xrf2) =	vadd.scan.msk.f32 $0xffff, v32  }
0x167: {  	v16 =	vsel vm6, v16, v36;
	v36 =	vbroadcast v48, $0xF;
	v13 =	vbroadcast v13, $0xF;
	v37 =	vld [tilespmem:s22+$0x8000]  }
0x168: {  	v8 =	vsel vm7, v8, v39;
	v39 =	vbroadcast v50, $0xF;
	v50 =	vbroadcast v59, $0xF;
	v60 =	vld.idx.msk [tilespmem:v45+s30+$0x0], $0xffff  }
0x169: {  	v16 =	vsel vm7, v16, v53;
	v53 =	vbroadcast v56, $0xF;
	v14 =	vbroadcast v14, $0xF;
	v63 =	vld [tilespmem:s22+$0xC000]  }
0x16a: {  	v8 =	vsel vm8, v8, v58;
	v16 =	vsel vm8, v16, v35;
	v1 =	vsel vm8, v1, v36;
	v40 =	vld.idx.msk [tilespmem:v42+s30+$0x0], $0xffff  }
0x16b: {  	v9 =	vbroadcast v9, $0xF;
	v8 =	vsel vm9, v8, v38;
	v17 =	vsel vm9, v17, v39;
	v43 =	vld [tilespmem:s22+$0xA000]  }
0x16c: {  	v16 =	vsel vm9, v16, v41;
	v11 =	vbroadcast v11, $0xF;
	v3 =	vsel vm10, v17, v3;
	v62 =	vld [tilespmem:s14+$0x8220]  }
0x16d: {  	v16 =	vsel vm10, v16, v50;
	v61 =	vadd.s32 v0, v37;
	v24 =	vadd.s32 v2, v37;
	v37 =	vld [tilespmem:s14+$0x8210]  }
0x16e: {  	v5 =	vbroadcast v5, $0xF;
	v3 =	vsel vm11, v3, v54;
	v45 =	vbroadcast v52, $0xF;
	v47 =	vld [tilespmem:s14+$0xC210]  }
0x16f: {  	v16 =	vsel vm11, v16, v21;
	v3 =	vsel vm12, v3, v13;
	v42 =	vbroadcast v57, $0xF;
	v51 =	vld [tilespmem:s14+$0xA210]  }
0x170: {  	v7 =	vbroadcast v7, $0xF;
	v3 =	vsel vm13, v3, v5;
	v8 =	vsel vm10, v8, v45;
	v45 =	vld [tilespmem:s14+$0xC220]  }
0x171: {  	v1 =	vsel vm9, v1, v42;
	v55 =	vmul.bf16 v40, v46;
	v42 =	vadd.s32 v2, v62;
	v46 =	vld [tilespmem:s14+$0xA220]  }
0x172: {  	v1 =	vsel vm10, v1, v27;
	v23 =	vmul.f32 v63, v4;
	v44 =	vld.idx.msk [tilespmem:v61+s8+$0x0], $0xffff;
	v49 =	vadd.s32 v0, v37  }
0x173: {  	v8 =	vsel vm11, v8, v53;
	v1 =	vsel vm11, v1, v10;
	v48 =	vld.idx.msk [tilespmem:v24+s8+$0x0], $0xffff;
	v28 =	vadd.s32 v2, v37  }
0x174: {  	v8 =	vsel vm12, v8, v12;
	v18 =	vmul.bf16 v60, v18;
	v52 =	vmul.f32 v23, v43;
	v22 =	vld.idx.msk [tilespmem:v61+s30+$0x0], $0xffff  }
0x175: {  	v26 =	vmul.f32 v47, v4;
	v39 =	vadd.s32 v0, v62;
	v8 =	vsel vm13, v8, v11;
	v24 =	vld.idx.msk [tilespmem:v24+s30+$0x0], $0xffff  }
0x176: {  	v18 =	vadd.bf16 v55, v18;
	v23 =	vsub.f32 v23, v52;
	v17 =	vpack.i.f32.bf16 v52, v52;
	v52 =	vld.idx.msk [tilespmem:v42+s8+$0x0], $0xffff  }
0x177: {  	v1 =	vsel vm12, v1, v9;
	v5 =	vsel vm14, v8, v6;
	v57 =	vmul.f32 v26, v51;
	v56 =	vld.idx.msk [tilespmem:v49+s8+$0x0], $0xffff  }
0x178: {  	v63 =	vunpack.i.u.bf16.f32 v18;
	v18 =	vunpack.i.l.bf16.f32 v18;
	v23 =	vpack.i.f32.bf16 v23, v23;
	v58 =	vld.idx.msk [tilespmem:v28+s8+$0x0], $0xffff  }
0x179: {  	v34 =	vpack.i.f32.bf16 v57, v57;
	v19 =	vmul.bf16 v44, v23;
	v59 =	vmul.bf16 v48, v17;
	v60 =	vld.idx.msk [tilespmem:v49+s30+$0x0], $0xffff  }
0x17a: {  	v61 =	vsub.f32 v26, v57;
	(xrf2) =	vadd.scan.msk.f32 $0xffff, v18;
	v18 =	vmul.f32 v45, v4;
	v57 =	vbroadcast v15, $0xF;
	v31 =	vld.idx.msk [tilespmem:v28+s30+$0x0], $0xffff  }
0x17b: {  	v50, _, _ =	vpop (xrf2);
	v22 =	vmul.bf16 v22, v23;
	v17 =	vmul.bf16 v24, v17;
	v44 =	vld [tilespmem:s14+$0x8230];
	v19 =	vadd.bf16 v59, v19  }
0x17c: {  	v54 =	vld.idx.msk [tilespmem:v39+s30+$0x0], $0xffff;
	v6 =	vsel vm14, v3, v50;
	v33 =	vpack.i.f32.bf16 v61, v61;
	v21 =	vmul.f32 v18, v46  }
0x17d: {  	v20 =	vld.idx.msk [tilespmem:v42+s30+$0x0], $0xffff;
	v1 =	vsel vm13, v1, v57;
	v17 =	vadd.bf16 v17, v22;
	v35 =	vunpack.i.l.bf16.f32 v19  }
0x17e: {  	v45 =	vld [tilespmem:s14+$0xA240];
	(xrf2) =	vadd.scan.msk.f32 $0xffff, v63;
	v19 =	vunpack.i.u.bf16.f32 v19;
	v25 =	vmul.bf16 v56, v33;
	v36 =	vmul.bf16 v58, v34  }
0x17f: {  	v48 =	vld.idx.msk [tilespmem:v39+s8+$0x0], $0xffff;
	v37 =	vunpack.i.u.bf16.f32 v17;
	v17 =	vunpack.i.l.bf16.f32 v17;
	(xrf2) =	vadd.scan.msk.f32 $0xffff, v35;
	v40 =	vmul.bf16 v60, v33  }
0x180: {  	v61 =	vld [tilespmem:s14+$0xC230];
	v41 =	vmul.bf16 v31, v34;
	v22 =	vadd.s32 v2, v44;
	(xrf2) =	vadd.scan.msk.f32 $0xffff, v19;
	v38 =	vadd.bf16 v36, v25  }
0x181: {  	v46 =	vld [tilespmem:s14+$0xC240];
	v18 =	vsub.f32 v18, v21;
	v21 =	vpack.i.f32.bf16 v21, v21;
	v49 =	vsel vm12, v16, v14;
	(xrf2) =	vadd.scan.msk.f32 $0xffff, v17  }
0x182: {  	v10 =	vmul.bf16 v52, v21;
	v59 =	vld [tilespmem:s14+$0x8240];
	v17 =	vadd.bf16 v41, v40;
	(xrf2) =	vadd.scan.msk.f32 $0xffff, v37;
	v43 =	vunpack.i.l.bf16.f32 v38  }
0x183: {  	v63 =	vld [tilespmem:s14+$0xA230];
	v20 =	vmul.bf16 v20, v21;
	v18 =	vpack.i.f32.bf16 v18, v18;
	v19 =	vunpack.i.u.bf16.f32 v38;
	(xrf2) =	vadd.scan.msk.f32 $0xffff, v43  }
0x184: {  	v7 =	vsel vm13, v49, v7;
	v16 =	vmul.bf16 v54, v18;
	v54 =	vld [tilespmem:s14+$0xA250];
	v47 =	vunpack.i.l.bf16.f32 v17;
	(xrf2) =	vadd.scan.msk.f32 $0xffff, v19  }
0x185: {  	v55 =	vadd.s32 v0, v44;
	v12 =	vmul.bf16 v48, v18;
	v51 =	vunpack.i.u.bf16.f32 v17;
	v38 =	vld.idx.msk [tilespmem:v22+s8+$0x0], $0xffff;
	(xrf2) =	vadd.scan.msk.f32 $0xffff, v47  }
0x186: {  	v16 =	vadd.bf16 v20, v16;
	v25 =	vmul.f32 v61, v4;
	v22 =	vld.idx.msk [tilespmem:v22+s30+$0x0], $0xffff;
	(xrf2) =	vadd.scan.msk.f32 $0xffff, v51  }
0x187: {  	v53, _, _ =	vpop (xrf2);
	v24 =	vadd.s32 v2, v59;
	v10 =	vadd.bf16 v10, v12;
	v12 =	vmul.f32 v46, v4;
	v43 =	vld [tilespmem:s14+$0x8250]  }
0x188: {  	v56, _, _ =	vpop (xrf2);
	v8 =	vsel vm14, v7, v53;
	v40 =	vadd.s32 v0, v59;
	v9 =	vmul.f32 v25, v63;
	v51 =	vld [tilespmem:s14+$0xC250]  }
0x189: {  	v7 =	vsel vm14, v1, v56;
	v49 =	vunpack.i.l.bf16.f32 v10;
	v57 =	vmul.f32 v12, v45;
	v63 =	vld [tilespmem:s14+$0xC260];
	v58, _, _ =	vpop (xrf2)  }
0x18a: {  	v10 =	vunpack.i.u.bf16.f32 v10;
	v35 =	vld.idx.msk [tilespmem:v55+s8+$0x0], $0xffff;
	v47 =	vsub.f32 v25, v9;
	v9 =	vpack.i.f32.bf16 v9, v9;
	(xrf2) =	vadd.scan.msk.f32 $0xffff, v49;
	v60, _, _ =	vpop (xrf2)  }
0x18b: {  	v59 =	vunpack.i.u.bf16.f32 v16;
	v19 =	vld.idx.msk [tilespmem:v55+s30+$0x0], $0xffff;
	v15 =	vmul.bf16 v38, v9;
	v9 =	vmul.bf16 v22, v9;
	(xrf2) =	vadd.scan.msk.f32 $0xffff, v10;
	v62, _, _ =	vpop (xrf2)  }
0x18c: {  	v50 =	vld.idx.msk [tilespmem:v24+s8+$0x0], $0xffff;
	v52 =	vadd.s32 v0, v43;
	v33 =	vbroadcast v58, $0xF;
	v11 =	vbroadcast v60, $0xF;
	v34, _, _ =	vpop (xrf2)  }
0x18d: {  	v16 =	vunpack.i.l.bf16.f32 v16;
	v58 =	vld.idx.msk [tilespmem:v24+s30+$0x0], $0xffff;
	v3 =	vbroadcast v62, $0xF;
	v18 =	vmul.f32 v51, v4;
	v37, _, _ =	vpop (xrf2)  }
0x18e: {  	v55 =	vld [tilespmem:s14+$0x8260];
	v62 =	vsub.f32 v12, v57;
	v12 =	vmul.f32 v63, v4;
	v39 =	vbroadcast v37, $0xF;
	v41, _, _ =	vpop (xrf2)  }
0x18f: {  	v48 =	vld.idx.msk [tilespmem:v40+s8+$0x0], $0xffff;
	v30 =	vadd.s32 v2, v43;
	v36 =	vbroadcast v34, $0xF;
	v42, _, _ =	vpop (xrf2);
	v1 =	vbroadcast v41, $0xF  }
0x190: {  	v56 =	vld.idx.msk [tilespmem:v40+s30+$0x0], $0xffff;
	v44, _, _ =	vpop (xrf2);
	v17 =	vbroadcast v42, $0xF;
	v13 =	vsel vm0, v33, v39;
	v33 =	vmul.f32 v18, v54  }
0x191: {  	v60 =	vld.idx.msk [tilespmem:v52+s8+$0x0], $0xffff;
	v39 =	vpack.i.f32.bf16 v57, v57;
	v23 =	vbroadcast v44, $0xF;
	v1 =	vsel vm0, v11, v1  }
0x192: {  	(xrf2) =	vadd.scan.msk.f32 $0xffff, v16;
	v37 =	vld [tilespmem:s14+$0xA260];
	v11 =	vpack.i.f32.bf16 v47, v47;
	v41 =	vmul.bf16 v50, v39;
	v16 =	vmul.bf16 v58, v39  }
0x193: {  	v38 =	vadd.s32 v2, v55;
	v42 =	vld.idx.msk [tilespmem:v52+s30+$0x0], $0xffff;
	v53 =	vmul.bf16 v35, v11;
	v11 =	vmul.bf16 v19, v11  }
0x194: {  	v52 =	vld [tilespmem:s14+$0x8270];
	v46, _, _ =	vpop (xrf2);
	v35 =	vadd.s32 v0, v55;
	v18 =	vsub.f32 v18, v33;
	v14 =	vsel vm0, v36, v23  }
0x195: {  	(xrf2) =	vadd.scan.msk.f32 $0xffff, v59;
	v59, _, _ =	vpop (xrf2);
	v23 =	vbroadcast v46, $0xF;
	v9 =	vadd.bf16 v9, v11;
	v11 =	vpack.i.f32.bf16 v62, v62  }
0x196: {  	v34 =	vld.idx.msk [tilespmem:v30+s8+$0x0], $0xffff;
	v63 =	vbroadcast v59, $0xF;
	v18 =	vpack.i.f32.bf16 v18, v18;
	v40 =	vmul.bf16 v48, v11  }
0x197: {  	v43 =	vld.idx.msk [tilespmem:v30+s30+$0x0], $0xffff;
	v3 =	vsel vm0, v3, v17;
	v11 =	vmul.bf16 v56, v11;
	v44 =	vmul.bf16 v60, v18  }
0x198: {  	v49 =	vld.idx.msk [tilespmem:v38+s8+$0x0], $0xffff;
	v15 =	vadd.bf16 v15, v53;
	v48 =	vmul.f32 v12, v37;
	v54 =	vmul.bf16 v42, v18  }
0x199: {  	v58 =	vld.idx.msk [tilespmem:v38+s30+$0x0], $0xffff;
	v13 =	vsel vm1, v13, v23;
	v27 =	vadd.s32 v0, v52;
	v29 =	vadd.s32 v2, v52  }
0x19a: {  	v1 =	vsel vm1, v1, v63;
	v61 =	vunpack.i.u.bf16.f32 v15;
	v32 =	vunpack.i.l.bf16.f32 v15  }
0x19b: {  	v36 =	vunpack.i.l.bf16.f32 v9;
	v9 =	vunpack.i.u.bf16.f32 v9;
	v15 =	vpack.i.f32.bf16 v33, v33;
	(xrf2) =	vadd.scan.msk.f32 $0xffff, v32;
	v45 =	vld.idx.msk [tilespmem:v35+s8+$0x0], $0xffff  }
0x19c: {  	v10 =	vadd.bf16 v41, v40;
	v47 =	vmul.bf16 v34, v15;
	v55 =	vld.idx.msk [tilespmem:v35+s30+$0x0], $0xffff;
	v57 =	vpack.i.f32.bf16 v48, v48  }
0x19d: {  	v52 =	vld [tilespmem:s14+$0x8290];
	v11 =	vadd.bf16 v16, v11;
	v15 =	vmul.bf16 v43, v15;
	v24, _, _ =	vpop (xrf2);
	(xrf2) =	vadd.scan.msk.f32 $0xffff, v61;
	v62 =	vmul.bf16 v49, v57  }
0x19e: {  	v12 =	vsub.f32 v12, v48;
	v22 =	vbroadcast v24, $0xF;
	v32 =	vmul.bf16 v58, v57;
	(xrf2) =	vadd.scan.msk.f32 $0xffff, v36  }
0x19f: {  	v33 =	vld [tilespmem:s14+$0x8280];
	v50 =	vunpack.i.u.bf16.f32 v10;
	v10 =	vunpack.i.l.bf16.f32 v10;
	v51 =	vunpack.i.u.bf16.f32 v11;
	(xrf2) =	vadd.scan.msk.f32 $0xffff, v9  }
0x1a0: {  	v16 =	vadd.bf16 v47, v44;
	v53 =	vunpack.i.l.bf16.f32 v11;
	v12 =	vpack.i.f32.bf16 v12, v12;
	(xrf2) =	vadd.scan.msk.f32 $0xffff, v10  }
0x1a1: {  	v25, _, _ =	vpop (xrf2);
	v60 =	vadd.bf16 v15, v54;
	(xrf2) =	vadd.scan.msk.f32 $0xffff, v50;
	v61 =	vmul.bf16 v45, v12;
	v12 =	vmul.bf16 v55, v12;
	v55 =	vld [tilespmem:s14+$0xC280]  }
0x1a2: {  	v35 =	vld [tilespmem:s14+$0xC270];
	v3 =	vsel vm1, v3, v22;
	v9 =	vbroadcast v25, $0xF;
	v25 =	vadd.s32 v2, v52;
	(xrf2) =	vadd.scan.msk.f32 $0xffff, v53  }
0x1a3: {  	v58 =	vld [tilespmem:s14+$0xA280];
	v56 =	vunpack.i.l.bf16.f32 v16;
	v16 =	vunpack.i.u.bf16.f32 v16;
	v26 =	vunpack.i.l.bf16.f32 v60;
	(xrf2) =	vadd.scan.msk.f32 $0xffff, v51  }
0x1a4: {  	v38 =	vld [tilespmem:s14+$0xA270];
	v10 =	vunpack.i.u.bf16.f32 v60;
	v47 =	vadd.s32 v0, v33;
	v11 =	vadd.bf16 v62, v61;
	(xrf2) =	vadd.scan.msk.f32 $0xffff, v56  }
0x1a5: {  	v18 =	vadd.s32 v2, v33;
	v9 =	vsel vm1, v14, v9;
	v12 =	vadd.bf16 v32, v12;
	(xrf2) =	vadd.scan.msk.f32 $0xffff, v16  }
0x1a6: {  	v31 =	vunpack.i.l.bf16.f32 v11;
	v11 =	vunpack.i.u.bf16.f32 v11;
	v28, _, _ =	vpop (xrf2);
	(xrf2) =	vadd.scan.msk.f32 $0xffff, v26;
	v26 =	vmul.f32 v55, v4  }
0x1a7: {  	v44 =	vld.idx.msk [tilespmem:v29+s8+$0x0], $0xffff;
	v43 =	vunpack.i.l.bf16.f32 v12;
	v30, _, _ =	vpop (xrf2);
	(xrf2) =	vadd.scan.msk.f32 $0xffff, v10;
	v36 =	vbroadcast v28, $0xF;
	v10 =	vmul.f32 v35, v4  }
0x1a8: {  	v16 =	vld.idx.msk [tilespmem:v29+s30+$0x0], $0xffff;
	v12 =	vunpack.i.u.bf16.f32 v12;
	v34, _, _ =	vpop (xrf2);
	v19 =	vbroadcast v30, $0xF;
	v22 =	vmul.f32 v26, v58  }
0x1a9: {  	v41 =	vld.idx.msk [tilespmem:v27+s8+$0x0], $0xffff;
	v35 =	vadd.s32 v0, v52;
	v37, _, _ =	vpop (xrf2);
	v39 =	vbroadcast v34, $0xF;
	v17 =	vmul.f32 v10, v38  }
0x1aa: {  	v61 =	vld.idx.msk [tilespmem:v47+s8+$0x0], $0xffff;
	v13 =	vsel vm2, v13, v36;
	v40, _, _ =	vpop (xrf2);
	v1 =	vsel vm2, v1, v19;
	v45 =	vbroadcast v37, $0xF  }
0x1ab: {  	v15 =	vld.idx.msk [tilespmem:v47+s30+$0x0], $0xffff;
	(xrf2) =	vadd.scan.msk.f32 $0xffff, v31;
	v42, _, _ =	vpop (xrf2);
	v3 =	vsel vm2, v3, v39;
	v20 =	vbroadcast v40, $0xF;
	v10 =	vsub.f32 v10, v17  }
0x1ac: {  	v37 =	vld [tilespmem:s14+$0x82A0];
	(xrf2) =	vadd.scan.msk.f32 $0xffff, v11;
	v17 =	vpack.i.f32.bf16 v17, v17;
	v9 =	vsel vm2, v9, v45;
	v49 =	vbroadcast v42, $0xF  }
0x1ad: {  	v11 =	vld.idx.msk [tilespmem:v27+s30+$0x0], $0xffff;
	v46, _, _ =	vpop (xrf2);
	v21 =	vmul.bf16 v44, v17;
	v44 =	vsub.f32 v26, v22;
	v16 =	vmul.bf16 v16, v17  }
0x1ae: {  	v34 =	vld.idx.msk [tilespmem:v18+s8+$0x0], $0xffff;
	v48, _, _ =	vpop (xrf2);
	v50 =	vbroadcast v46, $0xF;
	v13 =	vsel vm3, v13, v20;
	v10 =	vpack.i.f32.bf16 v10, v10  }
0x1af: {  	v18 =	vld.idx.msk [tilespmem:v18+s30+$0x0], $0xffff;
	v51, _, _ =	vpop (xrf2);
	v53 =	vbroadcast v48, $0xF;
	v1 =	vsel vm3, v1, v49;
	v23 =	vmul.bf16 v41, v10  }
0x1b0: {  	(xrf2) =	vadd.scan.msk.f32 $0xffff, v43;
	v43 =	vld [tilespmem:s14+$0xC290];
	v48 =	vpack.i.f32.bf16 v44, v44;
	v3 =	vsel vm3, v3, v50;
	v56 =	vbroadcast v51, $0xF  }
0x1b1: {  	v54, _, _ =	vpop (xrf2);
	v50 =	vadd.s32 v0, v37;
	v51 =	vpack.i.f32.bf16 v22, v22;
	v52 =	vmul.bf16 v61, v48  }
0x1b2: {  	v47 =	vld.idx.msk [tilespmem:v25+s8+$0x0], $0xffff;
	v55 =	vadd.s32 v2, v37;
	v59 =	vbroadcast v54, $0xF;
	v10 =	vmul.bf16 v11, v10  }
0x1b3: {  	v40 =	vld [tilespmem:s14+$0xA290];
	v57, _, _ =	vpop (xrf2);
	v9 =	vsel vm3, v9, v53;
	v54 =	vmul.bf16 v34, v51;
	v11 =	vmul.bf16 v15, v48  }
0x1b4: {  	v49 =	vld [tilespmem:s14+$0xC2A0];
	v42 =	vadd.bf16 v21, v23;
	v58 =	vmul.bf16 v18, v51;
	v60, _, _ =	vpop (xrf2);
	v62 =	vbroadcast v57, $0xF  }
0x1b5: {  	v45 =	vld.idx.msk [tilespmem:v35+s8+$0x0], $0xffff;
	(xrf2) =	vadd.scan.msk.f32 $0xffff, v12;
	v13 =	vsel vm4, v13, v56;
	v21 =	vmul.f32 v43, v4;
	v63 =	vbroadcast v60, $0xF  }
0x1b6: {  	v53 =	vld [tilespmem:s14+$0xA2A0];
	v1 =	vsel vm4, v1, v59;
	v46 =	vunpack.i.l.bf16.f32 v42;
	v10 =	vadd.bf16 v16, v10  }
0x1b7: {  	v56 =	vld [tilespmem:s14+$0x82B0];
	v33, _, _ =	vpop (xrf2);
	v20 =	vunpack.i.u.bf16.f32 v42;
	v12 =	vadd.bf16 v54, v52;
	v11 =	vadd.bf16 v58, v11  }
0x1b8: {  	v57 =	vld.idx.msk [tilespmem:v35+s30+$0x0], $0xffff;
	v24 =	vbroadcast v33, $0xF;
	v3 =	vsel vm4, v3, v62;
	v59 =	vmul.f32 v21, v40  }
0x1b9: {  	v60 =	vld.idx.msk [tilespmem:v25+s30+$0x0], $0xffff;
	v14 =	vmul.f32 v49, v4;
	v9 =	vsel vm4, v9, v63;
	v61 =	vunpack.i.u.bf16.f32 v10  }
0x1ba: {  	v33 =	vld [tilespmem:s14+$0xC2B0];
	v10 =	vunpack.i.l.bf16.f32 v10;
	v63 =	vunpack.i.u.bf16.f32 v12;
	v12 =	vunpack.i.l.bf16.f32 v12  }
0x1bb: {  	v62 =	vld.idx.msk [tilespmem:v50+s8+$0x0], $0xffff;
	v37 =	vunpack.i.l.bf16.f32 v11;
	v11 =	vunpack.i.u.bf16.f32 v11;
	v36, _, _ =	vpop (xrf2);
	v32 =	vsub.f32 v21, v59  }
0x1bc: {  	(xrf2) =	vadd.scan.msk.f32 $0xffff, v46;
	v35 =	vld.idx.msk [tilespmem:v55+s8+$0x0], $0xffff;
	v34 =	vmul.f32 v14, v53;
	v40 =	vpack.i.f32.bf16 v59, v59;
	v38 =	vbroadcast v36, $0xF;
	v39, _, _ =	vpop (xrf2)  }
0x1bd: {  	(xrf2) =	vadd.scan.msk.f32 $0xffff, v20;
	v43 =	vld.idx.msk [tilespmem:v50+s30+$0x0], $0xffff;
	v13 =	vsel vm5, v13, v24;
	v42 =	vmul.bf16 v47, v40;
	v41 =	vbroadcast v39, $0xF  }
0x1be: {  	v44 =	vld.idx.msk [tilespmem:v55+s30+$0x0], $0xffff;
	v16 =	vpack.i.f32.bf16 v32, v32;
	v39 =	vadd.s32 v2, v56;
	v14 =	vsub.f32 v14, v34  }
0x1bf: {  	v27 =	vld [tilespmem:s14+$0x82C0];
	(xrf2) =	vadd.scan.msk.f32 $0xffff, v10;
	v10 =	vmul.bf16 v60, v40;
	v48, _, _ =	vpop (xrf2);
	v1 =	vsel vm5, v1, v38;
	v15 =	vmul.bf16 v57, v16  }
0x1c0: {  	v21 =	vmul.f32 v33, v4;
	v23 =	vbroadcast v48, $0xF;
	v3 =	vsel vm5, v3, v41  }
0x1c1: {  	(xrf2) =	vadd.scan.msk.f32 $0xffff, v61;
	v38 =	vld [tilespmem:s14+$0xA2B0];
	v41 =	vmul.bf16 v45, v16;
	v14 =	vpack.i.f32.bf16 v14, v14;
	v45 =	vpack.i.f32.bf16 v34, v34  }
0x1c2: {  	v36 =	vadd.s32 v0, v56;
	(xrf2) =	vadd.scan.msk.f32 $0xffff, v12;
	v46 =	vmul.bf16 v62, v14;
	v49 =	vmul.bf16 v35, v45  }
0x1c3: {  	(xrf2) =	vadd.scan.msk.f32 $0xffff, v63;
	v10 =	vadd.bf16 v10, v15;
	v56 =	vmul.bf16 v43, v14;
	v57 =	vmul.bf16 v44, v45  }
0x1c4: {  	(xrf2) =	vadd.scan.msk.f32 $0xffff, v37;
	v9 =	vsel vm5, v9, v23;
	v45 =	vld [tilespmem:s14+$0x82D0];
	v12 =	vadd.bf16 v42, v41;
	v41 =	vadd.s32 v2, v27  }
0x1c5: {  	(xrf2) =	vadd.scan.msk.f32 $0xffff, v11;
	v51 =	vld.idx.msk [tilespmem:v39+s8+$0x0], $0xffff;
	v53 =	vunpack.i.u.bf16.f32 v10;
	v15 =	vadd.bf16 v49, v46;
	v10 =	vunpack.i.l.bf16.f32 v10  }
0x1c6: {  	v58 =	vld.idx.msk [tilespmem:v39+s30+$0x0], $0xffff;
	v11 =	vadd.bf16 v57, v56;
	v39 =	vadd.s32 v0, v27;
	v50 =	vmul.f32 v21, v38  }
0x1c7: {  	v47 =	vld.idx.msk [tilespmem:v36+s8+$0x0], $0xffff;
	v52 =	vunpack.i.u.bf16.f32 v12;
	v12 =	vunpack.i.l.bf16.f32 v12;
	v59, _, _ =	vpop (xrf2);
	v60 =	vunpack.i.l.bf16.f32 v15  }
0x1c8: {  	v55 =	vld.idx.msk [tilespmem:v36+s30+$0x0], $0xffff;
	(xrf2) =	vadd.scan.msk.f32 $0xffff, v12;
	v17 =	vbroadcast v59, $0xF;
	v15 =	vunpack.i.u.bf16.f32 v15;
	v31 =	vunpack.i.l.bf16.f32 v11  }
0x1c9: {  	v63, _, _ =	vpop (xrf2);
	v11 =	vunpack.i.u.bf16.f32 v11;
	v54 =	vsub.f32 v21, v50;
	(xrf2) =	vadd.scan.msk.f32 $0xffff, v52;
	v62 =	vpack.i.f32.bf16 v50, v50  }
0x1ca: {  	v28, _, _ =	vpop (xrf2);
	v29 =	vbroadcast v63, $0xF;
	v59 =	vadd.s32 v0, v45;
	v21 =	vadd.s32 v2, v45;
	v63 =	vld [tilespmem:s14+$0x82E0]  }
0x1cb: {  	(xrf2) =	vadd.scan.msk.f32 $0xffff, v10;
	v30, _, _ =	vpop (xrf2);
	v13 =	vsel vm6, v13, v17;
	v34 =	vbroadcast v28, $0xF;
	v56 =	vld.idx.msk [tilespmem:v41+s8+$0x0], $0xffff;
	v26 =	vmul.bf16 v51, v62  }
0x1cc: {  	v17 =	vld.idx.msk [tilespmem:v41+s30+$0x0], $0xffff;
	v61 =	vpack.i.f32.bf16 v54, v54;
	(xrf2) =	vadd.scan.msk.f32 $0xffff, v53;
	v32, _, _ =	vpop (xrf2);
	v16 =	vmul.bf16 v58, v62;
	v42 =	vbroadcast v30, $0xF  }
0x1cd: {  	v1 =	vsel vm6, v1, v29;
	v25 =	vmul.bf16 v47, v61;
	(xrf2) =	vadd.scan.msk.f32 $0xffff, v60;
	v33 =	vmul.bf16 v55, v61;
	v35, _, _ =	vpop (xrf2)  }
0x1ce: {  	v3 =	vsel vm6, v3, v34;
	v14 =	vbroadcast v32, $0xF;
	v47 =	vld [tilespmem:s14+$0xC2C0];
	v37, _, _ =	vpop (xrf2);
	v18 =	vbroadcast v35, $0xF  }
0x1cf: {  	(xrf2) =	vadd.scan.msk.f32 $0xffff, v15;
	v9 =	vsel vm6, v9, v42;
	v12 =	vadd.bf16 v26, v25;
	v10 =	vbroadcast v37, $0xF;
	v37 =	vld [tilespmem:s14+$0xC2D0]  }
0x1d0: {  	v50 =	vld [tilespmem:s14+$0xA2C0];
	(xrf2) =	vadd.scan.msk.f32 $0xffff, v31;
	v38 =	vadd.bf16 v16, v33;
	v40, _, _ =	vpop (xrf2);
	v13 =	vsel vm7, v13, v14;
	v45 =	vadd.s32 v0, v63  }
0x1d1: {  	v34 =	vld [tilespmem:s14+$0xA2D0];
	v24 =	vadd.s32 v2, v63;
	(xrf2) =	vadd.scan.msk.f32 $0xffff, v11;
	v16 =	vbroadcast v40, $0xF;
	v36 =	vunpack.i.l.bf16.f32 v12  }
0x1d2: {  	v53 =	vld.idx.msk [tilespmem:v39+s8+$0x0], $0xffff;
	v1 =	vsel vm7, v1, v18;
	v12 =	vunpack.i.u.bf16.f32 v12;
	v44 =	vunpack.i.l.bf16.f32 v38;
	(xrf2) =	vadd.scan.msk.f32 $0xffff, v36;
	v43, _, _ =	vpop (xrf2)  }
0x1d3: {  	v15 =	vld.idx.msk [tilespmem:v39+s30+$0x0], $0xffff;
	v11 =	vunpack.i.u.bf16.f32 v38;
	(xrf2) =	vadd.scan.msk.f32 $0xffff, v12;
	v12 =	vmul.f32 v47, v4;
	v46, _, _ =	vpop (xrf2);
	v48 =	vbroadcast v43, $0xF  }
0x1d4: {  	v3 =	vsel vm7, v3, v10;
	v47 =	vld [tilespmem:s14+$0x82F0];
	(xrf2) =	vadd.scan.msk.f32 $0xffff, v44;
	v23 =	vmul.f32 v37, v4;
	v51 =	vbroadcast v46, $0xF  }
0x1d5: {  	v9 =	vsel vm7, v9, v16;
	v49, _, _ =	vpop (xrf2);
	(xrf2) =	vadd.scan.msk.f32 $0xffff, v11;
	v11 =	vmul.f32 v12, v50;
	v54 =	vsel vm8, v13, v48  }
0x1d6: {  	v44 =	vld [tilespmem:s14+$0xC2E0];
	v52, _, _ =	vpop (xrf2);
	v57 =	vbroadcast v49, $0xF;
	v50 =	vmul.f32 v23, v34;
	v1 =	vsel vm8, v1, v51  }
0x1d7: {  	v39 =	vld.idx.msk [tilespmem:v59+s8+$0x0], $0xffff;
	v55, _, _ =	vpop (xrf2);
	v18 =	vbroadcast v52, $0xF;
	v12 =	vsub.f32 v12, v11;
	v11 =	vpack.i.f32.bf16 v11, v11  }
0x1d8: {  	v42 =	vld.idx.msk [tilespmem:v21+s8+$0x0], $0xffff;
	v3 =	vsel vm8, v3, v57;
	v13 =	vbroadcast v55, $0xF;
	v16 =	vmul.bf16 v56, v11  }
0x1d9: {  	v46 =	vld [tilespmem:s14+$0xA2E0];
	v58, _, _ =	vpop (xrf2);
	v11 =	vmul.bf16 v17, v11;
	v55 =	vsub.f32 v23, v50;
	v63 =	vadd.s32 v2, v47  }
0x1da: {  	s17 =	sor.u32 $0x30, s17;
	v48 =	vld.idx.msk [tilespmem:v59+s30+$0x0], $0xffff;
	v60, _, _ =	vpop (xrf2);
	v61 =	vbroadcast v58, $0xF;
	v9 =	vsel vm8, v9, v18;
	v12 =	vpack.i.f32.bf16 v12, v12  }
0x1db: {  	s22 =	sshll.u32 s17, $0x4;
	v51 =	vld.idx.msk [tilespmem:v21+s30+$0x0], $0xffff;
	v52 =	vmul.f32 v44, v4;
	v32 =	vbroadcast v60, $0xF;
	v10 =	vsel vm9, v54, v13  }
0x1dc: {  	v30 =	vld [tilespmem:s22+$0x8000];
	v62, _, _ =	vpop (xrf2);
	v22 =	vmul.bf16 v53, v12;
	v12 =	vmul.bf16 v15, v12;
	v60 =	vadd.s32 v0, v47  }
0x1dd: {  	v56 =	vld [tilespmem:s14+$0xC2F0];
	v15 =	vpack.i.f32.bf16 v50, v50;
	v35 =	vbroadcast v62, $0xF;
	v1 =	vsel vm9, v1, v61  }
0x1de: {  	v28 =	vld.idx.msk [tilespmem:v45+s30+$0x0], $0xffff;
	v58 =	vmul.f32 v52, v46;
	v61 =	vpack.i.f32.bf16 v55, v55;
	v19 =	vmul.bf16 v42, v15  }
0x1df: {  	v59 =	vld.idx.msk [tilespmem:v24+s8+$0x0], $0xffff;
	v3 =	vsel vm9, v3, v32;
	v49 =	vadd.bf16 v16, v22;
	v18 =	vmul.bf16 v39, v61  }
0x1e0: {  	v53 =	vld.idx.msk [tilespmem:v45+s8+$0x0], $0xffff;
	v33, _, _ =	vpop (xrf2);
	v11 =	vadd.bf16 v11, v12;
	v13 =	vmul.bf16 v48, v61;
	v29 =	vmul.bf16 v51, v15  }
0x1e1: {  	v62 =	vld [tilespmem:s14+$0xA2F0];
	v15 =	vadd.s32 v2, v30;
	v36 =	vbroadcast v33, $0xF;
	v9 =	vsel vm9, v9, v35  }
0x1e2: {  	v32 =	vld.idx.msk [tilespmem:v24+s30+$0x0], $0xffff;
	v38, _, _ =	vpop (xrf2);
	v12 =	vsub.f32 v52, v58;
	v33 =	vmul.f32 v56, v4;
	v34 =	vpack.i.f32.bf16 v58, v58  }
0x1e3: {  	v51 =	vld [tilespmem:s14+$0x8310];
	v40 =	vbroadcast v38, $0xF;
	v54 =	vunpack.i.u.bf16.f32 v49;
	v57 =	vunpack.i.l.bf16.f32 v11  }
0x1e4: {  	v37 =	vld.idx.msk [tilespmem:v63+s8+$0x0], $0xffff;
	v41, _, _ =	vpop (xrf2);
	v11 =	vunpack.i.u.bf16.f32 v11;
	v31 =	vadd.bf16 v19, v18;
	v13 =	vadd.bf16 v29, v13  }
0x1e5: {  	v23 =	vmul.bf16 v59, v34;
	v10 =	vsel vm10, v10, v36;
	v43, _, _ =	vpop (xrf2);
	v14 =	vbroadcast v41, $0xF;
	v35 =	vld.idx.msk [tilespmem:v60+s8+$0x0], $0xffff  }
0x1e6: {  	v12 =	vpack.i.f32.bf16 v12, v12;
	v47 =	vld.idx.msk [tilespmem:v60+s30+$0x0], $0xffff;
	v26 =	vbroadcast v43, $0xF;
	v1 =	vsel vm10, v1, v40  }
0x1e7: {  	v17 =	vmul.bf16 v53, v12;
	v36 =	vunpack.i.u.bf16.f32 v31;
	v21 =	vmul.f32 v33, v62;
	v40 =	vld [tilespmem:s22+$0xC000]  }
0x1e8: {  	v43 =	vadd.s32 v0, v30;
	v53 =	vld.idx.msk [tilespmem:v63+s30+$0x0], $0xffff;
	v3 =	vsel vm10, v3, v14;
	v14 =	vunpack.i.l.bf16.f32 v49  }
0x1e9: {  	v38 =	vunpack.i.l.bf16.f32 v31;
	v39 =	vunpack.i.u.bf16.f32 v13;
	v58 =	vld.idx.msk [tilespmem:v15+s8+$0x0], $0xffff;
	(xrf2) =	vadd.scan.msk.f32 $0xffff, v14;
	v42 =	vsub.f32 v33, v21  }
0x1ea: {  	v13 =	vunpack.i.l.bf16.f32 v13;
	v12 =	vmul.bf16 v28, v12;
	v61 =	vadd.s32 v0, v51;
	v15 =	vld.idx.msk [tilespmem:v15+s30+$0x0], $0xffff;
	(xrf2) =	vadd.scan.msk.f32 $0xffff, v54  }
0x1eb: {  	v44 =	vld [tilespmem:s22+$0xA000];
	v63 =	vadd.s32 v2, v51;
	v41 =	vadd.bf16 v23, v17;
	(xrf2) =	vadd.scan.msk.f32 $0xffff, v57;
	v17 =	vpack.i.f32.bf16 v42, v42  }
0x1ec: {  	v14 =	vmul.bf16 v32, v34;
	v46 =	vpack.i.f32.bf16 v21, v21;
	(xrf2) =	vadd.scan.msk.f32 $0xffff, v11;
	v49 =	vmul.bf16 v35, v17;
	v35 =	vld [tilespmem:s14+$0x8320]  }
0x1ed: {  	v9 =	vsel vm10, v9, v26;
	v50 =	vmul.bf16 v37, v46;
	v45 =	vunpack.i.l.bf16.f32 v41;
	v55 =	vld.idx.msk [tilespmem:v43+s8+$0x0], $0xffff;
	(xrf2) =	vadd.scan.msk.f32 $0xffff, v38  }
0x1ee: {  	v12 =	vadd.bf16 v14, v12;
	v11 =	vunpack.i.u.bf16.f32 v41;
	v25 =	vmul.f32 v40, v4;
	v41 =	vld [tilespmem:s14+$0xC310];
	(xrf2) =	vadd.scan.msk.f32 $0xffff, v36  }
0x1ef: {  	v19 =	vld.idx.msk [tilespmem:v43+s30+$0x0], $0xffff;
	v17 =	vmul.bf16 v47, v17;
	v14 =	vadd.bf16 v50, v49;
	(xrf2) =	vadd.scan.msk.f32 $0xffff, v13  }
0x1f0: {  	v54 =	vunpack.i.l.bf16.f32 v12;
	v38 =	vld [tilespmem:s14+$0xA310];
	v57 =	vmul.f32 v25, v44;
	v13 =	vmul.bf16 v53, v46;
	(xrf2) =	vadd.scan.msk.f32 $0xffff, v39  }
0x1f1: {  	v12 =	vunpack.i.u.bf16.f32 v12;
	v18 =	vld.idx.msk [tilespmem:v63+s30+$0x0], $0xffff;
	v59 =	vunpack.i.l.bf16.f32 v14;
	(xrf2) =	vadd.scan.msk.f32 $0xffff, v45;
	v49 =	vadd.s32 v0, v35  }
0x1f2: {  	v46 =	vld.idx.msk [tilespmem:v63+s8+$0x0], $0xffff;
	v14 =	vunpack.i.u.bf16.f32 v14;
	v13 =	vadd.bf16 v13, v17;
	(xrf2) =	vadd.scan.msk.f32 $0xffff, v11;
	v11 =	vpack.i.f32.bf16 v57, v57  }
0x1f3: {  	v51 =	vld [tilespmem:s14+$0xC320];
	v60 =	vsub.f32 v25, v57;
	v26 =	vmul.f32 v41, v4;
	v48, _, _ =	vpop (xrf2);
	(xrf2) =	vadd.scan.msk.f32 $0xffff, v54;
	v37 =	vmul.bf16 v58, v11  }
0x1f4: {  	v43 =	vunpack.i.l.bf16.f32 v13;
	v13 =	vunpack.i.u.bf16.f32 v13;
	v54 =	vld [tilespmem:s14+$0x8330];
	v52, _, _ =	vpop (xrf2);
	v22 =	vbroadcast v48, $0xF;
	(xrf2) =	vadd.scan.msk.f32 $0xffff, v12  }
0x1f5: {  	v57 =	vld [tilespmem:s14+$0xA320];
	v11 =	vmul.bf16 v15, v11;
	v12 =	vpack.i.f32.bf16 v60, v60;
	v24 =	vbroadcast v52, $0xF;
	v56, _, _ =	vpop (xrf2);
	(xrf2) =	vadd.scan.msk.f32 $0xffff, v59  }
0x1f6: {  	v16 =	vmul.bf16 v55, v12;
	v59 =	vmul.f32 v26, v38;
	v10 =	vsel vm11, v10, v22;
	v62, _, _ =	vpop (xrf2);
	v60 =	vld.idx.msk [tilespmem:v49+s8+$0x0], $0xffff  }
0x1f7: {  	v22 =	vbroadcast v56, $0xF;
	v63 =	vld.idx.msk [tilespmem:v49+s30+$0x0], $0xffff;
	v1 =	vsel vm11, v1, v24;
	v33 =	vbroadcast v62, $0xF  }
0x1f8: {  	v49 =	vld [tilespmem:s14+$0xC340];
	v34, _, _ =	vpop (xrf2);
	(xrf2) =	vadd.scan.msk.f32 $0xffff, v14;
	v16 =	vadd.bf16 v37, v16;
	v14 =	vadd.s32 v2, v35;
	v62 =	vsub.f32 v26, v59  }
0x1f9: {  	v37 =	vld [tilespmem:s14+$0x8340];
	v36, _, _ =	vpop (xrf2);
	v3 =	vsel vm11, v3, v22;
	v21 =	vbroadcast v34, $0xF;
	v35 =	vadd.s32 v2, v54  }
0x1fa: {  	v34 =	vld [tilespmem:s14+$0xC330];
	v39 =	vbroadcast v36, $0xF;
	v40, _, _ =	vpop (xrf2);
	v9 =	vsel vm11, v9, v33;
	v48 =	vunpack.i.l.bf16.f32 v16  }
0x1fb: {  	v33 =	vadd.s32 v0, v54;
	v16 =	vunpack.i.u.bf16.f32 v16;
	v42, _, _ =	vpop (xrf2);
	(xrf2) =	vadd.scan.msk.f32 $0xffff, v43;
	v25 =	vbroadcast v40, $0xF  }
0x1fc: {  	v10 =	vsel vm12, v10, v21;
	v45, _, _ =	vpop (xrf2);
	(xrf2) =	vadd.scan.msk.f32 $0xffff, v13;
	v20 =	vbroadcast v42, $0xF;
	v13 =	vmul.f32 v51, v4  }
0x1fd: {  	v44 =	vld.idx.msk [tilespmem:v61+s8+$0x0], $0xffff;
	v1 =	vsel vm12, v1, v39;
	v27 =	vmul.f32 v49, v4;
	v47, _, _ =	vpop (xrf2);
	v21 =	vbroadcast v45, $0xF  }
0x1fe: {  	v40 =	vld [tilespmem:s14+$0xA330];
	v3 =	vsel vm12, v3, v25;
	v51 =	vadd.s32 v2, v37;
	v52 =	vbroadcast v47, $0xF  }
0x1ff: {  	v24 =	vld.idx.msk [tilespmem:v61+s30+$0x0], $0xffff;
	v50, _, _ =	vpop (xrf2);
	v9 =	vsel vm12, v9, v20;
	v25 =	vmul.f32 v13, v57;
	v43 =	vmul.f32 v34, v4  }
0x200: {  	v61 =	vld.idx.msk [tilespmem:v14+s8+$0x0], $0xffff;
	v47 =	vadd.s32 v0, v37;
	v53, _, _ =	vpop (xrf2);
	v29 =	vbroadcast v50, $0xF;
	v10 =	vsel vm13, v10, v21  }
0x201: {  	v14 =	vld.idx.msk [tilespmem:v14+s30+$0x0], $0xffff;
	v21 =	vpack.i.f32.bf16 v59, v59;
	v55 =	vbroadcast v53, $0xF;
	v1 =	vsel vm13, v1, v52  }
0x202: {  	v22 =	vmul.bf16 v46, v21;
	v13 =	vsub.f32 v13, v25;
	v18 =	vmul.bf16 v18, v21  }
0x203: {  	v54 =	vld [tilespmem:s14+$0xA340];
	(xrf2) =	vadd.scan.msk.f32 $0xffff, v48;
	v56, _, _ =	vpop (xrf2);
	v45 =	vpack.i.f32.bf16 v25, v25;
	v48 =	vmul.f32 v43, v40;
	v3 =	vsel vm13, v3, v29  }
0x204: {  	v10 =	vsel vm14, v10, v56;
	v20 =	vsel vm13, v9, v55;
	v58, _, _ =	vpop (xrf2);
	v13 =	vpack.i.f32.bf16 v13, v13  }
0x205: {  	v42 =	vld.idx.msk [tilespmem:v33+s8+$0x0], $0xffff;
	v15 =	vmul.bf16 v61, v45;
	v9 =	vsel vm14, v1, v58;
	v1 =	vmul.bf16 v19, v12  }
0x206: {  	v52 =	vld [tilespmem:s14+$0x8350];
	v21 =	vsub.f32 v43, v48;
	v14 =	vmul.bf16 v14, v45;
	v12 =	vpack.i.f32.bf16 v62, v62  }
0x207: {  	v53 =	vld.idx.msk [tilespmem:v35+s30+$0x0], $0xffff;
	v23 =	vmul.bf16 v60, v13;
	v13 =	vmul.bf16 v63, v13;
	v1 =	vadd.bf16 v11, v1  }
0x208: {  	v46 =	vld.idx.msk [tilespmem:v33+s30+$0x0], $0xffff;
	v56 =	vpack.i.f32.bf16 v48, v48;
	v19 =	vmul.f32 v27, v54;
	v17 =	vmul.bf16 v44, v12  }
0x209: {  	(xrf2) =	vadd.scan.msk.f32 $0xffff, v16;
	v55 =	vld.idx.msk [tilespmem:v47+s8+$0x0], $0xffff;
	v41 =	vmul.bf16 v24, v12;
	v21 =	vpack.i.f32.bf16 v21, v21;
	v39 =	vunpack.i.l.bf16.f32 v1  }
0x20a: {  	v44 =	vld.idx.msk [tilespmem:v35+s8+$0x0], $0xffff;
	v15 =	vadd.bf16 v15, v23;
	v13 =	vadd.bf16 v14, v13;
	v1 =	vunpack.i.u.bf16.f32 v1;
	(xrf2) =	vadd.scan.msk.f32 $0xffff, v39  }
0x20b: {  	v36, _, _ =	vpop (xrf2);
	v57 =	vmul.bf16 v42, v21;
	v61 =	vadd.s32 v0, v52;
	(xrf2) =	vadd.scan.msk.f32 $0xffff, v1;
	v1 =	vadd.bf16 v22, v17  }
0x20c: {  	v60 =	vld.idx.msk [tilespmem:v51+s8+$0x0], $0xffff;
	v29 =	vadd.s32 v2, v52;
	v14 =	vmul.bf16 v53, v56;
	v38, _, _ =	vpop (xrf2);
	v11 =	vsel vm14, v3, v36  }
0x20d: {  	v34 =	vld.idx.msk [tilespmem:v47+s30+$0x0], $0xffff;
	v16 =	vadd.bf16 v18, v41;
	v12 =	vsel vm14, v20, v38;
	v50 =	vunpack.i.l.bf16.f32 v1  }
0x20e: {  	v36 =	vld.idx.msk [tilespmem:v51+s30+$0x0], $0xffff;
	v3, _, _ =	vpop (xrf2);
	v33 =	vunpack.i.l.bf16.f32 v13;
	v38 =	vsub.f32 v27, v19;
	v1 =	vunpack.i.u.bf16.f32 v1;
	(xrf2) =	vadd.scan.msk.f32 $0xffff, v50  }
0x20f: {  	v58 =	vld [tilespmem:s14+$0xC350];
	v19 =	vpack.i.f32.bf16 v19, v19;
	v3 =	vbroadcast v3, $0xF;
	(xrf2) =	vadd.scan.msk.f32 $0xffff, v1;
	v1 =	vunpack.i.l.bf16.f32 v16  }
0x210: {  	v39 =	vmul.bf16 v46, v21;
	v22 =	vmul.bf16 v44, v56;
	v50 =	vld [tilespmem:s14+$0x8360];
	v16 =	vunpack.i.u.bf16.f32 v16;
	(xrf2) =	vadd.scan.msk.f32 $0xffff, v1  }
0x211: {  	v43 =	vmul.bf16 v60, v19;
	v18 =	vpack.i.f32.bf16 v38, v38;
	v1 =	vunpack.i.l.bf16.f32 v15;
	(xrf2) =	vadd.scan.msk.f32 $0xffff, v16  }
0x212: {  	v42 =	vmul.bf16 v55, v18;
	v15 =	vunpack.i.u.bf16.f32 v15;
	v16 =	vadd.bf16 v22, v57;
	(xrf2) =	vadd.scan.msk.f32 $0xffff, v1;
	v1 =	vld [tilespmem:s14+$0xA350]  }
0x213: {  	v13 =	vunpack.i.u.bf16.f32 v13;
	v59, _, _ =	vpop (xrf2);
	v18 =	vmul.bf16 v34, v18;
	(xrf2) =	vadd.scan.msk.f32 $0xffff, v15;
	v15 =	vmul.bf16 v36, v19  }
0x214: {  	v20 =	vbroadcast v59, $0xF;
	v17 =	vmul.f32 v58, v4;
	v40 =	vld.idx.msk [tilespmem:v61+s8+$0x0], $0xffff;
	v37 =	vunpack.i.l.bf16.f32 v16;
	v62, _, _ =	vpop (xrf2)  }
0x215: {  	v41 =	vld.idx.msk [tilespmem:v29+s8+$0x0], $0xffff;
	v16 =	vunpack.i.u.bf16.f32 v16;
	v60 =	vadd.s32 v0, v50;
	v63, _, _ =	vpop (xrf2);
	(xrf2) =	vadd.scan.msk.f32 $0xffff, v33;
	v48 =	vadd.bf16 v15, v18  }
0x216: {  	v45 =	vld.idx.msk [tilespmem:v29+s30+$0x0], $0xffff;
	v31 =	vbroadcast v63, $0xF;
	(xrf2) =	vadd.scan.msk.f32 $0xffff, v13;
	v13 =	vadd.bf16 v14, v39;
	v63 =	vadd.s32 v2, v50  }
0x217: {  	v44 =	vld.idx.msk [tilespmem:v61+s30+$0x0], $0xffff;
	v35 =	vbroadcast v62, $0xF;
	v14 =	vadd.bf16 v43, v42;
	(xrf2) =	vadd.scan.msk.f32 $0xffff, v37;
	v1 =	vmul.f32 v17, v1  }
0x218: {  	v33 =	vld [tilespmem:s14+$0x8370];
	v54 =	vunpack.i.l.bf16.f32 v48;
	(xrf2) =	vadd.scan.msk.f32 $0xffff, v16;
	v46 =	vunpack.i.u.bf16.f32 v13;
	v13 =	vunpack.i.l.bf16.f32 v13  }
0x219: {  	v50 =	vld [tilespmem:s14+$0x8380];
	v47, _, _ =	vpop (xrf2);
	v52 =	vunpack.i.l.bf16.f32 v14;
	v17 =	vsub.f32 v17, v1;
	(xrf2) =	vadd.scan.msk.f32 $0xffff, v13;
	v1 =	vpack.i.f32.bf16 v1, v1  }
0x21a: {  	v37 =	vld [tilespmem:s14+$0xA360];
	v14 =	vunpack.i.u.bf16.f32 v14;
	v51, _, _ =	vpop (xrf2);
	v22 =	vbroadcast v47, $0xF;
	(xrf2) =	vadd.scan.msk.f32 $0xffff, v46;
	v23 =	vmul.bf16 v41, v1  }
0x21b: {  	v53, _, _ =	vpop (xrf2);
	v1 =	vmul.bf16 v45, v1;
	v18 =	vbroadcast v51, $0xF;
	v49 =	vpack.i.f32.bf16 v17, v17;
	(xrf2) =	vadd.scan.msk.f32 $0xffff, v52;
	v43 =	vld.idx.msk [tilespmem:v63+s8+$0x0], $0xffff  }
0x21c: {  	v13 =	vunpack.i.u.bf16.f32 v48;
	v61 =	vbroadcast v53, $0xF;
	v21 =	vmul.bf16 v40, v49;
	(xrf2) =	vadd.scan.msk.f32 $0xffff, v14;
	v40 =	vld.idx.msk [tilespmem:v60+s8+$0x0], $0xffff  }
0x21d: {  	v46 =	vadd.s32 v0, v33;
	v55, _, _ =	vpop (xrf2);
	v3 =	vsel vm0, v3, v22;
	v15 =	vmul.bf16 v44, v49;
	(xrf2) =	vadd.scan.msk.f32 $0xffff, v54;
	v54 =	vld [tilespmem:s14+$0xC370]  }
0x21e: {  	v57, _, _ =	vpop (xrf2);
	v29 =	vbroadcast v55, $0xF;
	v56 =	vadd.bf16 v23, v21;
	v21 =	vsel vm0, v35, v61;
	v35 =	vld [tilespmem:s14+$0xC360]  }
0x21f: {  	v28 =	vsel vm0, v20, v18;
	v58, _, _ =	vpop (xrf2);
	v19 =	vbroadcast v57, $0xF;
	v1 =	vadd.bf16 v1, v15;
	v15 =	vld.idx.msk [tilespmem:v60+s30+$0x0], $0xffff  }
0x220: {  	(xrf2) =	vadd.scan.msk.f32 $0xffff, v13;
	v16 =	vbroadcast v58, $0xF;
	v18 =	vsel vm0, v31, v29;
	v13 =	vld.idx.msk [tilespmem:v63+s30+$0x0], $0xffff;
	v23 =	vadd.s32 v2, v33  }
0x221: {  	v60 =	vadd.s32 v0, v50;
	v29 =	vadd.s32 v2, v50;
	v63 =	vld [tilespmem:s14+$0x8390];
	v62, _, _ =	vpop (xrf2);
	v3 =	vsel vm1, v3, v19  }
0x222: {  	v58 =	vld [tilespmem:s14+$0xC380];
	v59 =	vunpack.i.l.bf16.f32 v56;
	v14 =	vunpack.i.u.bf16.f32 v56;
	v30, _, _ =	vpop (xrf2);
	v22 =	vbroadcast v62, $0xF  }
0x223: {  	v52 =	vld [tilespmem:s14+$0xA370];
	v32 =	vunpack.i.l.bf16.f32 v1;
	v16 =	vsel vm1, v28, v16;
	v34, _, _ =	vpop (xrf2);
	v20 =	vbroadcast v30, $0xF  }
0x224: {  	v1 =	vunpack.i.u.bf16.f32 v1;
	(xrf2) =	vadd.scan.msk.f32 $0xffff, v59;
	v36, _, _ =	vpop (xrf2);
	v38 =	vbroadcast v34, $0xF;
	v21 =	vsel vm1, v21, v22  }
0x225: {  	v56 =	vld.idx.msk [tilespmem:v46+s8+$0x0], $0xffff;
	(xrf2) =	vadd.scan.msk.f32 $0xffff, v14;
	v39, _, _ =	vpop (xrf2);
	v18 =	vsel vm1, v18, v20;
	v41 =	vbroadcast v36, $0xF;
	v14 =	vmul.f32 v35, v4  }
0x226: {  	v62 =	vld.idx.msk [tilespmem:v46+s30+$0x0], $0xffff;
	v20 =	vmul.f32 v54, v4;
	v46 =	vadd.s32 v0, v63;
	v42, _, _ =	vpop (xrf2);
	v44 =	vbroadcast v39, $0xF  }
0x227: {  	v54 =	vld [tilespmem:s14+$0x83A0];
	v3 =	vsel vm2, v3, v38;
	v38 =	vmul.f32 v58, v4;
	v45, _, _ =	vpop (xrf2);
	v47 =	vbroadcast v42, $0xF  }
0x228: {  	(xrf2) =	vadd.scan.msk.f32 $0xffff, v32;
	v16 =	vsel vm2, v16, v41;
	v26 =	vmul.f32 v14, v37;
	v36 =	vmul.f32 v20, v52;
	v48, _, _ =	vpop (xrf2)  }
0x229: {  	v61 =	vld [tilespmem:s14+$0xA380];
	v19 =	vbroadcast v45, $0xF;
	v17 =	vsel vm2, v21, v44;
	v22 =	vbroadcast v48, $0xF  }
0x22a: {  	v49, _, _ =	vpop (xrf2);
	v18 =	vsel vm2, v18, v47;
	v14 =	vsub.f32 v14, v26;
	v26 =	vpack.i.f32.bf16 v26, v26  }
0x22b: {  	v44 =	vld [tilespmem:s14+$0xC390];
	v20 =	vsub.f32 v20, v36;
	v28 =	vbroadcast v49, $0xF;
	v3 =	vsel vm3, v3, v19  }
0x22c: {  	v41 =	vld.idx.msk [tilespmem:v29+s8+$0x0], $0xffff;
	v51, _, _ =	vpop (xrf2);
	v13 =	vmul.bf16 v13, v26;
	v34 =	vadd.s32 v2, v54;
	v14 =	vpack.i.f32.bf16 v14, v14  }
0x22d: {  	v52 =	vld.idx.msk [tilespmem:v29+s30+$0x0], $0xffff;
	v16 =	vsel vm3, v16, v22;
	v21 =	vbroadcast v51, $0xF;
	v24 =	vmul.bf16 v40, v14  }
0x22e: {  	v33 =	vld [tilespmem:s14+$0xA3A0];
	v17 =	vsel vm3, v17, v28;
	v14 =	vmul.bf16 v15, v14;
	v40 =	vmul.f32 v38, v61  }
0x22f: {  	v48 =	vld [tilespmem:s14+$0xA390];
	v15 =	vadd.s32 v2, v63;
	v53, _, _ =	vpop (xrf2);
	(xrf2) =	vadd.scan.msk.f32 $0xffff, v1;
	v1 =	vmul.bf16 v43, v26;
	v18 =	vsel vm3, v18, v21  }
0x230: {  	v59 =	vld.idx.msk [tilespmem:v23+s8+$0x0], $0xffff;
	v30 =	vmul.f32 v44, v4;
	v55, _, _ =	vpop (xrf2);
	v19 =	vbroadcast v53, $0xF;
	v13 =	vadd.bf16 v13, v14  }
0x231: {  	v37 =	vld.idx.msk [tilespmem:v23+s30+$0x0], $0xffff;
	v45 =	vsub.f32 v38, v40;
	v51 =	vpack.i.f32.bf16 v40, v40;
	v22 =	vbroadcast v55, $0xF  }
0x232: {  	v50 =	vld.idx.msk [tilespmem:v60+s30+$0x0], $0xffff;
	v57, _, _ =	vpop (xrf2);
	v1 =	vadd.bf16 v1, v24;
	v24 =	vmul.bf16 v41, v51;
	v21 =	vmul.bf16 v52, v51  }
0x233: {  	v39 =	vld.idx.msk [tilespmem:v60+s8+$0x0], $0xffff;
	v31 =	vbroadcast v57, $0xF;
	v3 =	vsel vm4, v3, v19;
	v43 =	vunpack.i.l.bf16.f32 v13  }
0x234: {  	v61 =	vld [tilespmem:s14+$0xC3A0];
	v19 =	vpack.i.f32.bf16 v36, v36;
	v57 =	vmul.f32 v30, v48;
	v16 =	vsel vm4, v16, v22  }
0x235: {  	v40 =	vld [tilespmem:s14+$0x83B0];
	v42 =	vunpack.i.u.bf16.f32 v1;
	v1 =	vunpack.i.l.bf16.f32 v1;
	v49 =	vmul.bf16 v59, v19  }
0x236: {  	v13 =	vunpack.i.u.bf16.f32 v13;
	v19 =	vmul.bf16 v37, v19;
	v58 =	vld.idx.msk [tilespmem:v15+s8+$0x0], $0xffff;
	(xrf2) =	vadd.scan.msk.f32 $0xffff, v1;
	v1 =	vpack.i.f32.bf16 v20, v20  }
0x237: {  	v15 =	vld.idx.msk [tilespmem:v15+s30+$0x0], $0xffff;
	v17 =	vsel vm4, v17, v31;
	v20 =	vpack.i.f32.bf16 v45, v45;
	v47 =	vmul.bf16 v56, v1  }
0x238: {  	v23 =	vld.idx.msk [tilespmem:v46+s30+$0x0], $0xffff;
	v28 =	vsub.f32 v30, v57;
	v1 =	vmul.bf16 v62, v1;
	v14 =	vmul.bf16 v39, v20  }
0x239: {  	(xrf2) =	vadd.scan.msk.f32 $0xffff, v42;
	v20 =	vmul.bf16 v50, v20;
	v62 =	vadd.s32 v0, v54;
	v42 =	vmul.f32 v61, v4  }
0x23a: {  	v55 =	vld.idx.msk [tilespmem:v46+s8+$0x0], $0xffff;
	v51 =	vadd.s32 v0, v40;
	v26 =	vadd.bf16 v49, v47;
	v1 =	vadd.bf16 v19, v1  }
0x23b: {  	v61 =	vld [tilespmem:s14+$0xC3B0];
	(xrf2) =	vadd.scan.msk.f32 $0xffff, v43;
	v14 =	vadd.bf16 v24, v14;
	v24 =	vpack.i.f32.bf16 v57, v57;
	v46 =	vmul.f32 v42, v33  }
0x23c: {  	(xrf2) =	vadd.scan.msk.f32 $0xffff, v13;
	v36 =	vadd.bf16 v21, v20;
	v37 =	vmul.bf16 v58, v24;
	v43 =	vmul.bf16 v15, v24  }
0x23d: {  	v57 =	vld [tilespmem:s14+$0x83C0];
	v56 =	vunpack.i.l.bf16.f32 v26;
	v26 =	vunpack.i.u.bf16.f32 v26;
	v59 =	vunpack.i.u.bf16.f32 v1  }
0x23e: {  	v47 =	vld.idx.msk [tilespmem:v34+s8+$0x0], $0xffff;
	v53, _, _ =	vpop (xrf2);
	v1 =	vunpack.i.l.bf16.f32 v1;
	v60 =	vunpack.i.l.bf16.f32 v14;
	v14 =	vunpack.i.u.bf16.f32 v14;
	(xrf2) =	vadd.scan.msk.f32 $0xffff, v56  }
0x23f: {  	v41 =	vunpack.i.l.bf16.f32 v36;
	v50 =	vsub.f32 v42, v46;
	v29 =	vbroadcast v53, $0xF;
	(xrf2) =	vadd.scan.msk.f32 $0xffff, v26  }
0x240: {  	v13 =	vunpack.i.u.bf16.f32 v36;
	v21 =	vpack.i.f32.bf16 v46, v46;
	v44 =	vld.idx.msk [tilespmem:v62+s8+$0x0], $0xffff;
	v31 =	vmul.f32 v61, v4;
	(xrf2) =	vadd.scan.msk.f32 $0xffff, v1  }
0x241: {  	v26 =	vadd.s32 v2, v40;
	v18 =	vsel vm4, v18, v29;
	v1 =	vpack.i.f32.bf16 v28, v28;
	(xrf2) =	vadd.scan.msk.f32 $0xffff, v59  }
0x242: {  	v42 =	vadd.s32 v0, v57;
	v19 =	vmul.bf16 v55, v1;
	v1 =	vmul.bf16 v23, v1;
	v55 =	vld.idx.msk [tilespmem:v34+s30+$0x0], $0xffff;
	v63, _, _ =	vpop (xrf2)  }
0x243: {  	v25 =	vadd.s32 v2, v57;
	v23 =	vmul.bf16 v47, v21;
	v47 =	vld [tilespmem:s14+$0x83D0];
	(xrf2) =	vadd.scan.msk.f32 $0xffff, v60;
	v38 =	vbroadcast v63, $0xF  }
0x244: {  	v35, _, _ =	vpop (xrf2);
	(xrf2) =	vadd.scan.msk.f32 $0xffff, v14;
	v19 =	vadd.bf16 v37, v19;
	v1 =	vadd.bf16 v43, v1;
	v14 =	vpack.i.f32.bf16 v50, v50  }
0x245: {  	v59 =	vld [tilespmem:s14+$0xA3B0];
	v39 =	vbroadcast v35, $0xF;
	(xrf2) =	vadd.scan.msk.f32 $0xffff, v41;
	v48, _, _ =	vpop (xrf2);
	v15 =	vmul.bf16 v44, v14;
	v3 =	vsel vm5, v3, v38  }
0x246: {  	v20 =	vld.idx.msk [tilespmem:v51+s30+$0x0], $0xffff;
	(xrf2) =	vadd.scan.msk.f32 $0xffff, v13;
	v45 =	vunpack.i.l.bf16.f32 v19;
	v19 =	vunpack.i.u.bf16.f32 v19;
	v49, _, _ =	vpop (xrf2);
	v52 =	vbroadcast v48, $0xF  }
0x247: {  	v50 =	vld [tilespmem:s14+$0xC3C0];
	v54 =	vunpack.i.l.bf16.f32 v1;
	v16 =	vsel vm5, v16, v39;
	(xrf2) =	vadd.scan.msk.f32 $0xffff, v45;
	v13 =	vbroadcast v49, $0xF  }
0x248: {  	v1 =	vunpack.i.u.bf16.f32 v1;
	v21 =	vmul.bf16 v55, v21;
	v32 =	vadd.s32 v2, v47;
	(xrf2) =	vadd.scan.msk.f32 $0xffff, v19;
	v19 =	vld.idx.msk [tilespmem:v62+s30+$0x0], $0xffff;
	v53, _, _ =	vpop (xrf2)  }
0x249: {  	v61 =	vld [tilespmem:s14+$0xA3D0];
	v17 =	vsel vm5, v17, v52;
	v13 =	vsel vm5, v18, v13;
	v56, _, _ =	vpop (xrf2);
	v24 =	vbroadcast v53, $0xF  }
0x24a: {  	v38 =	vld.idx.msk [tilespmem:v26+s8+$0x0], $0xffff;
	(xrf2) =	vadd.scan.msk.f32 $0xffff, v54;
	v53 =	vmul.f32 v31, v59;
	v58, _, _ =	vpop (xrf2);
	v28 =	vbroadcast v56, $0xF;
	v56 =	vadd.s32 v0, v47  }
0x24b: {  	v26 =	vld.idx.msk [tilespmem:v26+s30+$0x0], $0xffff;
	v60, _, _ =	vpop (xrf2);
	(xrf2) =	vadd.scan.msk.f32 $0xffff, v1;
	v1 =	vadd.bf16 v23, v15;
	v3 =	vsel vm6, v3, v24;
	v36 =	vbroadcast v58, $0xF  }
0x24c: {  	v23 =	vld.idx.msk [tilespmem:v51+s8+$0x0], $0xffff;
	v31 =	vsub.f32 v31, v53;
	v58 =	vmul.f32 v50, v4;
	v63 =	vsel vm6, v16, v28  }
0x24d: {  	v51 =	vld [tilespmem:s14+$0xA3C0];
	v62, _, _ =	vpop (xrf2);
	v39 =	vbroadcast v60, $0xF;
	v19 =	vmul.bf16 v19, v14;
	v41 =	vunpack.i.l.bf16.f32 v1  }
0x24e: {  	v59 =	vld [tilespmem:s14+$0xC3D0];
	v37, _, _ =	vpop (xrf2);
	v16 =	vsel vm6, v17, v36;
	v43 =	vbroadcast v62, $0xF;
	v62 =	vpack.i.f32.bf16 v31, v31  }
0x24f: {  	v55 =	vld.idx.msk [tilespmem:v42+s30+$0x0], $0xffff;
	v1 =	vunpack.i.u.bf16.f32 v1;
	v40, _, _ =	vpop (xrf2);
	v13 =	vsel vm6, v13, v39;
	v22 =	vbroadcast v37, $0xF  }
0x250: {  	v52 =	vld.idx.msk [tilespmem:v42+s8+$0x0], $0xffff;
	v60 =	vadd.bf16 v21, v19;
	v20 =	vmul.bf16 v20, v62;
	v44, _, _ =	vpop (xrf2);
	v45 =	vbroadcast v40, $0xF  }
0x251: {  	v54 =	vld.idx.msk [tilespmem:v25+s8+$0x0], $0xffff;
	v3 =	vsel vm7, v3, v43;
	v48 =	vbroadcast v44, $0xF;
	v22 =	vsel vm7, v63, v22  }
0x252: {  	v25 =	vld.idx.msk [tilespmem:v25+s30+$0x0], $0xffff;
	v46, _, _ =	vpop (xrf2);
	v63 =	vmul.f32 v58, v51;
	v23 =	vmul.bf16 v23, v62;
	v42 =	vunpack.i.u.bf16.f32 v60  }
0x253: {  	v40 =	vld [tilespmem:s14+$0x83E0];
	v44 =	vmul.f32 v59, v4;
	v49, _, _ =	vpop (xrf2);
	v30 =	vbroadcast v46, $0xF;
	v16 =	vsel vm7, v16, v45  }
0x254: {  	(xrf2) =	vadd.scan.msk.f32 $0xffff, v41;
	v18 =	vbroadcast v49, $0xF;
	v17 =	vsel vm7, v13, v48;
	v33 =	vsub.f32 v58, v63  }
0x255: {  	v47 =	vld [tilespmem:s14+$0xC3E0];
	(xrf2) =	vadd.scan.msk.f32 $0xffff, v1;
	v1 =	vpack.i.f32.bf16 v63, v63;
	v19 =	vmul.f32 v44, v61;
	v15 =	vsel vm8, v3, v30;
	v3, _, _ =	vpop (xrf2)  }
0x256: {  	v43 =	vld.idx.msk [tilespmem:v56+s8+$0x0], $0xffff;
	v13 =	vsel vm8, v22, v18;
	v3 =	vbroadcast v3, $0xF;
	v18 =	vpack.i.f32.bf16 v53, v53  }
0x257: {  	v51 =	vld.idx.msk [tilespmem:v56+s30+$0x0], $0xffff;
	v46 =	vpack.i.f32.bf16 v33, v33;
	v22 =	vmul.bf16 v54, v1;
	v1 =	vmul.bf16 v25, v1  }
0x258: {  	v49 =	vld [tilespmem:s14+$0x83F0];
	v48 =	vadd.s32 v0, v40;
	v24 =	vmul.bf16 v38, v18;
	v18 =	vmul.bf16 v26, v18  }
0x259: {  	v45 =	vld.idx.msk [tilespmem:v32+s8+$0x0], $0xffff;
	v31 =	vadd.s32 v2, v40;
	v57, _, _ =	vpop (xrf2);
	v50 =	vmul.bf16 v52, v46;
	v21 =	vmul.bf16 v55, v46  }
0x25a: {  	v32 =	vld.idx.msk [tilespmem:v32+s30+$0x0], $0xffff;
	v14 =	vsel vm8, v16, v3;
	v3 =	vbroadcast v57, $0xF;
	v16 =	vunpack.i.l.bf16.f32 v60  }
0x25b: {  	v53 =	vld [tilespmem:s14+$0xA3E0];
	v57 =	vmul.f32 v47, v4;
	v23 =	vadd.bf16 v24, v23;
	v18 =	vadd.bf16 v18, v20  }
0x25c: {  	v56 =	vld [tilespmem:s14+$0xC3F0];
	v24 =	vsub.f32 v44, v19;
	v20 =	vadd.bf16 v22, v50;
	v19 =	vpack.i.f32.bf16 v19, v19  }
0x25d: {  	v61 =	vld [tilespmem:s14+$0xA3F0];
	(xrf2) =	vadd.scan.msk.f32 $0xffff, v16;
	v59 =	vadd.s32 v0, v49;
	v33 =	vadd.s32 v2, v49;
	v1 =	vadd.bf16 v1, v21  }
0x25e: {  	(xrf2) =	vadd.scan.msk.f32 $0xffff, v42;
	v34 =	vmul.bf16 v45, v19;
	v52 =	vunpack.i.u.bf16.f32 v23;
	v23 =	vunpack.i.l.bf16.f32 v23;
	v58 =	vld.idx.msk [tilespmem:v48+s8+$0x0], $0xffff  }
0x25f: {  	v19 =	vmul.bf16 v32, v19;
	v54 =	vunpack.i.l.bf16.f32 v18;
	v55 =	vpack.i.f32.bf16 v24, v24;
	v63 =	vld.idx.msk [tilespmem:v31+s8+$0x0], $0xffff;
	(xrf2) =	vadd.scan.msk.f32 $0xffff, v23  }
0x260: {  	v41, _, _ =	vpop (xrf2);
	v18 =	vunpack.i.u.bf16.f32 v18;
	v62 =	vmul.f32 v57, v53;
	v37 =	vunpack.i.u.bf16.f32 v20;
	v38 =	vld.idx.msk [tilespmem:v48+s30+$0x0], $0xffff;
	(xrf2) =	vadd.scan.msk.f32 $0xffff, v52  }
0x261: {  	v20 =	vunpack.i.l.bf16.f32 v20;
	v40 =	vld.idx.msk [tilespmem:v31+s30+$0x0], $0xffff;
	v24 =	vmul.f32 v56, v4;
	v35 =	vbroadcast v41, $0xF;
	(xrf2) =	vadd.scan.msk.f32 $0xffff, v54  }
0x262: {  	v60 =	vmul.bf16 v43, v55;
	v41 =	vmul.bf16 v51, v55;
	v25 =	vsub.f32 v57, v62;
	(xrf2) =	vadd.scan.msk.f32 $0xffff, v18  }
0x263: {  	v39 =	vunpack.i.u.bf16.f32 v1;
	v21 =	vpack.i.f32.bf16 v62, v62;
	v43 =	vmul.f32 v24, v61;
	v42 =	vld.idx.msk [tilespmem:v59+s8+$0x0], $0xffff;
	(xrf2) =	vadd.scan.msk.f32 $0xffff, v20  }
0x264: {  	v1 =	vunpack.i.l.bf16.f32 v1;
	v16 =	vadd.bf16 v34, v60;
	v44 =	vld.idx.msk [tilespmem:v33+s8+$0x0], $0xffff;
	v25 =	vpack.i.f32.bf16 v25, v25;
	(xrf2) =	vadd.scan.msk.f32 $0xffff, v37  }
0x265: {  	v24 =	vsub.f32 v24, v43;
	v45 =	vmul.bf16 v58, v25;
	v46 =	vmul.bf16 v63, v21;
	(xrf2) =	vadd.scan.msk.f32 $0xffff, v1  }
0x266: {  	v47, _, _ =	vpop (xrf2);
	v48 =	vunpack.i.u.bf16.f32 v16;
	v16 =	vunpack.i.l.bf16.f32 v16;
	v1 =	vadd.bf16 v19, v41;
	(xrf2) =	vadd.scan.msk.f32 $0xffff, v39  }
0x267: {  	v49 =	vld.idx.msk [tilespmem:v59+s30+$0x0], $0xffff;
	v53 =	vmul.bf16 v38, v25;
	v56 =	vmul.bf16 v40, v21;
	v50, _, _ =	vpop (xrf2);
	(xrf2) =	vadd.scan.msk.f32 $0xffff, v16  }
0x268: {  	v54 =	vld.idx.msk [tilespmem:v33+s30+$0x0], $0xffff;
	v57 =	vpack.i.f32.bf16 v24, v24;
	v51 =	vadd.bf16 v46, v45;
	v52 =	vunpack.i.l.bf16.f32 v1;
	v55, _, _ =	vpop (xrf2);
	(xrf2) =	vadd.scan.msk.f32 $0xffff, v48  }
0x269: {  	v58 =	vpack.i.f32.bf16 v43, v43;
	v60 =	vmul.bf16 v42, v57;
	v1 =	vunpack.i.u.bf16.f32 v1;
	v59, _, _ =	vpop (xrf2);
	(xrf2) =	vadd.scan.msk.f32 $0xffff, v52  }
0x26a: {  	v61 =	vmul.bf16 v44, v58;
	v63 =	vunpack.i.l.bf16.f32 v51;
	v62, _, _ =	vpop (xrf2);
	(xrf2) =	vadd.scan.msk.f32 $0xffff, v1;
	v1 =	vadd.bf16 v56, v53  }
0x26b: {  	v16 =	vunpack.i.u.bf16.f32 v51;
	v30, _, _ =	vpop (xrf2);
	(xrf2) =	vadd.scan.msk.f32 $0xffff, v63  }
0x26c: {  	v22 =	vbroadcast v47, $0xF;
	v18 =	vadd.bf16 v61, v60;
	v31, _, _ =	vpop (xrf2);
	(xrf2) =	vadd.scan.msk.f32 $0xffff, v16;
	v33 =	vunpack.i.l.bf16.f32 v1  }
0x26d: {  	v32 =	vmul.bf16 v49, v57;
	v34 =	vmul.bf16 v54, v58;
	v1 =	vunpack.i.u.bf16.f32 v1;
	v36, _, _ =	vpop (xrf2);
	(xrf2) =	vadd.scan.msk.f32 $0xffff, v33  }
0x26e: {  	v15 =	vsel vm9, v15, v35;
	v35 =	vbroadcast v50, $0xF;
	v38 =	vunpack.i.l.bf16.f32 v18;
	v37, _, _ =	vpop (xrf2);
	(xrf2) =	vadd.scan.msk.f32 $0xffff, v1  }
0x26f: {  	s22 =	sadd.s32 s15, s18;
	v3 =	vsel vm8, v17, v3;
	v13 =	vsel vm9, v13, v22;
	v16 =	vadd.bf16 v34, v32;
	v39, _, _ =	vpop (xrf2);
	(xrf2) =	vadd.scan.msk.f32 $0xffff, v38  }
0x270: {  	[tilespmem:s22+$0x0] =	vst.add.f32.msk $0xffff, v5;
	v14 =	vsel vm9, v14, v35;
	v18 =	vunpack.i.u.bf16.f32 v18;
	v17 =	vbroadcast v62, $0xF;
	v40, _, _ =	vpop (xrf2)  }
0x271: {  	v43 =	vbroadcast v30, $0xF;
	v44 =	vbroadcast v31, $0xF;
	v41 =	vunpack.i.l.bf16.f32 v16;
	(xrf2) =	vadd.scan.msk.f32 $0xffff, v18;
	v42, _, _ =	vpop (xrf2)  }
0x272: {  	v5 =	vsel vm10, v13, v17;
	v1 =	vbroadcast v55, $0xF;
	v16 =	vunpack.i.u.bf16.f32 v16;
	(xrf2) =	vadd.scan.msk.f32 $0xffff, v41;
	v46, _, _ =	vpop (xrf2)  }
0x273: {  	s22 =	sadd.s32 s15, s10;
	v45 =	vbroadcast v36, $0xF;
	v48 =	vsel vm10, v14, v43;
	v49 =	vbroadcast v37, $0xF;
	(xrf2) =	vadd.scan.msk.f32 $0xffff, v16;
	v47, _, _ =	vpop (xrf2)  }
0x274: {  	[tilespmem:s22+$0x0] =	vst.add.f32.msk $0xffff, v6;
	v1 =	vsel vm9, v3, v1;
	v3 =	vbroadcast v59, $0xF;
	v6 =	vbroadcast v39, $0xF;
	v50, _, _ =	vpop (xrf2)  }
0x275: {  	s22 =	sadd.s32 s15, s11;
	v1 =	vsel vm10, v1, v44;
	v5 =	vsel vm11, v5, v49;
	v52 =	vbroadcast v40, $0xF;
	v51, _, _ =	vpop (xrf2)  }
0x276: {  	[tilespmem:s22+$0x0] =	vst.add.f32.msk $0xffff, v8;
	s22 =	sadd.s32 s15, s12;
	v3 =	vsel vm10, v15, v3;
	v53 =	vbroadcast v42, $0xF;
	v6 =	vsel vm11, v48, v6;
	v54, _, _ =	vpop (xrf2)  }
0x277: {  	s15 =	sadd.s32 s16, s18;
	[tilespmem:s22+$0x0] =	vst.add.f32.msk $0xffff, v7;
	v3 =	vsel vm11, v3, v45;
	v7 =	vbroadcast v46, $0xF;
	v57 =	vbroadcast v51, $0xF;
	v56, _, _ =	vpop (xrf2)  }
0x278: {  	s22 =	sadd.s32 s16, s10;
	[tilespmem:s15+$0x0] =	vst.add.f32.msk $0xffff, v10;
	v1 =	vsel vm11, v1, v52;
	v55 =	vbroadcast v47, $0xF;
	v3 =	vsel vm12, v3, v53;
	v58, _, _ =	vpop (xrf2)  }
0x279: {  	s15 =	sadd.s32 s16, s11;
	[tilespmem:s22+$0x0] =	vst.add.f32.msk $0xffff, v9;
	v5 =	vsel vm12, v5, v7;
	v7 =	vbroadcast v54, $0xF;
	v3 =	vsel vm13, v3, v57;
	v59, _, _ =	vpop (xrf2)  }
0x27a: {  	p0 =	slt.u32 s13, $0x1C;
	s16 =	sadd.s32 s16, s12;
	[tilespmem:s15+$0x0] =	vst.add.f32.msk $0xffff, v11;
	v60 =	vbroadcast v50, $0xF;
	v61 =	vbroadcast v56, $0xF;
	v3 =	vsel vm14, v3, v59  }
.Ltmp1:
0x27b: {  	s22 =	sadd.s32 s17, s18;
	[tilespmem:s16+$0x0] =	vst.add.f32.msk $0xffff, v12;
	v6 =	vsel vm12, v6, v55;
	v5 =	vsel vm13, v5, v7;
	v7 =	vbroadcast v58, $0xF;
	v62, _, _ =	vpop (xrf2);
	(pc) =	sbr.rel @p0 .LBB2_5-.Ltmp1, $4  }
0x27c: {  	s15 =	sadd.s32 s17, s10;
	v1 =	vsel vm12, v1, v60;
	v6 =	vsel vm13, v6, v61;
	v63, _, _ =	vpop (xrf2);
	v5 =	vsel vm14, v5, v62;
	[tilespmem:s22+$0x0] =	vst.add.f32.msk $0xffff, v3  }
0x27d: {  	s16 =	sadd.s32 s17, s11;
	v1 =	vsel vm13, v1, v7;
	v6 =	vsel vm14, v6, v63;
	[tilespmem:s15+$0x0] =	vst.add.f32.msk $0xffff, v5;
	v3, _, _ =	vpop (xrf2)  }
0x27e: {  	s17 =	sadd.s32 s17, s12;
	s22 =	sadd.s32 $0x4, s13;
	[tilespmem:s16+$0x0] =	vst.add.f32.msk $0xffff, v6;
	v1 =	vsel vm14, v1, v3  }
0x27f: {  	s13 =	smov.u32 s22;
	[tilespmem:s17+$0x0] =	vst.add.f32.msk $0xffff, v1  }
0x280: {  	p0 =	seq.s32 s23, $0xF  }
0x281: {  	s7 =	sadd.s32 @!p0 $0x2, s7  }
0x282: {  	s10 =	sshll.u32 @!p0 s7, $0x9  }
0x283: {  	s10 =	sand.u32 @!p0 $0x400, s10  }
0x284: {  	s7 =	sshll.u32 @!p0 s7, $0x2;
	s10 =	sor.u32 @!p0 s9, s10  }
0x285: {  	s7 =	sand.u32 @!p0 $0xF0, s7;
	s10 =	sshll.u32 @!p0 s10, $0x7  }
0x286: {  	s7 =	sor.u32 @!p0 s7, s10  }
0x287: {  	s11 =	simm.s32 @!p0 $0x10;
	s7 =	sshrl.u32 @!p0 s7, $0x3  }
0x288: {  	s12 =	simm.s32 @!p0 $0x80;
	s13 =	simm.s32 @!p0 $0x8000;
	s10 =	sadd.s32 @!p0 s3, s7  }
0x289: {  	[tilespmem:s13], [sflag:$0x1] =	stream.strided.gather @!p0 [hbm4b:s10+s11], $0x2000, s12, s11, $0x38;
	[tilespmem:$0x16080] =	vst v63  }
0x28a: {  	s10 =	sadd.s32 @!p0 s4, s7;
	s13 =	simm.s32 @!p0 $0xA000  }
0x28b: {  	[tilespmem:s13], [sflag:$0x1] =	stream.strided.gather @!p0 [hbm4b:s10+s11], $0x2000, s12, s11, $0x38;
	[tilespmem:$0x16080] =	vst v63  }
0x28c: {  	s7 =	sadd.s32 @!p0 s5, s7;
	s10 =	simm.s32 @!p0 $0xC000  }
0x28d: {  	[tilespmem:s10], [sflag:$0x1] =	stream.strided.gather @!p0 [hbm4b:s7+s11], $0x2000, s12, s11, $0x38;
	[tilespmem:$0x16080] =	vst v63  }
0x28e: {  	_ =	swait.ge [sflag:s31], $0x2000  }
0x28f: {  	[sflag:s31] =	ssyncset.done $0x0  }
0x290: {  	[sflag:s31] =	ssyncadd.s32 $0xFFFFE000  }
0x291: {  	_ =	swait.ge [sflag:s31], $0x2000  }
0x292: {  	[sflag:s31] =	ssyncset.done $0x0  }
0x293: {  	[sflag:s31] =	ssyncadd.s32 $0xFFFFE000  }
0x294: {  	_ =	swait.ge [sflag:s31], $0x2000  }
0x295: {  	[sflag:s31] =	ssyncset.done $0x0  }
0x296: {  	v3 =	vld [tilespmem:$0x1FFF0];
	[sflag:s31] =	ssyncadd.s32 $0xFFFFE000  }
0x297: {  	v1 =	vld [tilespmem:s6+$0x16000];
	_ =	sdelay $0x3  }
0x298: {  	s2 =	sor.u32 $0x14000, s2;
	s7 =	sadd.s32 $0x15200, s24  }
0x299: {  	s10 =	sadd.s32 $0x15A00, s24;
	s11 =	simm.s32 $0x0;
	s6 =	sadd.s32 $0x14A00, s24;
	v4 =	vmul.f32 v1, v3  }
.LBB2_7:
0x29a: {  	s12 =	sshll.u32 s11, $0x8  }
0x29b: {  	v1 =	vld [tilespmem:s12+$0xE000]  }
0x29c: {  	v5 =	vld [tilespmem:s12+$0xE010]  }
0x29d: {  	v6 =	vld [tilespmem:s12+$0x10000]  }
0x29e: {  	v7 =	vld [tilespmem:s12+$0x12000]  }
0x29f: {  	v11 =	vld [tilespmem:s12+$0x12010]  }
0x2a0: {  	v12 =	vld [tilespmem:s12+$0xE020]  }
0x2a1: {  	v13 =	vld [tilespmem:s12+$0x10010]  }
0x2a2: {  	v17 =	vld [tilespmem:s12+$0x12020]  }
0x2a3: {  	v18 =	vld [tilespmem:s12+$0xE030]  }
0x2a4: {  	v19 =	vld [tilespmem:s12+$0x10020]  }
0x2a5: {  	v20 =	vld [tilespmem:s12+$0x12030];
	v3 =	vadd.s32 v0, v1  }
0x2a6: {  	v21 =	vld [tilespmem:s12+$0xE040];
	v1 =	vadd.s32 v2, v1  }
0x2a7: {  	v52 =	vld [tilespmem:s12+$0x10030]  }
0x2a8: {  	v58 =	vld [tilespmem:s12+$0x12040]  }
0x2a9: {  	v63 =	vld [tilespmem:s12+$0xE050];
	v10 =	vadd.s32 v0, v5  }
0x2aa: {  	v5 =	vadd.s32 v2, v5;
	v8 =	vld.idx.msk [tilespmem:v3+s8+$0x0], $0xffff  }
0x2ab: {  	v9 =	vld.idx.msk [tilespmem:v1+s8+$0x0], $0xffff  }
0x2ac: {  	v3 =	vld.idx.msk [tilespmem:v3+s30+$0x0], $0xffff  }
0x2ad: {  	v7 =	vmul.f32 v7, v4;
	v16 =	vadd.s32 v0, v12;
	v1 =	vld.idx.msk [tilespmem:v1+s30+$0x0], $0xffff  }
0x2ae: {  	v11 =	vmul.f32 v11, v4;
	v12 =	vadd.s32 v2, v12;
	v50 =	vmul.f32 v17, v4;
	v14 =	vld.idx.msk [tilespmem:v10+s8+$0x0], $0xffff  }
0x2af: {  	v51 =	vadd.s32 v0, v18;
	v18 =	vadd.s32 v2, v18;
	v6 =	vmul.f32 v7, v6;
	v15 =	vld.idx.msk [tilespmem:v5+s8+$0x0], $0xffff  }
0x2b0: {  	v57 =	vmul.f32 v20, v4;
	v59 =	vadd.s32 v0, v21;
	v13 =	vmul.f32 v11, v13;
	v10 =	vld.idx.msk [tilespmem:v10+s30+$0x0], $0xffff  }
0x2b1: {  	v62 =	vadd.s32 v2, v21;
	v19 =	vmul.f32 v50, v19;
	v7 =	vsub.f32 v7, v6;
	v5 =	vld.idx.msk [tilespmem:v5+s30+$0x0], $0xffff  }
0x2b2: {  	v25 =	vmul.f32 v58, v4;
	v29 =	vadd.s32 v0, v63;
	v11 =	vsub.f32 v11, v13;
	v48 =	vld.idx.msk [tilespmem:v16+s8+$0x0], $0xffff  }
0x2b3: {  	v49 =	vpack.i.f32.bf16 v13, v13;
	v13 =	vsub.f32 v50, v19;
	v16 =	vld.idx.msk [tilespmem:v16+s30+$0x0], $0xffff;
	v7 =	vpack.i.f32.bf16 v7, v7  }
0x2b4: {  	v61 =	vmul.f32 v57, v52;
	v6 =	vpack.i.f32.bf16 v6, v6;
	v8 =	vmul.bf16 v8, v7  }
0x2b5: {  	v60 =	vld [tilespmem:s12+$0x10040];
	v55 =	vpack.i.f32.bf16 v13, v13;
	v9 =	vmul.bf16 v9, v6;
	v3 =	vmul.bf16 v3, v7  }
0x2b6: {  	v56 =	vld.idx.msk [tilespmem:v18+s8+$0x0], $0xffff;
	v1 =	vmul.bf16 v1, v6;
	v6 =	vpack.i.f32.bf16 v11, v11;
	v15 =	vmul.bf16 v15, v49  }
0x2b7: {  	v24 =	vld.idx.msk [tilespmem:v18+s30+$0x0], $0xffff;
	v5 =	vmul.bf16 v5, v49;
	v14 =	vmul.bf16 v14, v6;
	v8 =	vadd.bf16 v9, v8  }
0x2b8: {  	v23 =	vsub.f32 v57, v61;
	v7 =	vld.idx.msk [tilespmem:v12+s8+$0x0], $0xffff;
	v6 =	vmul.bf16 v10, v6;
	v10 =	vmul.bf16 v16, v55  }
0x2b9: {  	v12 =	vld.idx.msk [tilespmem:v12+s30+$0x0], $0xffff;
	v1 =	vadd.bf16 v1, v3;
	v9 =	vpack.i.f32.bf16 v61, v61;
	v22 =	vunpack.i.l.bf16.f32 v8  }
0x2ba: {  	v27 =	vld [tilespmem:s12+$0x12050];
	v3 =	vadd.bf16 v15, v14;
	v5 =	vadd.bf16 v5, v6;
	v8 =	vunpack.i.u.bf16.f32 v8;
	(xrf2) =	vadd.scan.msk.f32 $0xffff, v22  }
0x2bb: {  	v31 =	vld [tilespmem:s12+$0x10050];
	v6 =	vmul.bf16 v48, v55;
	v53 =	vunpack.i.u.bf16.f32 v1;
	v1 =	vunpack.i.l.bf16.f32 v1;
	(xrf2) =	vadd.scan.msk.f32 $0xffff, v8  }
0x2bc: {  	v44 =	vld [tilespmem:s12+$0xE060];
	v11 =	vmul.bf16 v56, v9;
	v9 =	vmul.bf16 v24, v9;
	(xrf2) =	vadd.scan.msk.f32 $0xffff, v1;
	v1 =	vpack.i.f32.bf16 v19, v19  }
0x2bd: {  	v26 =	vld.idx.msk [tilespmem:v59+s8+$0x0], $0xffff;
	v15 =	vunpack.i.l.bf16.f32 v3;
	v8 =	vmul.f32 v25, v60;
	(xrf2) =	vadd.scan.msk.f32 $0xffff, v53;
	v7 =	vmul.bf16 v7, v1  }
0x2be: {  	v28 =	vld.idx.msk [tilespmem:v62+s8+$0x0], $0xffff;
	v3 =	vunpack.i.u.bf16.f32 v3;
	v1 =	vmul.bf16 v12, v1;
	(xrf2) =	vadd.scan.msk.f32 $0xffff, v15;
	v15 =	vadd.s32 v2, v63  }
0x2bf: {  	v54 =	vld.idx.msk [tilespmem:v51+s8+$0x0], $0xffff;
	v16 =	vsub.f32 v25, v8;
	v8 =	vpack.i.f32.bf16 v8, v8;
	v6 =	vadd.bf16 v7, v6  }
0x2c0: {  	v56 =	vld [tilespmem:s12+$0xE070];
	(xrf2) =	vadd.scan.msk.f32 $0xffff, v3;
	v3 =	vunpack.i.l.bf16.f32 v5;
	v1 =	vadd.bf16 v1, v10;
	v10 =	vmul.f32 v27, v4  }
0x2c1: {  	v7 =	vld.idx.msk [tilespmem:v51+s30+$0x0], $0xffff;
	v5 =	vunpack.i.u.bf16.f32 v5;
	v33 =	vpack.i.f32.bf16 v16, v16;
	(xrf2) =	vadd.scan.msk.f32 $0xffff, v3;
	v3 =	vunpack.i.u.bf16.f32 v6  }
0x2c2: {  	(xrf2) =	vadd.scan.msk.f32 $0xffff, v5;
	v5 =	vunpack.i.l.bf16.f32 v6;
	v6 =	vpack.i.f32.bf16 v23, v23;
	v39 =	vmul.f32 v10, v31;
	v23 =	vld [tilespmem:s12+$0xE080]  }
0x2c3: {  	v53 =	vadd.s32 v0, v44;
	v38 =	vmul.bf16 v28, v8;
	v16 =	vmul.bf16 v26, v33;
	v40 =	vld.idx.msk [tilespmem:v15+s8+$0x0], $0xffff  }
0x2c4: {  	v41 =	vsub.f32 v10, v39;
	v43 =	vpack.i.f32.bf16 v39, v39;
	v30, _, _ =	vpop (xrf2);
	(xrf2) =	vadd.scan.msk.f32 $0xffff, v5;
	v5 =	vmul.bf16 v54, v6  }
0x2c5: {  	v10 =	vadd.s32 v2, v44;
	v19 =	vbroadcast v30, $0xF;
	(xrf2) =	vadd.scan.msk.f32 $0xffff, v3;
	v3 =	vunpack.i.l.bf16.f32 v1  }
0x2c6: {  	v34 =	vld.idx.msk [tilespmem:v62+s30+$0x0], $0xffff;
	v32, _, _ =	vpop (xrf2);
	v1 =	vunpack.i.u.bf16.f32 v1;
	v42 =	vpack.i.f32.bf16 v41, v41;
	(xrf2) =	vadd.scan.msk.f32 $0xffff, v3;
	v3 =	vadd.bf16 v11, v5  }
0x2c7: {  	v5 =	vmul.bf16 v7, v6;
	v6 =	vld.idx.msk [tilespmem:v59+s30+$0x0], $0xffff;
	v7, _, _ =	vpop (xrf2);
	v22 =	vbroadcast v32, $0xF;
	v32 =	vadd.s32 v0, v56  }
0x2c8: {  	v25 =	vadd.s32 v0, v23;
	v23 =	vadd.s32 v2, v23;
	v35, _, _ =	vpop (xrf2);
	v7 =	vbroadcast v7, $0xF  }
0x2c9: {  	v36 =	vld.idx.msk [tilespmem:v29+s8+$0x0], $0xffff;
	(xrf2) =	vadd.scan.msk.f32 $0xffff, v1;
	v1 =	vunpack.i.l.bf16.f32 v3;
	v37, _, _ =	vpop (xrf2);
	v5 =	vadd.bf16 v9, v5;
	v12 =	vmul.bf16 v40, v43  }
0x2ca: {  	v3 =	vunpack.i.u.bf16.f32 v3;
	v14 =	vbroadcast v35, $0xF;
	v20 =	vbroadcast v37, $0xF;
	(xrf2) =	vadd.scan.msk.f32 $0xffff, v1;
	v45, _, _ =	vpop (xrf2)  }
0x2cb: {  	(xrf2) =	vadd.scan.msk.f32 $0xffff, v3;
	v1 =	vunpack.i.l.bf16.f32 v5;
	v3 =	vadd.bf16 v38, v16;
	v11 =	vbroadcast v45, $0xF  }
0x2cc: {  	v26 =	vld [tilespmem:s12+$0x12080];
	v5 =	vunpack.i.u.bf16.f32 v5;
	v47, _, _ =	vpop (xrf2);
	(xrf2) =	vadd.scan.msk.f32 $0xffff, v1;
	v1 =	vmul.bf16 v6, v33;
	v6 =	vmul.bf16 v34, v8  }
0x2cd: {  	v48 =	vsel vm0, v19, v20;
	v50 =	vbroadcast v47, $0xF;
	v34 =	vld [tilespmem:s12+$0x12070];
	v8 =	vadd.s32 v2, v56  }
0x2ce: {  	v46 =	vld.idx.msk [tilespmem:v29+s30+$0x0], $0xffff;
	v49, _, _ =	vpop (xrf2);
	(xrf2) =	vadd.scan.msk.f32 $0xffff, v5;
	v5 =	vunpack.i.l.bf16.f32 v3;
	v1 =	vadd.bf16 v6, v1;
	v6 =	vmul.bf16 v36, v42  }
0x2cf: {  	v3 =	vunpack.i.u.bf16.f32 v3;
	v11 =	vsel vm0, v22, v11;
	(xrf2) =	vadd.scan.msk.f32 $0xffff, v5;
	v5 =	vld.idx.msk [tilespmem:v15+s30+$0x0], $0xffff;
	v7 =	vsel vm0, v7, v50;
	v51, _, _ =	vpop (xrf2)  }
0x2d0: {  	v40 =	vld [tilespmem:s12+$0x10070];
	(xrf2) =	vadd.scan.msk.f32 $0xffff, v3;
	v3 =	vunpack.i.l.bf16.f32 v1;
	v6 =	vadd.bf16 v12, v6;
	v16 =	vbroadcast v51, $0xF  }
0x2d1: {  	v45 =	vld [tilespmem:s12+$0xE090];
	v1 =	vunpack.i.u.bf16.f32 v1;
	v52, _, _ =	vpop (xrf2);
	v51 =	vmul.f32 v26, v4;
	(xrf2) =	vadd.scan.msk.f32 $0xffff, v3;
	v3 =	vbroadcast v49, $0xF  }
0x2d2: {  	v18 =	vld.idx.msk [tilespmem:v32+s30+$0x0], $0xffff;
	v54, _, _ =	vpop (xrf2);
	v57 =	vbroadcast v52, $0xF;
	v22 =	vmul.f32 v34, v4;
	(xrf2) =	vadd.scan.msk.f32 $0xffff, v1;
	v1 =	vunpack.i.l.bf16.f32 v6  }
0x2d3: {  	v56 =	vld [tilespmem:s12+$0x10090];
	v6 =	vunpack.i.u.bf16.f32 v6;
	v55, _, _ =	vpop (xrf2);
	v58 =	vbroadcast v54, $0xF;
	v15 =	vsel vm1, v48, v16  }
0x2d4: {  	v54 =	vld [tilespmem:s12+$0x12090];
	(xrf2) =	vadd.scan.msk.f32 $0xffff, v1;
	v5 =	vmul.bf16 v5, v43;
	v3 =	vsel vm0, v14, v3;
	v60 =	vbroadcast v55, $0xF  }
0x2d5: {  	v1 =	vld [tilespmem:s12+$0x12060];
	v9 =	vsel vm1, v11, v57;
	v44 =	vmul.f32 v22, v40;
	(xrf2) =	vadd.scan.msk.f32 $0xffff, v6;
	v6 =	vmul.bf16 v46, v42;
	v59, _, _ =	vpop (xrf2)  }
0x2d6: {  	v43 =	vld.idx.msk [tilespmem:v32+s8+$0x0], $0xffff;
	v55 =	vadd.s32 v0, v45;
	v7 =	vsel vm1, v7, v58;
	v61, _, _ =	vpop (xrf2);
	v13 =	vbroadcast v59, $0xF  }
0x2d7: {  	v57 =	vld [tilespmem:s12+$0xE0A0];
	v3 =	vsel vm1, v3, v60;
	v48 =	vsub.f32 v22, v44;
	v5 =	vadd.bf16 v5, v6;
	v62, _, _ =	vpop (xrf2)  }
0x2d8: {  	v24 =	vld.idx.msk [tilespmem:v8+s8+$0x0], $0xffff;
	v17 =	vbroadcast v61, $0xF;
	v11 =	vbroadcast v62, $0xF;
	v13 =	vsel vm2, v15, v13  }
0x2d9: {  	v8 =	vld.idx.msk [tilespmem:v8+s30+$0x0], $0xffff;
	v27, _, _ =	vpop (xrf2);
	v50 =	vpack.i.f32.bf16 v48, v48;
	v15 =	vadd.s32 v2, v45;
	v62 =	vmul.f32 v54, v4  }
0x2da: {  	v6 =	vld [tilespmem:s12+$0x10060];
	v28 =	vunpack.i.l.bf16.f32 v5;
	v1 =	vmul.f32 v1, v4;
	v14 =	vbroadcast v27, $0xF  }
0x2db: {  	v63 =	vld.idx.msk [tilespmem:v53+s8+$0x0], $0xffff;
	v30, _, _ =	vpop (xrf2);
	v9 =	vsel vm2, v9, v17;
	v5 =	vunpack.i.u.bf16.f32 v5;
	v21 =	vmul.bf16 v43, v50  }
0x2dc: {  	v31 =	vld.idx.msk [tilespmem:v53+s30+$0x0], $0xffff;
	v16 =	vmul.bf16 v18, v50;
	v32 =	vadd.s32 v0, v57;
	v35 =	vbroadcast v30, $0xF  }
0x2dd: {  	v50 =	vld [tilespmem:s12+$0xE0C0];
	v33, _, _ =	vpop (xrf2);
	v7 =	vsel vm2, v7, v11;
	v11 =	vpack.i.f32.bf16 v44, v44;
	v30 =	vmul.f32 v62, v56  }
0x2de: {  	v29 =	vld.idx.msk [tilespmem:v10+s8+$0x0], $0xffff;
	v37 =	vbroadcast v33, $0xF;
	v3 =	vsel vm2, v3, v14;
	v53 =	vmul.bf16 v24, v11  }
0x2df: {  	v10 =	vld.idx.msk [tilespmem:v10+s30+$0x0], $0xffff;
	v8 =	vmul.bf16 v8, v11;
	v36, _, _ =	vpop (xrf2);
	v6 =	vmul.f32 v1, v6;
	v13 =	vsel vm3, v13, v35  }
0x2e0: {  	v47 =	vld [tilespmem:s12+$0x10080];
	(xrf2) =	vadd.scan.msk.f32 $0xffff, v28;
	v35 =	vsub.f32 v62, v30;
	v38, _, _ =	vpop (xrf2);
	v9 =	vsel vm3, v9, v37;
	v41 =	vbroadcast v36, $0xF  }
0x2e1: {  	v33 =	vld [tilespmem:s12+$0x120A0];
	v8 =	vadd.bf16 v8, v16;
	v1 =	vsub.f32 v1, v6;
	v17 =	vbroadcast v38, $0xF  }
0x2e2: {  	(xrf2) =	vadd.scan.msk.f32 $0xffff, v5;
	v36 =	vld [tilespmem:s12+$0xE0B0];
	v39, _, _ =	vpop (xrf2);
	v6 =	vpack.i.f32.bf16 v6, v6;
	v38 =	vpack.i.f32.bf16 v30, v30;
	v11 =	vadd.s32 v2, v50  }
0x2e3: {  	v14 =	vbroadcast v39, $0xF;
	v19 =	vmul.bf16 v29, v6;
	v29 =	vld.idx.msk [tilespmem:v15+s8+$0x0], $0xffff;
	v1 =	vpack.i.f32.bf16 v1, v1  }
0x2e4: {  	v42, _, _ =	vpop (xrf2);
	v7 =	vsel vm3, v7, v41;
	v6 =	vmul.bf16 v10, v6;
	v12 =	vmul.bf16 v63, v1  }
0x2e5: {  	v20 =	vbroadcast v42, $0xF;
	v3 =	vsel vm3, v3, v17;
	v1 =	vmul.bf16 v31, v1  }
0x2e6: {  	v52 =	vld.idx.msk [tilespmem:v23+s8+$0x0], $0xffff;
	v16 =	vmul.f32 v33, v4;
	v13 =	vsel vm4, v13, v14;
	v12 =	vadd.bf16 v19, v12  }
0x2e7: {  	v49 =	vld.idx.msk [tilespmem:v25+s8+$0x0], $0xffff;
	v9 =	vsel vm4, v9, v20;
	v1 =	vadd.bf16 v6, v1;
	v6 =	vmul.f32 v51, v47  }
0x2e8: {  	v60 =	vld.idx.msk [tilespmem:v23+s30+$0x0], $0xffff;
	v45 =	vadd.s32 v0, v36;
	v20 =	vmul.bf16 v29, v38;
	v5 =	vunpack.i.l.bf16.f32 v12  }
0x2e9: {  	v59 =	vld.idx.msk [tilespmem:v25+s30+$0x0], $0xffff;
	v12 =	vunpack.i.u.bf16.f32 v12;
	v58 =	vunpack.i.u.bf16.f32 v1;
	v19 =	vsub.f32 v51, v6;
	(xrf2) =	vadd.scan.msk.f32 $0xffff, v5  }
0x2ea: {  	v15 =	vld.idx.msk [tilespmem:v15+s30+$0x0], $0xffff;
	v46, _, _ =	vpop (xrf2);
	v1 =	vunpack.i.l.bf16.f32 v1;
	v6 =	vpack.i.f32.bf16 v6, v6;
	v5 =	vadd.bf16 v53, v21;
	(xrf2) =	vadd.scan.msk.f32 $0xffff, v12  }
0x2eb: {  	v39 =	vld [tilespmem:s12+$0x100A0];
	v14 =	vbroadcast v46, $0xF;
	v28 =	vmul.bf16 v52, v6;
	v61 =	vpack.i.f32.bf16 v19, v19;
	(xrf2) =	vadd.scan.msk.f32 $0xffff, v1  }
0x2ec: {  	v63 =	vld.idx.msk [tilespmem:v55+s8+$0x0], $0xffff;
	v34, _, _ =	vpop (xrf2);
	v1 =	vunpack.i.u.bf16.f32 v5;
	v10 =	vmul.bf16 v49, v61;
	v5 =	vunpack.i.l.bf16.f32 v5;
	(xrf2) =	vadd.scan.msk.f32 $0xffff, v58  }
0x2ed: {  	v47 =	vadd.s32 v2, v36;
	v6 =	vmul.bf16 v60, v6;
	v37 =	vbroadcast v34, $0xF;
	v34 =	vld [tilespmem:s12+$0xE0D0];
	(xrf2) =	vadd.scan.msk.f32 $0xffff, v5  }
0x2ee: {  	v31 =	vld.idx.msk [tilespmem:v55+s30+$0x0], $0xffff;
	v5 =	vunpack.i.l.bf16.f32 v8;
	v10 =	vadd.bf16 v28, v10;
	(xrf2) =	vadd.scan.msk.f32 $0xffff, v1;
	v1 =	vmul.bf16 v59, v61  }
0x2ef: {  	v7 =	vsel vm4, v7, v14;
	v14 =	vadd.s32 v2, v57;
	v8 =	vunpack.i.u.bf16.f32 v8;
	(xrf2) =	vadd.scan.msk.f32 $0xffff, v5  }
0x2f0: {  	v54 =	vld [tilespmem:s12+$0x120B0];
	v5 =	vunpack.i.l.bf16.f32 v10;
	(xrf2) =	vadd.scan.msk.f32 $0xffff, v8;
	v1 =	vadd.bf16 v6, v1;
	v6 =	vpack.i.f32.bf16 v35, v35  }
0x2f1: {  	v27 =	vld [tilespmem:s12+$0x120C0];
	v3 =	vsel vm4, v3, v37;
	v49 =	vmul.f32 v16, v39;
	(xrf2) =	vadd.scan.msk.f32 $0xffff, v5;
	v5 =	vmul.bf16 v63, v6  }
0x2f2: {  	v44 =	vld.idx.msk [tilespmem:v32+s30+$0x0], $0xffff;
	v29 =	vadd.s32 v0, v34;
	v10 =	vunpack.i.u.bf16.f32 v10;
	v8 =	vmul.bf16 v15, v38  }
0x2f3: {  	v41 =	vld.idx.msk [tilespmem:v32+s8+$0x0], $0xffff;
	v6 =	vmul.bf16 v31, v6;
	(xrf2) =	vadd.scan.msk.f32 $0xffff, v10;
	v42 =	vunpack.i.l.bf16.f32 v1;
	v40, _, _ =	vpop (xrf2);
	v5 =	vadd.bf16 v20, v5  }
0x2f4: {  	v52 =	vld [tilespmem:s12+$0x100B0];
	v63 =	vadd.s32 v0, v50;
	v1 =	vunpack.i.u.bf16.f32 v1;
	(xrf2) =	vadd.scan.msk.f32 $0xffff, v42;
	v12 =	vbroadcast v40, $0xF;
	v46, _, _ =	vpop (xrf2)  }
0x2f5: {  	v43 =	vld.idx.msk [tilespmem:v14+s8+$0x0], $0xffff;
	v6 =	vadd.bf16 v8, v6;
	(xrf2) =	vadd.scan.msk.f32 $0xffff, v1;
	v48 =	vbroadcast v46, $0xF;
	v1 =	vunpack.i.l.bf16.f32 v5  }
0x2f6: {  	v60 =	vld [tilespmem:s12+$0xE0E0];
	v51, _, _ =	vpop (xrf2);
	v5 =	vunpack.i.u.bf16.f32 v5;
	v12 =	vsel vm5, v13, v12;
	(xrf2) =	vadd.scan.msk.f32 $0xffff, v1;
	v1 =	vsub.f32 v16, v49  }
0x2f7: {  	v14 =	vld.idx.msk [tilespmem:v14+s30+$0x0], $0xffff;
	v53, _, _ =	vpop (xrf2);
	v13 =	vbroadcast v51, $0xF;
	v16 =	vmul.f32 v54, v4;
	v9 =	vsel vm5, v9, v48  }
0x2f8: {  	v55 =	vld.idx.msk [tilespmem:v45+s8+$0x0], $0xffff;
	v17 =	vbroadcast v53, $0xF;
	(xrf2) =	vadd.scan.msk.f32 $0xffff, v5;
	v5 =	vunpack.i.l.bf16.f32 v6;
	v56, _, _ =	vpop (xrf2);
	v1 =	vpack.i.f32.bf16 v1, v1  }
0x2f9: {  	v22 =	vld.idx.msk [tilespmem:v45+s30+$0x0], $0xffff;
	(xrf2) =	vadd.scan.msk.f32 $0xffff, v5;
	v5 =	vpack.i.f32.bf16 v49, v49;
	v30 =	vbroadcast v56, $0xF;
	v8 =	vmul.f32 v16, v52  }
0x2fa: {  	v57 =	vld.idx.msk [tilespmem:v47+s8+$0x0], $0xffff;
	v6 =	vunpack.i.u.bf16.f32 v6;
	v62, _, _ =	vpop (xrf2);
	v21 =	vmul.bf16 v41, v1;
	v19 =	vmul.bf16 v43, v5  }
0x2fb: {  	v37 =	vld [tilespmem:s12+$0x100C0];
	v7 =	vsel vm5, v7, v13;
	v32 =	vbroadcast v62, $0xF;
	v1 =	vmul.bf16 v44, v1  }
0x2fc: {  	v51 =	vld [tilespmem:s12+$0xE0F0];
	v31, _, _ =	vpop (xrf2);
	v3 =	vsel vm5, v3, v17;
	v5 =	vmul.bf16 v14, v5;
	v44 =	vmul.f32 v27, v4  }
0x2fd: {  	(xrf2) =	vadd.scan.msk.f32 $0xffff, v6;
	v6 =	vld.idx.msk [tilespmem:v47+s30+$0x0], $0xffff;
	v47 =	vadd.s32 v0, v60;
	v12 =	vsel vm6, v12, v30;
	v35 =	vbroadcast v31, $0xF  }
0x2fe: {  	v61 =	vld [tilespmem:s12+$0x100D0];
	v33, _, _ =	vpop (xrf2);
	v62 =	vsub.f32 v16, v8;
	v8 =	vpack.i.f32.bf16 v8, v8;
	v19 =	vadd.bf16 v19, v21  }
0x2ff: {  	v25 =	vld.idx.msk [tilespmem:v63+s30+$0x0], $0xffff;
	v17 =	vbroadcast v33, $0xF;
	v9 =	vsel vm6, v9, v32;
	v21 =	vadd.s32 v2, v34  }
0x300: {  	v41 =	vld.idx.msk [tilespmem:v63+s8+$0x0], $0xffff;
	v36, _, _ =	vpop (xrf2);
	v1 =	vadd.bf16 v5, v1;
	v10 =	vmul.bf16 v57, v8;
	v24 =	vmul.f32 v44, v37  }
0x301: {  	v63 =	vld [tilespmem:s12+$0x120D0];
	v37 =	vadd.s32 v2, v51;
	v23 =	vbroadcast v36, $0xF;
	v7 =	vsel vm6, v7, v35  }
0x302: {  	v54 =	vld [tilespmem:s12+$0x120E0];
	v38, _, _ =	vpop (xrf2);
	v5 =	vpack.i.f32.bf16 v62, v62;
	v36 =	vadd.s32 v0, v51;
	v39 =	vunpack.i.l.bf16.f32 v19  }
0x303: {  	v46 =	vld.idx.msk [tilespmem:v29+s30+$0x0], $0xffff;
	v3 =	vsel vm6, v3, v17;
	v15 =	vbroadcast v38, $0xF;
	v18 =	vmul.bf16 v55, v5  }
0x304: {  	v53 =	vld [tilespmem:s12+$0x100E0];
	v40, _, _ =	vpop (xrf2);
	v49 =	vunpack.i.u.bf16.f32 v19;
	v52 =	vunpack.i.l.bf16.f32 v1;
	v14 =	vsub.f32 v44, v24  }
0x305: {  	s15 =	sshll.u32 s11, $0x4;
	v43 =	vld.idx.msk [tilespmem:v11+s8+$0x0], $0xffff;
	v1 =	vunpack.i.u.bf16.f32 v1;
	v5 =	vmul.bf16 v22, v5;
	v13 =	vbroadcast v40, $0xF  }
0x306: {  	s13 =	sor.u32 $0x10, s15;
	v11 =	vld.idx.msk [tilespmem:v11+s30+$0x0], $0xffff;
	v12 =	vsel vm7, v12, v23;
	v42, _, _ =	vpop (xrf2);
	v6 =	vmul.bf16 v6, v8;
	v56 =	vmul.f32 v63, v4  }
0x307: {  	s14 =	sshll.u32 s13, $0x4;
	v34 =	vld.idx.msk [tilespmem:v29+s8+$0x0], $0xffff;
	v8 =	vmul.f32 v54, v4;
	v23 =	vbroadcast v42, $0xF;
	v9 =	vsel vm7, v9, v15  }
0x308: {  	v27 =	vld [tilespmem:s14+$0x10000];
	(xrf2) =	vadd.scan.msk.f32 $0xffff, v39;
	v10 =	vadd.bf16 v10, v18;
	v55 =	vpack.i.f32.bf16 v14, v14;
	v7 =	vsel vm7, v7, v13  }
0x309: {  	v57 =	vld.idx.msk [tilespmem:v47+s8+$0x0], $0xffff;
	v5 =	vadd.bf16 v6, v5;
	v17 =	vmul.bf16 v41, v55;
	v35 =	vmul.f32 v56, v61  }
0x30a: {  	v39 =	vld [tilespmem:s14+$0xE000];
	(xrf2) =	vadd.scan.msk.f32 $0xffff, v49;
	v28, _, _ =	vpop (xrf2);
	v6 =	vpack.i.f32.bf16 v24, v24;
	v40 =	vmul.bf16 v25, v55;
	v18 =	vmul.f32 v8, v53  }
0x30b: {  	v63 =	vld [tilespmem:s12+$0xE110];
	(xrf2) =	vadd.scan.msk.f32 $0xffff, v52;
	v28 =	vbroadcast v28, $0xF;
	v3 =	vsel vm7, v3, v23;
	v23 =	vadd.s32 v2, v60  }
0x30c: {  	v45 =	vld.idx.msk [tilespmem:v21+s8+$0x0], $0xffff;
	v58, _, _ =	vpop (xrf2);
	(xrf2) =	vadd.scan.msk.f32 $0xffff, v1;
	v1 =	vunpack.i.l.bf16.f32 v10;
	v24 =	vmul.bf16 v43, v6;
	v10 =	vunpack.i.u.bf16.f32 v10  }
0x30d: {  	v21 =	vld.idx.msk [tilespmem:v21+s30+$0x0], $0xffff;
	v6 =	vmul.bf16 v11, v6;
	v15 =	vbroadcast v58, $0xF;
	v38 =	vunpack.i.l.bf16.f32 v5  }
0x30e: {  	v41 =	vld [tilespmem:s12+$0x100F0];
	v14 =	vsub.f32 v56, v35;
	v5 =	vunpack.i.u.bf16.f32 v5;
	v58 =	vpack.i.f32.bf16 v35, v35  }
0x30f: {  	v20 =	vld.idx.msk [tilespmem:v37+s8+$0x0], $0xffff;
	v59, _, _ =	vpop (xrf2);
	v8 =	vsub.f32 v8, v18;
	v18 =	vpack.i.f32.bf16 v18, v18;
	v12 =	vsel vm8, v12, v28  }
0x310: {  	v26 =	vld.idx.msk [tilespmem:v36+s30+$0x0], $0xffff;
	(xrf2) =	vadd.scan.msk.f32 $0xffff, v1;
	v13 =	vbroadcast v59, $0xF;
	v17 =	vadd.bf16 v24, v17;
	v6 =	vadd.bf16 v6, v40  }
0x311: {  	v43 =	vld [tilespmem:s12+$0x120F0];
	v30, _, _ =	vpop (xrf2);
	(xrf2) =	vadd.scan.msk.f32 $0xffff, v10;
	v61 =	vadd.s32 v0, v39;
	v62 =	vadd.s32 v2, v39;
	v9 =	vsel vm8, v9, v15  }
0x312: {  	v28 =	vld.idx.msk [tilespmem:v47+s30+$0x0], $0xffff;
	v33 =	vbroadcast v30, $0xF;
	(xrf2) =	vadd.scan.msk.f32 $0xffff, v38;
	v42 =	vpack.i.f32.bf16 v14, v14;
	v8 =	vpack.i.f32.bf16 v8, v8  }
0x313: {  	v24 =	vld.idx.msk [tilespmem:v36+s8+$0x0], $0xffff;
	v7 =	vsel vm8, v7, v13;
	(xrf2) =	vadd.scan.msk.f32 $0xffff, v5;
	v5 =	vunpack.i.l.bf16.f32 v17;
	v15 =	vmul.bf16 v34, v42  }
0x314: {  	v38 =	vld [tilespmem:s14+$0x12000];
	v17 =	vunpack.i.u.bf16.f32 v17;
	v13 =	vmul.bf16 v46, v42;
	v10 =	vmul.bf16 v21, v58  }
0x315: {  	v60 =	vunpack.i.u.bf16.f32 v6;
	v3 =	vsel vm8, v3, v33;
	v33 =	vld.idx.msk [tilespmem:v23+s8+$0x0], $0xffff;
	(xrf2) =	vadd.scan.msk.f32 $0xffff, v5;
	v5 =	vmul.bf16 v45, v58  }
0x316: {  	v6 =	vunpack.i.l.bf16.f32 v6;
	v36 =	vmul.bf16 v57, v8;
	v1 =	vld.idx.msk [tilespmem:v23+s30+$0x0], $0xffff;
	v14 =	vmul.f32 v43, v4  }
0x317: {  	v21 =	vadd.s32 v2, v63;
	v48, _, _ =	vpop (xrf2);
	v5 =	vadd.bf16 v5, v15;
	v19 =	vld.idx.msk [tilespmem:v62+s30+$0x0], $0xffff;
	v8 =	vmul.bf16 v28, v8  }
0x318: {  	(xrf2) =	vadd.scan.msk.f32 $0xffff, v17;
	v10 =	vadd.bf16 v10, v13;
	v50 =	vbroadcast v48, $0xF;
	v59, _, _ =	vpop (xrf2);
	v48 =	vld.idx.msk [tilespmem:v62+s8+$0x0], $0xffff;
	v62 =	vmul.f32 v14, v41  }
0x319: {  	v56 =	vld [tilespmem:s12+$0x12110];
	(xrf2) =	vadd.scan.msk.f32 $0xffff, v6;
	v17 =	vmul.f32 v38, v4;
	v25 =	vbroadcast v59, $0xF;
	v6 =	vunpack.i.l.bf16.f32 v5  }
0x31a: {  	v15 =	vld.idx.msk [tilespmem:v37+s30+$0x0], $0xffff;
	v34, _, _ =	vpop (xrf2);
	v5 =	vunpack.i.u.bf16.f32 v5;
	v12 =	vsel vm9, v12, v50;
	v37 =	vmul.bf16 v33, v18  }
0x31b: {  	(xrf2) =	vadd.scan.msk.f32 $0xffff, v60;
	v35, _, _ =	vpop (xrf2);
	v44 =	vbroadcast v34, $0xF;
	v1 =	vmul.bf16 v1, v18;
	v14 =	vsub.f32 v14, v62  }
0x31c: {  	v51 =	vld [tilespmem:s12+$0xE120];
	v27 =	vmul.f32 v17, v27;
	v9 =	vsel vm9, v9, v25;
	v45, _, _ =	vpop (xrf2);
	(xrf2) =	vadd.scan.msk.f32 $0xffff, v6;
	v6 =	vbroadcast v35, $0xF  }
0x31d: {  	v46 =	vld.idx.msk [tilespmem:v61+s8+$0x0], $0xffff;
	v47, _, _ =	vpop (xrf2);
	(xrf2) =	vadd.scan.msk.f32 $0xffff, v5;
	v5 =	vunpack.i.l.bf16.f32 v10;
	v13 =	vadd.bf16 v37, v36;
	v23 =	vbroadcast v45, $0xF  }
0x31e: {  	v29 =	vld.idx.msk [tilespmem:v61+s30+$0x0], $0xffff;
	v10 =	vunpack.i.u.bf16.f32 v10;
	v7 =	vsel vm9, v7, v44;
	v1 =	vadd.bf16 v1, v8  }
0x31f: {  	v55 =	vld [tilespmem:s12+$0x10110];
	v8 =	vpack.i.f32.bf16 v62, v62;
	v62 =	vmul.f32 v56, v4;
	v31, _, _ =	vpop (xrf2);
	(xrf2) =	vadd.scan.msk.f32 $0xffff, v5;
	v5 =	vadd.s32 v0, v63  }
0x320: {  	v22 =	vld.idx.msk [tilespmem:v21+s8+$0x0], $0xffff;
	v30 =	vbroadcast v47, $0xF;
	v3 =	vsel vm9, v3, v6;
	v20 =	vmul.bf16 v20, v8  }
0x321: {  	v21 =	vld.idx.msk [tilespmem:v21+s30+$0x0], $0xffff;
	v15 =	vmul.bf16 v15, v8;
	v49 =	vunpack.i.l.bf16.f32 v13;
	v6 =	vsel vm10, v12, v23  }
0x322: {  	v63 =	vld [tilespmem:s12+$0xE130];
	v32, _, _ =	vpop (xrf2);
	(xrf2) =	vadd.scan.msk.f32 $0xffff, v10;
	v52 =	vbroadcast v31, $0xF;
	v13 =	vunpack.i.u.bf16.f32 v13;
	v10 =	vadd.s32 v2, v51  }
0x323: {  	v34 =	vld [tilespmem:s12+$0x12120];
	v33 =	vunpack.i.l.bf16.f32 v1;
	v1 =	vunpack.i.u.bf16.f32 v1;
	v50, _, _ =	vpop (xrf2);
	(xrf2) =	vadd.scan.msk.f32 $0xffff, v49;
	v53 =	vbroadcast v32, $0xF  }
0x324: {  	v37 =	vld [tilespmem:s12+$0xE140];
	v47 =	vmul.f32 v62, v55;
	v9 =	vsel vm10, v9, v30;
	v54, _, _ =	vpop (xrf2);
	v12 =	vbroadcast v50, $0xF;
	(xrf2) =	vadd.scan.msk.f32 $0xffff, v13  }
0x325: {  	v7 =	vsel vm10, v7, v52;
	v30 =	vbroadcast v54, $0xF;
	v3 =	vsel vm10, v3, v53;
	(xrf2) =	vadd.scan.msk.f32 $0xffff, v33;
	v13 =	vld.idx.msk [tilespmem:v5+s8+$0x0], $0xffff  }
0x326: {  	v57, _, _ =	vpop (xrf2);
	v53 =	vsub.f32 v62, v47;
	v6 =	vsel vm11, v6, v12;
	v59 =	vld.idx.msk [tilespmem:v5+s30+$0x0], $0xffff;
	v5 =	vadd.s32 v0, v51  }
0x327: {  	v45 =	vld [tilespmem:s12+$0x12130];
	v58, _, _ =	vpop (xrf2);
	v12 =	vbroadcast v57, $0xF;
	(xrf2) =	vadd.scan.msk.f32 $0xffff, v1;
	v1 =	vpack.i.f32.bf16 v14, v14;
	v36 =	vadd.s32 v0, v63  }
0x328: {  	v11 =	vadd.s32 v2, v63;
	v51 =	vld [tilespmem:s12+$0xE150];
	v23 =	vbroadcast v58, $0xF;
	v24 =	vmul.bf16 v24, v1  }
0x329: {  	v57 =	vmul.f32 v34, v4;
	v9 =	vsel vm11, v9, v30;
	v14 =	vld.idx.msk [tilespmem:v10+s8+$0x0], $0xffff;
	v1 =	vmul.bf16 v26, v1;
	v60, _, _ =	vpop (xrf2)  }
0x32a: {  	v10 =	vld.idx.msk [tilespmem:v10+s30+$0x0], $0xffff;
	v7 =	vsel vm11, v7, v12;
	v3 =	vsel vm11, v3, v23;
	v20 =	vadd.bf16 v20, v24;
	v61, _, _ =	vpop (xrf2)  }
0x32b: {  	v24 =	vld [tilespmem:s12+$0x10130];
	v1 =	vadd.bf16 v15, v1;
	v28 =	vbroadcast v60, $0xF;
	v39 =	vbroadcast v61, $0xF  }
0x32c: {  	v40, _, _ =	vpop (xrf2);
	v33 =	vld.idx.msk [tilespmem:v5+s8+$0x0], $0xffff;
	v60 =	vunpack.i.l.bf16.f32 v20;
	v61 =	vpack.i.f32.bf16 v27, v27;
	v20 =	vunpack.i.u.bf16.f32 v20  }
0x32d: {  	v35 =	vld.idx.msk [tilespmem:v5+s30+$0x0], $0xffff;
	v50 =	vunpack.i.u.bf16.f32 v1;
	v1 =	vunpack.i.l.bf16.f32 v1;
	v41, _, _ =	vpop (xrf2);
	v42 =	vbroadcast v40, $0xF  }
0x32e: {  	v12 =	vld.idx.msk [tilespmem:v36+s8+$0x0], $0xffff;
	v6 =	vsel vm12, v6, v28;
	v16 =	vmul.bf16 v48, v61;
	v28 =	vbroadcast v41, $0xF  }
0x32f: {  	v30 =	vld [tilespmem:s12+$0x10120];
	(xrf2) =	vadd.scan.msk.f32 $0xffff, v60;
	v48 =	vadd.s32 v2, v37;
	v60 =	vadd.s32 v0, v51;
	v9 =	vsel vm12, v9, v39;
	v43, _, _ =	vpop (xrf2)  }
0x330: {  	v63 =	vld.idx.msk [tilespmem:v11+s8+$0x0], $0xffff;
	v23 =	vbroadcast v43, $0xF;
	v5, _, _ =	vpop (xrf2);
	v8 =	vsel vm12, v3, v28;
	v3 =	vsub.f32 v17, v27  }
0x331: {  	v11 =	vld.idx.msk [tilespmem:v11+s30+$0x0], $0xffff;
	v7 =	vsel vm12, v7, v42;
	v44 =	vbroadcast v5, $0xF;
	v49, _, _ =	vpop (xrf2);
	v17 =	vmul.f32 v45, v4  }
0x332: {  	v42 =	vld [tilespmem:s12+$0xE160];
	v5 =	vsel vm13, v6, v23;
	v23 =	vbroadcast v49, $0xF;
	v3 =	vpack.i.f32.bf16 v3, v3  }
0x333: {  	v56 =	vld [tilespmem:s12+$0x12140];
	(xrf2) =	vadd.scan.msk.f32 $0xffff, v20;
	v6 =	vsel vm13, v9, v44;
	v45 =	vmul.f32 v17, v24;
	v25 =	vmul.bf16 v46, v3  }
0x334: {  	v54 =	vld [tilespmem:s12+$0x10140];
	(xrf2) =	vadd.scan.msk.f32 $0xffff, v1;
	v52, _, _ =	vpop (xrf2);
	v9 =	vpack.i.f32.bf16 v47, v47;
	v1 =	vmul.bf16 v29, v3;
	v3 =	vmul.bf16 v19, v61  }
0x335: {  	(xrf2) =	vadd.scan.msk.f32 $0xffff, v50;
	v50 =	vld [tilespmem:s12+$0xE170];
	v46 =	vadd.s32 v0, v37;
	v29 =	vbroadcast v52, $0xF;
	v22 =	vmul.bf16 v22, v9  }
0x336: {  	v58 =	vld.idx.msk [tilespmem:v48+s8+$0x0], $0xffff;
	v9 =	vmul.bf16 v21, v9;
	v61 =	vmul.f32 v57, v30;
	v17 =	vsub.f32 v17, v45  }
0x337: {  	v62 =	vld.idx.msk [tilespmem:v48+s30+$0x0], $0xffff;
	v48 =	vadd.s32 v0, v42;
	v20 =	vpack.i.f32.bf16 v45, v45;
	v16 =	vadd.bf16 v16, v25  }
0x338: {  	v40 =	vld.idx.msk [tilespmem:v36+s30+$0x0], $0xffff;
	v1 =	vadd.bf16 v3, v1;
	v3 =	vpack.i.f32.bf16 v53, v53;
	v25 =	vadd.s32 v2, v51  }
0x339: {  	v44 =	vld [tilespmem:s12+$0x10150];
	v43 =	vsub.f32 v57, v61;
	v21 =	vpack.i.f32.bf16 v61, v61;
	v49 =	vmul.bf16 v63, v20  }
0x33a: {  	v31 =	vld.idx.msk [tilespmem:v60+s8+$0x0], $0xffff;
	v51 =	vmul.f32 v56, v4;
	v11 =	vmul.bf16 v11, v20;
	v53 =	vadd.s32 v0, v50  }
0x33b: {  	v52 =	vld [tilespmem:s12+$0x12160];
	v8 =	vsel vm13, v8, v29;
	v13 =	vmul.bf16 v13, v3;
	v3 =	vmul.bf16 v59, v3  }
0x33c: {  	v57 =	vld [tilespmem:s12+$0xE180];
	v14 =	vmul.bf16 v14, v21;
	v10 =	vmul.bf16 v10, v21;
	v17 =	vpack.i.f32.bf16 v17, v17  }
0x33d: {  	v21 =	vld.idx.msk [tilespmem:v60+s30+$0x0], $0xffff;
	v60 =	vsel vm13, v7, v23;
	v55 =	vunpack.i.l.bf16.f32 v16;
	v12 =	vmul.bf16 v12, v17  }
0x33e: {  	v16 =	vunpack.i.u.bf16.f32 v16;
	v19 =	vmul.f32 v51, v54;
	v17 =	vmul.bf16 v40, v17;
	v15 =	vld.idx.msk [tilespmem:v46+s8+$0x0], $0xffff  }
0x33f: {  	v26, _, _ =	vpop (xrf2);
	v59 =	vld.idx.msk [tilespmem:v46+s30+$0x0], $0xffff;
	v13 =	vadd.bf16 v22, v13;
	v3 =	vadd.bf16 v9, v3;
	v9 =	vpack.i.f32.bf16 v43, v43  }
0x340: {  	(xrf2) =	vadd.scan.msk.f32 $0xffff, v55;
	v46 =	vld [tilespmem:s12+$0x12150];
	v22 =	vadd.s32 v2, v42;
	v55 =	vadd.s32 v2, v50;
	v5 =	vsel vm14, v5, v26  }
0x341: {  	v41 =	vunpack.i.l.bf16.f32 v1;
	(xrf2) =	vadd.scan.msk.f32 $0xffff, v16;
	v33 =	vmul.bf16 v33, v9;
	v9 =	vmul.bf16 v35, v9;
	v28 =	vld.idx.msk [tilespmem:v48+s30+$0x0], $0xffff  }
0x342: {  	v1 =	vunpack.i.u.bf16.f32 v1;
	v12 =	vadd.bf16 v49, v12;
	v11 =	vadd.bf16 v11, v17;
	(xrf2) =	vadd.scan.msk.f32 $0xffff, v41;
	v36 =	vld.idx.msk [tilespmem:v25+s8+$0x0], $0xffff  }
0x343: {  	v56 =	vpack.i.f32.bf16 v19, v19;
	v35 =	vld.idx.msk [tilespmem:v25+s30+$0x0], $0xffff;
	(xrf2) =	vadd.scan.msk.f32 $0xffff, v1;
	v1 =	vunpack.i.u.bf16.f32 v13;
	v13 =	vunpack.i.l.bf16.f32 v13  }
0x344: {  	v32, _, _ =	vpop (xrf2);
	v47 =	vunpack.i.l.bf16.f32 v3;
	v3 =	vunpack.i.u.bf16.f32 v3;
	v23 =	vld.idx.msk [tilespmem:v53+s8+$0x0], $0xffff;
	v9 =	vadd.bf16 v10, v9;
	(xrf2) =	vadd.scan.msk.f32 $0xffff, v13  }
0x345: {  	v27, _, _ =	vpop (xrf2);
	v10 =	vsub.f32 v51, v19;
	v54 =	vunpack.i.l.bf16.f32 v12;
	v13 =	vld [tilespmem:s12+$0x10160];
	(xrf2) =	vadd.scan.msk.f32 $0xffff, v1;
	v1 =	vadd.bf16 v14, v33  }
0x346: {  	v38, _, _ =	vpop (xrf2);
	v63 =	vunpack.i.l.bf16.f32 v11;
	v51 =	vadd.s32 v2, v57;
	v33 =	vld.idx.msk [tilespmem:v48+s8+$0x0], $0xffff;
	v24 =	vmul.f32 v46, v4;
	(xrf2) =	vadd.scan.msk.f32 $0xffff, v47  }
0x347: {  	v8 =	vsel vm14, v8, v38;
	v20 =	vld.idx.msk [tilespmem:v22+s8+$0x0], $0xffff;
	(xrf2) =	vadd.scan.msk.f32 $0xffff, v3;
	v3 =	vunpack.i.u.bf16.f32 v1;
	v1 =	vunpack.i.l.bf16.f32 v1  }
0x348: {  	v48 =	vadd.s32 v0, v57;
	v47 =	vmul.f32 v52, v4;
	v16 =	vmul.f32 v24, v44;
	(xrf2) =	vadd.scan.msk.f32 $0xffff, v1  }
0x349: {  	v52 =	vld [tilespmem:s12+$0xE190];
	v44 =	vmul.bf16 v58, v56;
	v1 =	vunpack.i.u.bf16.f32 v9;
	v9 =	vunpack.i.l.bf16.f32 v9;
	(xrf2) =	vadd.scan.msk.f32 $0xffff, v3  }
0x34a: {  	v3 =	vunpack.i.u.bf16.f32 v12;
	v12 =	vld.idx.msk [tilespmem:v22+s30+$0x0], $0xffff;
	v46 =	vpack.i.f32.bf16 v16, v16;
	v13 =	vmul.f32 v47, v13;
	(xrf2) =	vadd.scan.msk.f32 $0xffff, v9;
	v22, _, _ =	vpop (xrf2)  }
0x34b: {  	v29 =	vld.idx.msk [tilespmem:v53+s30+$0x0], $0xffff;
	v50 =	vmul.bf16 v36, v46;
	(xrf2) =	vadd.scan.msk.f32 $0xffff, v1;
	v1 =	vpack.i.f32.bf16 v10, v10;
	v38 =	vbroadcast v22, $0xF  }
0x34c: {  	v45 =	vld [tilespmem:s12+$0x10170];
	v58 =	vsub.f32 v24, v16;
	(xrf2) =	vadd.scan.msk.f32 $0xffff, v54;
	v15 =	vmul.bf16 v15, v1;
	v1 =	vmul.bf16 v59, v1  }
0x34d: {  	v7 =	vunpack.i.u.bf16.f32 v11;
	v36 =	vld.idx.msk [tilespmem:v55+s30+$0x0], $0xffff;
	v39, _, _ =	vpop (xrf2);
	v54 =	vmul.bf16 v35, v46;
	(xrf2) =	vadd.scan.msk.f32 $0xffff, v3;
	v3 =	vmul.bf16 v62, v56  }
0x34e: {  	v40, _, _ =	vpop (xrf2);
	v62 =	vld.idx.msk [tilespmem:v55+s8+$0x0], $0xffff;
	v55 =	vsub.f32 v47, v13;
	v13 =	vpack.i.f32.bf16 v13, v13;
	v61 =	vadd.bf16 v44, v15  }
0x34f: {  	v59 =	vld [tilespmem:s12+$0x12170];
	v30, _, _ =	vpop (xrf2);
	(xrf2) =	vadd.scan.msk.f32 $0xffff, v63;
	v20 =	vmul.bf16 v20, v13;
	v63 =	vadd.s32 v2, v52;
	v13 =	vmul.bf16 v12, v13  }
0x350: {  	v53 =	vld [tilespmem:s12+$0x10180];
	v37, _, _ =	vpop (xrf2);
	v1 =	vadd.bf16 v3, v1;
	v3 =	vpack.i.f32.bf16 v58, v58;
	v57 =	vpack.i.f32.bf16 v55, v55  }
0x351: {  	v42 =	vld.idx.msk [tilespmem:v51+s30+$0x0], $0xffff;
	(xrf2) =	vadd.scan.msk.f32 $0xffff, v7;
	v37 =	vbroadcast v37, $0xF;
	v49 =	vmul.bf16 v31, v3;
	v7 =	vunpack.i.l.bf16.f32 v61  }
0x352: {  	v56 =	vld [tilespmem:s12+$0x12180];
	v9 =	vunpack.i.u.bf16.f32 v61;
	v3 =	vmul.bf16 v21, v3;
	v33 =	vmul.bf16 v33, v57  }
0x353: {  	v58 =	vld.idx.msk [tilespmem:v51+s8+$0x0], $0xffff;
	v21 =	vbroadcast v39, $0xF;
	(xrf2) =	vadd.scan.msk.f32 $0xffff, v7;
	v41 =	vunpack.i.l.bf16.f32 v1;
	v7 =	vsel vm14, v6, v32  }
0x354: {  	v25, _, _ =	vpop (xrf2);
	v51 =	vld [tilespmem:s12+$0x10190];
	v6 =	vsel vm14, v60, v27;
	v1 =	vunpack.i.u.bf16.f32 v1;
	v24 =	vmul.f32 v59, v4  }
0x355: {  	v26, _, _ =	vpop (xrf2);
	v32 =	vld.idx.msk [tilespmem:v48+s8+$0x0], $0xffff;
	v59 =	vadd.s32 v0, v52;
	v27 =	vbroadcast v30, $0xF;
	v16 =	vadd.bf16 v50, v49;
	(xrf2) =	vadd.scan.msk.f32 $0xffff, v9  }
0x356: {  	v18, _, _ =	vpop (xrf2);
	v60 =	vld [tilespmem:s12+$0x12190];
	v3 =	vadd.bf16 v54, v3;
	v49 =	vadd.bf16 v20, v33;
	v50 =	vmul.bf16 v28, v57;
	(xrf2) =	vadd.scan.msk.f32 $0xffff, v41  }
0x357: {  	v61 =	vmul.f32 v56, v4;
	v54 =	vld [tilespmem:s12+$0x101A0];
	v9, _, _ =	vpop (xrf2);
	v47 =	vmul.f32 v24, v45;
	(xrf2) =	vadd.scan.msk.f32 $0xffff, v1;
	v1 =	vunpack.i.l.bf16.f32 v16  }
0x358: {  	v41 =	vld.idx.msk [tilespmem:v48+s30+$0x0], $0xffff;
	v16 =	vunpack.i.u.bf16.f32 v16;
	v20 =	vadd.bf16 v13, v50;
	v9 =	vbroadcast v9, $0xF  }
0x359: {  	v48 =	vld [tilespmem:s12+$0xE1A0];
	v10, _, _ =	vpop (xrf2);
	(xrf2) =	vadd.scan.msk.f32 $0xffff, v1;
	v1 =	vunpack.i.l.bf16.f32 v3;
	v3 =	vunpack.i.u.bf16.f32 v3;
	v19 =	vpack.i.f32.bf16 v47, v47  }
0x35a: {  	v56 =	vld [tilespmem:s12+$0x121A0];
	v10 =	vbroadcast v10, $0xF;
	(xrf2) =	vadd.scan.msk.f32 $0xffff, v16;
	v62 =	vmul.bf16 v62, v19;
	v16 =	vunpack.i.u.bf16.f32 v49  }
0x35b: {  	v44 =	vld.idx.msk [tilespmem:v63+s8+$0x0], $0xffff;
	v11, _, _ =	vpop (xrf2);
	v52 =	vunpack.i.l.bf16.f32 v20;
	v20 =	vunpack.i.u.bf16.f32 v20;
	v19 =	vmul.bf16 v36, v19  }
0x35c: {  	v63 =	vld.idx.msk [tilespmem:v63+s30+$0x0], $0xffff;
	v12, _, _ =	vpop (xrf2);
	v33 =	vmul.f32 v60, v4;
	v11 =	vbroadcast v11, $0xF;
	(xrf2) =	vadd.scan.msk.f32 $0xffff, v1;
	v1 =	vsub.f32 v24, v47  }
0x35d: {  	v43 =	vld.idx.msk [tilespmem:v59+s8+$0x0], $0xffff;
	v24 =	vbroadcast v40, $0xF;
	v12 =	vbroadcast v12, $0xF;
	(xrf2) =	vadd.scan.msk.f32 $0xffff, v3;
	v3 =	vunpack.i.l.bf16.f32 v49  }
0x35e: {  	v45 =	vld.idx.msk [tilespmem:v59+s30+$0x0], $0xffff;
	v46 =	vadd.s32 v0, v48;
	v28 =	vmul.f32 v33, v51;
	v1 =	vpack.i.f32.bf16 v1, v1  }
0x35f: {  	v13, _, _ =	vpop (xrf2);
	v47 =	vld [tilespmem:s12+$0x101B0];
	v34 =	vadd.s32 v2, v48;
	(xrf2) =	vadd.scan.msk.f32 $0xffff, v3;
	v3 =	vmul.f32 v61, v53;
	v23 =	vmul.bf16 v23, v1  }
0x360: {  	v53 =	vld [tilespmem:s12+$0xE1B0];
	v1 =	vmul.bf16 v29, v1;
	v33 =	vsub.f32 v33, v28;
	v29 =	vmul.f32 v56, v4  }
0x361: {  	v49 =	vpack.i.f32.bf16 v28, v28;
	v56 =	vld [tilespmem:s12+$0xE1D0];
	v22 =	vsub.f32 v61, v3;
	v3 =	vpack.i.f32.bf16 v3, v3  }
0x362: {  	v61 =	vld [tilespmem:s12+$0xE1C0];
	v44 =	vmul.bf16 v44, v49;
	v63 =	vmul.bf16 v63, v49;
	v23 =	vadd.bf16 v62, v23  }
0x363: {  	v14, _, _ =	vpop (xrf2);
	v1 =	vadd.bf16 v19, v1;
	v58 =	vmul.bf16 v58, v3;
	v3 =	vmul.bf16 v42, v3;
	v62 =	vld [tilespmem:s12+$0x121B0]  }
0x364: {  	v15, _, _ =	vpop (xrf2);
	v33 =	vpack.i.f32.bf16 v33, v33;
	v40 =	vmul.f32 v29, v54;
	v57 =	vpack.i.f32.bf16 v22, v22;
	v36 =	vld.idx.msk [tilespmem:v46+s8+$0x0], $0xffff  }
0x365: {  	(xrf2) =	vadd.scan.msk.f32 $0xffff, v16;
	v16, _, _ =	vpop (xrf2);
	v35 =	vld.idx.msk [tilespmem:v46+s30+$0x0], $0xffff;
	v43 =	vmul.bf16 v43, v33;
	v33 =	vmul.bf16 v45, v33;
	v55 =	vunpack.i.l.bf16.f32 v23  }
0x366: {  	v17, _, _ =	vpop (xrf2);
	v23 =	vunpack.i.u.bf16.f32 v23;
	v22 =	vmul.bf16 v32, v57;
	v32 =	vld.idx.msk [tilespmem:v34+s8+$0x0], $0xffff;
	v59 =	vadd.s32 v0, v53  }
0x367: {  	(xrf2) =	vadd.scan.msk.f32 $0xffff, v52;
	v19, _, _ =	vpop (xrf2);
	v41 =	vmul.bf16 v41, v57;
	v34 =	vld.idx.msk [tilespmem:v34+s30+$0x0], $0xffff;
	v39 =	vadd.s32 v2, v53;
	v60 =	vunpack.i.l.bf16.f32 v1  }
0x368: {  	(xrf2) =	vadd.scan.msk.f32 $0xffff, v20;
	v20, _, _ =	vpop (xrf2);
	v1 =	vunpack.i.u.bf16.f32 v1;
	v52 =	vsub.f32 v29, v40;
	v40 =	vpack.i.f32.bf16 v40, v40;
	v57 =	vld [tilespmem:s12+$0x101C0]  }
0x369: {  	v20 =	vbroadcast v20, $0xF;
	(xrf2) =	vadd.scan.msk.f32 $0xffff, v55;
	v43 =	vadd.bf16 v44, v43;
	v45 =	vadd.s32 v2, v56;
	v55 =	vld [tilespmem:s12+$0x121D0]  }
0x36a: {  	(xrf2) =	vadd.scan.msk.f32 $0xffff, v23;
	v30 =	vadd.bf16 v58, v22;
	v3 =	vadd.bf16 v3, v41;
	v51 =	vadd.s32 v0, v61;
	v58 =	vld [tilespmem:s12+$0x121C0]  }
0x36b: {  	v42 =	vadd.s32 v2, v61;
	(xrf2) =	vadd.scan.msk.f32 $0xffff, v60;
	v53 =	vmul.f32 v62, v4;
	v60 =	vadd.bf16 v63, v33;
	v63 =	vld [tilespmem:s12+$0xE1E0]  }
0x36c: {  	v41 =	vsel vm0, v38, v37;
	v22, _, _ =	vpop (xrf2);
	(xrf2) =	vadd.scan.msk.f32 $0xffff, v1;
	v1 =	vunpack.i.l.bf16.f32 v30;
	v30 =	vunpack.i.u.bf16.f32 v30;
	v48 =	vld.idx.msk [tilespmem:v59+s8+$0x0], $0xffff  }
0x36d: {  	v23, _, _ =	vpop (xrf2);
	(xrf2) =	vadd.scan.msk.f32 $0xffff, v1;
	v1 =	vunpack.i.u.bf16.f32 v3;
	v3 =	vunpack.i.l.bf16.f32 v3;
	v50 =	vld.idx.msk [tilespmem:v39+s8+$0x0], $0xffff;
	v47 =	vmul.f32 v53, v47  }
0x36e: {  	v46 =	vld.idx.msk [tilespmem:v59+s30+$0x0], $0xffff;
	v32 =	vmul.bf16 v32, v40;
	v59 =	vunpack.i.u.bf16.f32 v43;
	v61 =	vmul.bf16 v34, v40  }
0x36f: {  	v39 =	vld.idx.msk [tilespmem:v39+s30+$0x0], $0xffff;
	v40 =	vadd.s32 v0, v56;
	v62 =	vunpack.i.l.bf16.f32 v60;
	v38 =	vunpack.i.u.bf16.f32 v60;
	v28, _, _ =	vpop (xrf2);
	(xrf2) =	vadd.scan.msk.f32 $0xffff, v30  }
0x370: {  	v60 =	vld [tilespmem:s12+$0x101D0];
	v55 =	vmul.f32 v55, v4;
	v29, _, _ =	vpop (xrf2);
	(xrf2) =	vadd.scan.msk.f32 $0xffff, v3;
	v3 =	vpack.i.f32.bf16 v52, v52;
	v52 =	vmul.f32 v58, v4  }
0x371: {  	v44 =	vld.idx.msk [tilespmem:v42+s8+$0x0], $0xffff;
	v30, _, _ =	vpop (xrf2);
	(xrf2) =	vadd.scan.msk.f32 $0xffff, v1;
	v1 =	vunpack.i.l.bf16.f32 v43;
	v36 =	vmul.bf16 v36, v3;
	v3 =	vmul.bf16 v35, v3  }
0x372: {  	v31, _, _ =	vpop (xrf2);
	(xrf2) =	vadd.scan.msk.f32 $0xffff, v1;
	v1 =	vsub.f32 v53, v47;
	v47 =	vpack.i.f32.bf16 v47, v47;
	v49 =	vmul.f32 v52, v57  }
0x373: {  	v42 =	vld.idx.msk [tilespmem:v42+s30+$0x0], $0xffff;
	v57 =	vadd.s32 v0, v63;
	v53 =	vadd.s32 v2, v63;
	v36 =	vadd.bf16 v32, v36  }
0x374: {  	v43 =	vld.idx.msk [tilespmem:v51+s8+$0x0], $0xffff;
	v50 =	vmul.bf16 v50, v47;
	v3 =	vadd.bf16 v61, v3;
	v39 =	vmul.bf16 v39, v47  }
0x375: {  	v51 =	vld.idx.msk [tilespmem:v51+s30+$0x0], $0xffff;
	v32, _, _ =	vpop (xrf2);
	(xrf2) =	vadd.scan.msk.f32 $0xffff, v59;
	v47 =	vmul.f32 v55, v60;
	v60 =	vbroadcast v26, $0xF;
	v1 =	vpack.i.f32.bf16 v1, v1  }
0x376: {  	v33, _, _ =	vpop (xrf2);
	(xrf2) =	vadd.scan.msk.f32 $0xffff, v62;
	v52 =	vsub.f32 v52, v49;
	v49 =	vpack.i.f32.bf16 v49, v49;
	v48 =	vmul.bf16 v48, v1  }
0x377: {  	v34, _, _ =	vpop (xrf2);
	v54 =	vunpack.i.u.bf16.f32 v36;
	(xrf2) =	vadd.scan.msk.f32 $0xffff, v38;
	v59 =	vunpack.i.l.bf16.f32 v36;
	v56 =	vunpack.i.u.bf16.f32 v3  }
0x378: {  	v58 =	vld [tilespmem:s12+$0xE1F0];
	v1 =	vmul.bf16 v46, v1;
	v3 =	vunpack.i.l.bf16.f32 v3;
	v42 =	vmul.bf16 v42, v49;
	v35, _, _ =	vpop (xrf2);
	(xrf2) =	vadd.scan.msk.f32 $0xffff, v59  }
0x379: {  	v63 =	vsub.f32 v55, v47;
	v24 =	vsel vm0, v24, v60;
	v48 =	vadd.bf16 v50, v48;
	v36, _, _ =	vpop (xrf2);
	(xrf2) =	vadd.scan.msk.f32 $0xffff, v54  }
0x37a: {  	v46 =	vld.idx.msk [tilespmem:v40+s8+$0x0], $0xffff;
	v60 =	vbroadcast v16, $0xF;
	v52 =	vpack.i.f32.bf16 v52, v52;
	v59 =	vbroadcast v25, $0xF;
	v37, _, _ =	vpop (xrf2);
	(xrf2) =	vadd.scan.msk.f32 $0xffff, v3  }
0x37b: {  	v54 =	vld.idx.msk [tilespmem:v45+s8+$0x0], $0xffff;
	v1 =	vadd.bf16 v39, v1;
	v62 =	vmul.bf16 v51, v52;
	v38, _, _ =	vpop (xrf2);
	v3 =	vunpack.i.l.bf16.f32 v48;
	(xrf2) =	vadd.scan.msk.f32 $0xffff, v56  }
0x37c: {  	v61 =	vunpack.i.u.bf16.f32 v48;
	v56 =	vld [tilespmem:s12+$0x121E0];
	v39, _, _ =	vpop (xrf2);
	(xrf2) =	vadd.scan.msk.f32 $0xffff, v3;
	v3 =	vmul.bf16 v43, v52;
	v43 =	vmul.bf16 v44, v49  }
0x37d: {  	v48 =	vld.idx.msk [tilespmem:v40+s30+$0x0], $0xffff;
	v55 =	vadd.bf16 v42, v62;
	v42 =	vadd.s32 v2, v58;
	v44 =	vunpack.i.l.bf16.f32 v1  }
0x37e: {  	v40, _, _ =	vpop (xrf2);
	(xrf2) =	vadd.scan.msk.f32 $0xffff, v61;
	v61 =	vld.idx.msk [tilespmem:v45+s30+$0x0], $0xffff;
	v45 =	vadd.s32 v0, v58;
	v58 =	vbroadcast v18, $0xF;
	v3 =	vadd.bf16 v43, v3  }
0x37f: {  	v11 =	vsel vm1, v24, v11;
	v50 =	vld [tilespmem:s12+$0x101E0];
	v1 =	vunpack.i.u.bf16.f32 v1;
	v38 =	vbroadcast v38, $0xF;
	v25, _, _ =	vpop (xrf2);
	(xrf2) =	vadd.scan.msk.f32 $0xffff, v44  }
0x380: {  	v26, _, _ =	vpop (xrf2);
	(xrf2) =	vadd.scan.msk.f32 $0xffff, v1;
	v27 =	vsel vm0, v27, v58;
	v58 =	vbroadcast v15, $0xF;
	v1 =	vunpack.i.u.bf16.f32 v3  }
0x381: {  	v51 =	vld.idx.msk [tilespmem:v57+s8+$0x0], $0xffff;
	v3 =	vunpack.i.l.bf16.f32 v3;
	v49 =	vmul.f32 v56, v4;
	v56 =	vpack.i.f32.bf16 v63, v63  }
0x382: {  	v52 =	vld [tilespmem:s12+$0x121F0];
	v44, _, _ =	vpop (xrf2);
	v24 =	vsel vm1, v27, v12;
	v27 =	vbroadcast v14, $0xF;
	(xrf2) =	vadd.scan.msk.f32 $0xffff, v3;
	v3 =	vpack.i.f32.bf16 v47, v47  }
0x383: {  	v62 =	vld.idx.msk [tilespmem:v53+s8+$0x0], $0xffff;
	v46 =	vmul.bf16 v46, v56;
	v56 =	vmul.bf16 v48, v56;
	v11 =	vsel vm2, v11, v58  }
0x384: {  	v63 =	vld [tilespmem:s12+$0x101F0];
	v24 =	vsel vm2, v24, v60;
	v58 =	vbroadcast v23, $0xF;
	v50 =	vmul.f32 v49, v50  }
0x385: {  	v57 =	vld.idx.msk [tilespmem:v57+s30+$0x0], $0xffff;
	v43, _, _ =	vpop (xrf2);
	v60 =	vbroadcast v28, $0xF;
	v28 =	vbroadcast v33, $0xF;
	(xrf2) =	vadd.scan.msk.f32 $0xffff, v1;
	v1 =	vunpack.i.l.bf16.f32 v55  }
0x386: {  	v53 =	vld.idx.msk [tilespmem:v53+s30+$0x0], $0xffff;
	v54 =	vmul.bf16 v54, v3;
	v3 =	vmul.bf16 v61, v3;
	v49 =	vsub.f32 v49, v50  }
0x387: {  	v18 =	vunpack.i.u.bf16.f32 v55;
	v33 =	vbroadcast v37, $0xF;
	v47, _, _ =	vpop (xrf2);
	(xrf2) =	vadd.scan.msk.f32 $0xffff, v1;
	v1 =	vmul.f32 v52, v4  }
0x388: {  	v46 =	vadd.bf16 v54, v46;
	v3 =	vadd.bf16 v3, v56;
	v54 =	vld.idx.msk [tilespmem:v45+s8+$0x0], $0xffff;
	v55 =	vpack.i.f32.bf16 v50, v50  }
0x389: {  	v48, _, _ =	vpop (xrf2);
	v61 =	vmul.f32 v1, v63;
	v63 =	vld.idx.msk [tilespmem:v42+s8+$0x0], $0xffff;
	v62 =	vmul.bf16 v62, v55;
	v52 =	vpack.i.f32.bf16 v49, v49  }
0x38a: {  	(xrf2) =	vadd.scan.msk.f32 $0xffff, v18;
	v18 =	vunpack.i.l.bf16.f32 v46;
	v56 =	vmul.bf16 v51, v52;
	v57 =	vmul.bf16 v57, v52;
	v49, _, _ =	vpop (xrf2)  }
0x38b: {  	v1 =	vsub.f32 v1, v61;
	(xrf2) =	vadd.scan.msk.f32 $0xffff, v18;
	v18 =	vunpack.i.u.bf16.f32 v46;
	v46 =	vmul.bf16 v53, v55;
	v50, _, _ =	vpop (xrf2)  }
0x38c: {  	v55 =	vunpack.i.u.bf16.f32 v3;
	v3 =	vunpack.i.l.bf16.f32 v3;
	(xrf2) =	vadd.scan.msk.f32 $0xffff, v18;
	v56 =	vadd.bf16 v62, v56;
	v51, _, _ =	vpop (xrf2)  }
0x38d: {  	v18 =	vpack.i.f32.bf16 v1, v1;
	(xrf2) =	vadd.scan.msk.f32 $0xffff, v3;
	v3 =	vadd.bf16 v46, v57;
	v46 =	vpack.i.f32.bf16 v61, v61;
	v53, _, _ =	vpop (xrf2)  }
0x38e: {  	v21 =	vsel vm0, v21, v59;
	v54 =	vmul.bf16 v54, v18;
	v63 =	vmul.bf16 v63, v46;
	v52, _, _ =	vpop (xrf2)  }
0x38f: {  	v37 =	vbroadcast v47, $0xF;
	(xrf2) =	vadd.scan.msk.f32 $0xffff, v55;
	v62 =	vunpack.i.l.bf16.f32 v56;
	v61 =	vunpack.i.u.bf16.f32 v56;
	v1, _, _ =	vpop (xrf2)  }
0x390: {  	v54 =	vadd.bf16 v63, v54;
	v63 =	vsel vm1, v21, v10;
	v59, _, _ =	vpop (xrf2);
	(xrf2) =	vadd.scan.msk.f32 $0xffff, v62;
	v62 =	vunpack.i.l.bf16.f32 v3  }
0x391: {  	v1 =	vbroadcast v1, $0xF;
	v56, _, _ =	vpop (xrf2);
	(xrf2) =	vadd.scan.msk.f32 $0xffff, v61;
	v61 =	vsel vm2, v63, v27;
	v63 =	vbroadcast v19, $0xF  }
0x392: {  	v3 =	vunpack.i.u.bf16.f32 v3;
	v27 =	vbroadcast v22, $0xF;
	v57, _, _ =	vpop (xrf2);
	(xrf2) =	vadd.scan.msk.f32 $0xffff, v62;
	v62 =	vbroadcast v17, $0xF  }
0x393: {  	v55, _, _ =	vpop (xrf2);
	(xrf2) =	vadd.scan.msk.f32 $0xffff, v3;
	v3 =	vunpack.i.l.bf16.f32 v54;
	v15 =	vsel vm3, v61, v63;
	v61 =	vbroadcast v29, $0xF  }
0x394: {  	v16 =	vsel vm3, v24, v27;
	v24 =	vbroadcast v31, $0xF;
	v27 =	vbroadcast v32, $0xF;
	v21, _, _ =	vpop (xrf2);
	(xrf2) =	vadd.scan.msk.f32 $0xffff, v3  }
0x395: {  	v9 =	vsel vm1, v41, v9;
	v31 =	vbroadcast v35, $0xF;
	v32 =	vbroadcast v36, $0xF;
	v10, _, _ =	vpop (xrf2)  }
0x396: {  	v29 =	vunpack.i.u.bf16.f32 v54;
	v54 =	vbroadcast v40, $0xF;
	v35 =	vbroadcast v43, $0xF;
	v12, _, _ =	vpop (xrf2)  }
0x397: {  	s24 =	sadd.s32 s15, s2;
	v41 =	vsel vm3, v11, v20;
	v40 =	vbroadcast v49, $0xF;
	v3 =	vbroadcast v13, $0xF;
	v13, _, _ =	vpop (xrf2)  }
0x398: {  	s16 =	sadd.s32 s15, s6;
	[tilespmem:s24+$0x0] =	vst.add.f32.msk $0xffff, v5;
	v43 =	vbroadcast v51, $0xF;
	v63 =	vsel vm4, v15, v60;
	v60 =	vbroadcast v26, $0xF;
	v14, _, _ =	vpop (xrf2)  }
0x399: {  	s17 =	sadd.s32 s15, s7;
	[tilespmem:s16+$0x0] =	vst.add.f32.msk $0xffff, v7;
	v17 =	vsel vm4, v41, v61;
	v41 =	vbroadcast v39, $0xF;
	v3 =	vsel vm2, v9, v3;
	v9, _, _ =	vpop (xrf2)  }
0x39a: {  	s18 =	sadd.s32 s15, s10;
	[tilespmem:s17+$0x0] =	vst.add.f32.msk $0xffff, v6;
	v19 =	vsel vm5, v63, v27;
	v61 =	vbroadcast v44, $0xF;
	v44 =	vbroadcast v53, $0xF;
	v11, _, _ =	vpop (xrf2)  }
0x39b: {  	[tilespmem:s18+$0x0] =	vst.add.f32.msk $0xffff, v8;
	v53 =	vbroadcast v56, $0xF;
	v21 =	vbroadcast v21, $0xF;
	v8 =	vsel vm5, v17, v28;
	v5, _, _ =	vpop (xrf2)  }
0x39c: {  	v17 =	vsel vm6, v19, v32;
	v10 =	vbroadcast v10, $0xF;
	v3 =	vsel vm3, v3, v62;
	v7, _, _ =	vpop (xrf2)  }
0x39d: {  	v62 =	vbroadcast v30, $0xF;
	v30 =	vbroadcast v34, $0xF;
	v8 =	vsel vm6, v8, v33;
	v15, _, _ =	vpop (xrf2)  }
0x39e: {  	s14 =	sor.u32 $0x20, s15;
	v17 =	vsel vm7, v17, v54;
	v12 =	vbroadcast v12, $0xF;
	v3 =	vsel vm4, v3, v58;
	v6, _, _ =	vpop (xrf2)  }
0x39f: {  	s16 =	sshll.u32 s14, $0x4;
	v58 =	vbroadcast v25, $0xF;
	v17 =	vsel vm8, v17, v35;
	v13 =	vbroadcast v13, $0xF;
	(xrf2) =	vadd.scan.msk.f32 $0xffff, v29  }
0x3a0: {  	v16 =	vsel vm4, v16, v62;
	v3 =	vsel vm5, v3, v24;
	v14 =	vbroadcast v14, $0xF;
	v34 =	vld [tilespmem:s16+$0xE000]  }
0x3a1: {  	v16 =	vsel vm5, v16, v30;
	v3 =	vsel vm6, v3, v31;
	v8 =	vsel vm7, v8, v58;
	v62 =	vld.idx.msk [tilespmem:v45+s30+$0x0], $0xffff  }
0x3a2: {  	v58 =	vbroadcast v57, $0xF;
	v9 =	vbroadcast v9, $0xF;
	v16 =	vsel vm6, v16, v38;
	v36 =	vld [tilespmem:s16+$0x12000]  }
0x3a3: {  	v3 =	vsel vm7, v3, v41;
	v38 =	vbroadcast v48, $0xF;
	v41 =	vbroadcast v50, $0xF;
	v39 =	vld [tilespmem:s12+$0xE210]  }
0x3a4: {  	v8 =	vsel vm8, v8, v37;
	v48 =	vbroadcast v52, $0xF;
	v52 =	vbroadcast v59, $0xF;
	v49 =	vld [tilespmem:s12+$0x12210]  }
0x3a5: {  	v59 =	vbroadcast v55, $0xF;
	v11 =	vbroadcast v11, $0xF;
	v16 =	vsel vm7, v16, v60;
	v42 =	vld.idx.msk [tilespmem:v42+s30+$0x0], $0xffff  }
0x3a6: {  	v3 =	vsel vm8, v3, v61;
	v8 =	vsel vm9, v8, v43;
	v5 =	vbroadcast v5, $0xF;
	v54 =	vld [tilespmem:s12+$0x10210]  }
0x3a7: {  	v16 =	vsel vm8, v16, v38;
	v3 =	vsel vm9, v3, v40;
	v45 =	vld [tilespmem:s16+$0x10000];
	v63 =	vadd.s32 v0, v34  }
0x3a8: {  	v17 =	vsel vm9, v17, v41;
	v8 =	vsel vm10, v8, v52;
	v38 =	vld [tilespmem:s12+$0xE220];
	v24 =	vadd.s32 v2, v34  }
0x3a9: {  	v7 =	vbroadcast v7, $0xF;
	v16 =	vsel vm9, v16, v44;
	v52 =	vld [tilespmem:s12+$0xE230];
	v26 =	vmul.f32 v49, v4  }
0x3aa: {  	v3 =	vsel vm10, v3, v48;
	v1 =	vsel vm10, v17, v1;
	v16 =	vsel vm10, v16, v53;
	v53 =	vld [tilespmem:s12+$0x12220]  }
0x3ab: {  	v51 =	vadd.s32 v0, v39;
	v18 =	vmul.bf16 v62, v18;
	v62 =	vmul.f32 v26, v54;
	v54 =	vld [tilespmem:s12+$0x10220]  }
0x3ac: {  	v8 =	vsel vm11, v8, v21;
	v30 =	vbroadcast v15, $0xF;
	v27 =	vadd.s32 v2, v39;
	v47 =	vld.idx.msk [tilespmem:v63+s8+$0x0], $0xffff  }
0x3ad: {  	v3 =	vsel vm11, v3, v58;
	v1 =	vsel vm11, v1, v59;
	v8 =	vsel vm12, v8, v14;
	v50 =	vld.idx.msk [tilespmem:v24+s8+$0x0], $0xffff  }
0x3ae: {  	v10 =	vsel vm11, v16, v10;
	v3 =	vsel vm12, v3, v12;
	v23 =	vmul.f32 v36, v4;
	v22 =	vld.idx.msk [tilespmem:v63+s30+$0x0], $0xffff  }
0x3af: {  	v1 =	vsel vm12, v1, v13;
	v7 =	vsel vm13, v8, v7;
	v60 =	vmul.bf16 v42, v46;
	v24 =	vld.idx.msk [tilespmem:v24+s30+$0x0], $0xffff  }
0x3b0: {  	v9 =	vsel vm12, v10, v9;
	v3 =	vsel vm13, v3, v11;
	v56 =	vmul.f32 v23, v45;
	v61 =	vld.idx.msk [tilespmem:v51+s8+$0x0], $0xffff  }
0x3b1: {  	v1 =	vsel vm13, v1, v5;
	v5 =	vsel vm14, v3, v6;
	v18 =	vadd.bf16 v60, v18;
	v63 =	vld.idx.msk [tilespmem:v27+s8+$0x0], $0xffff  }
0x3b2: {  	v23 =	vsub.f32 v23, v56;
	v17 =	vpack.i.f32.bf16 v56, v56;
	v37 =	vsub.f32 v26, v62;
	v36 =	vld.idx.msk [tilespmem:v51+s30+$0x0], $0xffff  }
0x3b3: {  	v39 =	vunpack.i.u.bf16.f32 v18;
	v18 =	vunpack.i.l.bf16.f32 v18;
	v42 =	vpack.i.f32.bf16 v62, v62;
	v40 =	vld.idx.msk [tilespmem:v27+s30+$0x0], $0xffff  }
0x3b4: {  	v32 =	vld [tilespmem:s12+$0xE240];
	(xrf2) =	vadd.scan.msk.f32 $0xffff, v18;
	v18 =	vmul.f32 v53, v4;
	v23 =	vpack.i.f32.bf16 v23, v23;
	v41 =	vpack.i.f32.bf16 v37, v37  }
0x3b5: {  	v34 =	vld [tilespmem:s12+$0x12230];
	(xrf2) =	vadd.scan.msk.f32 $0xffff, v39;
	v19 =	vmul.bf16 v47, v23;
	v35 =	vmul.bf16 v50, v17;
	v47 =	vadd.s32 v0, v38  }
0x3b6: {  	v57, _, _ =	vpop (xrf2);
	v53 =	vld [tilespmem:s12+$0x12250];
	v22 =	vmul.bf16 v22, v23;
	v17 =	vmul.bf16 v24, v17;
	v50 =	vadd.s32 v2, v38  }
0x3b7: {  	v6 =	vsel vm14, v1, v57;
	v57 =	vld [tilespmem:s12+$0xE260];
	v25 =	vmul.bf16 v61, v41;
	v44 =	vmul.bf16 v63, v42  }
0x3b8: {  	v9 =	vsel vm13, v9, v30;
	v21 =	vmul.f32 v18, v54;
	v19 =	vadd.bf16 v35, v19;
	v35 =	vld [tilespmem:s12+$0x10230]  }
0x3b9: {  	v17 =	vadd.bf16 v17, v22;
	v46 =	vadd.bf16 v44, v25;
	v22 =	vadd.s32 v2, v52;
	v44 =	vld [tilespmem:s12+$0xE250]  }
0x3ba: {  	v62 =	vadd.s32 v0, v52;
	v18 =	vsub.f32 v18, v21;
	v43 =	vunpack.i.l.bf16.f32 v19;
	v56 =	vld.idx.msk [tilespmem:v47+s8+$0x0], $0xffff  }
0x3bb: {  	v21 =	vpack.i.f32.bf16 v21, v21;
	v48 =	vmul.bf16 v36, v41;
	v19 =	vunpack.i.u.bf16.f32 v19;
	(xrf2) =	vadd.scan.msk.f32 $0xffff, v43;
	v59 =	vld.idx.msk [tilespmem:v50+s8+$0x0], $0xffff  }
0x3bc: {  	v49 =	vmul.bf16 v40, v42;
	v45 =	vunpack.i.u.bf16.f32 v17;
	v17 =	vunpack.i.l.bf16.f32 v17;
	v61 =	vld.idx.msk [tilespmem:v47+s30+$0x0], $0xffff;
	(xrf2) =	vadd.scan.msk.f32 $0xffff, v19  }
0x3bd: {  	v41 =	vadd.s32 v0, v32;
	v24 =	vadd.s32 v2, v32;
	v20 =	vld.idx.msk [tilespmem:v50+s30+$0x0], $0xffff;
	(xrf2) =	vadd.scan.msk.f32 $0xffff, v17  }
0x3be: {  	v25 =	vmul.f32 v34, v4;
	v51 =	vunpack.i.l.bf16.f32 v46;
	v60, _, _ =	vpop (xrf2);
	v17 =	vadd.bf16 v49, v48;
	v39 =	vld.idx.msk [tilespmem:v22+s8+$0x0], $0xffff;
	(xrf2) =	vadd.scan.msk.f32 $0xffff, v45  }
0x3bf: {  	v18 =	vpack.i.f32.bf16 v18, v18;
	v19 =	vunpack.i.u.bf16.f32 v46;
	v63, _, _ =	vpop (xrf2);
	v8 =	vsel vm14, v7, v60;
	v48 =	vld [tilespmem:s12+$0x12240];
	(xrf2) =	vadd.scan.msk.f32 $0xffff, v51  }
0x3c0: {  	v22 =	vld.idx.msk [tilespmem:v22+s30+$0x0], $0xffff;
	v7 =	vsel vm14, v9, v63;
	v10 =	vmul.f32 v25, v35;
	v55 =	vunpack.i.l.bf16.f32 v17;
	(xrf2) =	vadd.scan.msk.f32 $0xffff, v19  }
0x3c1: {  	v47 =	vld [tilespmem:s12+$0x10240];
	v54 =	vadd.s32 v0, v44;
	v30 =	vadd.s32 v2, v44;
	v58 =	vunpack.i.u.bf16.f32 v17;
	(xrf2) =	vadd.scan.msk.f32 $0xffff, v55  }
0x3c2: {  	v49 =	vsub.f32 v25, v10;
	v16 =	vmul.bf16 v56, v18;
	v12 =	vmul.bf16 v59, v21;
	v56 =	vld [tilespmem:s12+$0x10250];
	(xrf2) =	vadd.scan.msk.f32 $0xffff, v58  }
0x3c3: {  	v32 =	vld [tilespmem:s12+$0x12260];
	v10 =	vpack.i.f32.bf16 v10, v10;
	v14 =	vmul.bf16 v61, v18;
	v20 =	vmul.bf16 v20, v21  }
0x3c4: {  	v18 =	vmul.f32 v53, v4;
	v12 =	vadd.bf16 v12, v16;
	v16 =	vmul.f32 v48, v4  }
0x3c5: {  	v37 =	vld.idx.msk [tilespmem:v62+s8+$0x0], $0xffff;
	v13 =	vmul.bf16 v39, v10;
	v14 =	vadd.bf16 v20, v14;
	v10 =	vmul.bf16 v22, v10;
	v31, _, _ =	vpop (xrf2)  }
0x3c6: {  	v52 =	vld.idx.msk [tilespmem:v24+s8+$0x0], $0xffff;
	v39 =	vadd.s32 v2, v57;
	v51 =	vunpack.i.l.bf16.f32 v12;
	v59 =	vmul.f32 v16, v47;
	v33, _, _ =	vpop (xrf2)  }
0x3c7: {  	v60 =	vld.idx.msk [tilespmem:v24+s30+$0x0], $0xffff;
	v12 =	vunpack.i.u.bf16.f32 v12;
	v61 =	vunpack.i.u.bf16.f32 v14;
	(xrf2) =	vadd.scan.msk.f32 $0xffff, v51;
	v34 =	vmul.f32 v18, v56;
	v3, _, _ =	vpop (xrf2)  }
0x3c8: {  	v19 =	vld.idx.msk [tilespmem:v62+s30+$0x0], $0xffff;
	v15 =	vbroadcast v31, $0xF;
	v29 =	vsub.f32 v16, v59;
	v16 =	vmul.f32 v32, v4;
	v36, _, _ =	vpop (xrf2)  }
0x3c9: {  	v62 =	vld.idx.msk [tilespmem:v54+s8+$0x0], $0xffff;
	v11 =	vbroadcast v33, $0xF;
	v18 =	vsub.f32 v18, v34;
	v1 =	vbroadcast v3, $0xF;
	v38, _, _ =	vpop (xrf2)  }
0x3ca: {  	v53 =	vld [tilespmem:s12+$0xE270];
	v14 =	vunpack.i.l.bf16.f32 v14;
	v3 =	vbroadcast v36, $0xF;
	v40 =	vbroadcast v38, $0xF;
	v42, _, _ =	vpop (xrf2)  }
0x3cb: {  	v36 =	vadd.s32 v0, v57;
	v18 =	vpack.i.f32.bf16 v18, v18;
	v38 =	vld [tilespmem:s12+$0x10260];
	v43, _, _ =	vpop (xrf2);
	v45 =	vbroadcast v42, $0xF  }
0x3cc: {  	v50 =	vld.idx.msk [tilespmem:v41+s8+$0x0], $0xffff;
	(xrf2) =	vadd.scan.msk.f32 $0xffff, v12;
	v46, _, _ =	vpop (xrf2);
	v17 =	vbroadcast v43, $0xF;
	v15 =	vsel vm0, v15, v40;
	v40 =	vpack.i.f32.bf16 v59, v59  }
0x3cd: {  	v58 =	vld.idx.msk [tilespmem:v41+s30+$0x0], $0xffff;
	(xrf2) =	vadd.scan.msk.f32 $0xffff, v14;
	v23 =	vbroadcast v46, $0xF;
	v9 =	vsel vm0, v11, v45;
	v42 =	vmul.bf16 v52, v40  }
0x3ce: {  	v43 =	vld.idx.msk [tilespmem:v54+s30+$0x0], $0xffff;
	v11 =	vpack.i.f32.bf16 v49, v49;
	v14 =	vmul.bf16 v60, v40;
	v45 =	vmul.bf16 v62, v18  }
0x3cf: {  	v35 =	vld.idx.msk [tilespmem:v30+s8+$0x0], $0xffff;
	v27 =	vadd.s32 v0, v53;
	v55 =	vmul.bf16 v37, v11;
	v11 =	vmul.bf16 v19, v11  }
0x3d0: {  	(xrf2) =	vadd.scan.msk.f32 $0xffff, v61;
	v1 =	vsel vm0, v1, v17;
	v3 =	vsel vm0, v3, v23;
	v49 =	vmul.f32 v16, v38  }
0x3d1: {  	v59 =	vld.idx.msk [tilespmem:v39+s30+$0x0], $0xffff;
	v47, _, _ =	vpop (xrf2);
	v13 =	vadd.bf16 v13, v55;
	v10 =	vadd.bf16 v10, v11;
	v11 =	vpack.i.f32.bf16 v29, v29  }
0x3d2: {  	v44 =	vld.idx.msk [tilespmem:v30+s30+$0x0], $0xffff;
	v23 =	vbroadcast v47, $0xF;
	v29 =	vadd.s32 v2, v53;
	v41 =	vmul.bf16 v50, v11  }
0x3d3: {  	v46 =	vld.idx.msk [tilespmem:v36+s8+$0x0], $0xffff;
	v11 =	vmul.bf16 v58, v11;
	v16 =	vsub.f32 v16, v49;
	v55 =	vmul.bf16 v43, v18  }
0x3d4: {  	v56 =	vld.idx.msk [tilespmem:v36+s30+$0x0], $0xffff;
	v58 =	vpack.i.f32.bf16 v49, v49;
	v63 =	vunpack.i.u.bf16.f32 v13;
	v33 =	vunpack.i.l.bf16.f32 v13  }
0x3d5: {  	v50 =	vld.idx.msk [tilespmem:v39+s8+$0x0], $0xffff;
	v37 =	vunpack.i.l.bf16.f32 v10;
	v10 =	vunpack.i.u.bf16.f32 v10;
	v13 =	vpack.i.f32.bf16 v34, v34  }
0x3d6: {  	v15 =	vsel vm1, v15, v23;
	v32 =	vmul.bf16 v59, v58;
	(xrf2) =	vadd.scan.msk.f32 $0xffff, v33;
	v12 =	vadd.bf16 v42, v41  }
0x3d7: {  	v60, _, _ =	vpop (xrf2);
	v48 =	vmul.bf16 v35, v13;
	v13 =	vmul.bf16 v44, v13;
	v16 =	vpack.i.f32.bf16 v16, v16;
	(xrf2) =	vadd.scan.msk.f32 $0xffff, v63  }
0x3d8: {  	v11 =	vadd.bf16 v14, v11;
	v24, _, _ =	vpop (xrf2);
	v61 =	vmul.bf16 v46, v16;
	v63 =	vbroadcast v60, $0xF;
	(xrf2) =	vadd.scan.msk.f32 $0xffff, v37  }
0x3d9: {  	v22 =	vbroadcast v24, $0xF;
	v51 =	vunpack.i.u.bf16.f32 v12;
	v12 =	vunpack.i.l.bf16.f32 v12;
	(xrf2) =	vadd.scan.msk.f32 $0xffff, v10  }
0x3da: {  	v33 =	vld [tilespmem:s12+$0xE280];
	v16 =	vmul.bf16 v56, v16;
	v52 =	vunpack.i.u.bf16.f32 v11;
	v14 =	vadd.bf16 v48, v45;
	(xrf2) =	vadd.scan.msk.f32 $0xffff, v12  }
0x3db: {  	v35 =	vld [tilespmem:s12+$0x12270];
	v25, _, _ =	vpop (xrf2);
	v54 =	vunpack.i.l.bf16.f32 v11;
	v11 =	vadd.bf16 v13, v55;
	v62 =	vmul.bf16 v50, v58;
	(xrf2) =	vadd.scan.msk.f32 $0xffff, v51  }
0x3dc: {  	v55 =	vld [tilespmem:s12+$0x12280];
	v9 =	vsel vm1, v9, v63;
	v1 =	vsel vm1, v1, v22;
	v10 =	vbroadcast v25, $0xF;
	(xrf2) =	vadd.scan.msk.f32 $0xffff, v54  }
0x3dd: {  	v16 =	vadd.bf16 v32, v16;
	v57 =	vunpack.i.l.bf16.f32 v14;
	v14 =	vunpack.i.u.bf16.f32 v14;
	(xrf2) =	vadd.scan.msk.f32 $0xffff, v52;
	v52 =	vld [tilespmem:s12+$0xE290]  }
0x3de: {  	v58 =	vld [tilespmem:s12+$0x10280];
	v26 =	vunpack.i.l.bf16.f32 v11;
	v11 =	vunpack.i.u.bf16.f32 v11;
	v12 =	vadd.bf16 v62, v61  }
0x3df: {  	v38 =	vld [tilespmem:s12+$0x10270];
	v3 =	vsel vm1, v3, v10;
	v43 =	vunpack.i.l.bf16.f32 v16;
	v47 =	vadd.s32 v0, v33;
	(xrf2) =	vadd.scan.msk.f32 $0xffff, v57  }
0x3e0: {  	v18 =	vadd.s32 v2, v33;
	v16 =	vunpack.i.u.bf16.f32 v16;
	v31 =	vunpack.i.l.bf16.f32 v12;
	(xrf2) =	vadd.scan.msk.f32 $0xffff, v14;
	v28, _, _ =	vpop (xrf2)  }
0x3e1: {  	v12 =	vunpack.i.u.bf16.f32 v12;
	(xrf2) =	vadd.scan.msk.f32 $0xffff, v26;
	v26 =	vmul.f32 v55, v4;
	v30, _, _ =	vpop (xrf2);
	v36 =	vbroadcast v28, $0xF  }
0x3e2: {  	v44 =	vld.idx.msk [tilespmem:v29+s8+$0x0], $0xffff;
	(xrf2) =	vadd.scan.msk.f32 $0xffff, v11;
	v11 =	vmul.f32 v35, v4;
	v34, _, _ =	vpop (xrf2);
	v19 =	vbroadcast v30, $0xF;
	v35 =	vadd.s32 v0, v52  }
0x3e3: {  	v14 =	vld.idx.msk [tilespmem:v29+s30+$0x0], $0xffff;
	v25 =	vadd.s32 v2, v52;
	v22 =	vmul.f32 v26, v58;
	v37, _, _ =	vpop (xrf2);
	v39 =	vbroadcast v34, $0xF  }
0x3e4: {  	v41 =	vld.idx.msk [tilespmem:v27+s8+$0x0], $0xffff;
	v15 =	vsel vm2, v15, v36;
	v17 =	vmul.f32 v11, v38;
	v40, _, _ =	vpop (xrf2);
	v45 =	vbroadcast v37, $0xF  }
0x3e5: {  	v61 =	vld.idx.msk [tilespmem:v47+s8+$0x0], $0xffff;
	v9 =	vsel vm2, v9, v19;
	v1 =	vsel vm2, v1, v39;
	v20 =	vbroadcast v40, $0xF  }
0x3e6: {  	v37 =	vld [tilespmem:s12+$0xE2A0];
	v42, _, _ =	vpop (xrf2);
	v11 =	vsub.f32 v11, v17;
	v17 =	vpack.i.f32.bf16 v17, v17;
	v3 =	vsel vm2, v3, v45  }
0x3e7: {  	(xrf2) =	vadd.scan.msk.f32 $0xffff, v31;
	v34 =	vld.idx.msk [tilespmem:v18+s8+$0x0], $0xffff;
	v46, _, _ =	vpop (xrf2);
	v49 =	vbroadcast v42, $0xF;
	v21 =	vmul.bf16 v44, v17;
	v44 =	vsub.f32 v26, v22  }
0x3e8: {  	(xrf2) =	vadd.scan.msk.f32 $0xffff, v12;
	v12 =	vld.idx.msk [tilespmem:v27+s30+$0x0], $0xffff;
	v14 =	vmul.bf16 v14, v17;
	v48, _, _ =	vpop (xrf2);
	v50 =	vbroadcast v46, $0xF;
	v15 =	vsel vm3, v15, v20  }
0x3e9: {  	v13 =	vld.idx.msk [tilespmem:v47+s30+$0x0], $0xffff;
	v11 =	vpack.i.f32.bf16 v11, v11;
	v53 =	vbroadcast v48, $0xF;
	v9 =	vsel vm3, v9, v49  }
0x3ea: {  	(xrf2) =	vadd.scan.msk.f32 $0xffff, v43;
	v43 =	vld [tilespmem:s12+$0x12290];
	v51, _, _ =	vpop (xrf2);
	v23 =	vmul.bf16 v41, v11;
	v48 =	vpack.i.f32.bf16 v44, v44;
	v1 =	vsel vm3, v1, v50  }
0x3eb: {  	v54, _, _ =	vpop (xrf2);
	v56 =	vbroadcast v51, $0xF;
	v50 =	vadd.s32 v0, v37;
	v51 =	vpack.i.f32.bf16 v22, v22  }
0x3ec: {  	v18 =	vld.idx.msk [tilespmem:v18+s30+$0x0], $0xffff;
	v52 =	vmul.bf16 v61, v48;
	v55 =	vadd.s32 v2, v37;
	v59 =	vbroadcast v54, $0xF  }
0x3ed: {  	v40 =	vld [tilespmem:s12+$0x10290];
	v57, _, _ =	vpop (xrf2);
	v3 =	vsel vm3, v3, v53;
	v11 =	vmul.bf16 v12, v11;
	v54 =	vmul.bf16 v34, v51  }
0x3ee: {  	v49 =	vld [tilespmem:s12+$0x122A0];
	v42 =	vadd.bf16 v21, v23;
	v12 =	vmul.bf16 v13, v48;
	v60, _, _ =	vpop (xrf2);
	v62 =	vbroadcast v57, $0xF  }
0x3ef: {  	v45 =	vld.idx.msk [tilespmem:v35+s8+$0x0], $0xffff;
	v10 =	vsel vm4, v15, v56;
	v21 =	vmul.f32 v43, v4;
	v63 =	vbroadcast v60, $0xF  }
0x3f0: {  	(xrf2) =	vadd.scan.msk.f32 $0xffff, v16;
	v53 =	vld [tilespmem:s12+$0x102A0];
	v9 =	vsel vm4, v9, v59;
	v46 =	vunpack.i.l.bf16.f32 v42;
	v20 =	vunpack.i.u.bf16.f32 v42  }
0x3f1: {  	v34 =	vld [tilespmem:s12+$0x122B0];
	v33, _, _ =	vpop (xrf2);
	v11 =	vadd.bf16 v14, v11;
	v58 =	vadd.bf16 v54, v52;
	v59 =	vmul.bf16 v18, v51  }
0x3f2: {  	v56 =	vld [tilespmem:s12+$0xE2B0];
	v24 =	vbroadcast v33, $0xF;
	v1 =	vsel vm4, v1, v62;
	v60 =	vmul.f32 v21, v40  }
0x3f3: {  	v47 =	vld.idx.msk [tilespmem:v25+s8+$0x0], $0xffff;
	v15 =	vmul.f32 v49, v4;
	v3 =	vsel vm4, v3, v63;
	v62 =	vunpack.i.u.bf16.f32 v11  }
0x3f4: {  	v61 =	vld.idx.msk [tilespmem:v25+s30+$0x0], $0xffff;
	v11 =	vunpack.i.l.bf16.f32 v11;
	v32 =	vunpack.i.u.bf16.f32 v58;
	v12 =	vadd.bf16 v59, v12  }
0x3f5: {  	v57 =	vld.idx.msk [tilespmem:v35+s30+$0x0], $0xffff;
	v14 =	vunpack.i.l.bf16.f32 v58;
	v36, _, _ =	vpop (xrf2);
	v10 =	vsel vm5, v10, v24;
	v35 =	vmul.f32 v15, v53  }
0x3f6: {  	(xrf2) =	vadd.scan.msk.f32 $0xffff, v46;
	v63 =	vld.idx.msk [tilespmem:v50+s8+$0x0], $0xffff;
	v33 =	vsub.f32 v21, v60;
	v21 =	vmul.f32 v34, v4;
	v38 =	vbroadcast v36, $0xF;
	v39, _, _ =	vpop (xrf2)  }
0x3f7: {  	(xrf2) =	vadd.scan.msk.f32 $0xffff, v20;
	v44 =	vld.idx.msk [tilespmem:v50+s30+$0x0], $0xffff;
	v37 =	vadd.s32 v0, v56;
	v40 =	vadd.s32 v2, v56;
	v41 =	vbroadcast v39, $0xF  }
0x3f8: {  	v36 =	vld.idx.msk [tilespmem:v55+s8+$0x0], $0xffff;
	v16 =	vpack.i.f32.bf16 v33, v33;
	v15 =	vsub.f32 v15, v35;
	v46 =	vpack.i.f32.bf16 v35, v35  }
0x3f9: {  	v28 =	vld [tilespmem:s12+$0xE2C0];
	(xrf2) =	vadd.scan.msk.f32 $0xffff, v11;
	v9 =	vsel vm5, v9, v38;
	v38 =	vunpack.i.l.bf16.f32 v12;
	v42 =	vmul.bf16 v45, v16  }
0x3fa: {  	(xrf2) =	vadd.scan.msk.f32 $0xffff, v62;
	v39 =	vld [tilespmem:s12+$0x102B0];
	v49, _, _ =	vpop (xrf2);
	v13 =	vmul.bf16 v57, v16;
	v1 =	vsel vm5, v1, v41;
	v41 =	vpack.i.f32.bf16 v60, v60  }
0x3fb: {  	(xrf2) =	vadd.scan.msk.f32 $0xffff, v14;
	v45 =	vld.idx.msk [tilespmem:v55+s30+$0x0], $0xffff;
	v23 =	vbroadcast v49, $0xF;
	v15 =	vpack.i.f32.bf16 v15, v15;
	v43 =	vmul.bf16 v47, v41  }
0x3fc: {  	(xrf2) =	vadd.scan.msk.f32 $0xffff, v32;
	v12 =	vunpack.i.u.bf16.f32 v12;
	v11 =	vmul.bf16 v61, v41;
	v47 =	vmul.bf16 v63, v15  }
0x3fd: {  	v57 =	vmul.bf16 v44, v15;
	v3 =	vsel vm5, v3, v23;
	v50 =	vmul.bf16 v36, v46;
	v52 =	vld.idx.msk [tilespmem:v40+s8+$0x0], $0xffff  }
0x3fe: {  	v59 =	vld.idx.msk [tilespmem:v40+s30+$0x0], $0xffff;
	v40 =	vadd.s32 v0, v28;
	v14 =	vadd.bf16 v43, v42;
	v11 =	vadd.bf16 v11, v13  }
0x3ff: {  	(xrf2) =	vadd.scan.msk.f32 $0xffff, v38;
	v51 =	vmul.f32 v21, v39;
	v42 =	vadd.s32 v2, v28;
	v13 =	vadd.bf16 v50, v47  }
0x400: {  	v48 =	vld.idx.msk [tilespmem:v37+s8+$0x0], $0xffff;
	v58 =	vmul.bf16 v45, v46;
	v53 =	vunpack.i.u.bf16.f32 v14;
	v14 =	vunpack.i.l.bf16.f32 v14  }
0x401: {  	(xrf2) =	vadd.scan.msk.f32 $0xffff, v12;
	v56 =	vld.idx.msk [tilespmem:v37+s30+$0x0], $0xffff;
	v60, _, _ =	vpop (xrf2);
	v54 =	vunpack.i.u.bf16.f32 v11;
	v55 =	vsub.f32 v21, v51;
	v11 =	vunpack.i.l.bf16.f32 v11  }
0x402: {  	v63 =	vpack.i.f32.bf16 v51, v51;
	v25, _, _ =	vpop (xrf2);
	v17 =	vbroadcast v60, $0xF;
	v61 =	vunpack.i.l.bf16.f32 v13  }
0x403: {  	v46 =	vld [tilespmem:s12+$0xE2D0];
	(xrf2) =	vadd.scan.msk.f32 $0xffff, v14;
	v12 =	vadd.bf16 v58, v57;
	v13 =	vunpack.i.u.bf16.f32 v13;
	v30 =	vbroadcast v25, $0xF  }
0x404: {  	v29, _, _ =	vpop (xrf2);
	(xrf2) =	vadd.scan.msk.f32 $0xffff, v53;
	v62 =	vpack.i.f32.bf16 v55, v55;
	v27 =	vmul.bf16 v52, v63;
	v16 =	vmul.bf16 v59, v63  }
0x405: {  	v31, _, _ =	vpop (xrf2);
	v10 =	vsel vm6, v10, v17;
	v35 =	vbroadcast v29, $0xF;
	(xrf2) =	vadd.scan.msk.f32 $0xffff, v11;
	v26 =	vmul.bf16 v48, v62  }
0x406: {  	v51 =	vld [tilespmem:s12+$0x102C0];
	v32 =	vunpack.i.l.bf16.f32 v12;
	v33, _, _ =	vpop (xrf2);
	v12 =	vunpack.i.u.bf16.f32 v12;
	v34 =	vmul.bf16 v56, v62;
	(xrf2) =	vadd.scan.msk.f32 $0xffff, v54  }
0x407: {  	v63 =	vld [tilespmem:s12+$0xE2E0];
	v9 =	vsel vm6, v9, v30;
	v43 =	vbroadcast v31, $0xF;
	v36, _, _ =	vpop (xrf2);
	v1 =	vsel vm6, v1, v35  }
0x408: {  	v15 =	vbroadcast v33, $0xF;
	v59 =	vadd.s32 v0, v46;
	(xrf2) =	vadd.scan.msk.f32 $0xffff, v61;
	v18 =	vbroadcast v36, $0xF;
	v36 =	vld [tilespmem:s12+$0x122D0]  }
0x409: {  	v48 =	vld [tilespmem:s12+$0x122C0];
	v21 =	vadd.s32 v2, v46;
	v14 =	vadd.bf16 v27, v26;
	v38, _, _ =	vpop (xrf2);
	v39 =	vadd.bf16 v16, v34  }
0x40a: {  	v46 =	vld [tilespmem:s12+$0xE2F0];
	v3 =	vsel vm6, v3, v43;
	(xrf2) =	vadd.scan.msk.f32 $0xffff, v13;
	v11 =	vbroadcast v38, $0xF;
	v10 =	vsel vm7, v10, v15  }
0x40b: {  	v56 =	vld.idx.msk [tilespmem:v42+s8+$0x0], $0xffff;
	v41, _, _ =	vpop (xrf2);
	(xrf2) =	vadd.scan.msk.f32 $0xffff, v32;
	v37 =	vunpack.i.l.bf16.f32 v14;
	v14 =	vunpack.i.u.bf16.f32 v14;
	v45 =	vunpack.i.l.bf16.f32 v39  }
0x40c: {  	s15 =	sor.u32 $0x30, s15;
	v33 =	vld [tilespmem:s12+$0x102D0];
	v16 =	vbroadcast v41, $0xF;
	v9 =	vsel vm7, v9, v18;
	v24 =	vadd.s32 v2, v63;
	(xrf2) =	vadd.scan.msk.f32 $0xffff, v12  }
0x40d: {  	s22 =	sshll.u32 s15, $0x4;
	v43 =	vld [tilespmem:s12+$0x122E0];
	v12 =	vunpack.i.u.bf16.f32 v39;
	v1 =	vsel vm7, v1, v11;
	(xrf2) =	vadd.scan.msk.f32 $0xffff, v37;
	v23 =	vmul.f32 v36, v4;
	v44, _, _ =	vpop (xrf2)  }
0x40e: {  	v30 =	vld [tilespmem:s22+$0xE000];
	v3 =	vsel vm7, v3, v16;
	(xrf2) =	vadd.scan.msk.f32 $0xffff, v14;
	v14 =	vmul.f32 v48, v4;
	v47, _, _ =	vpop (xrf2);
	v49 =	vbroadcast v44, $0xF  }
0x40f: {  	v17 =	vld.idx.msk [tilespmem:v42+s30+$0x0], $0xffff;
	(xrf2) =	vadd.scan.msk.f32 $0xffff, v45;
	v44 =	vadd.s32 v0, v63;
	v63 =	vadd.s32 v2, v46;
	v50, _, _ =	vpop (xrf2);
	v52 =	vbroadcast v47, $0xF  }
0x410: {  	v54 =	vld.idx.msk [tilespmem:v40+s8+$0x0], $0xffff;
	(xrf2) =	vadd.scan.msk.f32 $0xffff, v12;
	v12 =	vmul.f32 v14, v51;
	v53, _, _ =	vpop (xrf2);
	v10 =	vsel vm8, v10, v49;
	v57 =	vbroadcast v50, $0xF  }
0x411: {  	v45 =	vld [tilespmem:s12+$0x102E0];
	v50 =	vmul.f32 v23, v33;
	v9 =	vsel vm8, v9, v52;
	v18 =	vbroadcast v53, $0xF  }
0x412: {  	v13 =	vld.idx.msk [tilespmem:v40+s30+$0x0], $0xffff;
	v55, _, _ =	vpop (xrf2);
	v14 =	vsub.f32 v14, v12;
	v12 =	vpack.i.f32.bf16 v12, v12;
	v52 =	vmul.f32 v43, v4  }
0x413: {  	v38 =	vld.idx.msk [tilespmem:v59+s8+$0x0], $0xffff;
	v43 =	vadd.s32 v0, v30;
	v1 =	vsel vm8, v1, v57;
	v11 =	vbroadcast v55, $0xF  }
0x414: {  	v41 =	vld.idx.msk [tilespmem:v21+s8+$0x0], $0xffff;
	v58, _, _ =	vpop (xrf2);
	v16 =	vmul.bf16 v56, v12;
	v12 =	vmul.bf16 v17, v12;
	v55 =	vsub.f32 v23, v50  }
0x415: {  	v48 =	vld.idx.msk [tilespmem:v59+s30+$0x0], $0xffff;
	v60, _, _ =	vpop (xrf2);
	v61 =	vbroadcast v58, $0xF;
	v3 =	vsel vm8, v3, v18;
	v14 =	vpack.i.f32.bf16 v14, v14  }
0x416: {  	v56 =	vld [tilespmem:s12+$0x122F0];
	v58 =	vmul.f32 v52, v45;
	v31 =	vbroadcast v60, $0xF;
	v10 =	vsel vm9, v10, v11  }
0x417: {  	v59 =	vld.idx.msk [tilespmem:v24+s8+$0x0], $0xffff;
	v62, _, _ =	vpop (xrf2);
	v22 =	vmul.bf16 v54, v14;
	v47 =	vmul.bf16 v13, v14;
	v60 =	vadd.s32 v0, v46  }
0x418: {  	v51 =	vld.idx.msk [tilespmem:v21+s30+$0x0], $0xffff;
	v32, _, _ =	vpop (xrf2);
	v34 =	vbroadcast v62, $0xF;
	v9 =	vsel vm9, v9, v61;
	v61 =	vpack.i.f32.bf16 v55, v55  }
0x419: {  	v53 =	vld.idx.msk [tilespmem:v44+s8+$0x0], $0xffff;
	v35 =	vbroadcast v32, $0xF;
	v1 =	vsel vm9, v1, v31;
	v49 =	vadd.bf16 v16, v22  }
0x41a: {  	v28 =	vld.idx.msk [tilespmem:v44+s30+$0x0], $0xffff;
	v11 =	vadd.bf16 v12, v47;
	v18 =	vmul.bf16 v38, v61;
	v12 =	vsub.f32 v52, v58  }
0x41b: {  	v62 =	vld [tilespmem:s12+$0x102F0];
	v13 =	vmul.bf16 v48, v61;
	v37, _, _ =	vpop (xrf2);
	v3 =	vsel vm9, v3, v34;
	v33 =	vmul.f32 v56, v4  }
0x41c: {  	v32 =	vld.idx.msk [tilespmem:v24+s30+$0x0], $0xffff;
	v34 =	vpack.i.f32.bf16 v58, v58;
	v10 =	vsel vm10, v10, v35;
	v39 =	vbroadcast v37, $0xF  }
0x41d: {  	v55 =	vld.idx.msk [tilespmem:v43+s8+$0x0], $0xffff;
	v40, _, _ =	vpop (xrf2);
	v54 =	vunpack.i.u.bf16.f32 v49;
	v14 =	vunpack.i.l.bf16.f32 v49;
	v57 =	vunpack.i.l.bf16.f32 v11  }
0x41e: {  	v12 =	vpack.i.f32.bf16 v12, v12;
	v23 =	vmul.bf16 v59, v34;
	v37 =	vld.idx.msk [tilespmem:v63+s8+$0x0], $0xffff;
	v15 =	vbroadcast v40, $0xF  }
0x41f: {  	v11 =	vunpack.i.u.bf16.f32 v11;
	v42, _, _ =	vpop (xrf2);
	v17 =	vmul.bf16 v53, v12;
	v35 =	vld.idx.msk [tilespmem:v60+s8+$0x0], $0xffff;
	v12 =	vmul.bf16 v28, v12  }
0x420: {  	(xrf2) =	vadd.scan.msk.f32 $0xffff, v14;
	v40 =	vld [tilespmem:s22+$0x12000];
	v26 =	vbroadcast v42, $0xF;
	v9 =	vsel vm10, v9, v39;
	v21 =	vmul.f32 v33, v62  }
0x421: {  	v47 =	vld.idx.msk [tilespmem:v60+s30+$0x0], $0xffff;
	v1 =	vsel vm10, v1, v15;
	v15 =	vpack.i.f32.bf16 v50, v50;
	v14 =	vmul.bf16 v32, v34  }
0x422: {  	(xrf2) =	vadd.scan.msk.f32 $0xffff, v54;
	v3 =	vsel vm10, v3, v26;
	v19 =	vmul.bf16 v41, v15;
	v29 =	vmul.bf16 v51, v15  }
0x423: {  	(xrf2) =	vadd.scan.msk.f32 $0xffff, v57;
	v41 =	vadd.bf16 v23, v17;
	v42 =	vsub.f32 v33, v21;
	v46 =	vpack.i.f32.bf16 v21, v21  }
0x424: {  	v44 =	vld [tilespmem:s22+$0x10000];
	(xrf2) =	vadd.scan.msk.f32 $0xffff, v11;
	v15 =	vadd.s32 v2, v30;
	v12 =	vadd.bf16 v14, v12;
	v50 =	vmul.bf16 v37, v46  }
0x425: {  	v51 =	vld [tilespmem:s12+$0xE310];
	v31 =	vadd.bf16 v19, v18;
	v13 =	vadd.bf16 v29, v13;
	v45 =	vunpack.i.l.bf16.f32 v41  }
0x426: {  	v53 =	vld.idx.msk [tilespmem:v63+s30+$0x0], $0xffff;
	v17 =	vpack.i.f32.bf16 v42, v42;
	v11 =	vunpack.i.u.bf16.f32 v41;
	v25 =	vmul.f32 v40, v4  }
0x427: {  	v40 =	vld [tilespmem:s12+$0x12310];
	v49 =	vmul.bf16 v35, v17;
	v54 =	vunpack.i.l.bf16.f32 v12;
	v12 =	vunpack.i.u.bf16.f32 v12  }
0x428: {  	v34 =	vld [tilespmem:s12+$0xE320];
	v17 =	vmul.bf16 v47, v17;
	v36 =	vunpack.i.u.bf16.f32 v31;
	v38 =	vunpack.i.l.bf16.f32 v31  }
0x429: {  	v37 =	vld [tilespmem:s12+$0x10310];
	v39 =	vunpack.i.u.bf16.f32 v13;
	v57 =	vmul.f32 v25, v44;
	(xrf2) =	vadd.scan.msk.f32 $0xffff, v38;
	v14 =	vadd.bf16 v50, v49  }
0x42a: {  	v13 =	vunpack.i.l.bf16.f32 v13;
	v58 =	vld.idx.msk [tilespmem:v15+s8+$0x0], $0xffff;
	v61 =	vadd.s32 v0, v51;
	v63 =	vadd.s32 v2, v51;
	(xrf2) =	vadd.scan.msk.f32 $0xffff, v36  }
0x42b: {  	v19 =	vld.idx.msk [tilespmem:v43+s30+$0x0], $0xffff;
	v60 =	vsub.f32 v25, v57;
	(xrf2) =	vadd.scan.msk.f32 $0xffff, v13;
	v48, _, _ =	vpop (xrf2);
	v59 =	vunpack.i.l.bf16.f32 v14;
	v13 =	vmul.bf16 v53, v46  }
0x42c: {  	v15 =	vld.idx.msk [tilespmem:v15+s30+$0x0], $0xffff;
	v14 =	vunpack.i.u.bf16.f32 v14;
	v26 =	vmul.f32 v40, v4;
	(xrf2) =	vadd.scan.msk.f32 $0xffff, v39;
	v52, _, _ =	vpop (xrf2);
	v22 =	vbroadcast v48, $0xF  }
0x42d: {  	v53 =	vld [tilespmem:s12+$0xE330];
	v48 =	vadd.s32 v0, v34;
	(xrf2) =	vadd.scan.msk.f32 $0xffff, v45;
	v24 =	vbroadcast v52, $0xF;
	v56, _, _ =	vpop (xrf2);
	v13 =	vadd.bf16 v13, v17  }
0x42e: {  	(xrf2) =	vadd.scan.msk.f32 $0xffff, v11;
	v10 =	vsel vm11, v10, v22;
	v22 =	vbroadcast v56, $0xF;
	v62, _, _ =	vpop (xrf2);
	v11 =	vpack.i.f32.bf16 v57, v57  }
0x42f: {  	v43 =	vld.idx.msk [tilespmem:v61+s8+$0x0], $0xffff;
	(xrf2) =	vadd.scan.msk.f32 $0xffff, v54;
	v9 =	vsel vm11, v9, v24;
	v32 =	vbroadcast v62, $0xF;
	v36 =	vmul.bf16 v58, v11  }
0x430: {  	v45 =	vld.idx.msk [tilespmem:v63+s8+$0x0], $0xffff;
	v42 =	vunpack.i.l.bf16.f32 v13;
	v58 =	vmul.f32 v26, v37;
	(xrf2) =	vadd.scan.msk.f32 $0xffff, v12;
	v12 =	vpack.i.f32.bf16 v60, v60  }
0x431: {  	v18 =	vld.idx.msk [tilespmem:v63+s30+$0x0], $0xffff;
	v13 =	vunpack.i.u.bf16.f32 v13;
	v11 =	vmul.bf16 v15, v11;
	v16 =	vmul.bf16 v55, v12  }
0x432: {  	v24 =	vld.idx.msk [tilespmem:v61+s30+$0x0], $0xffff;
	v1 =	vsel vm11, v1, v22;
	v63 =	vadd.s32 v0, v53;
	v12 =	vmul.bf16 v19, v12  }
0x433: {  	v50 =	vld [tilespmem:s12+$0x12320];
	(xrf2) =	vadd.scan.msk.f32 $0xffff, v59;
	v3 =	vsel vm11, v3, v32;
	v61 =	vsub.f32 v26, v58;
	v33, _, _ =	vpop (xrf2);
	v16 =	vadd.bf16 v36, v16  }
0x434: {  	v56 =	vld [tilespmem:s12+$0x10320];
	(xrf2) =	vadd.scan.msk.f32 $0xffff, v14;
	v14 =	vadd.s32 v2, v34;
	v12 =	vadd.bf16 v11, v12;
	v34 =	vadd.s32 v2, v53;
	v35, _, _ =	vpop (xrf2)  }
0x435: {  	v19 =	vpack.i.f32.bf16 v61, v61;
	v36 =	vld [tilespmem:s12+$0xE340];
	v21 =	vbroadcast v33, $0xF;
	v38 =	vbroadcast v35, $0xF  }
0x436: {  	v33 =	vld [tilespmem:s12+$0x12330];
	v17 =	vmul.bf16 v43, v19;
	v39, _, _ =	vpop (xrf2);
	v47 =	vunpack.i.l.bf16.f32 v16;
	v16 =	vunpack.i.u.bf16.f32 v16  }
0x437: {  	v41, _, _ =	vpop (xrf2);
	v10 =	vsel vm12, v10, v21;
	(xrf2) =	vadd.scan.msk.f32 $0xffff, v42;
	v25 =	vbroadcast v39, $0xF;
	v9 =	vsel vm12, v9, v38  }
0x438: {  	v59 =	vld.idx.msk [tilespmem:v48+s8+$0x0], $0xffff;
	v44, _, _ =	vpop (xrf2);
	(xrf2) =	vadd.scan.msk.f32 $0xffff, v13;
	v20 =	vbroadcast v41, $0xF;
	v13 =	vmul.f32 v50, v4;
	v38 =	vunpack.i.l.bf16.f32 v12  }
0x439: {  	v62 =	vld.idx.msk [tilespmem:v48+s30+$0x0], $0xffff;
	v12 =	vunpack.i.u.bf16.f32 v12;
	v41 =	vmul.bf16 v24, v19;
	v46, _, _ =	vpop (xrf2);
	v21 =	vbroadcast v44, $0xF  }
0x43a: {  	v39 =	vld [tilespmem:s12+$0x10330];
	(xrf2) =	vadd.scan.msk.f32 $0xffff, v47;
	v1 =	vsel vm12, v1, v25;
	v47 =	vadd.s32 v0, v36;
	v51 =	vbroadcast v46, $0xF  }
0x43b: {  	v42 =	vld.idx.msk [tilespmem:v63+s8+$0x0], $0xffff;
	v49, _, _ =	vpop (xrf2);
	v3 =	vsel vm12, v3, v20;
	v25 =	vmul.f32 v13, v56;
	v43 =	vmul.f32 v33, v4  }
0x43c: {  	v60 =	vld.idx.msk [tilespmem:v14+s8+$0x0], $0xffff;
	v52, _, _ =	vpop (xrf2);
	v29 =	vbroadcast v49, $0xF;
	v10 =	vsel vm13, v10, v21;
	v21 =	vpack.i.f32.bf16 v58, v58  }
0x43d: {  	v14 =	vld.idx.msk [tilespmem:v14+s30+$0x0], $0xffff;
	v54 =	vbroadcast v52, $0xF;
	v9 =	vsel vm13, v9, v51;
	v22 =	vmul.bf16 v45, v21  }
0x43e: {  	v44 =	vld.idx.msk [tilespmem:v34+s8+$0x0], $0xffff;
	v13 =	vsub.f32 v13, v25;
	v18 =	vmul.bf16 v18, v21;
	v45 =	vpack.i.f32.bf16 v25, v25  }
0x43f: {  	v53 =	vld.idx.msk [tilespmem:v34+s30+$0x0], $0xffff;
	v55, _, _ =	vpop (xrf2);
	v48 =	vmul.f32 v43, v39;
	v51 =	vadd.s32 v2, v36;
	v1 =	vsel vm13, v1, v29  }
0x440: {  	(xrf2) =	vadd.scan.msk.f32 $0xffff, v16;
	v49 =	vld [tilespmem:s12+$0x12340];
	v10 =	vsel vm14, v10, v55;
	v3 =	vsel vm13, v3, v54;
	v40 =	vadd.bf16 v22, v17  }
0x441: {  	(xrf2) =	vadd.scan.msk.f32 $0xffff, v38;
	v52 =	vld [tilespmem:s12+$0xE350];
	v13 =	vpack.i.f32.bf16 v13, v13;
	v17 =	vadd.bf16 v18, v41;
	v21 =	vsub.f32 v43, v48  }
0x442: {  	v46 =	vld.idx.msk [tilespmem:v63+s30+$0x0], $0xffff;
	v57, _, _ =	vpop (xrf2);
	v14 =	vmul.bf16 v14, v45;
	v58 =	vpack.i.f32.bf16 v48, v48;
	v23 =	vmul.bf16 v59, v13  }
0x443: {  	(xrf2) =	vadd.scan.msk.f32 $0xffff, v12;
	v55 =	vld [tilespmem:s12+$0x10340];
	v9 =	vsel vm14, v9, v57;
	v13 =	vmul.bf16 v62, v13;
	v22 =	vmul.bf16 v44, v58  }
0x444: {  	v39 =	vld.idx.msk [tilespmem:v47+s30+$0x0], $0xffff;
	v50 =	vunpack.i.l.bf16.f32 v40;
	v16 =	vunpack.i.u.bf16.f32 v40;
	v54 =	vunpack.i.l.bf16.f32 v17  }
0x445: {  	v57 =	vld.idx.msk [tilespmem:v47+s8+$0x0], $0xffff;
	v17 =	vunpack.i.u.bf16.f32 v17;
	v21 =	vpack.i.f32.bf16 v21, v21;
	v27 =	vmul.f32 v49, v4  }
0x446: {  	v34 =	vld [tilespmem:s12+$0xE370];
	v35, _, _ =	vpop (xrf2);
	(xrf2) =	vadd.scan.msk.f32 $0xffff, v50;
	v13 =	vadd.bf16 v14, v13;
	v59 =	vmul.bf16 v42, v21;
	v63 =	vadd.s32 v0, v52  }
0x447: {  	v62 =	vld.idx.msk [tilespmem:v51+s8+$0x0], $0xffff;
	v29 =	vadd.s32 v2, v52;
	v44 =	vmul.bf16 v46, v21;
	v37, _, _ =	vpop (xrf2);
	v11 =	vsel vm14, v1, v35  }
0x448: {  	v20 =	vmul.f32 v27, v55;
	v1, _, _ =	vpop (xrf2);
	v12 =	vsel vm14, v3, v37;
	v3 =	vmul.bf16 v60, v45;
	v60 =	vld [tilespmem:s12+$0x12350]  }
0x449: {  	v14 =	vmul.bf16 v53, v58;
	(xrf2) =	vadd.scan.msk.f32 $0xffff, v16;
	v37 =	vld [tilespmem:s12+$0x10350];
	v15 =	vadd.bf16 v22, v59;
	v1 =	vbroadcast v1, $0xF  }
0x44a: {  	(xrf2) =	vadd.scan.msk.f32 $0xffff, v54;
	v54 =	vld [tilespmem:s12+$0xE360];
	v61, _, _ =	vpop (xrf2);
	v43 =	vsub.f32 v27, v20;
	v20 =	vpack.i.f32.bf16 v20, v20;
	v3 =	vadd.bf16 v3, v23  }
0x44b: {  	(xrf2) =	vadd.scan.msk.f32 $0xffff, v17;
	v19 =	vbroadcast v61, $0xF;
	v36, _, _ =	vpop (xrf2);
	v42 =	vunpack.i.l.bf16.f32 v15;
	v15 =	vunpack.i.u.bf16.f32 v15;
	v45 =	vld.idx.msk [tilespmem:v63+s8+$0x0], $0xffff  }
0x44c: {  	v40 =	vbroadcast v36, $0xF;
	v18 =	vpack.i.f32.bf16 v43, v43;
	v46 =	vld.idx.msk [tilespmem:v29+s8+$0x0], $0xffff;
	v56 =	vunpack.i.l.bf16.f32 v3  }
0x44d: {  	v38, _, _ =	vpop (xrf2);
	v48 =	vmul.bf16 v62, v20;
	v49 =	vld.idx.msk [tilespmem:v63+s30+$0x0], $0xffff;
	v3 =	vunpack.i.u.bf16.f32 v3;
	(xrf2) =	vadd.scan.msk.f32 $0xffff, v56;
	v17 =	vmul.f32 v60, v4  }
0x44e: {  	v50 =	vld.idx.msk [tilespmem:v29+s30+$0x0], $0xffff;
	v41 =	vbroadcast v38, $0xF;
	v47 =	vmul.bf16 v57, v18;
	(xrf2) =	vadd.scan.msk.f32 $0xffff, v3;
	v3 =	vunpack.i.l.bf16.f32 v13  }
0x44f: {  	v18 =	vmul.bf16 v39, v18;
	v13 =	vunpack.i.u.bf16.f32 v13;
	(xrf2) =	vadd.scan.msk.f32 $0xffff, v3;
	v3 =	vld.idx.msk [tilespmem:v51+s30+$0x0], $0xffff;
	v16 =	vmul.f32 v17, v37  }
0x450: {  	v63 =	vadd.s32 v0, v54;
	(xrf2) =	vadd.scan.msk.f32 $0xffff, v13;
	v13 =	vadd.bf16 v14, v44;
	v14 =	vadd.bf16 v48, v47  }
0x451: {  	v52, _, _ =	vpop (xrf2);
	v47 =	vadd.s32 v0, v34;
	v17 =	vsub.f32 v17, v16;
	v16 =	vpack.i.f32.bf16 v16, v16  }
0x452: {  	v22 =	vbroadcast v52, $0xF;
	v51 =	vunpack.i.u.bf16.f32 v13;
	v13 =	vunpack.i.l.bf16.f32 v13  }
0x453: {  	(xrf2) =	vadd.scan.msk.f32 $0xffff, v42;
	v55, _, _ =	vpop (xrf2);
	v56 =	vunpack.i.l.bf16.f32 v14;
	v23 =	vmul.bf16 v46, v16;
	v14 =	vunpack.i.u.bf16.f32 v14  }
0x454: {  	(xrf2) =	vadd.scan.msk.f32 $0xffff, v15;
	v57, _, _ =	vpop (xrf2);
	v16 =	vmul.bf16 v50, v16;
	v53 =	vpack.i.f32.bf16 v17, v17;
	v3 =	vmul.bf16 v3, v20  }
0x455: {  	(xrf2) =	vadd.scan.msk.f32 $0xffff, v13;
	v59, _, _ =	vpop (xrf2);
	v1 =	vsel vm0, v1, v22;
	v21 =	vmul.bf16 v45, v53;
	v13 =	vmul.bf16 v49, v53  }
0x456: {  	v25 =	vbroadcast v57, $0xF;
	(xrf2) =	vadd.scan.msk.f32 $0xffff, v51;
	v30 =	vbroadcast v59, $0xF;
	v51 =	vld [tilespmem:s12+$0xE380];
	v3 =	vadd.bf16 v3, v18  }
0x457: {  	(xrf2) =	vadd.scan.msk.f32 $0xffff, v56;
	v60 =	vadd.bf16 v23, v21;
	v18 =	vbroadcast v55, $0xF;
	v13 =	vadd.bf16 v16, v13  }
0x458: {  	v36 =	vld [tilespmem:s12+$0x12360];
	(xrf2) =	vadd.scan.msk.f32 $0xffff, v14;
	v21 =	vsel vm0, v40, v25;
	v23 =	vadd.s32 v2, v34;
	v58 =	vunpack.i.l.bf16.f32 v3  }
0x459: {  	v38 =	vld [tilespmem:s12+$0x10360];
	v61, _, _ =	vpop (xrf2);
	v3 =	vunpack.i.u.bf16.f32 v3;
	v14 =	vunpack.i.u.bf16.f32 v60;
	v29 =	vsel vm0, v19, v18  }
0x45a: {  	v53 =	vld [tilespmem:s12+$0x10370];
	v62, _, _ =	vpop (xrf2);
	v33 =	vunpack.i.l.bf16.f32 v13;
	v20 =	vbroadcast v61, $0xF;
	v18 =	vsel vm0, v41, v30  }
0x45b: {  	v59 =	vld [tilespmem:s12+$0x12380];
	v13 =	vunpack.i.u.bf16.f32 v13;
	(xrf2) =	vadd.scan.msk.f32 $0xffff, v58;
	v28, _, _ =	vpop (xrf2);
	v15 =	vbroadcast v62, $0xF;
	v61 =	vadd.s32 v0, v51  }
0x45c: {  	v57 =	vld.idx.msk [tilespmem:v47+s8+$0x0], $0xffff;
	(xrf2) =	vadd.scan.msk.f32 $0xffff, v3;
	v3 =	vunpack.i.l.bf16.f32 v60;
	v32, _, _ =	vpop (xrf2);
	v22 =	vbroadcast v28, $0xF;
	v1 =	vsel vm1, v1, v20  }
0x45d: {  	v16 =	vld.idx.msk [tilespmem:v63+s30+$0x0], $0xffff;
	(xrf2) =	vadd.scan.msk.f32 $0xffff, v3;
	v3 =	vadd.s32 v2, v54;
	v35, _, _ =	vpop (xrf2);
	v19 =	vbroadcast v32, $0xF;
	v15 =	vsel vm1, v29, v15  }
0x45e: {  	v62 =	vld [tilespmem:s12+$0x10380];
	v29 =	vadd.s32 v2, v51;
	(xrf2) =	vadd.scan.msk.f32 $0xffff, v14;
	v37, _, _ =	vpop (xrf2);
	v39 =	vbroadcast v35, $0xF;
	v14 =	vmul.f32 v36, v4  }
0x45f: {  	v55 =	vld [tilespmem:s12+$0x12370];
	v21 =	vsel vm1, v21, v22;
	v40, _, _ =	vpop (xrf2);
	v18 =	vsel vm1, v18, v19;
	v42 =	vbroadcast v37, $0xF  }
0x460: {  	v41 =	vld.idx.msk [tilespmem:v63+s8+$0x0], $0xffff;
	v43, _, _ =	vpop (xrf2);
	v1 =	vsel vm2, v1, v39;
	v45 =	vbroadcast v40, $0xF;
	v26 =	vmul.f32 v14, v38  }
0x461: {  	v37 =	vld [tilespmem:s12+$0xE390];
	v40 =	vmul.f32 v59, v4;
	v46, _, _ =	vpop (xrf2);
	v15 =	vsel vm2, v15, v42;
	v48 =	vbroadcast v43, $0xF  }
0x462: {  	(xrf2) =	vadd.scan.msk.f32 $0xffff, v33;
	v44 =	vld.idx.msk [tilespmem:v3+s8+$0x0], $0xffff;
	v49, _, _ =	vpop (xrf2);
	v20 =	vbroadcast v46, $0xF;
	v17 =	vsel vm2, v21, v45;
	v14 =	vsub.f32 v14, v26  }
0x463: {  	v3 =	vld.idx.msk [tilespmem:v3+s30+$0x0], $0xffff;
	v26 =	vpack.i.f32.bf16 v26, v26;
	v42 =	vmul.f32 v40, v62;
	v22 =	vbroadcast v49, $0xF  }
0x464: {  	v46 =	vld [tilespmem:s12+$0x12390];
	v18 =	vsel vm2, v18, v48;
	v1 =	vsel vm3, v1, v20;
	v14 =	vpack.i.f32.bf16 v14, v14  }
0x465: {  	v51 =	vld [tilespmem:s12+$0x10390];
	v20 =	vmul.f32 v55, v4;
	v48 =	vsub.f32 v40, v42;
	v50, _, _ =	vpop (xrf2);
	v24 =	vmul.bf16 v41, v14  }
0x466: {  	v43 =	vld.idx.msk [tilespmem:v29+s8+$0x0], $0xffff;
	v49 =	vadd.s32 v0, v37;
	v14 =	vmul.bf16 v16, v14;
	v52, _, _ =	vpop (xrf2);
	v28 =	vbroadcast v50, $0xF  }
0x467: {  	v55 =	vld.idx.msk [tilespmem:v29+s30+$0x0], $0xffff;
	v15 =	vsel vm3, v15, v22;
	v38 =	vmul.f32 v20, v53;
	v21 =	vbroadcast v52, $0xF  }
0x468: {  	v62 =	vld [tilespmem:s12+$0x123A0];
	v16 =	vadd.s32 v2, v37;
	v54, _, _ =	vpop (xrf2);
	v63 =	vmul.bf16 v44, v26;
	v3 =	vmul.bf16 v3, v26  }
0x469: {  	v60 =	vld.idx.msk [tilespmem:v23+s8+$0x0], $0xffff;
	v30 =	vmul.f32 v46, v4;
	v17 =	vsel vm3, v17, v28;
	v56, _, _ =	vpop (xrf2);
	v19 =	vbroadcast v54, $0xF  }
0x46a: {  	v39 =	vld.idx.msk [tilespmem:v23+s30+$0x0], $0xffff;
	v20 =	vsub.f32 v20, v38;
	v54 =	vpack.i.f32.bf16 v42, v42;
	v22 =	vbroadcast v56, $0xF  }
0x46b: {  	v35 =	vld [tilespmem:s12+$0x103A0];
	(xrf2) =	vadd.scan.msk.f32 $0xffff, v13;
	v18 =	vsel vm3, v18, v21;
	v13 =	vadd.bf16 v63, v24;
	v24 =	vmul.bf16 v43, v54  }
0x46c: {  	v41 =	vld.idx.msk [tilespmem:v61+s8+$0x0], $0xffff;
	v58, _, _ =	vpop (xrf2);
	v3 =	vadd.bf16 v3, v14;
	v59 =	vmul.f32 v30, v51;
	v21 =	vmul.bf16 v55, v54  }
0x46d: {  	v53 =	vld.idx.msk [tilespmem:v61+s30+$0x0], $0xffff;
	v43 =	vmul.f32 v62, v4;
	v31 =	vbroadcast v58, $0xF;
	v1 =	vsel vm4, v1, v19  }
0x46e: {  	v36 =	vld.idx.msk [tilespmem:v47+s30+$0x0], $0xffff;
	v47 =	vpack.i.f32.bf16 v20, v20;
	v19 =	vpack.i.f32.bf16 v38, v38;
	v20 =	vpack.i.f32.bf16 v48, v48  }
0x46f: {  	v58 =	vld.idx.msk [tilespmem:v49+s8+$0x0], $0xffff;
	v15 =	vsel vm4, v15, v22;
	v44 =	vunpack.i.u.bf16.f32 v13;
	v13 =	vunpack.i.l.bf16.f32 v13  }
0x470: {  	v45 =	vunpack.i.l.bf16.f32 v3;
	v50 =	vmul.bf16 v57, v47;
	v52 =	vmul.bf16 v60, v19;
	v57 =	vld [tilespmem:s12+$0xE3A0]  }
0x471: {  	v19 =	vmul.bf16 v39, v19;
	v14 =	vmul.bf16 v41, v20;
	v60 =	vld.idx.msk [tilespmem:v16+s8+$0x0], $0xffff;
	v28 =	vsub.f32 v30, v59  }
0x472: {  	v3 =	vunpack.i.u.bf16.f32 v3;
	v20 =	vmul.bf16 v53, v20;
	v16 =	vld.idx.msk [tilespmem:v16+s30+$0x0], $0xffff;
	v46 =	vmul.f32 v43, v35;
	(xrf2) =	vadd.scan.msk.f32 $0xffff, v13  }
0x473: {  	v17 =	vsel vm4, v17, v31;
	v13 =	vmul.bf16 v36, v47;
	(xrf2) =	vadd.scan.msk.f32 $0xffff, v44;
	v26 =	vadd.bf16 v52, v50  }
0x474: {  	v41 =	vld [tilespmem:s12+$0xE3B0];
	v14 =	vadd.bf16 v24, v14;
	v34 =	vpack.i.f32.bf16 v28, v28;
	v24 =	vpack.i.f32.bf16 v59, v59;
	(xrf2) =	vadd.scan.msk.f32 $0xffff, v45  }
0x475: {  	v50 =	vsub.f32 v43, v46;
	v13 =	vadd.bf16 v19, v13;
	(xrf2) =	vadd.scan.msk.f32 $0xffff, v3;
	v3 =	vunpack.i.l.bf16.f32 v26  }
0x476: {  	v23 =	vld.idx.msk [tilespmem:v49+s30+$0x0], $0xffff;
	v26 =	vunpack.i.u.bf16.f32 v26;
	v61 =	vunpack.i.l.bf16.f32 v14;
	(xrf2) =	vadd.scan.msk.f32 $0xffff, v3;
	v63 =	vadd.s32 v0, v57  }
0x477: {  	v3 =	vunpack.i.u.bf16.f32 v13;
	v13 =	vunpack.i.l.bf16.f32 v13;
	v36 =	vadd.s32 v2, v57;
	(xrf2) =	vadd.scan.msk.f32 $0xffff, v26  }
0x478: {  	v19 =	vmul.bf16 v58, v34;
	v14 =	vunpack.i.u.bf16.f32 v14;
	v38 =	vmul.bf16 v60, v24;
	v57 =	vld [tilespmem:s12+$0xE3C0];
	v56, _, _ =	vpop (xrf2);
	(xrf2) =	vadd.scan.msk.f32 $0xffff, v13  }
0x479: {  	v44 =	vmul.bf16 v16, v24;
	v51 =	vadd.s32 v0, v41;
	v29 =	vbroadcast v56, $0xF;
	(xrf2) =	vadd.scan.msk.f32 $0xffff, v3  }
0x47a: {  	v26 =	vadd.s32 v2, v41;
	v19 =	vadd.bf16 v38, v19;
	v3 =	vadd.bf16 v21, v20;
	(xrf2) =	vadd.scan.msk.f32 $0xffff, v61;
	v61 =	vld [tilespmem:s12+$0x123B0]  }
0x47b: {  	v13 =	vmul.bf16 v23, v34;
	v21 =	vpack.i.f32.bf16 v46, v46;
	v18 =	vsel vm4, v18, v29;
	v45 =	vld.idx.msk [tilespmem:v63+s8+$0x0], $0xffff  }
0x47c: {  	(xrf2) =	vadd.scan.msk.f32 $0xffff, v14;
	v42 =	vunpack.i.l.bf16.f32 v3;
	v3 =	vunpack.i.u.bf16.f32 v3;
	v47 =	vld.idx.msk [tilespmem:v36+s8+$0x0], $0xffff;
	v14 =	vpack.i.f32.bf16 v50, v50;
	v33, _, _ =	vpop (xrf2)  }
0x47d: {  	v55 =	vld.idx.msk [tilespmem:v36+s30+$0x0], $0xffff;
	v41 =	vadd.s32 v0, v57;
	v25 =	vadd.s32 v2, v57;
	(xrf2) =	vadd.scan.msk.f32 $0xffff, v42;
	v37, _, _ =	vpop (xrf2);
	v39 =	vbroadcast v33, $0xF  }
0x47e: {  	v59 =	vld [tilespmem:s12+$0x103B0];
	(xrf2) =	vadd.scan.msk.f32 $0xffff, v3;
	v3 =	vunpack.i.l.bf16.f32 v19;
	v19 =	vunpack.i.u.bf16.f32 v19;
	v40 =	vbroadcast v37, $0xF;
	v48, _, _ =	vpop (xrf2)  }
0x47f: {  	v20 =	vld.idx.msk [tilespmem:v51+s30+$0x0], $0xffff;
	(xrf2) =	vadd.scan.msk.f32 $0xffff, v3;
	v3 =	vadd.bf16 v44, v13;
	v1 =	vsel vm5, v1, v39;
	v49, _, _ =	vpop (xrf2);
	v52 =	vbroadcast v48, $0xF  }
0x480: {  	(xrf2) =	vadd.scan.msk.f32 $0xffff, v19;
	v19 =	vld.idx.msk [tilespmem:v63+s30+$0x0], $0xffff;
	v31 =	vmul.f32 v61, v4;
	v15 =	vsel vm5, v15, v40;
	v13 =	vbroadcast v49, $0xF  }
0x481: {  	v48 =	vld [tilespmem:s12+$0x123C0];
	v53, _, _ =	vpop (xrf2);
	v54 =	vunpack.i.l.bf16.f32 v3;
	v16 =	vmul.bf16 v45, v14;
	v23 =	vmul.bf16 v47, v21  }
0x482: {  	v63 =	vld.idx.msk [tilespmem:v51+s8+$0x0], $0xffff;
	v3 =	vunpack.i.u.bf16.f32 v3;
	v21 =	vmul.bf16 v55, v21;
	v56, _, _ =	vpop (xrf2);
	v24 =	vbroadcast v53, $0xF  }
0x483: {  	v45 =	vld [tilespmem:s12+$0xE3D0];
	(xrf2) =	vadd.scan.msk.f32 $0xffff, v54;
	v17 =	vsel vm5, v17, v52;
	v51 =	vmul.f32 v31, v59;
	v58, _, _ =	vpop (xrf2);
	v28 =	vbroadcast v56, $0xF  }
0x484: {  	v61 =	vld [tilespmem:s12+$0xE3E0];
	v13 =	vsel vm5, v18, v13;
	v60, _, _ =	vpop (xrf2);
	(xrf2) =	vadd.scan.msk.f32 $0xffff, v3;
	v3 =	vadd.bf16 v23, v16;
	v1 =	vsel vm6, v1, v24  }
0x485: {  	v49 =	vld [tilespmem:s12+$0x103C0];
	v22 =	vbroadcast v58, $0xF;
	v31 =	vsub.f32 v31, v51;
	v38 =	vbroadcast v60, $0xF  }
0x486: {  	v62, _, _ =	vpop (xrf2);
	v15 =	vsel vm6, v15, v28;
	v19 =	vmul.bf16 v19, v14;
	v55 =	vmul.f32 v48, v4  }
0x487: {  	v56 =	vld [tilespmem:s12+$0x123D0];
	v40 =	vunpack.i.l.bf16.f32 v3;
	v17 =	vsel vm6, v17, v22;
	v18 =	vbroadcast v62, $0xF  }
0x488: {  	v37 =	vld.idx.msk [tilespmem:v26+s8+$0x0], $0xffff;
	v36, _, _ =	vpop (xrf2);
	v53 =	vadd.s32 v0, v45;
	v32 =	vadd.s32 v2, v45;
	v59 =	vpack.i.f32.bf16 v31, v31  }
0x489: {  	v50 =	vld.idx.msk [tilespmem:v41+s8+$0x0], $0xffff;
	v3 =	vunpack.i.u.bf16.f32 v3;
	v31 =	vadd.s32 v2, v61;
	v23 =	vbroadcast v36, $0xF  }
0x48a: {  	v58 =	vld [tilespmem:s12+$0x103D0];
	v39, _, _ =	vpop (xrf2);
	v13 =	vsel vm6, v13, v38;
	v60 =	vmul.f32 v55, v49;
	v16 =	vmul.bf16 v63, v59  }
0x48b: {  	v45 =	vld [tilespmem:s12+$0x123E0];
	v57 =	vadd.bf16 v21, v19;
	v20 =	vmul.bf16 v20, v59;
	v42, _, _ =	vpop (xrf2);
	v43 =	vbroadcast v39, $0xF  }
0x48c: {  	v27 =	vld.idx.msk [tilespmem:v41+s30+$0x0], $0xffff;
	v1 =	vsel vm7, v1, v18;
	v41 =	vmul.f32 v56, v4;
	v46 =	vbroadcast v42, $0xF  }
0x48d: {  	v52 =	vld.idx.msk [tilespmem:v25+s8+$0x0], $0xffff;
	(xrf2) =	vadd.scan.msk.f32 $0xffff, v40;
	v44, _, _ =	vpop (xrf2);
	v23 =	vsel vm7, v15, v23;
	v63 =	vunpack.i.u.bf16.f32 v57;
	v33 =	vsub.f32 v55, v60  }
0x48e: {  	v25 =	vld.idx.msk [tilespmem:v25+s30+$0x0], $0xffff;
	v47, _, _ =	vpop (xrf2);
	v30 =	vbroadcast v44, $0xF;
	v17 =	vsel vm7, v17, v43;
	(xrf2) =	vadd.scan.msk.f32 $0xffff, v3;
	v3 =	vpack.i.f32.bf16 v60, v60  }
0x48f: {  	v26 =	vld.idx.msk [tilespmem:v26+s30+$0x0], $0xffff;
	v19 =	vmul.f32 v41, v58;
	v22 =	vbroadcast v47, $0xF;
	v18 =	vsel vm7, v13, v46  }
0x490: {  	v40 =	vld.idx.msk [tilespmem:v53+s8+$0x0], $0xffff;
	v44 =	vpack.i.f32.bf16 v33, v33;
	v56 =	vmul.f32 v45, v4;
	v15 =	vsel vm8, v1, v30  }
0x491: {  	v49 =	vld.idx.msk [tilespmem:v53+s30+$0x0], $0xffff;
	v1, _, _ =	vpop (xrf2);
	v48 =	vmul.bf16 v50, v44;
	v53 =	vmul.bf16 v27, v44;
	v13 =	vsel vm8, v23, v22  }
0x492: {  	v47 =	vld [tilespmem:s12+$0xE3F0];
	v1 =	vbroadcast v1, $0xF;
	v22 =	vpack.i.f32.bf16 v51, v51;
	v23 =	vmul.bf16 v52, v3  }
0x493: {  	v42 =	vld.idx.msk [tilespmem:v32+s8+$0x0], $0xffff;
	v46 =	vadd.s32 v0, v61;
	v3 =	vmul.bf16 v25, v3;
	v24 =	vmul.bf16 v37, v22  }
0x494: {  	v55 =	vld [tilespmem:s12+$0x123F0];
	v54, _, _ =	vpop (xrf2);
	v43 =	vmul.bf16 v26, v22;
	v14 =	vsel vm8, v17, v1;
	v21 =	vadd.bf16 v23, v48  }
0x495: {  	v51 =	vld [tilespmem:s12+$0x103E0];
	v1 =	vbroadcast v54, $0xF;
	v3 =	vadd.bf16 v3, v53;
	v16 =	vadd.bf16 v24, v16  }
0x496: {  	v32 =	vld.idx.msk [tilespmem:v32+s30+$0x0], $0xffff;
	v17 =	vunpack.i.l.bf16.f32 v57;
	v20 =	vadd.bf16 v43, v20;
	v24 =	vsub.f32 v41, v19  }
0x497: {  	v60 =	vld [tilespmem:s12+$0x103F0];
	(xrf2) =	vadd.scan.msk.f32 $0xffff, v17;
	v19 =	vpack.i.f32.bf16 v19, v19;
	v58 =	vadd.s32 v0, v47;
	v33 =	vadd.s32 v2, v47  }
0x498: {  	v38 =	vld.idx.msk [tilespmem:v31+s30+$0x0], $0xffff;
	(xrf2) =	vadd.scan.msk.f32 $0xffff, v63;
	v34 =	vmul.bf16 v42, v19;
	v50 =	vunpack.i.u.bf16.f32 v16;
	v16 =	vunpack.i.l.bf16.f32 v16  }
0x499: {  	v57 =	vld.idx.msk [tilespmem:v46+s8+$0x0], $0xffff;
	v63 =	vunpack.i.u.bf16.f32 v21;
	v21 =	vunpack.i.l.bf16.f32 v21;
	v52 =	vunpack.i.l.bf16.f32 v20;
	(xrf2) =	vadd.scan.msk.f32 $0xffff, v16  }
0x49a: {  	v62, _, _ =	vpop (xrf2);
	v54 =	vpack.i.f32.bf16 v24, v24;
	v61 =	vmul.f32 v56, v51;
	v24 =	vmul.f32 v55, v4;
	(xrf2) =	vadd.scan.msk.f32 $0xffff, v50  }
0x49b: {  	v20 =	vunpack.i.u.bf16.f32 v20;
	v35 =	vbroadcast v62, $0xF;
	v59 =	vmul.bf16 v40, v54;
	v62 =	vld.idx.msk [tilespmem:v31+s8+$0x0], $0xffff;
	(xrf2) =	vadd.scan.msk.f32 $0xffff, v52  }
0x49c: {  	v19 =	vmul.bf16 v32, v19;
	v39 =	vmul.bf16 v49, v54;
	v25 =	vsub.f32 v56, v61;
	(xrf2) =	vadd.scan.msk.f32 $0xffff, v20  }
0x49d: {  	v37 =	vunpack.i.u.bf16.f32 v3;
	v41 =	vmul.f32 v24, v60;
	v17 =	vadd.bf16 v34, v59;
	v34 =	vld.idx.msk [tilespmem:v46+s30+$0x0], $0xffff;
	(xrf2) =	vadd.scan.msk.f32 $0xffff, v21  }
0x49e: {  	v3 =	vunpack.i.l.bf16.f32 v3;
	v16 =	vpack.i.f32.bf16 v61, v61;
	v40 =	vld.idx.msk [tilespmem:v58+s8+$0x0], $0xffff;
	v25 =	vpack.i.f32.bf16 v25, v25;
	(xrf2) =	vadd.scan.msk.f32 $0xffff, v63  }
0x49f: {  	v42 =	vld.idx.msk [tilespmem:v33+s8+$0x0], $0xffff;
	v24 =	vsub.f32 v24, v41;
	v43 =	vmul.bf16 v57, v25;
	v46 =	vunpack.i.u.bf16.f32 v17;
	(xrf2) =	vadd.scan.msk.f32 $0xffff, v3  }
0x4a0: {  	v45, _, _ =	vpop (xrf2);
	v17 =	vunpack.i.l.bf16.f32 v17;
	v44 =	vmul.bf16 v62, v16;
	v3 =	vadd.bf16 v19, v39;
	(xrf2) =	vadd.scan.msk.f32 $0xffff, v37  }
0x4a1: {  	v47 =	vld.idx.msk [tilespmem:v58+s30+$0x0], $0xffff;
	v16 =	vmul.bf16 v38, v16;
	v54 =	vpack.i.f32.bf16 v24, v24;
	v48, _, _ =	vpop (xrf2);
	(xrf2) =	vadd.scan.msk.f32 $0xffff, v17  }
0x4a2: {  	v52 =	vld.idx.msk [tilespmem:v33+s30+$0x0], $0xffff;
	v49 =	vadd.bf16 v44, v43;
	v51 =	vmul.bf16 v34, v25;
	v50 =	vunpack.i.l.bf16.f32 v3;
	v53, _, _ =	vpop (xrf2);
	(xrf2) =	vadd.scan.msk.f32 $0xffff, v46  }
0x4a3: {  	v55 =	vpack.i.f32.bf16 v41, v41;
	v57 =	vmul.bf16 v40, v54;
	v3 =	vunpack.i.u.bf16.f32 v3;
	v56, _, _ =	vpop (xrf2);
	(xrf2) =	vadd.scan.msk.f32 $0xffff, v50  }
0x4a4: {  	v58 =	vmul.bf16 v42, v55;
	v60 =	vunpack.i.l.bf16.f32 v49;
	v59, _, _ =	vpop (xrf2);
	(xrf2) =	vadd.scan.msk.f32 $0xffff, v3;
	v3 =	vadd.bf16 v16, v51  }
0x4a5: {  	v15 =	vsel vm9, v15, v35;
	v62 =	vunpack.i.u.bf16.f32 v49;
	v61, _, _ =	vpop (xrf2);
	(xrf2) =	vadd.scan.msk.f32 $0xffff, v60  }
0x4a6: {  	v23 =	vbroadcast v45, $0xF;
	v63 =	vadd.bf16 v58, v57;
	v30, _, _ =	vpop (xrf2);
	(xrf2) =	vadd.scan.msk.f32 $0xffff, v62;
	v32 =	vunpack.i.l.bf16.f32 v3  }
0x4a7: {  	v31 =	vmul.bf16 v47, v54;
	v33 =	vmul.bf16 v52, v55;
	v3 =	vunpack.i.u.bf16.f32 v3;
	v35, _, _ =	vpop (xrf2);
	(xrf2) =	vadd.scan.msk.f32 $0xffff, v32  }
0x4a8: {  	v34 =	vbroadcast v48, $0xF;
	v37 =	vunpack.i.l.bf16.f32 v63;
	v36, _, _ =	vpop (xrf2);
	(xrf2) =	vadd.scan.msk.f32 $0xffff, v3  }
0x4a9: {  	s24 =	sadd.s32 s13, s2;
	v1 =	vsel vm8, v18, v1;
	v13 =	vsel vm9, v13, v23;
	v16 =	vadd.bf16 v33, v31;
	v38, _, _ =	vpop (xrf2);
	(xrf2) =	vadd.scan.msk.f32 $0xffff, v37  }
0x4aa: {  	[tilespmem:s24+$0x0] =	vst.add.f32.msk $0xffff, v5;
	v14 =	vsel vm9, v14, v34;
	v17 =	vunpack.i.u.bf16.f32 v63;
	v42 =	vbroadcast v59, $0xF;
	v39, _, _ =	vpop (xrf2)  }
0x4ab: {  	v40 =	vunpack.i.l.bf16.f32 v16;
	v43 =	vbroadcast v61, $0xF;
	v16 =	vunpack.i.u.bf16.f32 v16;
	(xrf2) =	vadd.scan.msk.f32 $0xffff, v17;
	v41, _, _ =	vpop (xrf2)  }
0x4ac: {  	v44 =	vbroadcast v30, $0xF;
	v5 =	vsel vm10, v13, v42;
	v3 =	vbroadcast v53, $0xF;
	(xrf2) =	vadd.scan.msk.f32 $0xffff, v40;
	v46, _, _ =	vpop (xrf2)  }
0x4ad: {  	s16 =	sadd.s32 s13, s6;
	v45 =	vbroadcast v35, $0xF;
	v48 =	vsel vm10, v14, v43;
	v49 =	vbroadcast v36, $0xF;
	(xrf2) =	vadd.scan.msk.f32 $0xffff, v16;
	v47, _, _ =	vpop (xrf2)  }
0x4ae: {  	[tilespmem:s16+$0x0] =	vst.add.f32.msk $0xffff, v6;
	v1 =	vsel vm9, v1, v3;
	v3 =	vbroadcast v56, $0xF;
	v6 =	vbroadcast v38, $0xF;
	v50, _, _ =	vpop (xrf2)  }
0x4af: {  	s17 =	sadd.s32 s13, s7;
	v1 =	vsel vm10, v1, v44;
	v5 =	vsel vm11, v5, v49;
	v52 =	vbroadcast v39, $0xF;
	v51, _, _ =	vpop (xrf2)  }
0x4b0: {  	s18 =	sadd.s32 s13, s10;
	[tilespmem:s17+$0x0] =	vst.add.f32.msk $0xffff, v8;
	v3 =	vsel vm10, v15, v3;
	v53 =	vbroadcast v41, $0xF;
	v6 =	vsel vm11, v48, v6;
	v54, _, _ =	vpop (xrf2)  }
0x4b1: {  	[tilespmem:s18+$0x0] =	vst.add.f32.msk $0xffff, v7;
	s22 =	sadd.s32 s14, s2;
	v3 =	vsel vm11, v3, v45;
	v7 =	vbroadcast v46, $0xF;
	v57 =	vbroadcast v51, $0xF;
	v56, _, _ =	vpop (xrf2)  }
0x4b2: {  	s24 =	sadd.s32 s14, s6;
	[tilespmem:s22+$0x0] =	vst.add.f32.msk $0xffff, v10;
	v1 =	vsel vm11, v1, v52;
	v55 =	vbroadcast v47, $0xF;
	v3 =	vsel vm12, v3, v53;
	v58, _, _ =	vpop (xrf2)  }
0x4b3: {  	s13 =	sadd.s32 s14, s7;
	[tilespmem:s24+$0x0] =	vst.add.f32.msk $0xffff, v9;
	v5 =	vsel vm12, v5, v7;
	v7 =	vbroadcast v54, $0xF;
	v3 =	vsel vm13, v3, v57;
	v59, _, _ =	vpop (xrf2)  }
0x4b4: {  	p0 =	slt.u32 s11, $0x1C;
	s14 =	sadd.s32 s14, s10;
	[tilespmem:s13+$0x0] =	vst.add.f32.msk $0xffff, v11;
	v60 =	vbroadcast v50, $0xF;
	v61 =	vbroadcast v56, $0xF;
	v3 =	vsel vm14, v3, v59  }
.Ltmp2:
0x4b5: {  	s16 =	sadd.s32 s15, s2;
	[tilespmem:s14+$0x0] =	vst.add.f32.msk $0xffff, v12;
	v6 =	vsel vm12, v6, v55;
	v5 =	vsel vm13, v5, v7;
	v7 =	vbroadcast v58, $0xF;
	v62, _, _ =	vpop (xrf2);
	(pc) =	sbr.rel @p0 .LBB2_7-.Ltmp2, $4  }
0x4b6: {  	s17 =	sadd.s32 s15, s6;
	v1 =	vsel vm12, v1, v60;
	v6 =	vsel vm13, v6, v61;
	v63, _, _ =	vpop (xrf2);
	v5 =	vsel vm14, v5, v62;
	[tilespmem:s16+$0x0] =	vst.add.f32.msk $0xffff, v3  }
0x4b7: {  	s18 =	sadd.s32 s15, s7;
	v1 =	vsel vm13, v1, v7;
	v6 =	vsel vm14, v6, v63;
	[tilespmem:s17+$0x0] =	vst.add.f32.msk $0xffff, v5;
	v3, _, _ =	vpop (xrf2)  }
0x4b8: {  	s22 =	sadd.s32 s15, s10;
	s24 =	sadd.s32 $0x4, s11;
	[tilespmem:s18+$0x0] =	vst.add.f32.msk $0xffff, v6;
	v1 =	vsel vm14, v1, v3  }
0x4b9: {  	s11 =	smov.u32 s24;
	[tilespmem:s22+$0x0] =	vst.add.f32.msk $0xffff, v1  }
0x4ba: {  	s23 =	sadd.s32 $0x1, s23  }
0x4bb: {  	p0 =	sne.s32 s23, $0x10  }
.Ltmp3:
0x4bc: {  	_ = 	snop;
	(pc) =	sbr.rel @p0 .LBB2_4-.Ltmp3, $1  }
0x4bd: {  	_ =	sdelay $0x3  }
0x4be: {  	s2 =	rddreg [dreg:$0xb];
	s6 =	simm.s32 $0x14000  }
0x4bf: {  	[hbm4b:s2+s8] =	stream.linear.scatter [tilespmem:s6], [sflag:$0x3], $0x800, $0x38;
	[tilespmem:$0x16080] =	vst v63  }
0x4c0: {  	_ =	swait.ge [sflag:s19], $0x800  }
0x4c1: {  	[sflag:s19] =	ssyncset.done $0x0  }
0x4c2: {  	s15 =	simm.s32 $0x14800;
	s14 =	rddreg [dreg:$0xc];
	[sflag:s19] =	ssyncadd.s32 $0xFFFFF800  }
0x4c3: {  	[hbm4b:s14+s8] =	stream.linear.scatter [tilespmem:s15], [sflag:$0x3], $0x800, $0x38;
	[tilespmem:$0x16080] =	vst v63  }
0x4c4: {  	_ =	swait.ge [sflag:s19], $0x800  }
0x4c5: {  	[sflag:s19] =	ssyncset.done $0x0  }
0x4c6: {  	s17 =	simm.s32 $0x15000;
	s16 =	rddreg [dreg:$0xd];
	[sflag:s19] =	ssyncadd.s32 $0xFFFFF800  }
0x4c7: {  	[hbm4b:s16+s8] =	stream.linear.scatter [tilespmem:s17], [sflag:$0x3], $0x800, $0x38;
	[tilespmem:$0x16080] =	vst v63  }
0x4c8: {  	_ =	swait.ge [sflag:s19], $0x800  }
0x4c9: {  	[sflag:s19] =	ssyncset.done $0x0  }
0x4ca: {  	s22 =	simm.s32 $0x15800;
	s18 =	rddreg [dreg:$0xe];
	[sflag:s19] =	ssyncadd.s32 $0xFFFFF800  }
0x4cb: {  	[hbm4b:s18+s8] =	stream.linear.scatter [tilespmem:s22], [sflag:$0x3], $0x800, $0x38;
	[tilespmem:$0x16080] =	vst v63  }
0x4cc: {  	_ =	swait.ge [sflag:s19], $0x800  }
0x4cd: {  	s23 =	rddreg [dreg:$0x10]  }
0x4ce: {  	s24 =	rddreg [dreg:$0xf];
	s6 =	sadd.s32 $0x1, s23  }
0x4cf: {  	p0 =	sne.s32 s6, s24  }
.Ltmp4:
0x4d0: {  	_ = 	snop;
	(pc) =	sbr.rel @p0 .LBB2_1-.Ltmp4, $3  }
0x4d1: {  	_ =	sdelay $0x1  }
0x4d2: {  	[sflag:s19] =	ssyncset.done $0x0  }
0x4d3: {  	v1 =	vimm.f32 $0.0e+00;
	[sflag:s19] =	ssyncadd.s32 $0xFFFFF800  }
0x4d4: {  	_ =	sfence.sel $0x180000  }
0x4d5: {  	[bflag:$0x0] =	sbarrier.arrive $0xFFFF  }
0x4d6: {  	_ =	strace $0x90000047  }
0x4d7: {  	s0 =	stileid.u32;
	[bflag:$0x2] =	sbarrier.arrive $0xFFFF  }
0x4d8: {  	p0 =	sne.s32 s0, $0x0;
	s0 =	rddreg [dreg:$0x7]  }
0x4d9: {  	s0 =	sadd.s32 @!p0 $0x100000, s0  }
0x4da: {  	[sflag:s0] =	ssyncadd.tile.s32 @!p0 $0x1;
	_ =	shalt  }
.Lfunc_end2:
_tile_overlayer_lowered:
.L_overlay_start_2:
0x4db: {  	(tag) =	ssettag $0x2  }
0x4dc: {  	s0 =	rddreg [dreg:$0x0];
	s2 =	stileid.u32  }
0x4dd: {  	s1 =	rddreg [dreg:$0x1];
	p0 =	sne.s32 s2, $0x0  }
0x4de: {  	s3 =	rddreg [dreg:$0x2];
	[bflag:$0x3] =	sbarrier.arrive $0xFFFF;
	s2 =	simm.s32 @!p0 $0x1C03  }
0x4df: {  	[timem:s3], [sflag:s2] =	dma.local @!p0 [hbm:s0], s1  }
0x4e0: {  	s0 =	simm.s32 @!p0 $0x3  }
0x4e1: {  	_ =	swait.ge @!p0 [sflag:s0], s1  }
0x4e2: {  	s1 =	ssub.s32 @!p0 $0x0, s1;
	[sflag:s0] =	ssyncset.done @!p0 $0x0  }
0x4e3: {  	[sflag:s0] =	ssyncadd.s32 @!p0 s1  }
0x4e4: {  	[bflag:$0x3] =	sbarrier.arrive $0xFFFF  }
0x4e5: {  	_ =	shalt  }

</sc_bundles>
